<compile_context>
chip_gen: v7x
topology: tpu7x:2x2x1
jax: 0.10.2.dev20260603
libtpu: 0.0.44.dev20260713+nightly
codegen_flags: <defaults>
</compile_context>

<pallas_src>
import jax
import jax.numpy as jnp
from jax.experimental import pallas as pl
from jax.experimental.pallas import tpu as pltpu
from jax.experimental.pallas import tpu_sc as plsc

_EMB = 128
_LIN = 256
_GW = 256
_BM = 10240
_CHUNK_BLOCKS = (5, 5, 5, 5)


def _matmul_relu_block(x_ref, w_ref, b_ref, o_ref):
    acc = jnp.dot(x_ref[...], w_ref[...], preferred_element_type=jnp.float32)
    o_ref[...] = jnp.maximum(acc + b_ref[...], 0.0)


def _matmul_relu_block_aliased(x_ref, w_ref, b_ref, buf_ref, o_ref):
    del buf_ref
    acc = jnp.dot(x_ref[...], w_ref[...], preferred_element_type=jnp.float32)
    o_ref[...] = jnp.maximum(acc + b_ref[...], 0.0)


def kernel(inputs, table, W1, b1):
    B, L = inputs.shape
    n = B * L
    idx = inputs.T.reshape(1, n).astype(jnp.int32)

    mesh = plsc.VectorSubcoreMesh(core_axis_name="core", subcore_axis_name="subcore")

    def gather_chunk(row_base, rows):
        base = row_base // _GW

        @pl.kernel(out_type=jax.ShapeDtypeStruct((rows, _EMB), table.dtype), mesh=mesh)
        def gather_rows(table_hbm, idx_hbm, out_hbm):
            def body(idx_vmem, out_vmem):
                pltpu.sync_copy(table_hbm.at[idx_vmem.at[0]], out_vmem)

            pltpu.emit_pipeline(
                body,
                grid=(rows // _GW,),
                in_specs=[pl.BlockSpec((1, _GW), index_map=lambda i: (0, base + i))],
                out_specs=[pl.BlockSpec((_GW, _EMB), index_map=lambda i: (i, 0))],
                core_axis_name=("core", "subcore"),
                dimension_semantics=(pltpu.PARALLEL,),
            )(idx_hbm, out_hbm)

        return gather_rows(table, idx)

    embs = []
    row_base = 0
    for nblocks in _CHUNK_BLOCKS:
        embs.append(gather_chunk(row_base, nblocks * _BM))
        row_base += nblocks * _BM

    w_spec = pl.BlockSpec((_EMB, _LIN), lambda i: (0, 0))
    b_spec = pl.BlockSpec((1, _LIN), lambda i: (0, 0))
    b2d = b1.reshape(1, _LIN)
    buf = None
    block_base = 0
    for nblocks, emb in zip(_CHUNK_BLOCKS, embs):
        base = block_base
        block_base += nblocks
        blocks_per_chunk = nblocks
        out_spec = pl.BlockSpec((_BM, _LIN), lambda i, base=base: (base + i, 0))
        if buf is None:
            buf = pl.pallas_call(
                _matmul_relu_block,
                grid=(blocks_per_chunk,),
                in_specs=[pl.BlockSpec((_BM, _EMB), lambda i: (i, 0)), w_spec, b_spec],
                out_specs=out_spec,
                out_shape=jax.ShapeDtypeStruct((n, _LIN), jnp.float32),
            )(emb, W1, b2d)
        else:
            buf = pl.pallas_call(
                _matmul_relu_block_aliased,
                grid=(blocks_per_chunk,),
                in_specs=[
                    pl.BlockSpec((_BM, _EMB), lambda i: (i, 0)),
                    w_spec,
                    b_spec,
                    pl.BlockSpec(memory_space=pltpu.MemorySpace.HBM),
                ],
                out_specs=out_spec,
                out_shape=jax.ShapeDtypeStruct((n, _LIN), jnp.float32),
                input_output_aliases={3: 0},
            )(emb, W1, b2d, buf)

    return buf.reshape(L, B, _LIN).transpose(1, 0, 2)

# --- scband reference (transcript-rebuilt; emitter-appended) ---
"""Pipeline reference for scband-summarizer-84937273246192 (READ-ONLY COPY).

The authoritative reference and input builder live on the scoring server;
editing this copy changes nothing except your own understanding.
"""

import jax, jax.numpy as jnp
import numpy as np

VOCAB = 100000
EMB = 128
LIN = 256
B = 4096
L = 50

def setup_inputs(seed: int = 0) -> dict:
    key = jax.random.key(seed)
    k1, k2, k3, k4 = jax.random.split(key, 4)
    inputs = jax.random.randint(k1, (B, L), 0, VOCAB + 1, dtype=jnp.int64 if jax.config.jax_enable_x64 else jnp.int32)
    table = jax.random.normal(k2, (VOCAB + 1, EMB), dtype=jnp.float32)
    W1 = jax.random.normal(k3, (EMB, LIN), dtype=jnp.float32) * (1.0 / np.sqrt(EMB))
    b1 = jax.random.normal(k4, (LIN,), dtype=jnp.float32) * 0.01
    return {"inputs": inputs, "table": table, "W1": W1, "b1": b1}

def reference(inputs, table, W1, b1):
    # embedding lookup
    emb = jnp.take(table, inputs, axis=0)          # [B, L, EMB]
    # linear
    lin = jnp.einsum('ble,ef->blf', emb, W1) + b1  # [B, L, LIN]
    # relu
    out = jnp.maximum(lin, 0.0)
    return out

if __name__ == "__main__":
    import jax
    _d = setup_inputs()
    print(jax.jit(kernel)(*tuple(_d.values())))

</pallas_src>

<mosaic_0001>
#map = affine_map<(d0, d1) -> (0, 0)>
module attributes {stable_mosaic.version = 14 : i64} {
  func.func @gather_rows(%arg0: i32, %arg1: i32, %arg2: memref<100001x128xf32, #tpu.memory_space<hbm>>, %arg3: memref<1x204800xi32, #tpu.memory_space<hbm>>, %arg4: memref<51200x128xf32, #tpu.memory_space<hbm>>) attributes {dimension_semantics = [#tpu.dimension_semantics<core_parallel>, #tpu.dimension_semantics<subcore_parallel>], iteration_bounds = array<i64: 2, 16>, scalar_prefetch = 0 : i64, scratch_operands = 0 : i64, tpu.core_type = #tpu.core_type<sc_vector_subcore>, window_params = [{transform_indices = #map}, {transform_indices = #map}, {transform_indices = #map}]} {
    %mul3A = arith.constant 1 : i32
    %mul3A_0 = arith.muli %arg1, %mul3A : i32
    %add3A = arith.constant 0 : i32
    %add3A_1 = arith.addi %add3A, %mul3A_0 : i32
    %mul3A_2 = arith.constant 16 : i32
    %mul3A_3 = arith.muli %arg0, %mul3A_2 : i32
    %add3A_4 = arith.addi %add3A_1, %mul3A_3 : i32
    %lt3A = arith.constant 8 : i32
    %lt3A_5 = arith.cmpi slt, %add3A_4, %lt3A : i32
    %jit3A = arith.constant 7 : i32
    %jit3A_6 = arith.constant 6 : i32
    %select_n3A = arith.select %lt3A_5, %jit3A, %jit3A_6 : i32
    %lt3A_7 = arith.constant 8 : i32
    %lt3A_8 = arith.cmpi slt, %add3A_4, %lt3A_7 : i32
    %mul3A_9 = arith.muli %add3A_4, %select_n3A : i32
    %mul3A_10 = arith.constant 6 : i32
    %mul3A_11 = arith.muli %add3A_4, %mul3A_10 : i32
    %add3A_12 = arith.constant 8 : i32
    %add3A_13 = arith.addi %mul3A_11, %add3A_12 : i32
    %select_n3A_14 = arith.select %lt3A_8, %mul3A_9, %add3A_13 : i32
    %mul3A_15 = arith.constant 1 : i32
    %mul3A_16 = arith.muli %mul3A_15, %select_n3A : i32
    "tpu.region"() ({
      %run_scoped3A = memref.alloca() : memref<2x1x256xi32, #tpu.memory_space<vmem>>
      %run_scoped3A_17 = tpu.sem_alloc : memref<2x!tpu.dma_semaphore, #tpu.memory_space<semaphore_mem>>
      %run_scoped3A_18 = memref.alloca() : memref<2x256x128xf32, #tpu.memory_space<vmem>>
      %run_scoped3A_19 = tpu.sem_alloc : memref<2x!tpu.dma_semaphore, #tpu.memory_space<semaphore_mem>>
      %gt3A = arith.constant 0 : i32
      %gt3A_20 = arith.cmpi sgt, %mul3A_16, %gt3A : i32
      %convert_element_type3A = arith.extui %gt3A_20 : i1 to i32
      %cond3A = arith.constant 0 : i32
      %cond3A_21 = arith.cmpi ne, %convert_element_type3A, %cond3A : i32
      scf.if %cond3A_21 {
        %mul3A_22 = arith.constant 1 : i32
        %mul3A_23 = arith.muli %mul3A_22, %select_n3A : i32
        %sub3A = arith.constant 1 : i32
        %sub3A_24 = arith.subi %mul3A_23, %sub3A : i32
        %eq3A = arith.constant 0 : i32
        %eq3A_25 = arith.cmpi eq, %sub3A_24, %eq3A : i32
        %add3A_26 = arith.constant 0 : i32
        %add3A_27 = arith.addi %add3A_26, %select_n3A_14 : i32
        %select_n3A_28 = arith.constant true
        %select_n3A_29 = arith.constant 0 : i32
        %select_n3A_30 = arith.constant -1 : i32
        %select_n3A_31 = arith.select %select_n3A_28, %select_n3A_30, %select_n3A_29 : i32
        %eq3A_32 = arith.constant -1 : i32
        %eq3A_33 = arith.cmpi eq, %select_n3A_31, %eq3A_32 : i32
        %sub3A_34 = arith.constant 1 : i32
        %sub3A_35 = arith.subi %select_n3A, %sub3A_34 : i32
        %select_n3A_36 = arith.select %eq3A_33, %sub3A_35, %select_n3A_31 : i32
        %add3A_37 = arith.addi %select_n3A_36, %select_n3A_14 : i32
        %select_n3A_38 = arith.constant true
        %select_n3A_39 = arith.constant 0 : i32
        %select_n3A_40 = arith.constant 1 : i32
        %select_n3A_41 = arith.select %select_n3A_38, %select_n3A_40, %select_n3A_39 : i32
        %eq3A_42 = arith.cmpi eq, %select_n3A_41, %select_n3A : i32
        %select_n3A_43 = arith.constant 0 : i32
        %select_n3A_44 = arith.select %eq3A_42, %select_n3A_43, %select_n3A_41 : i32
        %add3A_45 = arith.addi %select_n3A_44, %select_n3A_14 : i32
        %add3A_46 = arith.constant 1 : i32
        %add3A_47 = arith.addi %select_n3A_44, %add3A_46 : i32
        %select_n3A_48 = arith.constant true
        %select_n3A_49 = arith.select %select_n3A_48, %add3A_47, %select_n3A_44 : i32
        %eq3A_50 = arith.cmpi eq, %select_n3A_49, %select_n3A : i32
        %select_n3A_51 = arith.constant 0 : i32
        %select_n3A_52 = arith.select %eq3A_50, %select_n3A_51, %select_n3A_49 : i32
        %add3A_53 = arith.addi %select_n3A_52, %select_n3A_14 : i32
        "tpu.trace_start"() <{level = 10 : i32, message = "ep_initialize_0"}> : () -> ()
        %rem3A = arith.constant 0 : i32
        %rem3A_54 = arith.constant 2 : i32
        %rem3A_55 = arith.remui %rem3A, %rem3A_54 : i32
        %add3A_56 = arith.constant 600 : i32
        %add3A_57 = arith.addi %add3A_56, %add3A_27 : i32
        %mul3A_58 = arith.constant 256 : i32
        %mul3A_59 = arith.muli %mul3A_58, %add3A_57 : i32
        %dma_start3A = arith.constant 0 : i32
        %dma_start3A_60 = arith.constant 0 : i32
        %dma_start3A_61 = tpu.memref_slice %run_scoped3A[%rem3A_55, %dma_start3A, %dma_start3A_60] : memref<2x1x256xi32, #tpu.memory_space<vmem>> -> memref<1x1x256xi32, #tpu.memory_space<vmem>>
        %dma_start3A_62 = tpu.memref_squeeze %dma_start3A_61 : memref<1x1x256xi32, #tpu.memory_space<vmem>> -> memref<1x256xi32, #tpu.memory_space<vmem>>
        %dma_start3A_63 = arith.constant 0 : i32
        %dma_start3A_64 = tpu.memref_slice %arg3[%dma_start3A_63, %mul3A_59] : memref<1x204800xi32, #tpu.memory_space<hbm>> -> memref<1x256xi32, #tpu.memory_space<hbm>>
        %dma_start3A_65 = tpu.memref_slice %run_scoped3A_17[%rem3A_55] : memref<2x!tpu.dma_semaphore, #tpu.memory_space<semaphore_mem>> -> memref<1x!tpu.dma_semaphore, #tpu.memory_space<semaphore_mem>>
        %dma_start3A_66 = tpu.memref_squeeze %dma_start3A_65 : memref<1x!tpu.dma_semaphore, #tpu.memory_space<semaphore_mem>> -> memref<!tpu.dma_semaphore, #tpu.memory_space<semaphore_mem>>
        %dma_start3A_67 = arith.constant 0 : i32
        %dma_start3A_68 = arith.constant 0 : i32
        %dma_start3A_69 = tpu.memref_slice %run_scoped3A[%rem3A_55, %dma_start3A_67, %dma_start3A_68] : memref<2x1x256xi32, #tpu.memory_space<vmem>> -> memref<1x1x256xi32, #tpu.memory_space<vmem>>
        %dma_start3A_70 = tpu.memref_squeeze %dma_start3A_69 : memref<1x1x256xi32, #tpu.memory_space<vmem>> -> memref<1x256xi32, #tpu.memory_space<vmem>>
        %dma_start3A_71 = arith.constant 0 : i32
        %dma_start3A_72 = tpu.memref_slice %arg3[%dma_start3A_71, %mul3A_59] : memref<1x204800xi32, #tpu.memory_space<hbm>> -> memref<1x256xi32, #tpu.memory_space<hbm>>
        tpu.enqueue_dma source(%dma_start3A_72 : memref<1x256xi32, #tpu.memory_space<hbm>>) target(%dma_start3A_70 : memref<1x256xi32, #tpu.memory_space<vmem>>) target_semaphore(%dma_start3A_66 : memref<!tpu.dma_semaphore, #tpu.memory_space<semaphore_mem>>)
        %add3A_73 = arith.constant 0 : i32
        %add3A_74 = arith.constant 1 : i32
        %add3A_75 = arith.addi %add3A_73, %add3A_74 : i32
        %select_n3A_76 = arith.constant true
        %select_n3A_77 = arith.constant 0 : i32
        %select_n3A_78 = arith.select %select_n3A_76, %add3A_75, %select_n3A_77 : i32
        %while3A = arith.constant 0 : i32
        %while3A_79 = arith.constant 0 : i32
        %while3A_80 = arith.constant 0 : i32
        %while3A_81 = arith.constant 0 : i32
        %while3A_82 = arith.constant 0 : i32
        "tpu.trace_stop"() : () -> ()
        %while3A_83 = arith.subi %mul3A_16, %while3A : i32
        %while3A_84 = arith.addi %while3A, %while3A_83 : i32
        %while3A_85 = arith.constant 1 : i32
        %while3A_86 = arith.divsi %while3A_83, %while3A_85 : i32
        %while3A_87 = arith.muli %while3A_86, %while3A_85 : i32
        %while3A_88 = arith.addi %while3A, %while3A_87 : i32
        %while3A_89 = arith.constant 1 : i32
        %while3A_90:5 = scf.for %while3A_144 = %while3A to %while3A_88 step %while3A_89 iter_args(%while3A_145 = %select_n3A_78, %while3A_146 = %while3A_79, %while3A_147 = %while3A_80, %while3A_148 = %while3A_81, %while3A_149 = %while3A_82) -> (i32, i32, i32, i32, i32)  : i32 {
          %mul3A_150 = arith.constant 1 : i32
          %mul3A_151 = arith.muli %mul3A_150, %select_n3A : i32
          %eq3A_152 = arith.constant 0 : i32
          %eq3A_153 = arith.cmpi eq, %while3A_144, %eq3A_152 : i32
          %sub3A_154 = arith.constant 1 : i32
          %sub3A_155 = arith.subi %mul3A_151, %sub3A_154 : i32
          %eq3A_156 = arith.cmpi eq, %while3A_144, %sub3A_155 : i32
          %add3A_157 = arith.addi %while3A_149, %select_n3A_14 : i32
          %sub3A_158 = arith.constant 1 : i32
          %sub3A_159 = arith.subi %while3A_149, %sub3A_158 : i32
          %select_n3A_160 = arith.constant true
          %select_n3A_161 = arith.select %select_n3A_160, %sub3A_159, %while3A_149 : i32
          %eq3A_162 = arith.constant -1 : i32
          %eq3A_163 = arith.cmpi eq, %select_n3A_161, %eq3A_162 : i32
          %sub3A_164 = arith.constant 1 : i32
          %sub3A_165 = arith.subi %select_n3A, %sub3A_164 : i32
          %select_n3A_166 = arith.select %eq3A_163, %sub3A_165, %select_n3A_161 : i32
          %add3A_167 = arith.addi %select_n3A_166, %select_n3A_14 : i32
          %add3A_168 = arith.constant 1 : i32
          %add3A_169 = arith.addi %while3A_149, %add3A_168 : i32
          %select_n3A_170 = arith.constant true
          %select_n3A_171 = arith.select %select_n3A_170, %add3A_169, %while3A_149 : i32
          %eq3A_172 = arith.cmpi eq, %select_n3A_171, %select_n3A : i32
          %select_n3A_173 = arith.constant 0 : i32
          %select_n3A_174 = arith.select %eq3A_172, %select_n3A_173, %select_n3A_171 : i32
          %add3A_175 = arith.addi %select_n3A_174, %select_n3A_14 : i32
          %add3A_176 = arith.constant 1 : i32
          %add3A_177 = arith.addi %select_n3A_174, %add3A_176 : i32
          %select_n3A_178 = arith.constant true
          %select_n3A_179 = arith.select %select_n3A_178, %add3A_177, %select_n3A_174 : i32
          %eq3A_180 = arith.cmpi eq, %select_n3A_179, %select_n3A : i32
          %select_n3A_181 = arith.constant 0 : i32
          %select_n3A_182 = arith.select %eq3A_180, %select_n3A_181, %select_n3A_179 : i32
          %add3A_183 = arith.addi %select_n3A_182, %select_n3A_14 : i32
          %add3A_184 = arith.constant 600 : i32
          %add3A_185 = arith.addi %add3A_184, %add3A_157 : i32
          %add3A_186 = arith.constant 600 : i32
          %add3A_187 = arith.addi %add3A_186, %add3A_175 : i32
          %ne3A = arith.cmpi ne, %add3A_185, %add3A_187 : i32
          %or3A = arith.constant false
          %or3A_188 = arith.ori %or3A, %ne3A : i1
          %sub3A_189 = arith.constant 2 : i32
          %sub3A_190 = arith.subi %mul3A_151, %sub3A_189 : i32
          %add3A_191 = arith.constant 1 : i32
          %add3A_192 = arith.addi %sub3A_190, %add3A_191 : i32
          %ge3A = arith.cmpi sge, %while3A_144, %add3A_192 : i32
          %not3A = arith.constant true
          %not3A_193 = arith.xori %ge3A, %not3A : i1
          %and3A = arith.andi %or3A_188, %not3A_193 : i1
          %convert_element_type3A_194 = arith.extui %and3A : i1 to i32
          %cond3A_195 = arith.constant 0 : i32
          %cond3A_196 = arith.cmpi ne, %convert_element_type3A_194, %cond3A_195 : i32
          scf.if %cond3A_196 {
            "tpu.trace_start"() <{level = 10 : i32, message = "ep_copy_in"}> : () -> ()
            %rem3A_316 = arith.constant 2 : i32
            %rem3A_317 = arith.remui %while3A_145, %rem3A_316 : i32
            %add3A_318 = arith.constant 600 : i32
            %add3A_319 = arith.addi %add3A_318, %add3A_175 : i32
            %mul3A_320 = arith.constant 256 : i32
            %mul3A_321 = arith.muli %mul3A_320, %add3A_319 : i32
            %dma_start3A_322 = arith.constant 0 : i32
            %dma_start3A_323 = arith.constant 0 : i32
            %dma_start3A_324 = tpu.memref_slice %run_scoped3A[%rem3A_317, %dma_start3A_322, %dma_start3A_323] : memref<2x1x256xi32, #tpu.memory_space<vmem>> -> memref<1x1x256xi32, #tpu.memory_space<vmem>>
            %dma_start3A_325 = tpu.memref_squeeze %dma_start3A_324 : memref<1x1x256xi32, #tpu.memory_space<vmem>> -> memref<1x256xi32, #tpu.memory_space<vmem>>
            %dma_start3A_326 = arith.constant 0 : i32
            %dma_start3A_327 = tpu.memref_slice %arg3[%dma_start3A_326, %mul3A_321] : memref<1x204800xi32, #tpu.memory_space<hbm>> -> memref<1x256xi32, #tpu.memory_space<hbm>>
            %dma_start3A_328 = tpu.memref_slice %run_scoped3A_17[%rem3A_317] : memref<2x!tpu.dma_semaphore, #tpu.memory_space<semaphore_mem>> -> memref<1x!tpu.dma_semaphore, #tpu.memory_space<semaphore_mem>>
            %dma_start3A_329 = tpu.memref_squeeze %dma_start3A_328 : memref<1x!tpu.dma_semaphore, #tpu.memory_space<semaphore_mem>> -> memref<!tpu.dma_semaphore, #tpu.memory_space<semaphore_mem>>
            %dma_start3A_330 = arith.constant 0 : i32
            %dma_start3A_331 = arith.constant 0 : i32
            %dma_start3A_332 = tpu.memref_slice %run_scoped3A[%rem3A_317, %dma_start3A_330, %dma_start3A_331] : memref<2x1x256xi32, #tpu.memory_space<vmem>> -> memref<1x1x256xi32, #tpu.memory_space<vmem>>
            %dma_start3A_333 = tpu.memref_squeeze %dma_start3A_332 : memref<1x1x256xi32, #tpu.memory_space<vmem>> -> memref<1x256xi32, #tpu.memory_space<vmem>>
            %dma_start3A_334 = arith.constant 0 : i32
            %dma_start3A_335 = tpu.memref_slice %arg3[%dma_start3A_334, %mul3A_321] : memref<1x204800xi32, #tpu.memory_space<hbm>> -> memref<1x256xi32, #tpu.memory_space<hbm>>
            tpu.enqueue_dma source(%dma_start3A_335 : memref<1x256xi32, #tpu.memory_space<hbm>>) target(%dma_start3A_333 : memref<1x256xi32, #tpu.memory_space<vmem>>) target_semaphore(%dma_start3A_329 : memref<!tpu.dma_semaphore, #tpu.memory_space<semaphore_mem>>)
            "tpu.trace_stop"() : () -> ()
          } else {
          }
          %and3A_197 = arith.constant true
          %and3A_198 = arith.andi %and3A, %and3A_197 : i1
          %add3A_199 = arith.constant 1 : i32
          %add3A_200 = arith.addi %while3A_145, %add3A_199 : i32
          %select_n3A_201 = arith.select %and3A_198, %add3A_200, %while3A_145 : i32
          %ne3A_202 = arith.cmpi ne, %add3A_157, %add3A_175 : i32
          %or3A_203 = arith.constant false
          %or3A_204 = arith.ori %or3A_203, %ne3A_202 : i1
          %or3A_205 = arith.constant false
          %or3A_206 = arith.ori %or3A_204, %or3A_205 : i1
          %sub3A_207 = arith.constant 2 : i32
          %sub3A_208 = arith.subi %mul3A_151, %sub3A_207 : i32
          %add3A_209 = arith.constant 1 : i32
          %add3A_210 = arith.addi %sub3A_208, %add3A_209 : i32
          %ge3A_211 = arith.cmpi sge, %while3A_144, %add3A_210 : i32
          %not3A_212 = arith.constant true
          %not3A_213 = arith.xori %ge3A_211, %not3A_212 : i1
          %and3A_214 = arith.andi %or3A_206, %not3A_213 : i1
          %add3A_215 = arith.constant 600 : i32
          %add3A_216 = arith.addi %add3A_215, %add3A_157 : i32
          %add3A_217 = arith.constant 600 : i32
          %add3A_218 = arith.addi %add3A_217, %add3A_167 : i32
          %ne3A_219 = arith.cmpi ne, %add3A_216, %add3A_218 : i32
          %or3A_220 = arith.constant false
          %or3A_221 = arith.ori %or3A_220, %ne3A_219 : i1
          %or3A_222 = arith.ori %or3A_221, %eq3A_153 : i1
          %convert_element_type3A_223 = arith.extui %or3A_222 : i1 to i32
          %cond3A_224 = arith.constant 0 : i32
          %cond3A_225 = arith.cmpi ne, %convert_element_type3A_223, %cond3A_224 : i32
          scf.if %cond3A_225 {
            "tpu.trace_start"() <{level = 10 : i32, message = "ep_wait_in"}> : () -> ()
            %add3A_316 = arith.constant 600 : i32
            %add3A_317 = arith.addi %add3A_316, %add3A_157 : i32
            %mul3A_318 = arith.constant 256 : i32
            %mul3A_319 = arith.muli %mul3A_318, %add3A_317 : i32
            %rem3A_320 = arith.constant 2 : i32
            %rem3A_321 = arith.remui %while3A_146, %rem3A_320 : i32
            %dma_wait3A = arith.constant 0 : i32
            %dma_wait3A_322 = arith.constant 0 : i32
            %dma_wait3A_323 = tpu.memref_slice %run_scoped3A[%rem3A_321, %dma_wait3A, %dma_wait3A_322] : memref<2x1x256xi32, #tpu.memory_space<vmem>> -> memref<1x1x256xi32, #tpu.memory_space<vmem>>
            %dma_wait3A_324 = tpu.memref_squeeze %dma_wait3A_323 : memref<1x1x256xi32, #tpu.memory_space<vmem>> -> memref<1x256xi32, #tpu.memory_space<vmem>>
            %dma_wait3A_325 = arith.constant 0 : i32
            %dma_wait3A_326 = tpu.memref_slice %arg3[%dma_wait3A_325, %mul3A_319] : memref<1x204800xi32, #tpu.memory_space<hbm>> -> memref<1x256xi32, #tpu.memory_space<hbm>>
            %dma_wait3A_327 = tpu.memref_slice %run_scoped3A_17[%rem3A_321] : memref<2x!tpu.dma_semaphore, #tpu.memory_space<semaphore_mem>> -> memref<1x!tpu.dma_semaphore, #tpu.memory_space<semaphore_mem>>
            %dma_wait3A_328 = tpu.memref_squeeze %dma_wait3A_327 : memref<1x!tpu.dma_semaphore, #tpu.memory_space<semaphore_mem>> -> memref<!tpu.dma_semaphore, #tpu.memory_space<semaphore_mem>>
            %dma_wait3A_329 = arith.constant 0 : i32
            %dma_wait3A_330 = arith.constant 0 : i32
            %dma_wait3A_331 = tpu.memref_slice %run_scoped3A[%rem3A_321, %dma_wait3A_329, %dma_wait3A_330] : memref<2x1x256xi32, #tpu.memory_space<vmem>> -> memref<1x1x256xi32, #tpu.memory_space<vmem>>
            %dma_wait3A_332 = tpu.memref_squeeze %dma_wait3A_331 : memref<1x1x256xi32, #tpu.memory_space<vmem>> -> memref<1x256xi32, #tpu.memory_space<vmem>>
            %dma_wait3A_333 = arith.constant 0 : i32
            %dma_wait3A_334 = tpu.memref_slice %arg3[%dma_wait3A_333, %mul3A_319] : memref<1x204800xi32, #tpu.memory_space<hbm>> -> memref<1x256xi32, #tpu.memory_space<hbm>>
            tpu.wait_dma2 semaphore(%dma_wait3A_328 : memref<!tpu.dma_semaphore, #tpu.memory_space<semaphore_mem>>) src(%dma_wait3A_334 : memref<1x256xi32, #tpu.memory_space<hbm>>) dst(%dma_wait3A_332 : memref<1x256xi32, #tpu.memory_space<vmem>>)
            "tpu.trace_stop"() : () -> ()
          } else {
          }
          %ne3A_226 = arith.cmpi ne, %add3A_157, %add3A_167 : i32
          %or3A_227 = arith.constant false
          %or3A_228 = arith.ori %or3A_227, %ne3A_226 : i1
          %or3A_229 = arith.constant false
          %or3A_230 = arith.ori %or3A_228, %or3A_229 : i1
          %or3A_231 = arith.ori %or3A_230, %eq3A_153 : i1
          %convert_element_type3A_232 = arith.extui %or3A_231 : i1 to i32
          %cond3A_233 = arith.constant 0 : i32
          %cond3A_234 = arith.cmpi ne, %convert_element_type3A_232, %cond3A_233 : i32
          scf.if %cond3A_234 {
          } else {
          }
          %rem3A_235 = arith.constant 2 : i32
          %rem3A_236 = arith.remui %while3A_146, %rem3A_235 : i32
          %rem3A_237 = arith.constant 2 : i32
          %rem3A_238 = arith.remui %while3A_147, %rem3A_237 : i32
          %run_scoped3A_239 = arith.constant 0 : i32
          "tpu.trace_start"() <{level = 10 : i32, message = "ep_run_kernel"}> : () -> ()
          "tpu.region"() ({
            %run_scoped3A_316 = tpu.sem_alloc : memref<!tpu.dma_semaphore, #tpu.memory_space<semaphore_mem>>
            %dma_start3A_317 = arith.constant 0 : i32
            %dma_start3A_318 = arith.constant 0 : i32
            %dma_start3A_319 = tpu.memref_slice %run_scoped3A_18[%rem3A_238, %dma_start3A_317, %dma_start3A_318] : memref<2x256x128xf32, #tpu.memory_space<vmem>> -> memref<1x256x128xf32, #tpu.memory_space<vmem>>
            %dma_start3A_320 = tpu.memref_squeeze %dma_start3A_319 : memref<1x256x128xf32, #tpu.memory_space<vmem>> -> memref<256x128xf32, #tpu.memory_space<vmem>>
            %dma_start3A_321 = arith.constant 0 : i32
            %dma_start3A_322 = arith.constant 0 : i32
            %dma_start3A_323 = tpu.memref_slice %run_scoped3A[%rem3A_236, %dma_start3A_321, %dma_start3A_322] : memref<2x1x256xi32, #tpu.memory_space<vmem>> -> memref<1x1x256xi32, #tpu.memory_space<vmem>>
            %dma_start3A_324 = tpu.memref_squeeze %dma_start3A_323 : memref<1x1x256xi32, #tpu.memory_space<vmem>> -> memref<1x256xi32, #tpu.memory_space<vmem>>
            %dma_start3A_325 = arith.constant 0 : i32
            %dma_start3A_326 = tpu.memref_slice %dma_start3A_324[%run_scoped3A_239, %dma_start3A_325] : memref<1x256xi32, #tpu.memory_space<vmem>> -> memref<1x256xi32, #tpu.memory_space<vmem>>
            %dma_start3A_327 = tpu.memref_squeeze %dma_start3A_326 : memref<1x256xi32, #tpu.memory_space<vmem>> -> memref<256xi32, #tpu.memory_space<vmem>>
            %dma_start3A_328 = arith.constant 0 : i32
            %dma_start3A_329 = arith.constant 0 : i32
            %dma_start3A_330 = tpu.memref_slice %arg2[%dma_start3A_328, %dma_start3A_329] : memref<100001x128xf32, #tpu.memory_space<hbm>> -> memref<100001x128xf32, #tpu.memory_space<hbm>>
            tpu.enqueue_indirect_dma source(%dma_start3A_330 : memref<100001x128xf32, #tpu.memory_space<hbm>>) target(%dma_start3A_320 : memref<256x128xf32, #tpu.memory_space<vmem>>) offsets(%dma_start3A_327 : memref<256xi32, #tpu.memory_space<vmem>>) semaphore(%run_scoped3A_316 : memref<!tpu.dma_semaphore, #tpu.memory_space<semaphore_mem>>)
            %dma_wait3A = arith.constant 0 : i32
            %dma_wait3A_331 = arith.constant 0 : i32
            %dma_wait3A_332 = tpu.memref_slice %run_scoped3A_18[%rem3A_238, %dma_wait3A, %dma_wait3A_331] : memref<2x256x128xf32, #tpu.memory_space<vmem>> -> memref<1x256x128xf32, #tpu.memory_space<vmem>>
            %dma_wait3A_333 = tpu.memref_squeeze %dma_wait3A_332 : memref<1x256x128xf32, #tpu.memory_space<vmem>> -> memref<256x128xf32, #tpu.memory_space<vmem>>
            %dma_wait3A_334 = arith.constant 0 : i32
            %dma_wait3A_335 = arith.constant 0 : i32
            %dma_wait3A_336 = tpu.memref_slice %run_scoped3A[%rem3A_236, %dma_wait3A_334, %dma_wait3A_335] : memref<2x1x256xi32, #tpu.memory_space<vmem>> -> memref<1x1x256xi32, #tpu.memory_space<vmem>>
            %dma_wait3A_337 = tpu.memref_squeeze %dma_wait3A_336 : memref<1x1x256xi32, #tpu.memory_space<vmem>> -> memref<1x256xi32, #tpu.memory_space<vmem>>
            %dma_wait3A_338 = arith.constant 0 : i32
            %dma_wait3A_339 = tpu.memref_slice %dma_wait3A_337[%run_scoped3A_239, %dma_wait3A_338] : memref<1x256xi32, #tpu.memory_space<vmem>> -> memref<1x256xi32, #tpu.memory_space<vmem>>
            %dma_wait3A_340 = tpu.memref_squeeze %dma_wait3A_339 : memref<1x256xi32, #tpu.memory_space<vmem>> -> memref<256xi32, #tpu.memory_space<vmem>>
            %dma_wait3A_341 = arith.constant 0 : i32
            %dma_wait3A_342 = arith.constant 0 : i32
            %dma_wait3A_343 = tpu.memref_slice %arg2[%dma_wait3A_341, %dma_wait3A_342] : memref<100001x128xf32, #tpu.memory_space<hbm>> -> memref<100001x128xf32, #tpu.memory_space<hbm>>
            tpu.wait_indirect_dma semaphore(%run_scoped3A_316 : memref<!tpu.dma_semaphore, #tpu.memory_space<semaphore_mem>>) src(%dma_wait3A_343 : memref<100001x128xf32, #tpu.memory_space<hbm>>) dst(%dma_wait3A_333 : memref<256x128xf32, #tpu.memory_space<vmem>>)
            tpu.yield
          }) : () -> ()
          "tpu.trace_stop"() : () -> ()
          %add3A_240 = arith.constant 600 : i32
          %add3A_241 = arith.addi %add3A_240, %add3A_157 : i32
          %add3A_242 = arith.constant 600 : i32
          %add3A_243 = arith.addi %add3A_242, %add3A_175 : i32
          %ne3A_244 = arith.cmpi ne, %add3A_241, %add3A_243 : i32
          %or3A_245 = arith.constant false
          %or3A_246 = arith.ori %or3A_245, %ne3A_244 : i1
          %or3A_247 = arith.ori %or3A_246, %eq3A_156 : i1
          %convert_element_type3A_248 = arith.extui %or3A_247 : i1 to i32
          %cond3A_249 = arith.constant 0 : i32
          %cond3A_250 = arith.cmpi ne, %convert_element_type3A_248, %cond3A_249 : i32
          scf.if %cond3A_250 {
          } else {
          }
          %and3A_251 = arith.constant false
          %and3A_252 = arith.andi %or3A_247, %and3A_251 : i1
          %ne3A_253 = arith.cmpi ne, %add3A_157, %add3A_175 : i32
          %or3A_254 = arith.constant false
          %or3A_255 = arith.ori %or3A_254, %ne3A_253 : i1
          %or3A_256 = arith.constant false
          %or3A_257 = arith.ori %or3A_255, %or3A_256 : i1
          %or3A_258 = arith.ori %or3A_257, %eq3A_156 : i1
          %convert_element_type3A_259 = arith.extui %or3A_258 : i1 to i32
          %cond3A_260 = arith.constant 0 : i32
          %cond3A_261 = arith.cmpi ne, %convert_element_type3A_259, %cond3A_260 : i32
          scf.if %cond3A_261 {
            "tpu.trace_start"() <{level = 10 : i32, message = "ep_copy_out"}> : () -> ()
            %rem3A_316 = arith.constant 2 : i32
            %rem3A_317 = arith.remui %while3A_147, %rem3A_316 : i32
            %mul3A_318 = arith.constant 256 : i32
            %mul3A_319 = arith.muli %mul3A_318, %add3A_157 : i32
            %dma_start3A_320 = arith.constant 0 : i32
            %dma_start3A_321 = arith.constant 0 : i32
            %dma_start3A_322 = tpu.memref_slice %run_scoped3A_18[%rem3A_317, %dma_start3A_320, %dma_start3A_321] : memref<2x256x128xf32, #tpu.memory_space<vmem>> -> memref<1x256x128xf32, #tpu.memory_space<vmem>>
            %dma_start3A_323 = tpu.memref_squeeze %dma_start3A_322 : memref<1x256x128xf32, #tpu.memory_space<vmem>> -> memref<256x128xf32, #tpu.memory_space<vmem>>
            %dma_start3A_324 = arith.constant 0 : i32
            %dma_start3A_325 = tpu.memref_slice %arg4[%mul3A_319, %dma_start3A_324] : memref<51200x128xf32, #tpu.memory_space<hbm>> -> memref<256x128xf32, #tpu.memory_space<hbm>>
            %dma_start3A_326 = tpu.memref_slice %run_scoped3A_19[%rem3A_317] : memref<2x!tpu.dma_semaphore, #tpu.memory_space<semaphore_mem>> -> memref<1x!tpu.dma_semaphore, #tpu.memory_space<semaphore_mem>>
            %dma_start3A_327 = tpu.memref_squeeze %dma_start3A_326 : memref<1x!tpu.dma_semaphore, #tpu.memory_space<semaphore_mem>> -> memref<!tpu.dma_semaphore, #tpu.memory_space<semaphore_mem>>
            %dma_start3A_328 = arith.constant 0 : i32
            %dma_start3A_329 = tpu.memref_slice %arg4[%mul3A_319, %dma_start3A_328] : memref<51200x128xf32, #tpu.memory_space<hbm>> -> memref<256x128xf32, #tpu.memory_space<hbm>>
            %dma_start3A_330 = arith.constant 0 : i32
            %dma_start3A_331 = arith.constant 0 : i32
            %dma_start3A_332 = tpu.memref_slice %run_scoped3A_18[%rem3A_317, %dma_start3A_330, %dma_start3A_331] : memref<2x256x128xf32, #tpu.memory_space<vmem>> -> memref<1x256x128xf32, #tpu.memory_space<vmem>>
            %dma_start3A_333 = tpu.memref_squeeze %dma_start3A_332 : memref<1x256x128xf32, #tpu.memory_space<vmem>> -> memref<256x128xf32, #tpu.memory_space<vmem>>
            tpu.enqueue_dma source(%dma_start3A_333 : memref<256x128xf32, #tpu.memory_space<vmem>>) target(%dma_start3A_329 : memref<256x128xf32, #tpu.memory_space<hbm>>) target_semaphore(%dma_start3A_327 : memref<!tpu.dma_semaphore, #tpu.memory_space<semaphore_mem>>)
            "tpu.trace_stop"() : () -> ()
          } else {
          }
          %and3A_262 = arith.constant true
          %and3A_263 = arith.andi %or3A_258, %and3A_262 : i1
          %add3A_264 = arith.constant 1 : i32
          %add3A_265 = arith.addi %while3A_147, %add3A_264 : i32
          %select_n3A_266 = arith.select %and3A_263, %add3A_265, %while3A_147 : i32
          %add3A_267 = arith.constant 600 : i32
          %add3A_268 = arith.addi %add3A_267, %add3A_157 : i32
          %add3A_269 = arith.constant 600 : i32
          %add3A_270 = arith.addi %add3A_269, %add3A_167 : i32
          %ne3A_271 = arith.cmpi ne, %add3A_268, %add3A_270 : i32
          %or3A_272 = arith.constant false
          %or3A_273 = arith.ori %or3A_272, %ne3A_271 : i1
          %not3A_274 = arith.constant true
          %not3A_275 = arith.xori %eq3A_153, %not3A_274 : i1
          %and3A_276 = arith.andi %or3A_273, %not3A_275 : i1
          %convert_element_type3A_277 = arith.extui %and3A_276 : i1 to i32
          %cond3A_278 = arith.constant 0 : i32
          %cond3A_279 = arith.cmpi ne, %convert_element_type3A_277, %cond3A_278 : i32
          scf.if %cond3A_279 {
          } else {
          }
          %and3A_280 = arith.constant false
          %and3A_281 = arith.andi %and3A_276, %and3A_280 : i1
          %ne3A_282 = arith.cmpi ne, %add3A_157, %add3A_167 : i32
          %or3A_283 = arith.constant false
          %or3A_284 = arith.ori %or3A_283, %ne3A_282 : i1
          %or3A_285 = arith.constant false
          %or3A_286 = arith.ori %or3A_284, %or3A_285 : i1
          %not3A_287 = arith.constant true
          %not3A_288 = arith.xori %eq3A_153, %not3A_287 : i1
          %and3A_289 = arith.andi %or3A_286, %not3A_288 : i1
          %convert_element_type3A_290 = arith.extui %and3A_289 : i1 to i32
          %cond3A_291 = arith.constant 0 : i32
          %cond3A_292 = arith.cmpi ne, %convert_element_type3A_290, %cond3A_291 : i32
          scf.if %cond3A_292 {
            "tpu.trace_start"() <{level = 10 : i32, message = "ep_wait_out"}> : () -> ()
            %rem3A_316 = arith.constant 2 : i32
            %rem3A_317 = arith.remui %while3A_148, %rem3A_316 : i32
            %mul3A_318 = arith.constant 256 : i32
            %mul3A_319 = arith.muli %mul3A_318, %add3A_167 : i32
            %dma_wait3A = arith.constant 0 : i32
            %dma_wait3A_320 = arith.constant 0 : i32
            %dma_wait3A_321 = tpu.memref_slice %run_scoped3A_18[%rem3A_317, %dma_wait3A, %dma_wait3A_320] : memref<2x256x128xf32, #tpu.memory_space<vmem>> -> memref<1x256x128xf32, #tpu.memory_space<vmem>>
            %dma_wait3A_322 = tpu.memref_squeeze %dma_wait3A_321 : memref<1x256x128xf32, #tpu.memory_space<vmem>> -> memref<256x128xf32, #tpu.memory_space<vmem>>
            %dma_wait3A_323 = arith.constant 0 : i32
            %dma_wait3A_324 = tpu.memref_slice %arg4[%mul3A_319, %dma_wait3A_323] : memref<51200x128xf32, #tpu.memory_space<hbm>> -> memref<256x128xf32, #tpu.memory_space<hbm>>
            %dma_wait3A_325 = tpu.memref_slice %run_scoped3A_19[%rem3A_317] : memref<2x!tpu.dma_semaphore, #tpu.memory_space<semaphore_mem>> -> memref<1x!tpu.dma_semaphore, #tpu.memory_space<semaphore_mem>>
            %dma_wait3A_326 = tpu.memref_squeeze %dma_wait3A_325 : memref<1x!tpu.dma_semaphore, #tpu.memory_space<semaphore_mem>> -> memref<!tpu.dma_semaphore, #tpu.memory_space<semaphore_mem>>
            %dma_wait3A_327 = arith.constant 0 : i32
            %dma_wait3A_328 = tpu.memref_slice %arg4[%mul3A_319, %dma_wait3A_327] : memref<51200x128xf32, #tpu.memory_space<hbm>> -> memref<256x128xf32, #tpu.memory_space<hbm>>
            %dma_wait3A_329 = arith.constant 0 : i32
            %dma_wait3A_330 = arith.constant 0 : i32
            %dma_wait3A_331 = tpu.memref_slice %run_scoped3A_18[%rem3A_317, %dma_wait3A_329, %dma_wait3A_330] : memref<2x256x128xf32, #tpu.memory_space<vmem>> -> memref<1x256x128xf32, #tpu.memory_space<vmem>>
            %dma_wait3A_332 = tpu.memref_squeeze %dma_wait3A_331 : memref<1x256x128xf32, #tpu.memory_space<vmem>> -> memref<256x128xf32, #tpu.memory_space<vmem>>
            tpu.wait_dma2 semaphore(%dma_wait3A_326 : memref<!tpu.dma_semaphore, #tpu.memory_space<semaphore_mem>>) src(%dma_wait3A_332 : memref<256x128xf32, #tpu.memory_space<vmem>>) dst(%dma_wait3A_328 : memref<256x128xf32, #tpu.memory_space<hbm>>)
            "tpu.trace_stop"() : () -> ()
          } else {
          }
          %and3A_293 = arith.constant true
          %and3A_294 = arith.andi %and3A_289, %and3A_293 : i1
          %add3A_295 = arith.constant 1 : i32
          %add3A_296 = arith.addi %while3A_148, %add3A_295 : i32
          %select_n3A_297 = arith.select %and3A_294, %add3A_296, %while3A_148 : i32
          %add3A_298 = arith.constant 600 : i32
          %add3A_299 = arith.addi %add3A_298, %add3A_157 : i32
          %add3A_300 = arith.constant 600 : i32
          %add3A_301 = arith.addi %add3A_300, %add3A_175 : i32
          %ne3A_302 = arith.cmpi ne, %add3A_299, %add3A_301 : i32
          %or3A_303 = arith.constant false
          %or3A_304 = arith.ori %or3A_303, %ne3A_302 : i1
          %or3A_305 = arith.ori %or3A_304, %eq3A_156 : i1
          %add3A_306 = arith.constant 1 : i32
          %add3A_307 = arith.addi %while3A_146, %add3A_306 : i32
          %select_n3A_308 = arith.select %or3A_305, %add3A_307, %while3A_146 : i32
          %add3A_309 = arith.constant 1 : i32
          %add3A_310 = arith.addi %while3A_149, %add3A_309 : i32
          %select_n3A_311 = arith.constant true
          %select_n3A_312 = arith.select %select_n3A_311, %add3A_310, %while3A_149 : i32
          %eq3A_313 = arith.cmpi eq, %select_n3A_312, %select_n3A : i32
          %select_n3A_314 = arith.constant 0 : i32
          %select_n3A_315 = arith.select %eq3A_313, %select_n3A_314, %select_n3A_312 : i32
          scf.yield %select_n3A_201, %select_n3A_308, %select_n3A_266, %select_n3A_297, %select_n3A_315 : i32, i32, i32, i32, i32
        }
        %while3A_91 = arith.constant 1 : i32
        %while3A_92:5 = scf.for %while3A_144 = %while3A_88 to %while3A_84 step %while3A_91 iter_args(%while3A_145 = %while3A_90#0, %while3A_146 = %while3A_90#1, %while3A_147 = %while3A_90#2, %while3A_148 = %while3A_90#3, %while3A_149 = %while3A_90#4) -> (i32, i32, i32, i32, i32)  : i32 {
          %mul3A_150 = arith.constant 1 : i32
          %mul3A_151 = arith.muli %mul3A_150, %select_n3A : i32
          %eq3A_152 = arith.constant 0 : i32
          %eq3A_153 = arith.cmpi eq, %while3A_144, %eq3A_152 : i32
          %sub3A_154 = arith.constant 1 : i32
          %sub3A_155 = arith.subi %mul3A_151, %sub3A_154 : i32
          %eq3A_156 = arith.cmpi eq, %while3A_144, %sub3A_155 : i32
          %add3A_157 = arith.addi %while3A_149, %select_n3A_14 : i32
          %sub3A_158 = arith.constant 1 : i32
          %sub3A_159 = arith.subi %while3A_149, %sub3A_158 : i32
          %select_n3A_160 = arith.constant true
          %select_n3A_161 = arith.select %select_n3A_160, %sub3A_159, %while3A_149 : i32
          %eq3A_162 = arith.constant -1 : i32
          %eq3A_163 = arith.cmpi eq, %select_n3A_161, %eq3A_162 : i32
          %sub3A_164 = arith.constant 1 : i32
          %sub3A_165 = arith.subi %select_n3A, %sub3A_164 : i32
          %select_n3A_166 = arith.select %eq3A_163, %sub3A_165, %select_n3A_161 : i32
          %add3A_167 = arith.addi %select_n3A_166, %select_n3A_14 : i32
          %add3A_168 = arith.constant 1 : i32
          %add3A_169 = arith.addi %while3A_149, %add3A_168 : i32
          %select_n3A_170 = arith.constant true
          %select_n3A_171 = arith.select %select_n3A_170, %add3A_169, %while3A_149 : i32
          %eq3A_172 = arith.cmpi eq, %select_n3A_171, %select_n3A : i32
          %select_n3A_173 = arith.constant 0 : i32
          %select_n3A_174 = arith.select %eq3A_172, %select_n3A_173, %select_n3A_171 : i32
          %add3A_175 = arith.addi %select_n3A_174, %select_n3A_14 : i32
          %add3A_176 = arith.constant 1 : i32
          %add3A_177 = arith.addi %select_n3A_174, %add3A_176 : i32
          %select_n3A_178 = arith.constant true
          %select_n3A_179 = arith.select %select_n3A_178, %add3A_177, %select_n3A_174 : i32
          %eq3A_180 = arith.cmpi eq, %select_n3A_179, %select_n3A : i32
          %select_n3A_181 = arith.constant 0 : i32
          %select_n3A_182 = arith.select %eq3A_180, %select_n3A_181, %select_n3A_179 : i32
          %add3A_183 = arith.addi %select_n3A_182, %select_n3A_14 : i32
          %add3A_184 = arith.constant 600 : i32
          %add3A_185 = arith.addi %add3A_184, %add3A_157 : i32
          %add3A_186 = arith.constant 600 : i32
          %add3A_187 = arith.addi %add3A_186, %add3A_175 : i32
          %ne3A = arith.cmpi ne, %add3A_185, %add3A_187 : i32
          %or3A = arith.constant false
          %or3A_188 = arith.ori %or3A, %ne3A : i1
          %sub3A_189 = arith.constant 2 : i32
          %sub3A_190 = arith.subi %mul3A_151, %sub3A_189 : i32
          %add3A_191 = arith.constant 1 : i32
          %add3A_192 = arith.addi %sub3A_190, %add3A_191 : i32
          %ge3A = arith.cmpi sge, %while3A_144, %add3A_192 : i32
          %not3A = arith.constant true
          %not3A_193 = arith.xori %ge3A, %not3A : i1
          %and3A = arith.andi %or3A_188, %not3A_193 : i1
          %convert_element_type3A_194 = arith.extui %and3A : i1 to i32
          %cond3A_195 = arith.constant 0 : i32
          %cond3A_196 = arith.cmpi ne, %convert_element_type3A_194, %cond3A_195 : i32
          scf.if %cond3A_196 {
            "tpu.trace_start"() <{level = 10 : i32, message = "ep_copy_in"}> : () -> ()
            %rem3A_316 = arith.constant 2 : i32
            %rem3A_317 = arith.remui %while3A_145, %rem3A_316 : i32
            %add3A_318 = arith.constant 600 : i32
            %add3A_319 = arith.addi %add3A_318, %add3A_175 : i32
            %mul3A_320 = arith.constant 256 : i32
            %mul3A_321 = arith.muli %mul3A_320, %add3A_319 : i32
            %dma_start3A_322 = arith.constant 0 : i32
            %dma_start3A_323 = arith.constant 0 : i32
            %dma_start3A_324 = tpu.memref_slice %run_scoped3A[%rem3A_317, %dma_start3A_322, %dma_start3A_323] : memref<2x1x256xi32, #tpu.memory_space<vmem>> -> memref<1x1x256xi32, #tpu.memory_space<vmem>>
            %dma_start3A_325 = tpu.memref_squeeze %dma_start3A_324 : memref<1x1x256xi32, #tpu.memory_space<vmem>> -> memref<1x256xi32, #tpu.memory_space<vmem>>
            %dma_start3A_326 = arith.constant 0 : i32
            %dma_start3A_327 = tpu.memref_slice %arg3[%dma_start3A_326, %mul3A_321] : memref<1x204800xi32, #tpu.memory_space<hbm>> -> memref<1x256xi32, #tpu.memory_space<hbm>>
            %dma_start3A_328 = tpu.memref_slice %run_scoped3A_17[%rem3A_317] : memref<2x!tpu.dma_semaphore, #tpu.memory_space<semaphore_mem>> -> memref<1x!tpu.dma_semaphore, #tpu.memory_space<semaphore_mem>>
            %dma_start3A_329 = tpu.memref_squeeze %dma_start3A_328 : memref<1x!tpu.dma_semaphore, #tpu.memory_space<semaphore_mem>> -> memref<!tpu.dma_semaphore, #tpu.memory_space<semaphore_mem>>
            %dma_start3A_330 = arith.constant 0 : i32
            %dma_start3A_331 = arith.constant 0 : i32
            %dma_start3A_332 = tpu.memref_slice %run_scoped3A[%rem3A_317, %dma_start3A_330, %dma_start3A_331] : memref<2x1x256xi32, #tpu.memory_space<vmem>> -> memref<1x1x256xi32, #tpu.memory_space<vmem>>
            %dma_start3A_333 = tpu.memref_squeeze %dma_start3A_332 : memref<1x1x256xi32, #tpu.memory_space<vmem>> -> memref<1x256xi32, #tpu.memory_space<vmem>>
            %dma_start3A_334 = arith.constant 0 : i32
            %dma_start3A_335 = tpu.memref_slice %arg3[%dma_start3A_334, %mul3A_321] : memref<1x204800xi32, #tpu.memory_space<hbm>> -> memref<1x256xi32, #tpu.memory_space<hbm>>
            tpu.enqueue_dma source(%dma_start3A_335 : memref<1x256xi32, #tpu.memory_space<hbm>>) target(%dma_start3A_333 : memref<1x256xi32, #tpu.memory_space<vmem>>) target_semaphore(%dma_start3A_329 : memref<!tpu.dma_semaphore, #tpu.memory_space<semaphore_mem>>)
            "tpu.trace_stop"() : () -> ()
          } else {
          }
          %and3A_197 = arith.constant true
          %and3A_198 = arith.andi %and3A, %and3A_197 : i1
          %add3A_199 = arith.constant 1 : i32
          %add3A_200 = arith.addi %while3A_145, %add3A_199 : i32
          %select_n3A_201 = arith.select %and3A_198, %add3A_200, %while3A_145 : i32
          %ne3A_202 = arith.cmpi ne, %add3A_157, %add3A_175 : i32
          %or3A_203 = arith.constant false
          %or3A_204 = arith.ori %or3A_203, %ne3A_202 : i1
          %or3A_205 = arith.constant false
          %or3A_206 = arith.ori %or3A_204, %or3A_205 : i1
          %sub3A_207 = arith.constant 2 : i32
          %sub3A_208 = arith.subi %mul3A_151, %sub3A_207 : i32
          %add3A_209 = arith.constant 1 : i32
          %add3A_210 = arith.addi %sub3A_208, %add3A_209 : i32
          %ge3A_211 = arith.cmpi sge, %while3A_144, %add3A_210 : i32
          %not3A_212 = arith.constant true
          %not3A_213 = arith.xori %ge3A_211, %not3A_212 : i1
          %and3A_214 = arith.andi %or3A_206, %not3A_213 : i1
          %add3A_215 = arith.constant 600 : i32
          %add3A_216 = arith.addi %add3A_215, %add3A_157 : i32
          %add3A_217 = arith.constant 600 : i32
          %add3A_218 = arith.addi %add3A_217, %add3A_167 : i32
          %ne3A_219 = arith.cmpi ne, %add3A_216, %add3A_218 : i32
          %or3A_220 = arith.constant false
          %or3A_221 = arith.ori %or3A_220, %ne3A_219 : i1
          %or3A_222 = arith.ori %or3A_221, %eq3A_153 : i1
          %convert_element_type3A_223 = arith.extui %or3A_222 : i1 to i32
          %cond3A_224 = arith.constant 0 : i32
          %cond3A_225 = arith.cmpi ne, %convert_element_type3A_223, %cond3A_224 : i32
          scf.if %cond3A_225 {
            "tpu.trace_start"() <{level = 10 : i32, message = "ep_wait_in"}> : () -> ()
            %add3A_316 = arith.constant 600 : i32
            %add3A_317 = arith.addi %add3A_316, %add3A_157 : i32
            %mul3A_318 = arith.constant 256 : i32
            %mul3A_319 = arith.muli %mul3A_318, %add3A_317 : i32
            %rem3A_320 = arith.constant 2 : i32
            %rem3A_321 = arith.remui %while3A_146, %rem3A_320 : i32
            %dma_wait3A = arith.constant 0 : i32
            %dma_wait3A_322 = arith.constant 0 : i32
            %dma_wait3A_323 = tpu.memref_slice %run_scoped3A[%rem3A_321, %dma_wait3A, %dma_wait3A_322] : memref<2x1x256xi32, #tpu.memory_space<vmem>> -> memref<1x1x256xi32, #tpu.memory_space<vmem>>
            %dma_wait3A_324 = tpu.memref_squeeze %dma_wait3A_323 : memref<1x1x256xi32, #tpu.memory_space<vmem>> -> memref<1x256xi32, #tpu.memory_space<vmem>>
            %dma_wait3A_325 = arith.constant 0 : i32
            %dma_wait3A_326 = tpu.memref_slice %arg3[%dma_wait3A_325, %mul3A_319] : memref<1x204800xi32, #tpu.memory_space<hbm>> -> memref<1x256xi32, #tpu.memory_space<hbm>>
            %dma_wait3A_327 = tpu.memref_slice %run_scoped3A_17[%rem3A_321] : memref<2x!tpu.dma_semaphore, #tpu.memory_space<semaphore_mem>> -> memref<1x!tpu.dma_semaphore, #tpu.memory_space<semaphore_mem>>
            %dma_wait3A_328 = tpu.memref_squeeze %dma_wait3A_327 : memref<1x!tpu.dma_semaphore, #tpu.memory_space<semaphore_mem>> -> memref<!tpu.dma_semaphore, #tpu.memory_space<semaphore_mem>>
            %dma_wait3A_329 = arith.constant 0 : i32
            %dma_wait3A_330 = arith.constant 0 : i32
            %dma_wait3A_331 = tpu.memref_slice %run_scoped3A[%rem3A_321, %dma_wait3A_329, %dma_wait3A_330] : memref<2x1x256xi32, #tpu.memory_space<vmem>> -> memref<1x1x256xi32, #tpu.memory_space<vmem>>
            %dma_wait3A_332 = tpu.memref_squeeze %dma_wait3A_331 : memref<1x1x256xi32, #tpu.memory_space<vmem>> -> memref<1x256xi32, #tpu.memory_space<vmem>>
            %dma_wait3A_333 = arith.constant 0 : i32
            %dma_wait3A_334 = tpu.memref_slice %arg3[%dma_wait3A_333, %mul3A_319] : memref<1x204800xi32, #tpu.memory_space<hbm>> -> memref<1x256xi32, #tpu.memory_space<hbm>>
            tpu.wait_dma2 semaphore(%dma_wait3A_328 : memref<!tpu.dma_semaphore, #tpu.memory_space<semaphore_mem>>) src(%dma_wait3A_334 : memref<1x256xi32, #tpu.memory_space<hbm>>) dst(%dma_wait3A_332 : memref<1x256xi32, #tpu.memory_space<vmem>>)
            "tpu.trace_stop"() : () -> ()
          } else {
          }
          %ne3A_226 = arith.cmpi ne, %add3A_157, %add3A_167 : i32
          %or3A_227 = arith.constant false
          %or3A_228 = arith.ori %or3A_227, %ne3A_226 : i1
          %or3A_229 = arith.constant false
          %or3A_230 = arith.ori %or3A_228, %or3A_229 : i1
          %or3A_231 = arith.ori %or3A_230, %eq3A_153 : i1
          %convert_element_type3A_232 = arith.extui %or3A_231 : i1 to i32
          %cond3A_233 = arith.constant 0 : i32
          %cond3A_234 = arith.cmpi ne, %convert_element_type3A_232, %cond3A_233 : i32
          scf.if %cond3A_234 {
          } else {
          }
          %rem3A_235 = arith.constant 2 : i32
          %rem3A_236 = arith.remui %while3A_146, %rem3A_235 : i32
          %rem3A_237 = arith.constant 2 : i32
          %rem3A_238 = arith.remui %while3A_147, %rem3A_237 : i32
          %run_scoped3A_239 = arith.constant 0 : i32
          "tpu.trace_start"() <{level = 10 : i32, message = "ep_run_kernel"}> : () -> ()
          "tpu.region"() ({
            %run_scoped3A_316 = tpu.sem_alloc : memref<!tpu.dma_semaphore, #tpu.memory_space<semaphore_mem>>
            %dma_start3A_317 = arith.constant 0 : i32
            %dma_start3A_318 = arith.constant 0 : i32
            %dma_start3A_319 = tpu.memref_slice %run_scoped3A_18[%rem3A_238, %dma_start3A_317, %dma_start3A_318] : memref<2x256x128xf32, #tpu.memory_space<vmem>> -> memref<1x256x128xf32, #tpu.memory_space<vmem>>
            %dma_start3A_320 = tpu.memref_squeeze %dma_start3A_319 : memref<1x256x128xf32, #tpu.memory_space<vmem>> -> memref<256x128xf32, #tpu.memory_space<vmem>>
            %dma_start3A_321 = arith.constant 0 : i32
            %dma_start3A_322 = arith.constant 0 : i32
            %dma_start3A_323 = tpu.memref_slice %run_scoped3A[%rem3A_236, %dma_start3A_321, %dma_start3A_322] : memref<2x1x256xi32, #tpu.memory_space<vmem>> -> memref<1x1x256xi32, #tpu.memory_space<vmem>>
            %dma_start3A_324 = tpu.memref_squeeze %dma_start3A_323 : memref<1x1x256xi32, #tpu.memory_space<vmem>> -> memref<1x256xi32, #tpu.memory_space<vmem>>
            %dma_start3A_325 = arith.constant 0 : i32
            %dma_start3A_326 = tpu.memref_slice %dma_start3A_324[%run_scoped3A_239, %dma_start3A_325] : memref<1x256xi32, #tpu.memory_space<vmem>> -> memref<1x256xi32, #tpu.memory_space<vmem>>
            %dma_start3A_327 = tpu.memref_squeeze %dma_start3A_326 : memref<1x256xi32, #tpu.memory_space<vmem>> -> memref<256xi32, #tpu.memory_space<vmem>>
            %dma_start3A_328 = arith.constant 0 : i32
            %dma_start3A_329 = arith.constant 0 : i32
            %dma_start3A_330 = tpu.memref_slice %arg2[%dma_start3A_328, %dma_start3A_329] : memref<100001x128xf32, #tpu.memory_space<hbm>> -> memref<100001x128xf32, #tpu.memory_space<hbm>>
            tpu.enqueue_indirect_dma source(%dma_start3A_330 : memref<100001x128xf32, #tpu.memory_space<hbm>>) target(%dma_start3A_320 : memref<256x128xf32, #tpu.memory_space<vmem>>) offsets(%dma_start3A_327 : memref<256xi32, #tpu.memory_space<vmem>>) semaphore(%run_scoped3A_316 : memref<!tpu.dma_semaphore, #tpu.memory_space<semaphore_mem>>)
            %dma_wait3A = arith.constant 0 : i32
            %dma_wait3A_331 = arith.constant 0 : i32
            %dma_wait3A_332 = tpu.memref_slice %run_scoped3A_18[%rem3A_238, %dma_wait3A, %dma_wait3A_331] : memref<2x256x128xf32, #tpu.memory_space<vmem>> -> memref<1x256x128xf32, #tpu.memory_space<vmem>>
            %dma_wait3A_333 = tpu.memref_squeeze %dma_wait3A_332 : memref<1x256x128xf32, #tpu.memory_space<vmem>> -> memref<256x128xf32, #tpu.memory_space<vmem>>
            %dma_wait3A_334 = arith.constant 0 : i32
            %dma_wait3A_335 = arith.constant 0 : i32
            %dma_wait3A_336 = tpu.memref_slice %run_scoped3A[%rem3A_236, %dma_wait3A_334, %dma_wait3A_335] : memref<2x1x256xi32, #tpu.memory_space<vmem>> -> memref<1x1x256xi32, #tpu.memory_space<vmem>>
            %dma_wait3A_337 = tpu.memref_squeeze %dma_wait3A_336 : memref<1x1x256xi32, #tpu.memory_space<vmem>> -> memref<1x256xi32, #tpu.memory_space<vmem>>
            %dma_wait3A_338 = arith.constant 0 : i32
            %dma_wait3A_339 = tpu.memref_slice %dma_wait3A_337[%run_scoped3A_239, %dma_wait3A_338] : memref<1x256xi32, #tpu.memory_space<vmem>> -> memref<1x256xi32, #tpu.memory_space<vmem>>
            %dma_wait3A_340 = tpu.memref_squeeze %dma_wait3A_339 : memref<1x256xi32, #tpu.memory_space<vmem>> -> memref<256xi32, #tpu.memory_space<vmem>>
            %dma_wait3A_341 = arith.constant 0 : i32
            %dma_wait3A_342 = arith.constant 0 : i32
            %dma_wait3A_343 = tpu.memref_slice %arg2[%dma_wait3A_341, %dma_wait3A_342] : memref<100001x128xf32, #tpu.memory_space<hbm>> -> memref<100001x128xf32, #tpu.memory_space<hbm>>
            tpu.wait_indirect_dma semaphore(%run_scoped3A_316 : memref<!tpu.dma_semaphore, #tpu.memory_space<semaphore_mem>>) src(%dma_wait3A_343 : memref<100001x128xf32, #tpu.memory_space<hbm>>) dst(%dma_wait3A_333 : memref<256x128xf32, #tpu.memory_space<vmem>>)
            tpu.yield
          }) : () -> ()
          "tpu.trace_stop"() : () -> ()
          %add3A_240 = arith.constant 600 : i32
          %add3A_241 = arith.addi %add3A_240, %add3A_157 : i32
          %add3A_242 = arith.constant 600 : i32
          %add3A_243 = arith.addi %add3A_242, %add3A_175 : i32
          %ne3A_244 = arith.cmpi ne, %add3A_241, %add3A_243 : i32
          %or3A_245 = arith.constant false
          %or3A_246 = arith.ori %or3A_245, %ne3A_244 : i1
          %or3A_247 = arith.ori %or3A_246, %eq3A_156 : i1
          %convert_element_type3A_248 = arith.extui %or3A_247 : i1 to i32
          %cond3A_249 = arith.constant 0 : i32
          %cond3A_250 = arith.cmpi ne, %convert_element_type3A_248, %cond3A_249 : i32
          scf.if %cond3A_250 {
          } else {
          }
          %and3A_251 = arith.constant false
          %and3A_252 = arith.andi %or3A_247, %and3A_251 : i1
          %ne3A_253 = arith.cmpi ne, %add3A_157, %add3A_175 : i32
          %or3A_254 = arith.constant false
          %or3A_255 = arith.ori %or3A_254, %ne3A_253 : i1
          %or3A_256 = arith.constant false
          %or3A_257 = arith.ori %or3A_255, %or3A_256 : i1
          %or3A_258 = arith.ori %or3A_257, %eq3A_156 : i1
          %convert_element_type3A_259 = arith.extui %or3A_258 : i1 to i32
          %cond3A_260 = arith.constant 0 : i32
          %cond3A_261 = arith.cmpi ne, %convert_element_type3A_259, %cond3A_260 : i32
          scf.if %cond3A_261 {
            "tpu.trace_start"() <{level = 10 : i32, message = "ep_copy_out"}> : () -> ()
            %rem3A_316 = arith.constant 2 : i32
            %rem3A_317 = arith.remui %while3A_147, %rem3A_316 : i32
            %mul3A_318 = arith.constant 256 : i32
            %mul3A_319 = arith.muli %mul3A_318, %add3A_157 : i32
            %dma_start3A_320 = arith.constant 0 : i32
            %dma_start3A_321 = arith.constant 0 : i32
            %dma_start3A_322 = tpu.memref_slice %run_scoped3A_18[%rem3A_317, %dma_start3A_320, %dma_start3A_321] : memref<2x256x128xf32, #tpu.memory_space<vmem>> -> memref<1x256x128xf32, #tpu.memory_space<vmem>>
            %dma_start3A_323 = tpu.memref_squeeze %dma_start3A_322 : memref<1x256x128xf32, #tpu.memory_space<vmem>> -> memref<256x128xf32, #tpu.memory_space<vmem>>
            %dma_start3A_324 = arith.constant 0 : i32
            %dma_start3A_325 = tpu.memref_slice %arg4[%mul3A_319, %dma_start3A_324] : memref<51200x128xf32, #tpu.memory_space<hbm>> -> memref<256x128xf32, #tpu.memory_space<hbm>>
            %dma_start3A_326 = tpu.memref_slice %run_scoped3A_19[%rem3A_317] : memref<2x!tpu.dma_semaphore, #tpu.memory_space<semaphore_mem>> -> memref<1x!tpu.dma_semaphore, #tpu.memory_space<semaphore_mem>>
            %dma_start3A_327 = tpu.memref_squeeze %dma_start3A_326 : memref<1x!tpu.dma_semaphore, #tpu.memory_space<semaphore_mem>> -> memref<!tpu.dma_semaphore, #tpu.memory_space<semaphore_mem>>
            %dma_start3A_328 = arith.constant 0 : i32
            %dma_start3A_329 = tpu.memref_slice %arg4[%mul3A_319, %dma_start3A_328] : memref<51200x128xf32, #tpu.memory_space<hbm>> -> memref<256x128xf32, #tpu.memory_space<hbm>>
            %dma_start3A_330 = arith.constant 0 : i32
            %dma_start3A_331 = arith.constant 0 : i32
            %dma_start3A_332 = tpu.memref_slice %run_scoped3A_18[%rem3A_317, %dma_start3A_330, %dma_start3A_331] : memref<2x256x128xf32, #tpu.memory_space<vmem>> -> memref<1x256x128xf32, #tpu.memory_space<vmem>>
            %dma_start3A_333 = tpu.memref_squeeze %dma_start3A_332 : memref<1x256x128xf32, #tpu.memory_space<vmem>> -> memref<256x128xf32, #tpu.memory_space<vmem>>
            tpu.enqueue_dma source(%dma_start3A_333 : memref<256x128xf32, #tpu.memory_space<vmem>>) target(%dma_start3A_329 : memref<256x128xf32, #tpu.memory_space<hbm>>) target_semaphore(%dma_start3A_327 : memref<!tpu.dma_semaphore, #tpu.memory_space<semaphore_mem>>)
            "tpu.trace_stop"() : () -> ()
          } else {
          }
          %and3A_262 = arith.constant true
          %and3A_263 = arith.andi %or3A_258, %and3A_262 : i1
          %add3A_264 = arith.constant 1 : i32
          %add3A_265 = arith.addi %while3A_147, %add3A_264 : i32
          %select_n3A_266 = arith.select %and3A_263, %add3A_265, %while3A_147 : i32
          %add3A_267 = arith.constant 600 : i32
          %add3A_268 = arith.addi %add3A_267, %add3A_157 : i32
          %add3A_269 = arith.constant 600 : i32
          %add3A_270 = arith.addi %add3A_269, %add3A_167 : i32
          %ne3A_271 = arith.cmpi ne, %add3A_268, %add3A_270 : i32
          %or3A_272 = arith.constant false
          %or3A_273 = arith.ori %or3A_272, %ne3A_271 : i1
          %not3A_274 = arith.constant true
          %not3A_275 = arith.xori %eq3A_153, %not3A_274 : i1
          %and3A_276 = arith.andi %or3A_273, %not3A_275 : i1
          %convert_element_type3A_277 = arith.extui %and3A_276 : i1 to i32
          %cond3A_278 = arith.constant 0 : i32
          %cond3A_279 = arith.cmpi ne, %convert_element_type3A_277, %cond3A_278 : i32
          scf.if %cond3A_279 {
          } else {
          }
          %and3A_280 = arith.constant false
          %and3A_281 = arith.andi %and3A_276, %and3A_280 : i1
          %ne3A_282 = arith.cmpi ne, %add3A_157, %add3A_167 : i32
          %or3A_283 = arith.constant false
          %or3A_284 = arith.ori %or3A_283, %ne3A_282 : i1
          %or3A_285 = arith.constant false
          %or3A_286 = arith.ori %or3A_284, %or3A_285 : i1
          %not3A_287 = arith.constant true
          %not3A_288 = arith.xori %eq3A_153, %not3A_287 : i1
          %and3A_289 = arith.andi %or3A_286, %not3A_288 : i1
          %convert_element_type3A_290 = arith.extui %and3A_289 : i1 to i32
          %cond3A_291 = arith.constant 0 : i32
          %cond3A_292 = arith.cmpi ne, %convert_element_type3A_290, %cond3A_291 : i32
          scf.if %cond3A_292 {
            "tpu.trace_start"() <{level = 10 : i32, message = "ep_wait_out"}> : () -> ()
            %rem3A_316 = arith.constant 2 : i32
            %rem3A_317 = arith.remui %while3A_148, %rem3A_316 : i32
            %mul3A_318 = arith.constant 256 : i32
            %mul3A_319 = arith.muli %mul3A_318, %add3A_167 : i32
            %dma_wait3A = arith.constant 0 : i32
            %dma_wait3A_320 = arith.constant 0 : i32
            %dma_wait3A_321 = tpu.memref_slice %run_scoped3A_18[%rem3A_317, %dma_wait3A, %dma_wait3A_320] : memref<2x256x128xf32, #tpu.memory_space<vmem>> -> memref<1x256x128xf32, #tpu.memory_space<vmem>>
            %dma_wait3A_322 = tpu.memref_squeeze %dma_wait3A_321 : memref<1x256x128xf32, #tpu.memory_space<vmem>> -> memref<256x128xf32, #tpu.memory_space<vmem>>
            %dma_wait3A_323 = arith.constant 0 : i32
            %dma_wait3A_324 = tpu.memref_slice %arg4[%mul3A_319, %dma_wait3A_323] : memref<51200x128xf32, #tpu.memory_space<hbm>> -> memref<256x128xf32, #tpu.memory_space<hbm>>
            %dma_wait3A_325 = tpu.memref_slice %run_scoped3A_19[%rem3A_317] : memref<2x!tpu.dma_semaphore, #tpu.memory_space<semaphore_mem>> -> memref<1x!tpu.dma_semaphore, #tpu.memory_space<semaphore_mem>>
            %dma_wait3A_326 = tpu.memref_squeeze %dma_wait3A_325 : memref<1x!tpu.dma_semaphore, #tpu.memory_space<semaphore_mem>> -> memref<!tpu.dma_semaphore, #tpu.memory_space<semaphore_mem>>
            %dma_wait3A_327 = arith.constant 0 : i32
            %dma_wait3A_328 = tpu.memref_slice %arg4[%mul3A_319, %dma_wait3A_327] : memref<51200x128xf32, #tpu.memory_space<hbm>> -> memref<256x128xf32, #tpu.memory_space<hbm>>
            %dma_wait3A_329 = arith.constant 0 : i32
            %dma_wait3A_330 = arith.constant 0 : i32
            %dma_wait3A_331 = tpu.memref_slice %run_scoped3A_18[%rem3A_317, %dma_wait3A_329, %dma_wait3A_330] : memref<2x256x128xf32, #tpu.memory_space<vmem>> -> memref<1x256x128xf32, #tpu.memory_space<vmem>>
            %dma_wait3A_332 = tpu.memref_squeeze %dma_wait3A_331 : memref<1x256x128xf32, #tpu.memory_space<vmem>> -> memref<256x128xf32, #tpu.memory_space<vmem>>
            tpu.wait_dma2 semaphore(%dma_wait3A_326 : memref<!tpu.dma_semaphore, #tpu.memory_space<semaphore_mem>>) src(%dma_wait3A_332 : memref<256x128xf32, #tpu.memory_space<vmem>>) dst(%dma_wait3A_328 : memref<256x128xf32, #tpu.memory_space<hbm>>)
            "tpu.trace_stop"() : () -> ()
          } else {
          }
          %and3A_293 = arith.constant true
          %and3A_294 = arith.andi %and3A_289, %and3A_293 : i1
          %add3A_295 = arith.constant 1 : i32
          %add3A_296 = arith.addi %while3A_148, %add3A_295 : i32
          %select_n3A_297 = arith.select %and3A_294, %add3A_296, %while3A_148 : i32
          %add3A_298 = arith.constant 600 : i32
          %add3A_299 = arith.addi %add3A_298, %add3A_157 : i32
          %add3A_300 = arith.constant 600 : i32
          %add3A_301 = arith.addi %add3A_300, %add3A_175 : i32
          %ne3A_302 = arith.cmpi ne, %add3A_299, %add3A_301 : i32
          %or3A_303 = arith.constant false
          %or3A_304 = arith.ori %or3A_303, %ne3A_302 : i1
          %or3A_305 = arith.ori %or3A_304, %eq3A_156 : i1
          %add3A_306 = arith.constant 1 : i32
          %add3A_307 = arith.addi %while3A_146, %add3A_306 : i32
          %select_n3A_308 = arith.select %or3A_305, %add3A_307, %while3A_146 : i32
          %add3A_309 = arith.constant 1 : i32
          %add3A_310 = arith.addi %while3A_149, %add3A_309 : i32
          %select_n3A_311 = arith.constant true
          %select_n3A_312 = arith.select %select_n3A_311, %add3A_310, %while3A_149 : i32
          %eq3A_313 = arith.cmpi eq, %select_n3A_312, %select_n3A : i32
          %select_n3A_314 = arith.constant 0 : i32
          %select_n3A_315 = arith.select %eq3A_313, %select_n3A_314, %select_n3A_312 : i32
          scf.yield %select_n3A_201, %select_n3A_308, %select_n3A_266, %select_n3A_297, %select_n3A_315 : i32, i32, i32, i32, i32
        }
        %sub3A_93 = arith.constant 1 : i32
        %sub3A_94 = arith.subi %while3A_92#4, %sub3A_93 : i32
        %select_n3A_95 = arith.constant true
        %select_n3A_96 = arith.select %select_n3A_95, %sub3A_94, %while3A_92#4 : i32
        %eq3A_97 = arith.constant -1 : i32
        %eq3A_98 = arith.cmpi eq, %select_n3A_96, %eq3A_97 : i32
        %sub3A_99 = arith.constant 1 : i32
        %sub3A_100 = arith.subi %select_n3A, %sub3A_99 : i32
        %select_n3A_101 = arith.select %eq3A_98, %sub3A_100, %select_n3A_96 : i32
        %sub3A_102 = arith.constant 1 : i32
        %sub3A_103 = arith.subi %mul3A_16, %sub3A_102 : i32
        %mul3A_104 = arith.constant 1 : i32
        %mul3A_105 = arith.muli %mul3A_104, %select_n3A : i32
        %eq3A_106 = arith.constant 0 : i32
        %eq3A_107 = arith.cmpi eq, %sub3A_103, %eq3A_106 : i32
        %sub3A_108 = arith.constant 1 : i32
        %sub3A_109 = arith.subi %mul3A_105, %sub3A_108 : i32
        %eq3A_110 = arith.cmpi eq, %sub3A_103, %sub3A_109 : i32
        %add3A_111 = arith.addi %select_n3A_101, %select_n3A_14 : i32
        %sub3A_112 = arith.constant 1 : i32
        %sub3A_113 = arith.subi %select_n3A_101, %sub3A_112 : i32
        %select_n3A_114 = arith.constant true
        %select_n3A_115 = arith.select %select_n3A_114, %sub3A_113, %select_n3A_101 : i32
        %eq3A_116 = arith.constant -1 : i32
        %eq3A_117 = arith.cmpi eq, %select_n3A_115, %eq3A_116 : i32
        %sub3A_118 = arith.constant 1 : i32
        %sub3A_119 = arith.subi %select_n3A, %sub3A_118 : i32
        %select_n3A_120 = arith.select %eq3A_117, %sub3A_119, %select_n3A_115 : i32
        %add3A_121 = arith.addi %select_n3A_120, %select_n3A_14 : i32
        %add3A_122 = arith.constant 1 : i32
        %add3A_123 = arith.addi %select_n3A_101, %add3A_122 : i32
        %select_n3A_124 = arith.constant true
        %select_n3A_125 = arith.select %select_n3A_124, %add3A_123, %select_n3A_101 : i32
        %eq3A_126 = arith.cmpi eq, %select_n3A_125, %select_n3A : i32
        %select_n3A_127 = arith.constant 0 : i32
        %select_n3A_128 = arith.select %eq3A_126, %select_n3A_127, %select_n3A_125 : i32
        %add3A_129 = arith.addi %select_n3A_128, %select_n3A_14 : i32
        %add3A_130 = arith.constant 1 : i32
        %add3A_131 = arith.addi %select_n3A_128, %add3A_130 : i32
        %select_n3A_132 = arith.constant true
        %select_n3A_133 = arith.select %select_n3A_132, %add3A_131, %select_n3A_128 : i32
        %eq3A_134 = arith.cmpi eq, %select_n3A_133, %select_n3A : i32
        %select_n3A_135 = arith.constant 0 : i32
        %select_n3A_136 = arith.select %eq3A_134, %select_n3A_135, %select_n3A_133 : i32
        %add3A_137 = arith.addi %select_n3A_136, %select_n3A_14 : i32
        %convert_element_type3A_138 = arith.extui %eq3A_110 : i1 to i32
        %cond3A_139 = arith.constant 0 : i32
        %cond3A_140 = arith.cmpi ne, %convert_element_type3A_138, %cond3A_139 : i32
        scf.if %cond3A_140 {
        } else {
        }
        %convert_element_type3A_141 = arith.extui %eq3A_110 : i1 to i32
        %cond3A_142 = arith.constant 0 : i32
        %cond3A_143 = arith.cmpi ne, %convert_element_type3A_141, %cond3A_142 : i32
        scf.if %cond3A_143 {
          "tpu.trace_start"() <{level = 10 : i32, message = "ep_finalize"}> : () -> ()
          %rem3A_144 = arith.constant 2 : i32
          %rem3A_145 = arith.remui %while3A_92#3, %rem3A_144 : i32
          %mul3A_146 = arith.constant 256 : i32
          %mul3A_147 = arith.muli %mul3A_146, %add3A_111 : i32
          %dma_wait3A = arith.constant 0 : i32
          %dma_wait3A_148 = arith.constant 0 : i32
          %dma_wait3A_149 = tpu.memref_slice %run_scoped3A_18[%rem3A_145, %dma_wait3A, %dma_wait3A_148] : memref<2x256x128xf32, #tpu.memory_space<vmem>> -> memref<1x256x128xf32, #tpu.memory_space<vmem>>
          %dma_wait3A_150 = tpu.memref_squeeze %dma_wait3A_149 : memref<1x256x128xf32, #tpu.memory_space<vmem>> -> memref<256x128xf32, #tpu.memory_space<vmem>>
          %dma_wait3A_151 = arith.constant 0 : i32
          %dma_wait3A_152 = tpu.memref_slice %arg4[%mul3A_147, %dma_wait3A_151] : memref<51200x128xf32, #tpu.memory_space<hbm>> -> memref<256x128xf32, #tpu.memory_space<hbm>>
          %dma_wait3A_153 = tpu.memref_slice %run_scoped3A_19[%rem3A_145] : memref<2x!tpu.dma_semaphore, #tpu.memory_space<semaphore_mem>> -> memref<1x!tpu.dma_semaphore, #tpu.memory_space<semaphore_mem>>
          %dma_wait3A_154 = tpu.memref_squeeze %dma_wait3A_153 : memref<1x!tpu.dma_semaphore, #tpu.memory_space<semaphore_mem>> -> memref<!tpu.dma_semaphore, #tpu.memory_space<semaphore_mem>>
          %dma_wait3A_155 = arith.constant 0 : i32
          %dma_wait3A_156 = tpu.memref_slice %arg4[%mul3A_147, %dma_wait3A_155] : memref<51200x128xf32, #tpu.memory_space<hbm>> -> memref<256x128xf32, #tpu.memory_space<hbm>>
          %dma_wait3A_157 = arith.constant 0 : i32
          %dma_wait3A_158 = arith.constant 0 : i32
          %dma_wait3A_159 = tpu.memref_slice %run_scoped3A_18[%rem3A_145, %dma_wait3A_157, %dma_wait3A_158] : memref<2x256x128xf32, #tpu.memory_space<vmem>> -> memref<1x256x128xf32, #tpu.memory_space<vmem>>
          %dma_wait3A_160 = tpu.memref_squeeze %dma_wait3A_159 : memref<1x256x128xf32, #tpu.memory_space<vmem>> -> memref<256x128xf32, #tpu.memory_space<vmem>>
          tpu.wait_dma2 semaphore(%dma_wait3A_154 : memref<!tpu.dma_semaphore, #tpu.memory_space<semaphore_mem>>) src(%dma_wait3A_160 : memref<256x128xf32, #tpu.memory_space<vmem>>) dst(%dma_wait3A_156 : memref<256x128xf32, #tpu.memory_space<hbm>>)
          "tpu.trace_stop"() : () -> ()
        } else {
        }
      } else {
      }
      tpu.yield
    }) : () -> ()
    return
  }
}

#map = affine_map<(d0, d1) -> (0, 0)>
module attributes {stable_mosaic.version = 14 : i64} {
  func.func @gather_rows(%arg0: i32, %arg1: i32, %arg2: memref<100001x128xf32, #tpu.memory_space<hbm>>, %arg3: memref<1x204800xi32, #tpu.memory_space<hbm>>, %arg4: memref<51200x128xf32, #tpu.memory_space<hbm>>) attributes {dimension_semantics = [#tpu.dimension_semantics<core_parallel>, #tpu.dimension_semantics<subcore_parallel>], iteration_bounds = array<i64: 2, 16>, scalar_prefetch = 0 : i64, scratch_operands = 0 : i64, tpu.core_type = #tpu.core_type<sc_vector_subcore>, window_params = [{transform_indices = #map}, {transform_indices = #map}, {transform_indices = #map}]} {
    %mul3A = arith.constant 1 : i32
    %mul3A_0 = arith.muli %arg1, %mul3A : i32
    %add3A = arith.constant 0 : i32
    %add3A_1 = arith.addi %add3A, %mul3A_0 : i32
    %mul3A_2 = arith.constant 16 : i32
    %mul3A_3 = arith.muli %arg0, %mul3A_2 : i32
    %add3A_4 = arith.addi %add3A_1, %mul3A_3 : i32
    %lt3A = arith.constant 8 : i32
    %lt3A_5 = arith.cmpi slt, %add3A_4, %lt3A : i32
    %jit3A = arith.constant 7 : i32
    %jit3A_6 = arith.constant 6 : i32
    %select_n3A = arith.select %lt3A_5, %jit3A, %jit3A_6 : i32
    %lt3A_7 = arith.constant 8 : i32
    %lt3A_8 = arith.cmpi slt, %add3A_4, %lt3A_7 : i32
    %mul3A_9 = arith.muli %add3A_4, %select_n3A : i32
    %mul3A_10 = arith.constant 6 : i32
    %mul3A_11 = arith.muli %add3A_4, %mul3A_10 : i32
    %add3A_12 = arith.constant 8 : i32
    %add3A_13 = arith.addi %mul3A_11, %add3A_12 : i32
    %select_n3A_14 = arith.select %lt3A_8, %mul3A_9, %add3A_13 : i32
    %mul3A_15 = arith.constant 1 : i32
    %mul3A_16 = arith.muli %mul3A_15, %select_n3A : i32
    "tpu.region"() ({
      %run_scoped3A = memref.alloca() : memref<2x1x256xi32, #tpu.memory_space<vmem>>
      %run_scoped3A_17 = tpu.sem_alloc : memref<2x!tpu.dma_semaphore, #tpu.memory_space<semaphore_mem>>
      %run_scoped3A_18 = memref.alloca() : memref<2x256x128xf32, #tpu.memory_space<vmem>>
      %run_scoped3A_19 = tpu.sem_alloc : memref<2x!tpu.dma_semaphore, #tpu.memory_space<semaphore_mem>>
      %gt3A = arith.constant 0 : i32
      %gt3A_20 = arith.cmpi sgt, %mul3A_16, %gt3A : i32
      %convert_element_type3A = arith.extui %gt3A_20 : i1 to i32
      %cond3A = arith.constant 0 : i32
      %cond3A_21 = arith.cmpi ne, %convert_element_type3A, %cond3A : i32
      scf.if %cond3A_21 {
        %mul3A_22 = arith.constant 1 : i32
        %mul3A_23 = arith.muli %mul3A_22, %select_n3A : i32
        %sub3A = arith.constant 1 : i32
        %sub3A_24 = arith.subi %mul3A_23, %sub3A : i32
        %eq3A = arith.constant 0 : i32
        %eq3A_25 = arith.cmpi eq, %sub3A_24, %eq3A : i32
        %add3A_26 = arith.constant 0 : i32
        %add3A_27 = arith.addi %add3A_26, %select_n3A_14 : i32
        %select_n3A_28 = arith.constant true
        %select_n3A_29 = arith.constant 0 : i32
        %select_n3A_30 = arith.constant -1 : i32
        %select_n3A_31 = arith.select %select_n3A_28, %select_n3A_30, %select_n3A_29 : i32
        %eq3A_32 = arith.constant -1 : i32
        %eq3A_33 = arith.cmpi eq, %select_n3A_31, %eq3A_32 : i32
        %sub3A_34 = arith.constant 1 : i32
        %sub3A_35 = arith.subi %select_n3A, %sub3A_34 : i32
        %select_n3A_36 = arith.select %eq3A_33, %sub3A_35, %select_n3A_31 : i32
        %add3A_37 = arith.addi %select_n3A_36, %select_n3A_14 : i32
        %select_n3A_38 = arith.constant true
        %select_n3A_39 = arith.constant 0 : i32
        %select_n3A_40 = arith.constant 1 : i32
        %select_n3A_41 = arith.select %select_n3A_38, %select_n3A_40, %select_n3A_39 : i32
        %eq3A_42 = arith.cmpi eq, %select_n3A_41, %select_n3A : i32
        %select_n3A_43 = arith.constant 0 : i32
        %select_n3A_44 = arith.select %eq3A_42, %select_n3A_43, %select_n3A_41 : i32
        %add3A_45 = arith.addi %select_n3A_44, %select_n3A_14 : i32
        %add3A_46 = arith.constant 1 : i32
        %add3A_47 = arith.addi %select_n3A_44, %add3A_46 : i32
        %select_n3A_48 = arith.constant true
        %select_n3A_49 = arith.select %select_n3A_48, %add3A_47, %select_n3A_44 : i32
        %eq3A_50 = arith.cmpi eq, %select_n3A_49, %select_n3A : i32
        %select_n3A_51 = arith.constant 0 : i32
        %select_n3A_52 = arith.select %eq3A_50, %select_n3A_51, %select_n3A_49 : i32
        %add3A_53 = arith.addi %select_n3A_52, %select_n3A_14 : i32
        "tpu.trace_start"() <{level = 10 : i32, message = "ep_initialize_0"}> : () -> ()
        %rem3A = arith.constant 0 : i32
        %rem3A_54 = arith.constant 2 : i32
        %rem3A_55 = arith.remui %rem3A, %rem3A_54 : i32
        %add3A_56 = arith.constant 400 : i32
        %add3A_57 = arith.addi %add3A_56, %add3A_27 : i32
        %mul3A_58 = arith.constant 256 : i32
        %mul3A_59 = arith.muli %mul3A_58, %add3A_57 : i32
        %dma_start3A = arith.constant 0 : i32
        %dma_start3A_60 = arith.constant 0 : i32
        %dma_start3A_61 = tpu.memref_slice %run_scoped3A[%rem3A_55, %dma_start3A, %dma_start3A_60] : memref<2x1x256xi32, #tpu.memory_space<vmem>> -> memref<1x1x256xi32, #tpu.memory_space<vmem>>
        %dma_start3A_62 = tpu.memref_squeeze %dma_start3A_61 : memref<1x1x256xi32, #tpu.memory_space<vmem>> -> memref<1x256xi32, #tpu.memory_space<vmem>>
        %dma_start3A_63 = arith.constant 0 : i32
        %dma_start3A_64 = tpu.memref_slice %arg3[%dma_start3A_63, %mul3A_59] : memref<1x204800xi32, #tpu.memory_space<hbm>> -> memref<1x256xi32, #tpu.memory_space<hbm>>
        %dma_start3A_65 = tpu.memref_slice %run_scoped3A_17[%rem3A_55] : memref<2x!tpu.dma_semaphore, #tpu.memory_space<semaphore_mem>> -> memref<1x!tpu.dma_semaphore, #tpu.memory_space<semaphore_mem>>
        %dma_start3A_66 = tpu.memref_squeeze %dma_start3A_65 : memref<1x!tpu.dma_semaphore, #tpu.memory_space<semaphore_mem>> -> memref<!tpu.dma_semaphore, #tpu.memory_space<semaphore_mem>>
        %dma_start3A_67 = arith.constant 0 : i32
        %dma_start3A_68 = arith.constant 0 : i32
        %dma_start3A_69 = tpu.memref_slice %run_scoped3A[%rem3A_55, %dma_start3A_67, %dma_start3A_68] : memref<2x1x256xi32, #tpu.memory_space<vmem>> -> memref<1x1x256xi32, #tpu.memory_space<vmem>>
        %dma_start3A_70 = tpu.memref_squeeze %dma_start3A_69 : memref<1x1x256xi32, #tpu.memory_space<vmem>> -> memref<1x256xi32, #tpu.memory_space<vmem>>
        %dma_start3A_71 = arith.constant 0 : i32
        %dma_start3A_72 = tpu.memref_slice %arg3[%dma_start3A_71, %mul3A_59] : memref<1x204800xi32, #tpu.memory_space<hbm>> -> memref<1x256xi32, #tpu.memory_space<hbm>>
        tpu.enqueue_dma source(%dma_start3A_72 : memref<1x256xi32, #tpu.memory_space<hbm>>) target(%dma_start3A_70 : memref<1x256xi32, #tpu.memory_space<vmem>>) target_semaphore(%dma_start3A_66 : memref<!tpu.dma_semaphore, #tpu.memory_space<semaphore_mem>>)
        %add3A_73 = arith.constant 0 : i32
        %add3A_74 = arith.constant 1 : i32
        %add3A_75 = arith.addi %add3A_73, %add3A_74 : i32
        %select_n3A_76 = arith.constant true
        %select_n3A_77 = arith.constant 0 : i32
        %select_n3A_78 = arith.select %select_n3A_76, %add3A_75, %select_n3A_77 : i32
        %while3A = arith.constant 0 : i32
        %while3A_79 = arith.constant 0 : i32
        %while3A_80 = arith.constant 0 : i32
        %while3A_81 = arith.constant 0 : i32
        %while3A_82 = arith.constant 0 : i32
        "tpu.trace_stop"() : () -> ()
        %while3A_83 = arith.subi %mul3A_16, %while3A : i32
        %while3A_84 = arith.addi %while3A, %while3A_83 : i32
        %while3A_85 = arith.constant 1 : i32
        %while3A_86 = arith.divsi %while3A_83, %while3A_85 : i32
        %while3A_87 = arith.muli %while3A_86, %while3A_85 : i32
        %while3A_88 = arith.addi %while3A, %while3A_87 : i32
        %while3A_89 = arith.constant 1 : i32
        %while3A_90:5 = scf.for %while3A_144 = %while3A to %while3A_88 step %while3A_89 iter_args(%while3A_145 = %select_n3A_78, %while3A_146 = %while3A_79, %while3A_147 = %while3A_80, %while3A_148 = %while3A_81, %while3A_149 = %while3A_82) -> (i32, i32, i32, i32, i32)  : i32 {
          %mul3A_150 = arith.constant 1 : i32
          %mul3A_151 = arith.muli %mul3A_150, %select_n3A : i32
          %eq3A_152 = arith.constant 0 : i32
          %eq3A_153 = arith.cmpi eq, %while3A_144, %eq3A_152 : i32
          %sub3A_154 = arith.constant 1 : i32
          %sub3A_155 = arith.subi %mul3A_151, %sub3A_154 : i32
          %eq3A_156 = arith.cmpi eq, %while3A_144, %sub3A_155 : i32
          %add3A_157 = arith.addi %while3A_149, %select_n3A_14 : i32
          %sub3A_158 = arith.constant 1 : i32
          %sub3A_159 = arith.subi %while3A_149, %sub3A_158 : i32
          %select_n3A_160 = arith.constant true
          %select_n3A_161 = arith.select %select_n3A_160, %sub3A_159, %while3A_149 : i32
          %eq3A_162 = arith.constant -1 : i32
          %eq3A_163 = arith.cmpi eq, %select_n3A_161, %eq3A_162 : i32
          %sub3A_164 = arith.constant 1 : i32
          %sub3A_165 = arith.subi %select_n3A, %sub3A_164 : i32
          %select_n3A_166 = arith.select %eq3A_163, %sub3A_165, %select_n3A_161 : i32
          %add3A_167 = arith.addi %select_n3A_166, %select_n3A_14 : i32
          %add3A_168 = arith.constant 1 : i32
          %add3A_169 = arith.addi %while3A_149, %add3A_168 : i32
          %select_n3A_170 = arith.constant true
          %select_n3A_171 = arith.select %select_n3A_170, %add3A_169, %while3A_149 : i32
          %eq3A_172 = arith.cmpi eq, %select_n3A_171, %select_n3A : i32
          %select_n3A_173 = arith.constant 0 : i32
          %select_n3A_174 = arith.select %eq3A_172, %select_n3A_173, %select_n3A_171 : i32
          %add3A_175 = arith.addi %select_n3A_174, %select_n3A_14 : i32
          %add3A_176 = arith.constant 1 : i32
          %add3A_177 = arith.addi %select_n3A_174, %add3A_176 : i32
          %select_n3A_178 = arith.constant true
          %select_n3A_179 = arith.select %select_n3A_178, %add3A_177, %select_n3A_174 : i32
          %eq3A_180 = arith.cmpi eq, %select_n3A_179, %select_n3A : i32
          %select_n3A_181 = arith.constant 0 : i32
          %select_n3A_182 = arith.select %eq3A_180, %select_n3A_181, %select_n3A_179 : i32
          %add3A_183 = arith.addi %select_n3A_182, %select_n3A_14 : i32
          %add3A_184 = arith.constant 400 : i32
          %add3A_185 = arith.addi %add3A_184, %add3A_157 : i32
          %add3A_186 = arith.constant 400 : i32
          %add3A_187 = arith.addi %add3A_186, %add3A_175 : i32
          %ne3A = arith.cmpi ne, %add3A_185, %add3A_187 : i32
          %or3A = arith.constant false
          %or3A_188 = arith.ori %or3A, %ne3A : i1
          %sub3A_189 = arith.constant 2 : i32
          %sub3A_190 = arith.subi %mul3A_151, %sub3A_189 : i32
          %add3A_191 = arith.constant 1 : i32
          %add3A_192 = arith.addi %sub3A_190, %add3A_191 : i32
          %ge3A = arith.cmpi sge, %while3A_144, %add3A_192 : i32
          %not3A = arith.constant true
          %not3A_193 = arith.xori %ge3A, %not3A : i1
          %and3A = arith.andi %or3A_188, %not3A_193 : i1
          %convert_element_type3A_194 = arith.extui %and3A : i1 to i32
          %cond3A_195 = arith.constant 0 : i32
          %cond3A_196 = arith.cmpi ne, %convert_element_type3A_194, %cond3A_195 : i32
          scf.if %cond3A_196 {
            "tpu.trace_start"() <{level = 10 : i32, message = "ep_copy_in"}> : () -> ()
            %rem3A_316 = arith.constant 2 : i32
            %rem3A_317 = arith.remui %while3A_145, %rem3A_316 : i32
            %add3A_318 = arith.constant 400 : i32
            %add3A_319 = arith.addi %add3A_318, %add3A_175 : i32
            %mul3A_320 = arith.constant 256 : i32
            %mul3A_321 = arith.muli %mul3A_320, %add3A_319 : i32
            %dma_start3A_322 = arith.constant 0 : i32
            %dma_start3A_323 = arith.constant 0 : i32
            %dma_start3A_324 = tpu.memref_slice %run_scoped3A[%rem3A_317, %dma_start3A_322, %dma_start3A_323] : memref<2x1x256xi32, #tpu.memory_space<vmem>> -> memref<1x1x256xi32, #tpu.memory_space<vmem>>
            %dma_start3A_325 = tpu.memref_squeeze %dma_start3A_324 : memref<1x1x256xi32, #tpu.memory_space<vmem>> -> memref<1x256xi32, #tpu.memory_space<vmem>>
            %dma_start3A_326 = arith.constant 0 : i32
            %dma_start3A_327 = tpu.memref_slice %arg3[%dma_start3A_326, %mul3A_321] : memref<1x204800xi32, #tpu.memory_space<hbm>> -> memref<1x256xi32, #tpu.memory_space<hbm>>
            %dma_start3A_328 = tpu.memref_slice %run_scoped3A_17[%rem3A_317] : memref<2x!tpu.dma_semaphore, #tpu.memory_space<semaphore_mem>> -> memref<1x!tpu.dma_semaphore, #tpu.memory_space<semaphore_mem>>
            %dma_start3A_329 = tpu.memref_squeeze %dma_start3A_328 : memref<1x!tpu.dma_semaphore, #tpu.memory_space<semaphore_mem>> -> memref<!tpu.dma_semaphore, #tpu.memory_space<semaphore_mem>>
            %dma_start3A_330 = arith.constant 0 : i32
            %dma_start3A_331 = arith.constant 0 : i32
            %dma_start3A_332 = tpu.memref_slice %run_scoped3A[%rem3A_317, %dma_start3A_330, %dma_start3A_331] : memref<2x1x256xi32, #tpu.memory_space<vmem>> -> memref<1x1x256xi32, #tpu.memory_space<vmem>>
            %dma_start3A_333 = tpu.memref_squeeze %dma_start3A_332 : memref<1x1x256xi32, #tpu.memory_space<vmem>> -> memref<1x256xi32, #tpu.memory_space<vmem>>
            %dma_start3A_334 = arith.constant 0 : i32
            %dma_start3A_335 = tpu.memref_slice %arg3[%dma_start3A_334, %mul3A_321] : memref<1x204800xi32, #tpu.memory_space<hbm>> -> memref<1x256xi32, #tpu.memory_space<hbm>>
            tpu.enqueue_dma source(%dma_start3A_335 : memref<1x256xi32, #tpu.memory_space<hbm>>) target(%dma_start3A_333 : memref<1x256xi32, #tpu.memory_space<vmem>>) target_semaphore(%dma_start3A_329 : memref<!tpu.dma_semaphore, #tpu.memory_space<semaphore_mem>>)
            "tpu.trace_stop"() : () -> ()
          } else {
          }
          %and3A_197 = arith.constant true
          %and3A_198 = arith.andi %and3A, %and3A_197 : i1
          %add3A_199 = arith.constant 1 : i32
          %add3A_200 = arith.addi %while3A_145, %add3A_199 : i32
          %select_n3A_201 = arith.select %and3A_198, %add3A_200, %while3A_145 : i32
          %ne3A_202 = arith.cmpi ne, %add3A_157, %add3A_175 : i32
          %or3A_203 = arith.constant false
          %or3A_204 = arith.ori %or3A_203, %ne3A_202 : i1
          %or3A_205 = arith.constant false
          %or3A_206 = arith.ori %or3A_204, %or3A_205 : i1
          %sub3A_207 = arith.constant 2 : i32
          %sub3A_208 = arith.subi %mul3A_151, %sub3A_207 : i32
          %add3A_209 = arith.constant 1 : i32
          %add3A_210 = arith.addi %sub3A_208, %add3A_209 : i32
          %ge3A_211 = arith.cmpi sge, %while3A_144, %add3A_210 : i32
          %not3A_212 = arith.constant true
          %not3A_213 = arith.xori %ge3A_211, %not3A_212 : i1
          %and3A_214 = arith.andi %or3A_206, %not3A_213 : i1
          %add3A_215 = arith.constant 400 : i32
          %add3A_216 = arith.addi %add3A_215, %add3A_157 : i32
          %add3A_217 = arith.constant 400 : i32
          %add3A_218 = arith.addi %add3A_217, %add3A_167 : i32
          %ne3A_219 = arith.cmpi ne, %add3A_216, %add3A_218 : i32
          %or3A_220 = arith.constant false
          %or3A_221 = arith.ori %or3A_220, %ne3A_219 : i1
          %or3A_222 = arith.ori %or3A_221, %eq3A_153 : i1
          %convert_element_type3A_223 = arith.extui %or3A_222 : i1 to i32
          %cond3A_224 = arith.constant 0 : i32
          %cond3A_225 = arith.cmpi ne, %convert_element_type3A_223, %cond3A_224 : i32
          scf.if %cond3A_225 {
            "tpu.trace_start"() <{level = 10 : i32, message = "ep_wait_in"}> : () -> ()
            %add3A_316 = arith.constant 400 : i32
            %add3A_317 = arith.addi %add3A_316, %add3A_157 : i32
            %mul3A_318 = arith.constant 256 : i32
            %mul3A_319 = arith.muli %mul3A_318, %add3A_317 : i32
            %rem3A_320 = arith.constant 2 : i32
            %rem3A_321 = arith.remui %while3A_146, %rem3A_320 : i32
            %dma_wait3A = arith.constant 0 : i32
            %dma_wait3A_322 = arith.constant 0 : i32
            %dma_wait3A_323 = tpu.memref_slice %run_scoped3A[%rem3A_321, %dma_wait3A, %dma_wait3A_322] : memref<2x1x256xi32, #tpu.memory_space<vmem>> -> memref<1x1x256xi32, #tpu.memory_space<vmem>>
            %dma_wait3A_324 = tpu.memref_squeeze %dma_wait3A_323 : memref<1x1x256xi32, #tpu.memory_space<vmem>> -> memref<1x256xi32, #tpu.memory_space<vmem>>
            %dma_wait3A_325 = arith.constant 0 : i32
            %dma_wait3A_326 = tpu.memref_slice %arg3[%dma_wait3A_325, %mul3A_319] : memref<1x204800xi32, #tpu.memory_space<hbm>> -> memref<1x256xi32, #tpu.memory_space<hbm>>
            %dma_wait3A_327 = tpu.memref_slice %run_scoped3A_17[%rem3A_321] : memref<2x!tpu.dma_semaphore, #tpu.memory_space<semaphore_mem>> -> memref<1x!tpu.dma_semaphore, #tpu.memory_space<semaphore_mem>>
            %dma_wait3A_328 = tpu.memref_squeeze %dma_wait3A_327 : memref<1x!tpu.dma_semaphore, #tpu.memory_space<semaphore_mem>> -> memref<!tpu.dma_semaphore, #tpu.memory_space<semaphore_mem>>
            %dma_wait3A_329 = arith.constant 0 : i32
            %dma_wait3A_330 = arith.constant 0 : i32
            %dma_wait3A_331 = tpu.memref_slice %run_scoped3A[%rem3A_321, %dma_wait3A_329, %dma_wait3A_330] : memref<2x1x256xi32, #tpu.memory_space<vmem>> -> memref<1x1x256xi32, #tpu.memory_space<vmem>>
            %dma_wait3A_332 = tpu.memref_squeeze %dma_wait3A_331 : memref<1x1x256xi32, #tpu.memory_space<vmem>> -> memref<1x256xi32, #tpu.memory_space<vmem>>
            %dma_wait3A_333 = arith.constant 0 : i32
            %dma_wait3A_334 = tpu.memref_slice %arg3[%dma_wait3A_333, %mul3A_319] : memref<1x204800xi32, #tpu.memory_space<hbm>> -> memref<1x256xi32, #tpu.memory_space<hbm>>
            tpu.wait_dma2 semaphore(%dma_wait3A_328 : memref<!tpu.dma_semaphore, #tpu.memory_space<semaphore_mem>>) src(%dma_wait3A_334 : memref<1x256xi32, #tpu.memory_space<hbm>>) dst(%dma_wait3A_332 : memref<1x256xi32, #tpu.memory_space<vmem>>)
            "tpu.trace_stop"() : () -> ()
          } else {
          }
          %ne3A_226 = arith.cmpi ne, %add3A_157, %add3A_167 : i32
          %or3A_227 = arith.constant false
          %or3A_228 = arith.ori %or3A_227, %ne3A_226 : i1
          %or3A_229 = arith.constant false
          %or3A_230 = arith.ori %or3A_228, %or3A_229 : i1
          %or3A_231 = arith.ori %or3A_230, %eq3A_153 : i1
          %convert_element_type3A_232 = arith.extui %or3A_231 : i1 to i32
          %cond3A_233 = arith.constant 0 : i32
          %cond3A_234 = arith.cmpi ne, %convert_element_type3A_232, %cond3A_233 : i32
          scf.if %cond3A_234 {
          } else {
          }
          %rem3A_235 = arith.constant 2 : i32
          %rem3A_236 = arith.remui %while3A_146, %rem3A_235 : i32
          %rem3A_237 = arith.constant 2 : i32
          %rem3A_238 = arith.remui %while3A_147, %rem3A_237 : i32
          %run_scoped3A_239 = arith.constant 0 : i32
          "tpu.trace_start"() <{level = 10 : i32, message = "ep_run_kernel"}> : () -> ()
          "tpu.region"() ({
            %run_scoped3A_316 = tpu.sem_alloc : memref<!tpu.dma_semaphore, #tpu.memory_space<semaphore_mem>>
            %dma_start3A_317 = arith.constant 0 : i32
            %dma_start3A_318 = arith.constant 0 : i32
            %dma_start3A_319 = tpu.memref_slice %run_scoped3A_18[%rem3A_238, %dma_start3A_317, %dma_start3A_318] : memref<2x256x128xf32, #tpu.memory_space<vmem>> -> memref<1x256x128xf32, #tpu.memory_space<vmem>>
            %dma_start3A_320 = tpu.memref_squeeze %dma_start3A_319 : memref<1x256x128xf32, #tpu.memory_space<vmem>> -> memref<256x128xf32, #tpu.memory_space<vmem>>
            %dma_start3A_321 = arith.constant 0 : i32
            %dma_start3A_322 = arith.constant 0 : i32
            %dma_start3A_323 = tpu.memref_slice %run_scoped3A[%rem3A_236, %dma_start3A_321, %dma_start3A_322] : memref<2x1x256xi32, #tpu.memory_space<vmem>> -> memref<1x1x256xi32, #tpu.memory_space<vmem>>
            %dma_start3A_324 = tpu.memref_squeeze %dma_start3A_323 : memref<1x1x256xi32, #tpu.memory_space<vmem>> -> memref<1x256xi32, #tpu.memory_space<vmem>>
            %dma_start3A_325 = arith.constant 0 : i32
            %dma_start3A_326 = tpu.memref_slice %dma_start3A_324[%run_scoped3A_239, %dma_start3A_325] : memref<1x256xi32, #tpu.memory_space<vmem>> -> memref<1x256xi32, #tpu.memory_space<vmem>>
            %dma_start3A_327 = tpu.memref_squeeze %dma_start3A_326 : memref<1x256xi32, #tpu.memory_space<vmem>> -> memref<256xi32, #tpu.memory_space<vmem>>
            %dma_start3A_328 = arith.constant 0 : i32
            %dma_start3A_329 = arith.constant 0 : i32
            %dma_start3A_330 = tpu.memref_slice %arg2[%dma_start3A_328, %dma_start3A_329] : memref<100001x128xf32, #tpu.memory_space<hbm>> -> memref<100001x128xf32, #tpu.memory_space<hbm>>
            tpu.enqueue_indirect_dma source(%dma_start3A_330 : memref<100001x128xf32, #tpu.memory_space<hbm>>) target(%dma_start3A_320 : memref<256x128xf32, #tpu.memory_space<vmem>>) offsets(%dma_start3A_327 : memref<256xi32, #tpu.memory_space<vmem>>) semaphore(%run_scoped3A_316 : memref<!tpu.dma_semaphore, #tpu.memory_space<semaphore_mem>>)
            %dma_wait3A = arith.constant 0 : i32
            %dma_wait3A_331 = arith.constant 0 : i32
            %dma_wait3A_332 = tpu.memref_slice %run_scoped3A_18[%rem3A_238, %dma_wait3A, %dma_wait3A_331] : memref<2x256x128xf32, #tpu.memory_space<vmem>> -> memref<1x256x128xf32, #tpu.memory_space<vmem>>
            %dma_wait3A_333 = tpu.memref_squeeze %dma_wait3A_332 : memref<1x256x128xf32, #tpu.memory_space<vmem>> -> memref<256x128xf32, #tpu.memory_space<vmem>>
            %dma_wait3A_334 = arith.constant 0 : i32
            %dma_wait3A_335 = arith.constant 0 : i32
            %dma_wait3A_336 = tpu.memref_slice %run_scoped3A[%rem3A_236, %dma_wait3A_334, %dma_wait3A_335] : memref<2x1x256xi32, #tpu.memory_space<vmem>> -> memref<1x1x256xi32, #tpu.memory_space<vmem>>
            %dma_wait3A_337 = tpu.memref_squeeze %dma_wait3A_336 : memref<1x1x256xi32, #tpu.memory_space<vmem>> -> memref<1x256xi32, #tpu.memory_space<vmem>>
            %dma_wait3A_338 = arith.constant 0 : i32
            %dma_wait3A_339 = tpu.memref_slice %dma_wait3A_337[%run_scoped3A_239, %dma_wait3A_338] : memref<1x256xi32, #tpu.memory_space<vmem>> -> memref<1x256xi32, #tpu.memory_space<vmem>>
            %dma_wait3A_340 = tpu.memref_squeeze %dma_wait3A_339 : memref<1x256xi32, #tpu.memory_space<vmem>> -> memref<256xi32, #tpu.memory_space<vmem>>
            %dma_wait3A_341 = arith.constant 0 : i32
            %dma_wait3A_342 = arith.constant 0 : i32
            %dma_wait3A_343 = tpu.memref_slice %arg2[%dma_wait3A_341, %dma_wait3A_342] : memref<100001x128xf32, #tpu.memory_space<hbm>> -> memref<100001x128xf32, #tpu.memory_space<hbm>>
            tpu.wait_indirect_dma semaphore(%run_scoped3A_316 : memref<!tpu.dma_semaphore, #tpu.memory_space<semaphore_mem>>) src(%dma_wait3A_343 : memref<100001x128xf32, #tpu.memory_space<hbm>>) dst(%dma_wait3A_333 : memref<256x128xf32, #tpu.memory_space<vmem>>)
            tpu.yield
          }) : () -> ()
          "tpu.trace_stop"() : () -> ()
          %add3A_240 = arith.constant 400 : i32
          %add3A_241 = arith.addi %add3A_240, %add3A_157 : i32
          %add3A_242 = arith.constant 400 : i32
          %add3A_243 = arith.addi %add3A_242, %add3A_175 : i32
          %ne3A_244 = arith.cmpi ne, %add3A_241, %add3A_243 : i32
          %or3A_245 = arith.constant false
          %or3A_246 = arith.ori %or3A_245, %ne3A_244 : i1
          %or3A_247 = arith.ori %or3A_246, %eq3A_156 : i1
          %convert_element_type3A_248 = arith.extui %or3A_247 : i1 to i32
          %cond3A_249 = arith.constant 0 : i32
          %cond3A_250 = arith.cmpi ne, %convert_element_type3A_248, %cond3A_249 : i32
          scf.if %cond3A_250 {
          } else {
          }
          %and3A_251 = arith.constant false
          %and3A_252 = arith.andi %or3A_247, %and3A_251 : i1
          %ne3A_253 = arith.cmpi ne, %add3A_157, %add3A_175 : i32
          %or3A_254 = arith.constant false
          %or3A_255 = arith.ori %or3A_254, %ne3A_253 : i1
          %or3A_256 = arith.constant false
          %or3A_257 = arith.ori %or3A_255, %or3A_256 : i1
          %or3A_258 = arith.ori %or3A_257, %eq3A_156 : i1
          %convert_element_type3A_259 = arith.extui %or3A_258 : i1 to i32
          %cond3A_260 = arith.constant 0 : i32
          %cond3A_261 = arith.cmpi ne, %convert_element_type3A_259, %cond3A_260 : i32
          scf.if %cond3A_261 {
            "tpu.trace_start"() <{level = 10 : i32, message = "ep_copy_out"}> : () -> ()
            %rem3A_316 = arith.constant 2 : i32
            %rem3A_317 = arith.remui %while3A_147, %rem3A_316 : i32
            %mul3A_318 = arith.constant 256 : i32
            %mul3A_319 = arith.muli %mul3A_318, %add3A_157 : i32
            %dma_start3A_320 = arith.constant 0 : i32
            %dma_start3A_321 = arith.constant 0 : i32
            %dma_start3A_322 = tpu.memref_slice %run_scoped3A_18[%rem3A_317, %dma_start3A_320, %dma_start3A_321] : memref<2x256x128xf32, #tpu.memory_space<vmem>> -> memref<1x256x128xf32, #tpu.memory_space<vmem>>
            %dma_start3A_323 = tpu.memref_squeeze %dma_start3A_322 : memref<1x256x128xf32, #tpu.memory_space<vmem>> -> memref<256x128xf32, #tpu.memory_space<vmem>>
            %dma_start3A_324 = arith.constant 0 : i32
            %dma_start3A_325 = tpu.memref_slice %arg4[%mul3A_319, %dma_start3A_324] : memref<51200x128xf32, #tpu.memory_space<hbm>> -> memref<256x128xf32, #tpu.memory_space<hbm>>
            %dma_start3A_326 = tpu.memref_slice %run_scoped3A_19[%rem3A_317] : memref<2x!tpu.dma_semaphore, #tpu.memory_space<semaphore_mem>> -> memref<1x!tpu.dma_semaphore, #tpu.memory_space<semaphore_mem>>
            %dma_start3A_327 = tpu.memref_squeeze %dma_start3A_326 : memref<1x!tpu.dma_semaphore, #tpu.memory_space<semaphore_mem>> -> memref<!tpu.dma_semaphore, #tpu.memory_space<semaphore_mem>>
            %dma_start3A_328 = arith.constant 0 : i32
            %dma_start3A_329 = tpu.memref_slice %arg4[%mul3A_319, %dma_start3A_328] : memref<51200x128xf32, #tpu.memory_space<hbm>> -> memref<256x128xf32, #tpu.memory_space<hbm>>
            %dma_start3A_330 = arith.constant 0 : i32
            %dma_start3A_331 = arith.constant 0 : i32
            %dma_start3A_332 = tpu.memref_slice %run_scoped3A_18[%rem3A_317, %dma_start3A_330, %dma_start3A_331] : memref<2x256x128xf32, #tpu.memory_space<vmem>> -> memref<1x256x128xf32, #tpu.memory_space<vmem>>
            %dma_start3A_333 = tpu.memref_squeeze %dma_start3A_332 : memref<1x256x128xf32, #tpu.memory_space<vmem>> -> memref<256x128xf32, #tpu.memory_space<vmem>>
            tpu.enqueue_dma source(%dma_start3A_333 : memref<256x128xf32, #tpu.memory_space<vmem>>) target(%dma_start3A_329 : memref<256x128xf32, #tpu.memory_space<hbm>>) target_semaphore(%dma_start3A_327 : memref<!tpu.dma_semaphore, #tpu.memory_space<semaphore_mem>>)
            "tpu.trace_stop"() : () -> ()
          } else {
          }
          %and3A_262 = arith.constant true
          %and3A_263 = arith.andi %or3A_258, %and3A_262 : i1
          %add3A_264 = arith.constant 1 : i32
          %add3A_265 = arith.addi %while3A_147, %add3A_264 : i32
          %select_n3A_266 = arith.select %and3A_263, %add3A_265, %while3A_147 : i32
          %add3A_267 = arith.constant 400 : i32
          %add3A_268 = arith.addi %add3A_267, %add3A_157 : i32
          %add3A_269 = arith.constant 400 : i32
          %add3A_270 = arith.addi %add3A_269, %add3A_167 : i32
          %ne3A_271 = arith.cmpi ne, %add3A_268, %add3A_270 : i32
          %or3A_272 = arith.constant false
          %or3A_273 = arith.ori %or3A_272, %ne3A_271 : i1
          %not3A_274 = arith.constant true
          %not3A_275 = arith.xori %eq3A_153, %not3A_274 : i1
          %and3A_276 = arith.andi %or3A_273, %not3A_275 : i1
          %convert_element_type3A_277 = arith.extui %and3A_276 : i1 to i32
          %cond3A_278 = arith.constant 0 : i32
          %cond3A_279 = arith.cmpi ne, %convert_element_type3A_277, %cond3A_278 : i32
          scf.if %cond3A_279 {
          } else {
          }
          %and3A_280 = arith.constant false
          %and3A_281 = arith.andi %and3A_276, %and3A_280 : i1
          %ne3A_282 = arith.cmpi ne, %add3A_157, %add3A_167 : i32
          %or3A_283 = arith.constant false
          %or3A_284 = arith.ori %or3A_283, %ne3A_282 : i1
          %or3A_285 = arith.constant false
          %or3A_286 = arith.ori %or3A_284, %or3A_285 : i1
          %not3A_287 = arith.constant true
          %not3A_288 = arith.xori %eq3A_153, %not3A_287 : i1
          %and3A_289 = arith.andi %or3A_286, %not3A_288 : i1
          %convert_element_type3A_290 = arith.extui %and3A_289 : i1 to i32
          %cond3A_291 = arith.constant 0 : i32
          %cond3A_292 = arith.cmpi ne, %convert_element_type3A_290, %cond3A_291 : i32
          scf.if %cond3A_292 {
            "tpu.trace_start"() <{level = 10 : i32, message = "ep_wait_out"}> : () -> ()
            %rem3A_316 = arith.constant 2 : i32
            %rem3A_317 = arith.remui %while3A_148, %rem3A_316 : i32
            %mul3A_318 = arith.constant 256 : i32
            %mul3A_319 = arith.muli %mul3A_318, %add3A_167 : i32
            %dma_wait3A = arith.constant 0 : i32
            %dma_wait3A_320 = arith.constant 0 : i32
            %dma_wait3A_321 = tpu.memref_slice %run_scoped3A_18[%rem3A_317, %dma_wait3A, %dma_wait3A_320] : memref<2x256x128xf32, #tpu.memory_space<vmem>> -> memref<1x256x128xf32, #tpu.memory_space<vmem>>
            %dma_wait3A_322 = tpu.memref_squeeze %dma_wait3A_321 : memref<1x256x128xf32, #tpu.memory_space<vmem>> -> memref<256x128xf32, #tpu.memory_space<vmem>>
            %dma_wait3A_323 = arith.constant 0 : i32
            %dma_wait3A_324 = tpu.memref_slice %arg4[%mul3A_319, %dma_wait3A_323] : memref<51200x128xf32, #tpu.memory_space<hbm>> -> memref<256x128xf32, #tpu.memory_space<hbm>>
            %dma_wait3A_325 = tpu.memref_slice %run_scoped3A_19[%rem3A_317] : memref<2x!tpu.dma_semaphore, #tpu.memory_space<semaphore_mem>> -> memref<1x!tpu.dma_semaphore, #tpu.memory_space<semaphore_mem>>
            %dma_wait3A_326 = tpu.memref_squeeze %dma_wait3A_325 : memref<1x!tpu.dma_semaphore, #tpu.memory_space<semaphore_mem>> -> memref<!tpu.dma_semaphore, #tpu.memory_space<semaphore_mem>>
            %dma_wait3A_327 = arith.constant 0 : i32
            %dma_wait3A_328 = tpu.memref_slice %arg4[%mul3A_319, %dma_wait3A_327] : memref<51200x128xf32, #tpu.memory_space<hbm>> -> memref<256x128xf32, #tpu.memory_space<hbm>>
            %dma_wait3A_329 = arith.constant 0 : i32
            %dma_wait3A_330 = arith.constant 0 : i32
            %dma_wait3A_331 = tpu.memref_slice %run_scoped3A_18[%rem3A_317, %dma_wait3A_329, %dma_wait3A_330] : memref<2x256x128xf32, #tpu.memory_space<vmem>> -> memref<1x256x128xf32, #tpu.memory_space<vmem>>
            %dma_wait3A_332 = tpu.memref_squeeze %dma_wait3A_331 : memref<1x256x128xf32, #tpu.memory_space<vmem>> -> memref<256x128xf32, #tpu.memory_space<vmem>>
            tpu.wait_dma2 semaphore(%dma_wait3A_326 : memref<!tpu.dma_semaphore, #tpu.memory_space<semaphore_mem>>) src(%dma_wait3A_332 : memref<256x128xf32, #tpu.memory_space<vmem>>) dst(%dma_wait3A_328 : memref<256x128xf32, #tpu.memory_space<hbm>>)
            "tpu.trace_stop"() : () -> ()
          } else {
          }
          %and3A_293 = arith.constant true
          %and3A_294 = arith.andi %and3A_289, %and3A_293 : i1
          %add3A_295 = arith.constant 1 : i32
          %add3A_296 = arith.addi %while3A_148, %add3A_295 : i32
          %select_n3A_297 = arith.select %and3A_294, %add3A_296, %while3A_148 : i32
          %add3A_298 = arith.constant 400 : i32
          %add3A_299 = arith.addi %add3A_298, %add3A_157 : i32
          %add3A_300 = arith.constant 400 : i32
          %add3A_301 = arith.addi %add3A_300, %add3A_175 : i32
          %ne3A_302 = arith.cmpi ne, %add3A_299, %add3A_301 : i32
          %or3A_303 = arith.constant false
          %or3A_304 = arith.ori %or3A_303, %ne3A_302 : i1
          %or3A_305 = arith.ori %or3A_304, %eq3A_156 : i1
          %add3A_306 = arith.constant 1 : i32
          %add3A_307 = arith.addi %while3A_146, %add3A_306 : i32
          %select_n3A_308 = arith.select %or3A_305, %add3A_307, %while3A_146 : i32
          %add3A_309 = arith.constant 1 : i32
          %add3A_310 = arith.addi %while3A_149, %add3A_309 : i32
          %select_n3A_311 = arith.constant true
          %select_n3A_312 = arith.select %select_n3A_311, %add3A_310, %while3A_149 : i32
          %eq3A_313 = arith.cmpi eq, %select_n3A_312, %select_n3A : i32
          %select_n3A_314 = arith.constant 0 : i32
          %select_n3A_315 = arith.select %eq3A_313, %select_n3A_314, %select_n3A_312 : i32
          scf.yield %select_n3A_201, %select_n3A_308, %select_n3A_266, %select_n3A_297, %select_n3A_315 : i32, i32, i32, i32, i32
        }
        %while3A_91 = arith.constant 1 : i32
        %while3A_92:5 = scf.for %while3A_144 = %while3A_88 to %while3A_84 step %while3A_91 iter_args(%while3A_145 = %while3A_90#0, %while3A_146 = %while3A_90#1, %while3A_147 = %while3A_90#2, %while3A_148 = %while3A_90#3, %while3A_149 = %while3A_90#4) -> (i32, i32, i32, i32, i32)  : i32 {
          %mul3A_150 = arith.constant 1 : i32
          %mul3A_151 = arith.muli %mul3A_150, %select_n3A : i32
          %eq3A_152 = arith.constant 0 : i32
          %eq3A_153 = arith.cmpi eq, %while3A_144, %eq3A_152 : i32
          %sub3A_154 = arith.constant 1 : i32
          %sub3A_155 = arith.subi %mul3A_151, %sub3A_154 : i32
          %eq3A_156 = arith.cmpi eq, %while3A_144, %sub3A_155 : i32
          %add3A_157 = arith.addi %while3A_149, %select_n3A_14 : i32
          %sub3A_158 = arith.constant 1 : i32
          %sub3A_159 = arith.subi %while3A_149, %sub3A_158 : i32
          %select_n3A_160 = arith.constant true
          %select_n3A_161 = arith.select %select_n3A_160, %sub3A_159, %while3A_149 : i32
          %eq3A_162 = arith.constant -1 : i32
          %eq3A_163 = arith.cmpi eq, %select_n3A_161, %eq3A_162 : i32
          %sub3A_164 = arith.constant 1 : i32
          %sub3A_165 = arith.subi %select_n3A, %sub3A_164 : i32
          %select_n3A_166 = arith.select %eq3A_163, %sub3A_165, %select_n3A_161 : i32
          %add3A_167 = arith.addi %select_n3A_166, %select_n3A_14 : i32
          %add3A_168 = arith.constant 1 : i32
          %add3A_169 = arith.addi %while3A_149, %add3A_168 : i32
          %select_n3A_170 = arith.constant true
          %select_n3A_171 = arith.select %select_n3A_170, %add3A_169, %while3A_149 : i32
          %eq3A_172 = arith.cmpi eq, %select_n3A_171, %select_n3A : i32
          %select_n3A_173 = arith.constant 0 : i32
          %select_n3A_174 = arith.select %eq3A_172, %select_n3A_173, %select_n3A_171 : i32
          %add3A_175 = arith.addi %select_n3A_174, %select_n3A_14 : i32
          %add3A_176 = arith.constant 1 : i32
          %add3A_177 = arith.addi %select_n3A_174, %add3A_176 : i32
          %select_n3A_178 = arith.constant true
          %select_n3A_179 = arith.select %select_n3A_178, %add3A_177, %select_n3A_174 : i32
          %eq3A_180 = arith.cmpi eq, %select_n3A_179, %select_n3A : i32
          %select_n3A_181 = arith.constant 0 : i32
          %select_n3A_182 = arith.select %eq3A_180, %select_n3A_181, %select_n3A_179 : i32
          %add3A_183 = arith.addi %select_n3A_182, %select_n3A_14 : i32
          %add3A_184 = arith.constant 400 : i32
          %add3A_185 = arith.addi %add3A_184, %add3A_157 : i32
          %add3A_186 = arith.constant 400 : i32
          %add3A_187 = arith.addi %add3A_186, %add3A_175 : i32
          %ne3A = arith.cmpi ne, %add3A_185, %add3A_187 : i32
          %or3A = arith.constant false
          %or3A_188 = arith.ori %or3A, %ne3A : i1
          %sub3A_189 = arith.constant 2 : i32
          %sub3A_190 = arith.subi %mul3A_151, %sub3A_189 : i32
          %add3A_191 = arith.constant 1 : i32
          %add3A_192 = arith.addi %sub3A_190, %add3A_191 : i32
          %ge3A = arith.cmpi sge, %while3A_144, %add3A_192 : i32
          %not3A = arith.constant true
          %not3A_193 = arith.xori %ge3A, %not3A : i1
          %and3A = arith.andi %or3A_188, %not3A_193 : i1
          %convert_element_type3A_194 = arith.extui %and3A : i1 to i32
          %cond3A_195 = arith.constant 0 : i32
          %cond3A_196 = arith.cmpi ne, %convert_element_type3A_194, %cond3A_195 : i32
          scf.if %cond3A_196 {
            "tpu.trace_start"() <{level = 10 : i32, message = "ep_copy_in"}> : () -> ()
            %rem3A_316 = arith.constant 2 : i32
            %rem3A_317 = arith.remui %while3A_145, %rem3A_316 : i32
            %add3A_318 = arith.constant 400 : i32
            %add3A_319 = arith.addi %add3A_318, %add3A_175 : i32
            %mul3A_320 = arith.constant 256 : i32
            %mul3A_321 = arith.muli %mul3A_320, %add3A_319 : i32
            %dma_start3A_322 = arith.constant 0 : i32
            %dma_start3A_323 = arith.constant 0 : i32
            %dma_start3A_324 = tpu.memref_slice %run_scoped3A[%rem3A_317, %dma_start3A_322, %dma_start3A_323] : memref<2x1x256xi32, #tpu.memory_space<vmem>> -> memref<1x1x256xi32, #tpu.memory_space<vmem>>
            %dma_start3A_325 = tpu.memref_squeeze %dma_start3A_324 : memref<1x1x256xi32, #tpu.memory_space<vmem>> -> memref<1x256xi32, #tpu.memory_space<vmem>>
            %dma_start3A_326 = arith.constant 0 : i32
            %dma_start3A_327 = tpu.memref_slice %arg3[%dma_start3A_326, %mul3A_321] : memref<1x204800xi32, #tpu.memory_space<hbm>> -> memref<1x256xi32, #tpu.memory_space<hbm>>
            %dma_start3A_328 = tpu.memref_slice %run_scoped3A_17[%rem3A_317] : memref<2x!tpu.dma_semaphore, #tpu.memory_space<semaphore_mem>> -> memref<1x!tpu.dma_semaphore, #tpu.memory_space<semaphore_mem>>
            %dma_start3A_329 = tpu.memref_squeeze %dma_start3A_328 : memref<1x!tpu.dma_semaphore, #tpu.memory_space<semaphore_mem>> -> memref<!tpu.dma_semaphore, #tpu.memory_space<semaphore_mem>>
            %dma_start3A_330 = arith.constant 0 : i32
            %dma_start3A_331 = arith.constant 0 : i32
            %dma_start3A_332 = tpu.memref_slice %run_scoped3A[%rem3A_317, %dma_start3A_330, %dma_start3A_331] : memref<2x1x256xi32, #tpu.memory_space<vmem>> -> memref<1x1x256xi32, #tpu.memory_space<vmem>>
            %dma_start3A_333 = tpu.memref_squeeze %dma_start3A_332 : memref<1x1x256xi32, #tpu.memory_space<vmem>> -> memref<1x256xi32, #tpu.memory_space<vmem>>
            %dma_start3A_334 = arith.constant 0 : i32
            %dma_start3A_335 = tpu.memref_slice %arg3[%dma_start3A_334, %mul3A_321] : memref<1x204800xi32, #tpu.memory_space<hbm>> -> memref<1x256xi32, #tpu.memory_space<hbm>>
            tpu.enqueue_dma source(%dma_start3A_335 : memref<1x256xi32, #tpu.memory_space<hbm>>) target(%dma_start3A_333 : memref<1x256xi32, #tpu.memory_space<vmem>>) target_semaphore(%dma_start3A_329 : memref<!tpu.dma_semaphore, #tpu.memory_space<semaphore_mem>>)
            "tpu.trace_stop"() : () -> ()
          } else {
          }
          %and3A_197 = arith.constant true
          %and3A_198 = arith.andi %and3A, %and3A_197 : i1
          %add3A_199 = arith.constant 1 : i32
          %add3A_200 = arith.addi %while3A_145, %add3A_199 : i32
          %select_n3A_201 = arith.select %and3A_198, %add3A_200, %while3A_145 : i32
          %ne3A_202 = arith.cmpi ne, %add3A_157, %add3A_175 : i32
          %or3A_203 = arith.constant false
          %or3A_204 = arith.ori %or3A_203, %ne3A_202 : i1
          %or3A_205 = arith.constant false
          %or3A_206 = arith.ori %or3A_204, %or3A_205 : i1
          %sub3A_207 = arith.constant 2 : i32
          %sub3A_208 = arith.subi %mul3A_151, %sub3A_207 : i32
          %add3A_209 = arith.constant 1 : i32
          %add3A_210 = arith.addi %sub3A_208, %add3A_209 : i32
          %ge3A_211 = arith.cmpi sge, %while3A_144, %add3A_210 : i32
          %not3A_212 = arith.constant true
          %not3A_213 = arith.xori %ge3A_211, %not3A_212 : i1
          %and3A_214 = arith.andi %or3A_206, %not3A_213 : i1
          %add3A_215 = arith.constant 400 : i32
          %add3A_216 = arith.addi %add3A_215, %add3A_157 : i32
          %add3A_217 = arith.constant 400 : i32
          %add3A_218 = arith.addi %add3A_217, %add3A_167 : i32
          %ne3A_219 = arith.cmpi ne, %add3A_216, %add3A_218 : i32
          %or3A_220 = arith.constant false
          %or3A_221 = arith.ori %or3A_220, %ne3A_219 : i1
          %or3A_222 = arith.ori %or3A_221, %eq3A_153 : i1
          %convert_element_type3A_223 = arith.extui %or3A_222 : i1 to i32
          %cond3A_224 = arith.constant 0 : i32
          %cond3A_225 = arith.cmpi ne, %convert_element_type3A_223, %cond3A_224 : i32
          scf.if %cond3A_225 {
            "tpu.trace_start"() <{level = 10 : i32, message = "ep_wait_in"}> : () -> ()
            %add3A_316 = arith.constant 400 : i32
            %add3A_317 = arith.addi %add3A_316, %add3A_157 : i32
            %mul3A_318 = arith.constant 256 : i32
            %mul3A_319 = arith.muli %mul3A_318, %add3A_317 : i32
            %rem3A_320 = arith.constant 2 : i32
            %rem3A_321 = arith.remui %while3A_146, %rem3A_320 : i32
            %dma_wait3A = arith.constant 0 : i32
            %dma_wait3A_322 = arith.constant 0 : i32
            %dma_wait3A_323 = tpu.memref_slice %run_scoped3A[%rem3A_321, %dma_wait3A, %dma_wait3A_322] : memref<2x1x256xi32, #tpu.memory_space<vmem>> -> memref<1x1x256xi32, #tpu.memory_space<vmem>>
            %dma_wait3A_324 = tpu.memref_squeeze %dma_wait3A_323 : memref<1x1x256xi32, #tpu.memory_space<vmem>> -> memref<1x256xi32, #tpu.memory_space<vmem>>
            %dma_wait3A_325 = arith.constant 0 : i32
            %dma_wait3A_326 = tpu.memref_slice %arg3[%dma_wait3A_325, %mul3A_319] : memref<1x204800xi32, #tpu.memory_space<hbm>> -> memref<1x256xi32, #tpu.memory_space<hbm>>
            %dma_wait3A_327 = tpu.memref_slice %run_scoped3A_17[%rem3A_321] : memref<2x!tpu.dma_semaphore, #tpu.memory_space<semaphore_mem>> -> memref<1x!tpu.dma_semaphore, #tpu.memory_space<semaphore_mem>>
            %dma_wait3A_328 = tpu.memref_squeeze %dma_wait3A_327 : memref<1x!tpu.dma_semaphore, #tpu.memory_space<semaphore_mem>> -> memref<!tpu.dma_semaphore, #tpu.memory_space<semaphore_mem>>
            %dma_wait3A_329 = arith.constant 0 : i32
            %dma_wait3A_330 = arith.constant 0 : i32
            %dma_wait3A_331 = tpu.memref_slice %run_scoped3A[%rem3A_321, %dma_wait3A_329, %dma_wait3A_330] : memref<2x1x256xi32, #tpu.memory_space<vmem>> -> memref<1x1x256xi32, #tpu.memory_space<vmem>>
            %dma_wait3A_332 = tpu.memref_squeeze %dma_wait3A_331 : memref<1x1x256xi32, #tpu.memory_space<vmem>> -> memref<1x256xi32, #tpu.memory_space<vmem>>
            %dma_wait3A_333 = arith.constant 0 : i32
            %dma_wait3A_334 = tpu.memref_slice %arg3[%dma_wait3A_333, %mul3A_319] : memref<1x204800xi32, #tpu.memory_space<hbm>> -> memref<1x256xi32, #tpu.memory_space<hbm>>
            tpu.wait_dma2 semaphore(%dma_wait3A_328 : memref<!tpu.dma_semaphore, #tpu.memory_space<semaphore_mem>>) src(%dma_wait3A_334 : memref<1x256xi32, #tpu.memory_space<hbm>>) dst(%dma_wait3A_332 : memref<1x256xi32, #tpu.memory_space<vmem>>)
            "tpu.trace_stop"() : () -> ()
          } else {
          }
          %ne3A_226 = arith.cmpi ne, %add3A_157, %add3A_167 : i32
          %or3A_227 = arith.constant false
          %or3A_228 = arith.ori %or3A_227, %ne3A_226 : i1
          %or3A_229 = arith.constant false
          %or3A_230 = arith.ori %or3A_228, %or3A_229 : i1
          %or3A_231 = arith.ori %or3A_230, %eq3A_153 : i1
          %convert_element_type3A_232 = arith.extui %or3A_231 : i1 to i32
          %cond3A_233 = arith.constant 0 : i32
          %cond3A_234 = arith.cmpi ne, %convert_element_type3A_232, %cond3A_233 : i32
          scf.if %cond3A_234 {
          } else {
          }
          %rem3A_235 = arith.constant 2 : i32
          %rem3A_236 = arith.remui %while3A_146, %rem3A_235 : i32
          %rem3A_237 = arith.constant 2 : i32
          %rem3A_238 = arith.remui %while3A_147, %rem3A_237 : i32
          %run_scoped3A_239 = arith.constant 0 : i32
          "tpu.trace_start"() <{level = 10 : i32, message = "ep_run_kernel"}> : () -> ()
          "tpu.region"() ({
            %run_scoped3A_316 = tpu.sem_alloc : memref<!tpu.dma_semaphore, #tpu.memory_space<semaphore_mem>>
            %dma_start3A_317 = arith.constant 0 : i32
            %dma_start3A_318 = arith.constant 0 : i32
            %dma_start3A_319 = tpu.memref_slice %run_scoped3A_18[%rem3A_238, %dma_start3A_317, %dma_start3A_318] : memref<2x256x128xf32, #tpu.memory_space<vmem>> -> memref<1x256x128xf32, #tpu.memory_space<vmem>>
            %dma_start3A_320 = tpu.memref_squeeze %dma_start3A_319 : memref<1x256x128xf32, #tpu.memory_space<vmem>> -> memref<256x128xf32, #tpu.memory_space<vmem>>
            %dma_start3A_321 = arith.constant 0 : i32
            %dma_start3A_322 = arith.constant 0 : i32
            %dma_start3A_323 = tpu.memref_slice %run_scoped3A[%rem3A_236, %dma_start3A_321, %dma_start3A_322] : memref<2x1x256xi32, #tpu.memory_space<vmem>> -> memref<1x1x256xi32, #tpu.memory_space<vmem>>
            %dma_start3A_324 = tpu.memref_squeeze %dma_start3A_323 : memref<1x1x256xi32, #tpu.memory_space<vmem>> -> memref<1x256xi32, #tpu.memory_space<vmem>>
            %dma_start3A_325 = arith.constant 0 : i32
            %dma_start3A_326 = tpu.memref_slice %dma_start3A_324[%run_scoped3A_239, %dma_start3A_325] : memref<1x256xi32, #tpu.memory_space<vmem>> -> memref<1x256xi32, #tpu.memory_space<vmem>>
            %dma_start3A_327 = tpu.memref_squeeze %dma_start3A_326 : memref<1x256xi32, #tpu.memory_space<vmem>> -> memref<256xi32, #tpu.memory_space<vmem>>
            %dma_start3A_328 = arith.constant 0 : i32
            %dma_start3A_329 = arith.constant 0 : i32
            %dma_start3A_330 = tpu.memref_slice %arg2[%dma_start3A_328, %dma_start3A_329] : memref<100001x128xf32, #tpu.memory_space<hbm>> -> memref<100001x128xf32, #tpu.memory_space<hbm>>
            tpu.enqueue_indirect_dma source(%dma_start3A_330 : memref<100001x128xf32, #tpu.memory_space<hbm>>) target(%dma_start3A_320 : memref<256x128xf32, #tpu.memory_space<vmem>>) offsets(%dma_start3A_327 : memref<256xi32, #tpu.memory_space<vmem>>) semaphore(%run_scoped3A_316 : memref<!tpu.dma_semaphore, #tpu.memory_space<semaphore_mem>>)
            %dma_wait3A = arith.constant 0 : i32
            %dma_wait3A_331 = arith.constant 0 : i32
            %dma_wait3A_332 = tpu.memref_slice %run_scoped3A_18[%rem3A_238, %dma_wait3A, %dma_wait3A_331] : memref<2x256x128xf32, #tpu.memory_space<vmem>> -> memref<1x256x128xf32, #tpu.memory_space<vmem>>
            %dma_wait3A_333 = tpu.memref_squeeze %dma_wait3A_332 : memref<1x256x128xf32, #tpu.memory_space<vmem>> -> memref<256x128xf32, #tpu.memory_space<vmem>>
            %dma_wait3A_334 = arith.constant 0 : i32
            %dma_wait3A_335 = arith.constant 0 : i32
            %dma_wait3A_336 = tpu.memref_slice %run_scoped3A[%rem3A_236, %dma_wait3A_334, %dma_wait3A_335] : memref<2x1x256xi32, #tpu.memory_space<vmem>> -> memref<1x1x256xi32, #tpu.memory_space<vmem>>
            %dma_wait3A_337 = tpu.memref_squeeze %dma_wait3A_336 : memref<1x1x256xi32, #tpu.memory_space<vmem>> -> memref<1x256xi32, #tpu.memory_space<vmem>>
            %dma_wait3A_338 = arith.constant 0 : i32
            %dma_wait3A_339 = tpu.memref_slice %dma_wait3A_337[%run_scoped3A_239, %dma_wait3A_338] : memref<1x256xi32, #tpu.memory_space<vmem>> -> memref<1x256xi32, #tpu.memory_space<vmem>>
            %dma_wait3A_340 = tpu.memref_squeeze %dma_wait3A_339 : memref<1x256xi32, #tpu.memory_space<vmem>> -> memref<256xi32, #tpu.memory_space<vmem>>
            %dma_wait3A_341 = arith.constant 0 : i32
            %dma_wait3A_342 = arith.constant 0 : i32
            %dma_wait3A_343 = tpu.memref_slice %arg2[%dma_wait3A_341, %dma_wait3A_342] : memref<100001x128xf32, #tpu.memory_space<hbm>> -> memref<100001x128xf32, #tpu.memory_space<hbm>>
            tpu.wait_indirect_dma semaphore(%run_scoped3A_316 : memref<!tpu.dma_semaphore, #tpu.memory_space<semaphore_mem>>) src(%dma_wait3A_343 : memref<100001x128xf32, #tpu.memory_space<hbm>>) dst(%dma_wait3A_333 : memref<256x128xf32, #tpu.memory_space<vmem>>)
            tpu.yield
          }) : () -> ()
          "tpu.trace_stop"() : () -> ()
          %add3A_240 = arith.constant 400 : i32
          %add3A_241 = arith.addi %add3A_240, %add3A_157 : i32
          %add3A_242 = arith.constant 400 : i32
          %add3A_243 = arith.addi %add3A_242, %add3A_175 : i32
          %ne3A_244 = arith.cmpi ne, %add3A_241, %add3A_243 : i32
          %or3A_245 = arith.constant false
          %or3A_246 = arith.ori %or3A_245, %ne3A_244 : i1
          %or3A_247 = arith.ori %or3A_246, %eq3A_156 : i1
          %convert_element_type3A_248 = arith.extui %or3A_247 : i1 to i32
          %cond3A_249 = arith.constant 0 : i32
          %cond3A_250 = arith.cmpi ne, %convert_element_type3A_248, %cond3A_249 : i32
          scf.if %cond3A_250 {
          } else {
          }
          %and3A_251 = arith.constant false
          %and3A_252 = arith.andi %or3A_247, %and3A_251 : i1
          %ne3A_253 = arith.cmpi ne, %add3A_157, %add3A_175 : i32
          %or3A_254 = arith.constant false
          %or3A_255 = arith.ori %or3A_254, %ne3A_253 : i1
          %or3A_256 = arith.constant false
          %or3A_257 = arith.ori %or3A_255, %or3A_256 : i1
          %or3A_258 = arith.ori %or3A_257, %eq3A_156 : i1
          %convert_element_type3A_259 = arith.extui %or3A_258 : i1 to i32
          %cond3A_260 = arith.constant 0 : i32
          %cond3A_261 = arith.cmpi ne, %convert_element_type3A_259, %cond3A_260 : i32
          scf.if %cond3A_261 {
            "tpu.trace_start"() <{level = 10 : i32, message = "ep_copy_out"}> : () -> ()
            %rem3A_316 = arith.constant 2 : i32
            %rem3A_317 = arith.remui %while3A_147, %rem3A_316 : i32
            %mul3A_318 = arith.constant 256 : i32
            %mul3A_319 = arith.muli %mul3A_318, %add3A_157 : i32
            %dma_start3A_320 = arith.constant 0 : i32
            %dma_start3A_321 = arith.constant 0 : i32
            %dma_start3A_322 = tpu.memref_slice %run_scoped3A_18[%rem3A_317, %dma_start3A_320, %dma_start3A_321] : memref<2x256x128xf32, #tpu.memory_space<vmem>> -> memref<1x256x128xf32, #tpu.memory_space<vmem>>
            %dma_start3A_323 = tpu.memref_squeeze %dma_start3A_322 : memref<1x256x128xf32, #tpu.memory_space<vmem>> -> memref<256x128xf32, #tpu.memory_space<vmem>>
            %dma_start3A_324 = arith.constant 0 : i32
            %dma_start3A_325 = tpu.memref_slice %arg4[%mul3A_319, %dma_start3A_324] : memref<51200x128xf32, #tpu.memory_space<hbm>> -> memref<256x128xf32, #tpu.memory_space<hbm>>
            %dma_start3A_326 = tpu.memref_slice %run_scoped3A_19[%rem3A_317] : memref<2x!tpu.dma_semaphore, #tpu.memory_space<semaphore_mem>> -> memref<1x!tpu.dma_semaphore, #tpu.memory_space<semaphore_mem>>
            %dma_start3A_327 = tpu.memref_squeeze %dma_start3A_326 : memref<1x!tpu.dma_semaphore, #tpu.memory_space<semaphore_mem>> -> memref<!tpu.dma_semaphore, #tpu.memory_space<semaphore_mem>>
            %dma_start3A_328 = arith.constant 0 : i32
            %dma_start3A_329 = tpu.memref_slice %arg4[%mul3A_319, %dma_start3A_328] : memref<51200x128xf32, #tpu.memory_space<hbm>> -> memref<256x128xf32, #tpu.memory_space<hbm>>
            %dma_start3A_330 = arith.constant 0 : i32
            %dma_start3A_331 = arith.constant 0 : i32
            %dma_start3A_332 = tpu.memref_slice %run_scoped3A_18[%rem3A_317, %dma_start3A_330, %dma_start3A_331] : memref<2x256x128xf32, #tpu.memory_space<vmem>> -> memref<1x256x128xf32, #tpu.memory_space<vmem>>
            %dma_start3A_333 = tpu.memref_squeeze %dma_start3A_332 : memref<1x256x128xf32, #tpu.memory_space<vmem>> -> memref<256x128xf32, #tpu.memory_space<vmem>>
            tpu.enqueue_dma source(%dma_start3A_333 : memref<256x128xf32, #tpu.memory_space<vmem>>) target(%dma_start3A_329 : memref<256x128xf32, #tpu.memory_space<hbm>>) target_semaphore(%dma_start3A_327 : memref<!tpu.dma_semaphore, #tpu.memory_space<semaphore_mem>>)
            "tpu.trace_stop"() : () -> ()
          } else {
          }
          %and3A_262 = arith.constant true
          %and3A_263 = arith.andi %or3A_258, %and3A_262 : i1
          %add3A_264 = arith.constant 1 : i32
          %add3A_265 = arith.addi %while3A_147, %add3A_264 : i32
          %select_n3A_266 = arith.select %and3A_263, %add3A_265, %while3A_147 : i32
          %add3A_267 = arith.constant 400 : i32
          %add3A_268 = arith.addi %add3A_267, %add3A_157 : i32
          %add3A_269 = arith.constant 400 : i32
          %add3A_270 = arith.addi %add3A_269, %add3A_167 : i32
          %ne3A_271 = arith.cmpi ne, %add3A_268, %add3A_270 : i32
          %or3A_272 = arith.constant false
          %or3A_273 = arith.ori %or3A_272, %ne3A_271 : i1
          %not3A_274 = arith.constant true
          %not3A_275 = arith.xori %eq3A_153, %not3A_274 : i1
          %and3A_276 = arith.andi %or3A_273, %not3A_275 : i1
          %convert_element_type3A_277 = arith.extui %and3A_276 : i1 to i32
          %cond3A_278 = arith.constant 0 : i32
          %cond3A_279 = arith.cmpi ne, %convert_element_type3A_277, %cond3A_278 : i32
          scf.if %cond3A_279 {
          } else {
          }
          %and3A_280 = arith.constant false
          %and3A_281 = arith.andi %and3A_276, %and3A_280 : i1
          %ne3A_282 = arith.cmpi ne, %add3A_157, %add3A_167 : i32
          %or3A_283 = arith.constant false
          %or3A_284 = arith.ori %or3A_283, %ne3A_282 : i1
          %or3A_285 = arith.constant false
          %or3A_286 = arith.ori %or3A_284, %or3A_285 : i1
          %not3A_287 = arith.constant true
          %not3A_288 = arith.xori %eq3A_153, %not3A_287 : i1
          %and3A_289 = arith.andi %or3A_286, %not3A_288 : i1
          %convert_element_type3A_290 = arith.extui %and3A_289 : i1 to i32
          %cond3A_291 = arith.constant 0 : i32
          %cond3A_292 = arith.cmpi ne, %convert_element_type3A_290, %cond3A_291 : i32
          scf.if %cond3A_292 {
            "tpu.trace_start"() <{level = 10 : i32, message = "ep_wait_out"}> : () -> ()
            %rem3A_316 = arith.constant 2 : i32
            %rem3A_317 = arith.remui %while3A_148, %rem3A_316 : i32
            %mul3A_318 = arith.constant 256 : i32
            %mul3A_319 = arith.muli %mul3A_318, %add3A_167 : i32
            %dma_wait3A = arith.constant 0 : i32
            %dma_wait3A_320 = arith.constant 0 : i32
            %dma_wait3A_321 = tpu.memref_slice %run_scoped3A_18[%rem3A_317, %dma_wait3A, %dma_wait3A_320] : memref<2x256x128xf32, #tpu.memory_space<vmem>> -> memref<1x256x128xf32, #tpu.memory_space<vmem>>
            %dma_wait3A_322 = tpu.memref_squeeze %dma_wait3A_321 : memref<1x256x128xf32, #tpu.memory_space<vmem>> -> memref<256x128xf32, #tpu.memory_space<vmem>>
            %dma_wait3A_323 = arith.constant 0 : i32
            %dma_wait3A_324 = tpu.memref_slice %arg4[%mul3A_319, %dma_wait3A_323] : memref<51200x128xf32, #tpu.memory_space<hbm>> -> memref<256x128xf32, #tpu.memory_space<hbm>>
            %dma_wait3A_325 = tpu.memref_slice %run_scoped3A_19[%rem3A_317] : memref<2x!tpu.dma_semaphore, #tpu.memory_space<semaphore_mem>> -> memref<1x!tpu.dma_semaphore, #tpu.memory_space<semaphore_mem>>
            %dma_wait3A_326 = tpu.memref_squeeze %dma_wait3A_325 : memref<1x!tpu.dma_semaphore, #tpu.memory_space<semaphore_mem>> -> memref<!tpu.dma_semaphore, #tpu.memory_space<semaphore_mem>>
            %dma_wait3A_327 = arith.constant 0 : i32
            %dma_wait3A_328 = tpu.memref_slice %arg4[%mul3A_319, %dma_wait3A_327] : memref<51200x128xf32, #tpu.memory_space<hbm>> -> memref<256x128xf32, #tpu.memory_space<hbm>>
            %dma_wait3A_329 = arith.constant 0 : i32
            %dma_wait3A_330 = arith.constant 0 : i32
            %dma_wait3A_331 = tpu.memref_slice %run_scoped3A_18[%rem3A_317, %dma_wait3A_329, %dma_wait3A_330] : memref<2x256x128xf32, #tpu.memory_space<vmem>> -> memref<1x256x128xf32, #tpu.memory_space<vmem>>
            %dma_wait3A_332 = tpu.memref_squeeze %dma_wait3A_331 : memref<1x256x128xf32, #tpu.memory_space<vmem>> -> memref<256x128xf32, #tpu.memory_space<vmem>>
            tpu.wait_dma2 semaphore(%dma_wait3A_326 : memref<!tpu.dma_semaphore, #tpu.memory_space<semaphore_mem>>) src(%dma_wait3A_332 : memref<256x128xf32, #tpu.memory_space<vmem>>) dst(%dma_wait3A_328 : memref<256x128xf32, #tpu.memory_space<hbm>>)
            "tpu.trace_stop"() : () -> ()
          } else {
          }
          %and3A_293 = arith.constant true
          %and3A_294 = arith.andi %and3A_289, %and3A_293 : i1
          %add3A_295 = arith.constant 1 : i32
          %add3A_296 = arith.addi %while3A_148, %add3A_295 : i32
          %select_n3A_297 = arith.select %and3A_294, %add3A_296, %while3A_148 : i32
          %add3A_298 = arith.constant 400 : i32
          %add3A_299 = arith.addi %add3A_298, %add3A_157 : i32
          %add3A_300 = arith.constant 400 : i32
          %add3A_301 = arith.addi %add3A_300, %add3A_175 : i32
          %ne3A_302 = arith.cmpi ne, %add3A_299, %add3A_301 : i32
          %or3A_303 = arith.constant false
          %or3A_304 = arith.ori %or3A_303, %ne3A_302 : i1
          %or3A_305 = arith.ori %or3A_304, %eq3A_156 : i1
          %add3A_306 = arith.constant 1 : i32
          %add3A_307 = arith.addi %while3A_146, %add3A_306 : i32
          %select_n3A_308 = arith.select %or3A_305, %add3A_307, %while3A_146 : i32
          %add3A_309 = arith.constant 1 : i32
          %add3A_310 = arith.addi %while3A_149, %add3A_309 : i32
          %select_n3A_311 = arith.constant true
          %select_n3A_312 = arith.select %select_n3A_311, %add3A_310, %while3A_149 : i32
          %eq3A_313 = arith.cmpi eq, %select_n3A_312, %select_n3A : i32
          %select_n3A_314 = arith.constant 0 : i32
          %select_n3A_315 = arith.select %eq3A_313, %select_n3A_314, %select_n3A_312 : i32
          scf.yield %select_n3A_201, %select_n3A_308, %select_n3A_266, %select_n3A_297, %select_n3A_315 : i32, i32, i32, i32, i32
        }
        %sub3A_93 = arith.constant 1 : i32
        %sub3A_94 = arith.subi %while3A_92#4, %sub3A_93 : i32
        %select_n3A_95 = arith.constant true
        %select_n3A_96 = arith.select %select_n3A_95, %sub3A_94, %while3A_92#4 : i32
        %eq3A_97 = arith.constant -1 : i32
        %eq3A_98 = arith.cmpi eq, %select_n3A_96, %eq3A_97 : i32
        %sub3A_99 = arith.constant 1 : i32
        %sub3A_100 = arith.subi %select_n3A, %sub3A_99 : i32
        %select_n3A_101 = arith.select %eq3A_98, %sub3A_100, %select_n3A_96 : i32
        %sub3A_102 = arith.constant 1 : i32
        %sub3A_103 = arith.subi %mul3A_16, %sub3A_102 : i32
        %mul3A_104 = arith.constant 1 : i32
        %mul3A_105 = arith.muli %mul3A_104, %select_n3A : i32
        %eq3A_106 = arith.constant 0 : i32
        %eq3A_107 = arith.cmpi eq, %sub3A_103, %eq3A_106 : i32
        %sub3A_108 = arith.constant 1 : i32
        %sub3A_109 = arith.subi %mul3A_105, %sub3A_108 : i32
        %eq3A_110 = arith.cmpi eq, %sub3A_103, %sub3A_109 : i32
        %add3A_111 = arith.addi %select_n3A_101, %select_n3A_14 : i32
        %sub3A_112 = arith.constant 1 : i32
        %sub3A_113 = arith.subi %select_n3A_101, %sub3A_112 : i32
        %select_n3A_114 = arith.constant true
        %select_n3A_115 = arith.select %select_n3A_114, %sub3A_113, %select_n3A_101 : i32
        %eq3A_116 = arith.constant -1 : i32
        %eq3A_117 = arith.cmpi eq, %select_n3A_115, %eq3A_116 : i32
        %sub3A_118 = arith.constant 1 : i32
        %sub3A_119 = arith.subi %select_n3A, %sub3A_118 : i32
        %select_n3A_120 = arith.select %eq3A_117, %sub3A_119, %select_n3A_115 : i32
        %add3A_121 = arith.addi %select_n3A_120, %select_n3A_14 : i32
        %add3A_122 = arith.constant 1 : i32
        %add3A_123 = arith.addi %select_n3A_101, %add3A_122 : i32
        %select_n3A_124 = arith.constant true
        %select_n3A_125 = arith.select %select_n3A_124, %add3A_123, %select_n3A_101 : i32
        %eq3A_126 = arith.cmpi eq, %select_n3A_125, %select_n3A : i32
        %select_n3A_127 = arith.constant 0 : i32
        %select_n3A_128 = arith.select %eq3A_126, %select_n3A_127, %select_n3A_125 : i32
        %add3A_129 = arith.addi %select_n3A_128, %select_n3A_14 : i32
        %add3A_130 = arith.constant 1 : i32
        %add3A_131 = arith.addi %select_n3A_128, %add3A_130 : i32
        %select_n3A_132 = arith.constant true
        %select_n3A_133 = arith.select %select_n3A_132, %add3A_131, %select_n3A_128 : i32
        %eq3A_134 = arith.cmpi eq, %select_n3A_133, %select_n3A : i32
        %select_n3A_135 = arith.constant 0 : i32
        %select_n3A_136 = arith.select %eq3A_134, %select_n3A_135, %select_n3A_133 : i32
        %add3A_137 = arith.addi %select_n3A_136, %select_n3A_14 : i32
        %convert_element_type3A_138 = arith.extui %eq3A_110 : i1 to i32
        %cond3A_139 = arith.constant 0 : i32
        %cond3A_140 = arith.cmpi ne, %convert_element_type3A_138, %cond3A_139 : i32
        scf.if %cond3A_140 {
        } else {
        }
        %convert_element_type3A_141 = arith.extui %eq3A_110 : i1 to i32
        %cond3A_142 = arith.constant 0 : i32
        %cond3A_143 = arith.cmpi ne, %convert_element_type3A_141, %cond3A_142 : i32
        scf.if %cond3A_143 {
          "tpu.trace_start"() <{level = 10 : i32, message = "ep_finalize"}> : () -> ()
          %rem3A_144 = arith.constant 2 : i32
          %rem3A_145 = arith.remui %while3A_92#3, %rem3A_144 : i32
          %mul3A_146 = arith.constant 256 : i32
          %mul3A_147 = arith.muli %mul3A_146, %add3A_111 : i32
          %dma_wait3A = arith.constant 0 : i32
          %dma_wait3A_148 = arith.constant 0 : i32
          %dma_wait3A_149 = tpu.memref_slice %run_scoped3A_18[%rem3A_145, %dma_wait3A, %dma_wait3A_148] : memref<2x256x128xf32, #tpu.memory_space<vmem>> -> memref<1x256x128xf32, #tpu.memory_space<vmem>>
          %dma_wait3A_150 = tpu.memref_squeeze %dma_wait3A_149 : memref<1x256x128xf32, #tpu.memory_space<vmem>> -> memref<256x128xf32, #tpu.memory_space<vmem>>
          %dma_wait3A_151 = arith.constant 0 : i32
          %dma_wait3A_152 = tpu.memref_slice %arg4[%mul3A_147, %dma_wait3A_151] : memref<51200x128xf32, #tpu.memory_space<hbm>> -> memref<256x128xf32, #tpu.memory_space<hbm>>
          %dma_wait3A_153 = tpu.memref_slice %run_scoped3A_19[%rem3A_145] : memref<2x!tpu.dma_semaphore, #tpu.memory_space<semaphore_mem>> -> memref<1x!tpu.dma_semaphore, #tpu.memory_space<semaphore_mem>>
          %dma_wait3A_154 = tpu.memref_squeeze %dma_wait3A_153 : memref<1x!tpu.dma_semaphore, #tpu.memory_space<semaphore_mem>> -> memref<!tpu.dma_semaphore, #tpu.memory_space<semaphore_mem>>
          %dma_wait3A_155 = arith.constant 0 : i32
          %dma_wait3A_156 = tpu.memref_slice %arg4[%mul3A_147, %dma_wait3A_155] : memref<51200x128xf32, #tpu.memory_space<hbm>> -> memref<256x128xf32, #tpu.memory_space<hbm>>
          %dma_wait3A_157 = arith.constant 0 : i32
          %dma_wait3A_158 = arith.constant 0 : i32
          %dma_wait3A_159 = tpu.memref_slice %run_scoped3A_18[%rem3A_145, %dma_wait3A_157, %dma_wait3A_158] : memref<2x256x128xf32, #tpu.memory_space<vmem>> -> memref<1x256x128xf32, #tpu.memory_space<vmem>>
          %dma_wait3A_160 = tpu.memref_squeeze %dma_wait3A_159 : memref<1x256x128xf32, #tpu.memory_space<vmem>> -> memref<256x128xf32, #tpu.memory_space<vmem>>
          tpu.wait_dma2 semaphore(%dma_wait3A_154 : memref<!tpu.dma_semaphore, #tpu.memory_space<semaphore_mem>>) src(%dma_wait3A_160 : memref<256x128xf32, #tpu.memory_space<vmem>>) dst(%dma_wait3A_156 : memref<256x128xf32, #tpu.memory_space<hbm>>)
          "tpu.trace_stop"() : () -> ()
        } else {
        }
      } else {
      }
      tpu.yield
    }) : () -> ()
    return
  }
}

#map = affine_map<(d0, d1) -> (0, 0)>
module attributes {stable_mosaic.version = 14 : i64} {
  func.func @gather_rows(%arg0: i32, %arg1: i32, %arg2: memref<100001x128xf32, #tpu.memory_space<hbm>>, %arg3: memref<1x204800xi32, #tpu.memory_space<hbm>>, %arg4: memref<51200x128xf32, #tpu.memory_space<hbm>>) attributes {dimension_semantics = [#tpu.dimension_semantics<core_parallel>, #tpu.dimension_semantics<subcore_parallel>], iteration_bounds = array<i64: 2, 16>, scalar_prefetch = 0 : i64, scratch_operands = 0 : i64, tpu.core_type = #tpu.core_type<sc_vector_subcore>, window_params = [{transform_indices = #map}, {transform_indices = #map}, {transform_indices = #map}]} {
    %mul3A = arith.constant 1 : i32
    %mul3A_0 = arith.muli %arg1, %mul3A : i32
    %add3A = arith.constant 0 : i32
    %add3A_1 = arith.addi %add3A, %mul3A_0 : i32
    %mul3A_2 = arith.constant 16 : i32
    %mul3A_3 = arith.muli %arg0, %mul3A_2 : i32
    %add3A_4 = arith.addi %add3A_1, %mul3A_3 : i32
    %lt3A = arith.constant 8 : i32
    %lt3A_5 = arith.cmpi slt, %add3A_4, %lt3A : i32
    %jit3A = arith.constant 7 : i32
    %jit3A_6 = arith.constant 6 : i32
    %select_n3A = arith.select %lt3A_5, %jit3A, %jit3A_6 : i32
    %lt3A_7 = arith.constant 8 : i32
    %lt3A_8 = arith.cmpi slt, %add3A_4, %lt3A_7 : i32
    %mul3A_9 = arith.muli %add3A_4, %select_n3A : i32
    %mul3A_10 = arith.constant 6 : i32
    %mul3A_11 = arith.muli %add3A_4, %mul3A_10 : i32
    %add3A_12 = arith.constant 8 : i32
    %add3A_13 = arith.addi %mul3A_11, %add3A_12 : i32
    %select_n3A_14 = arith.select %lt3A_8, %mul3A_9, %add3A_13 : i32
    %mul3A_15 = arith.constant 1 : i32
    %mul3A_16 = arith.muli %mul3A_15, %select_n3A : i32
    "tpu.region"() ({
      %run_scoped3A = memref.alloca() : memref<2x1x256xi32, #tpu.memory_space<vmem>>
      %run_scoped3A_17 = tpu.sem_alloc : memref<2x!tpu.dma_semaphore, #tpu.memory_space<semaphore_mem>>
      %run_scoped3A_18 = memref.alloca() : memref<2x256x128xf32, #tpu.memory_space<vmem>>
      %run_scoped3A_19 = tpu.sem_alloc : memref<2x!tpu.dma_semaphore, #tpu.memory_space<semaphore_mem>>
      %gt3A = arith.constant 0 : i32
      %gt3A_20 = arith.cmpi sgt, %mul3A_16, %gt3A : i32
      %convert_element_type3A = arith.extui %gt3A_20 : i1 to i32
      %cond3A = arith.constant 0 : i32
      %cond3A_21 = arith.cmpi ne, %convert_element_type3A, %cond3A : i32
      scf.if %cond3A_21 {
        %mul3A_22 = arith.constant 1 : i32
        %mul3A_23 = arith.muli %mul3A_22, %select_n3A : i32
        %sub3A = arith.constant 1 : i32
        %sub3A_24 = arith.subi %mul3A_23, %sub3A : i32
        %eq3A = arith.constant 0 : i32
        %eq3A_25 = arith.cmpi eq, %sub3A_24, %eq3A : i32
        %add3A_26 = arith.constant 0 : i32
        %add3A_27 = arith.addi %add3A_26, %select_n3A_14 : i32
        %select_n3A_28 = arith.constant true
        %select_n3A_29 = arith.constant 0 : i32
        %select_n3A_30 = arith.constant -1 : i32
        %select_n3A_31 = arith.select %select_n3A_28, %select_n3A_30, %select_n3A_29 : i32
        %eq3A_32 = arith.constant -1 : i32
        %eq3A_33 = arith.cmpi eq, %select_n3A_31, %eq3A_32 : i32
        %sub3A_34 = arith.constant 1 : i32
        %sub3A_35 = arith.subi %select_n3A, %sub3A_34 : i32
        %select_n3A_36 = arith.select %eq3A_33, %sub3A_35, %select_n3A_31 : i32
        %add3A_37 = arith.addi %select_n3A_36, %select_n3A_14 : i32
        %select_n3A_38 = arith.constant true
        %select_n3A_39 = arith.constant 0 : i32
        %select_n3A_40 = arith.constant 1 : i32
        %select_n3A_41 = arith.select %select_n3A_38, %select_n3A_40, %select_n3A_39 : i32
        %eq3A_42 = arith.cmpi eq, %select_n3A_41, %select_n3A : i32
        %select_n3A_43 = arith.constant 0 : i32
        %select_n3A_44 = arith.select %eq3A_42, %select_n3A_43, %select_n3A_41 : i32
        %add3A_45 = arith.addi %select_n3A_44, %select_n3A_14 : i32
        %add3A_46 = arith.constant 1 : i32
        %add3A_47 = arith.addi %select_n3A_44, %add3A_46 : i32
        %select_n3A_48 = arith.constant true
        %select_n3A_49 = arith.select %select_n3A_48, %add3A_47, %select_n3A_44 : i32
        %eq3A_50 = arith.cmpi eq, %select_n3A_49, %select_n3A : i32
        %select_n3A_51 = arith.constant 0 : i32
        %select_n3A_52 = arith.select %eq3A_50, %select_n3A_51, %select_n3A_49 : i32
        %add3A_53 = arith.addi %select_n3A_52, %select_n3A_14 : i32
        "tpu.trace_start"() <{level = 10 : i32, message = "ep_initialize_0"}> : () -> ()
        %rem3A = arith.constant 0 : i32
        %rem3A_54 = arith.constant 2 : i32
        %rem3A_55 = arith.remui %rem3A, %rem3A_54 : i32
        %add3A_56 = arith.constant 200 : i32
        %add3A_57 = arith.addi %add3A_56, %add3A_27 : i32
        %mul3A_58 = arith.constant 256 : i32
        %mul3A_59 = arith.muli %mul3A_58, %add3A_57 : i32
        %dma_start3A = arith.constant 0 : i32
        %dma_start3A_60 = arith.constant 0 : i32
        %dma_start3A_61 = tpu.memref_slice %run_scoped3A[%rem3A_55, %dma_start3A, %dma_start3A_60] : memref<2x1x256xi32, #tpu.memory_space<vmem>> -> memref<1x1x256xi32, #tpu.memory_space<vmem>>
        %dma_start3A_62 = tpu.memref_squeeze %dma_start3A_61 : memref<1x1x256xi32, #tpu.memory_space<vmem>> -> memref<1x256xi32, #tpu.memory_space<vmem>>
        %dma_start3A_63 = arith.constant 0 : i32
        %dma_start3A_64 = tpu.memref_slice %arg3[%dma_start3A_63, %mul3A_59] : memref<1x204800xi32, #tpu.memory_space<hbm>> -> memref<1x256xi32, #tpu.memory_space<hbm>>
        %dma_start3A_65 = tpu.memref_slice %run_scoped3A_17[%rem3A_55] : memref<2x!tpu.dma_semaphore, #tpu.memory_space<semaphore_mem>> -> memref<1x!tpu.dma_semaphore, #tpu.memory_space<semaphore_mem>>
        %dma_start3A_66 = tpu.memref_squeeze %dma_start3A_65 : memref<1x!tpu.dma_semaphore, #tpu.memory_space<semaphore_mem>> -> memref<!tpu.dma_semaphore, #tpu.memory_space<semaphore_mem>>
        %dma_start3A_67 = arith.constant 0 : i32
        %dma_start3A_68 = arith.constant 0 : i32
        %dma_start3A_69 = tpu.memref_slice %run_scoped3A[%rem3A_55, %dma_start3A_67, %dma_start3A_68] : memref<2x1x256xi32, #tpu.memory_space<vmem>> -> memref<1x1x256xi32, #tpu.memory_space<vmem>>
        %dma_start3A_70 = tpu.memref_squeeze %dma_start3A_69 : memref<1x1x256xi32, #tpu.memory_space<vmem>> -> memref<1x256xi32, #tpu.memory_space<vmem>>
        %dma_start3A_71 = arith.constant 0 : i32
        %dma_start3A_72 = tpu.memref_slice %arg3[%dma_start3A_71, %mul3A_59] : memref<1x204800xi32, #tpu.memory_space<hbm>> -> memref<1x256xi32, #tpu.memory_space<hbm>>
        tpu.enqueue_dma source(%dma_start3A_72 : memref<1x256xi32, #tpu.memory_space<hbm>>) target(%dma_start3A_70 : memref<1x256xi32, #tpu.memory_space<vmem>>) target_semaphore(%dma_start3A_66 : memref<!tpu.dma_semaphore, #tpu.memory_space<semaphore_mem>>)
        %add3A_73 = arith.constant 0 : i32
        %add3A_74 = arith.constant 1 : i32
        %add3A_75 = arith.addi %add3A_73, %add3A_74 : i32
        %select_n3A_76 = arith.constant true
        %select_n3A_77 = arith.constant 0 : i32
        %select_n3A_78 = arith.select %select_n3A_76, %add3A_75, %select_n3A_77 : i32
        %while3A = arith.constant 0 : i32
        %while3A_79 = arith.constant 0 : i32
        %while3A_80 = arith.constant 0 : i32
        %while3A_81 = arith.constant 0 : i32
        %while3A_82 = arith.constant 0 : i32
        "tpu.trace_stop"() : () -> ()
        %while3A_83 = arith.subi %mul3A_16, %while3A : i32
        %while3A_84 = arith.addi %while3A, %while3A_83 : i32
        %while3A_85 = arith.constant 1 : i32
        %while3A_86 = arith.divsi %while3A_83, %while3A_85 : i32
        %while3A_87 = arith.muli %while3A_86, %while3A_85 : i32
        %while3A_88 = arith.addi %while3A, %while3A_87 : i32
        %while3A_89 = arith.constant 1 : i32
        %while3A_90:5 = scf.for %while3A_144 = %while3A to %while3A_88 step %while3A_89 iter_args(%while3A_145 = %select_n3A_78, %while3A_146 = %while3A_79, %while3A_147 = %while3A_80, %while3A_148 = %while3A_81, %while3A_149 = %while3A_82) -> (i32, i32, i32, i32, i32)  : i32 {
          %mul3A_150 = arith.constant 1 : i32
          %mul3A_151 = arith.muli %mul3A_150, %select_n3A : i32
          %eq3A_152 = arith.constant 0 : i32
          %eq3A_153 = arith.cmpi eq, %while3A_144, %eq3A_152 : i32
          %sub3A_154 = arith.constant 1 : i32
          %sub3A_155 = arith.subi %mul3A_151, %sub3A_154 : i32
          %eq3A_156 = arith.cmpi eq, %while3A_144, %sub3A_155 : i32
          %add3A_157 = arith.addi %while3A_149, %select_n3A_14 : i32
          %sub3A_158 = arith.constant 1 : i32
          %sub3A_159 = arith.subi %while3A_149, %sub3A_158 : i32
          %select_n3A_160 = arith.constant true
          %select_n3A_161 = arith.select %select_n3A_160, %sub3A_159, %while3A_149 : i32
          %eq3A_162 = arith.constant -1 : i32
          %eq3A_163 = arith.cmpi eq, %select_n3A_161, %eq3A_162 : i32
          %sub3A_164 = arith.constant 1 : i32
          %sub3A_165 = arith.subi %select_n3A, %sub3A_164 : i32
          %select_n3A_166 = arith.select %eq3A_163, %sub3A_165, %select_n3A_161 : i32
          %add3A_167 = arith.addi %select_n3A_166, %select_n3A_14 : i32
          %add3A_168 = arith.constant 1 : i32
          %add3A_169 = arith.addi %while3A_149, %add3A_168 : i32
          %select_n3A_170 = arith.constant true
          %select_n3A_171 = arith.select %select_n3A_170, %add3A_169, %while3A_149 : i32
          %eq3A_172 = arith.cmpi eq, %select_n3A_171, %select_n3A : i32
          %select_n3A_173 = arith.constant 0 : i32
          %select_n3A_174 = arith.select %eq3A_172, %select_n3A_173, %select_n3A_171 : i32
          %add3A_175 = arith.addi %select_n3A_174, %select_n3A_14 : i32
          %add3A_176 = arith.constant 1 : i32
          %add3A_177 = arith.addi %select_n3A_174, %add3A_176 : i32
          %select_n3A_178 = arith.constant true
          %select_n3A_179 = arith.select %select_n3A_178, %add3A_177, %select_n3A_174 : i32
          %eq3A_180 = arith.cmpi eq, %select_n3A_179, %select_n3A : i32
          %select_n3A_181 = arith.constant 0 : i32
          %select_n3A_182 = arith.select %eq3A_180, %select_n3A_181, %select_n3A_179 : i32
          %add3A_183 = arith.addi %select_n3A_182, %select_n3A_14 : i32
          %add3A_184 = arith.constant 200 : i32
          %add3A_185 = arith.addi %add3A_184, %add3A_157 : i32
          %add3A_186 = arith.constant 200 : i32
          %add3A_187 = arith.addi %add3A_186, %add3A_175 : i32
          %ne3A = arith.cmpi ne, %add3A_185, %add3A_187 : i32
          %or3A = arith.constant false
          %or3A_188 = arith.ori %or3A, %ne3A : i1
          %sub3A_189 = arith.constant 2 : i32
          %sub3A_190 = arith.subi %mul3A_151, %sub3A_189 : i32
          %add3A_191 = arith.constant 1 : i32
          %add3A_192 = arith.addi %sub3A_190, %add3A_191 : i32
          %ge3A = arith.cmpi sge, %while3A_144, %add3A_192 : i32
          %not3A = arith.constant true
          %not3A_193 = arith.xori %ge3A, %not3A : i1
          %and3A = arith.andi %or3A_188, %not3A_193 : i1
          %convert_element_type3A_194 = arith.extui %and3A : i1 to i32
          %cond3A_195 = arith.constant 0 : i32
          %cond3A_196 = arith.cmpi ne, %convert_element_type3A_194, %cond3A_195 : i32
          scf.if %cond3A_196 {
            "tpu.trace_start"() <{level = 10 : i32, message = "ep_copy_in"}> : () -> ()
            %rem3A_316 = arith.constant 2 : i32
            %rem3A_317 = arith.remui %while3A_145, %rem3A_316 : i32
            %add3A_318 = arith.constant 200 : i32
            %add3A_319 = arith.addi %add3A_318, %add3A_175 : i32
            %mul3A_320 = arith.constant 256 : i32
            %mul3A_321 = arith.muli %mul3A_320, %add3A_319 : i32
            %dma_start3A_322 = arith.constant 0 : i32
            %dma_start3A_323 = arith.constant 0 : i32
            %dma_start3A_324 = tpu.memref_slice %run_scoped3A[%rem3A_317, %dma_start3A_322, %dma_start3A_323] : memref<2x1x256xi32, #tpu.memory_space<vmem>> -> memref<1x1x256xi32, #tpu.memory_space<vmem>>
            %dma_start3A_325 = tpu.memref_squeeze %dma_start3A_324 : memref<1x1x256xi32, #tpu.memory_space<vmem>> -> memref<1x256xi32, #tpu.memory_space<vmem>>
            %dma_start3A_326 = arith.constant 0 : i32
            %dma_start3A_327 = tpu.memref_slice %arg3[%dma_start3A_326, %mul3A_321] : memref<1x204800xi32, #tpu.memory_space<hbm>> -> memref<1x256xi32, #tpu.memory_space<hbm>>
            %dma_start3A_328 = tpu.memref_slice %run_scoped3A_17[%rem3A_317] : memref<2x!tpu.dma_semaphore, #tpu.memory_space<semaphore_mem>> -> memref<1x!tpu.dma_semaphore, #tpu.memory_space<semaphore_mem>>
            %dma_start3A_329 = tpu.memref_squeeze %dma_start3A_328 : memref<1x!tpu.dma_semaphore, #tpu.memory_space<semaphore_mem>> -> memref<!tpu.dma_semaphore, #tpu.memory_space<semaphore_mem>>
            %dma_start3A_330 = arith.constant 0 : i32
            %dma_start3A_331 = arith.constant 0 : i32
            %dma_start3A_332 = tpu.memref_slice %run_scoped3A[%rem3A_317, %dma_start3A_330, %dma_start3A_331] : memref<2x1x256xi32, #tpu.memory_space<vmem>> -> memref<1x1x256xi32, #tpu.memory_space<vmem>>
            %dma_start3A_333 = tpu.memref_squeeze %dma_start3A_332 : memref<1x1x256xi32, #tpu.memory_space<vmem>> -> memref<1x256xi32, #tpu.memory_space<vmem>>
            %dma_start3A_334 = arith.constant 0 : i32
            %dma_start3A_335 = tpu.memref_slice %arg3[%dma_start3A_334, %mul3A_321] : memref<1x204800xi32, #tpu.memory_space<hbm>> -> memref<1x256xi32, #tpu.memory_space<hbm>>
            tpu.enqueue_dma source(%dma_start3A_335 : memref<1x256xi32, #tpu.memory_space<hbm>>) target(%dma_start3A_333 : memref<1x256xi32, #tpu.memory_space<vmem>>) target_semaphore(%dma_start3A_329 : memref<!tpu.dma_semaphore, #tpu.memory_space<semaphore_mem>>)
            "tpu.trace_stop"() : () -> ()
          } else {
          }
          %and3A_197 = arith.constant true
          %and3A_198 = arith.andi %and3A, %and3A_197 : i1
          %add3A_199 = arith.constant 1 : i32
          %add3A_200 = arith.addi %while3A_145, %add3A_199 : i32
          %select_n3A_201 = arith.select %and3A_198, %add3A_200, %while3A_145 : i32
          %ne3A_202 = arith.cmpi ne, %add3A_157, %add3A_175 : i32
          %or3A_203 = arith.constant false
          %or3A_204 = arith.ori %or3A_203, %ne3A_202 : i1
          %or3A_205 = arith.constant false
          %or3A_206 = arith.ori %or3A_204, %or3A_205 : i1
          %sub3A_207 = arith.constant 2 : i32
          %sub3A_208 = arith.subi %mul3A_151, %sub3A_207 : i32
          %add3A_209 = arith.constant 1 : i32
          %add3A_210 = arith.addi %sub3A_208, %add3A_209 : i32
          %ge3A_211 = arith.cmpi sge, %while3A_144, %add3A_210 : i32
          %not3A_212 = arith.constant true
          %not3A_213 = arith.xori %ge3A_211, %not3A_212 : i1
          %and3A_214 = arith.andi %or3A_206, %not3A_213 : i1
          %add3A_215 = arith.constant 200 : i32
          %add3A_216 = arith.addi %add3A_215, %add3A_157 : i32
          %add3A_217 = arith.constant 200 : i32
          %add3A_218 = arith.addi %add3A_217, %add3A_167 : i32
          %ne3A_219 = arith.cmpi ne, %add3A_216, %add3A_218 : i32
          %or3A_220 = arith.constant false
          %or3A_221 = arith.ori %or3A_220, %ne3A_219 : i1
          %or3A_222 = arith.ori %or3A_221, %eq3A_153 : i1
          %convert_element_type3A_223 = arith.extui %or3A_222 : i1 to i32
          %cond3A_224 = arith.constant 0 : i32
          %cond3A_225 = arith.cmpi ne, %convert_element_type3A_223, %cond3A_224 : i32
          scf.if %cond3A_225 {
            "tpu.trace_start"() <{level = 10 : i32, message = "ep_wait_in"}> : () -> ()
            %add3A_316 = arith.constant 200 : i32
            %add3A_317 = arith.addi %add3A_316, %add3A_157 : i32
            %mul3A_318 = arith.constant 256 : i32
            %mul3A_319 = arith.muli %mul3A_318, %add3A_317 : i32
            %rem3A_320 = arith.constant 2 : i32
            %rem3A_321 = arith.remui %while3A_146, %rem3A_320 : i32
            %dma_wait3A = arith.constant 0 : i32
            %dma_wait3A_322 = arith.constant 0 : i32
            %dma_wait3A_323 = tpu.memref_slice %run_scoped3A[%rem3A_321, %dma_wait3A, %dma_wait3A_322] : memref<2x1x256xi32, #tpu.memory_space<vmem>> -> memref<1x1x256xi32, #tpu.memory_space<vmem>>
            %dma_wait3A_324 = tpu.memref_squeeze %dma_wait3A_323 : memref<1x1x256xi32, #tpu.memory_space<vmem>> -> memref<1x256xi32, #tpu.memory_space<vmem>>
            %dma_wait3A_325 = arith.constant 0 : i32
            %dma_wait3A_326 = tpu.memref_slice %arg3[%dma_wait3A_325, %mul3A_319] : memref<1x204800xi32, #tpu.memory_space<hbm>> -> memref<1x256xi32, #tpu.memory_space<hbm>>
            %dma_wait3A_327 = tpu.memref_slice %run_scoped3A_17[%rem3A_321] : memref<2x!tpu.dma_semaphore, #tpu.memory_space<semaphore_mem>> -> memref<1x!tpu.dma_semaphore, #tpu.memory_space<semaphore_mem>>
            %dma_wait3A_328 = tpu.memref_squeeze %dma_wait3A_327 : memref<1x!tpu.dma_semaphore, #tpu.memory_space<semaphore_mem>> -> memref<!tpu.dma_semaphore, #tpu.memory_space<semaphore_mem>>
            %dma_wait3A_329 = arith.constant 0 : i32
            %dma_wait3A_330 = arith.constant 0 : i32
            %dma_wait3A_331 = tpu.memref_slice %run_scoped3A[%rem3A_321, %dma_wait3A_329, %dma_wait3A_330] : memref<2x1x256xi32, #tpu.memory_space<vmem>> -> memref<1x1x256xi32, #tpu.memory_space<vmem>>
            %dma_wait3A_332 = tpu.memref_squeeze %dma_wait3A_331 : memref<1x1x256xi32, #tpu.memory_space<vmem>> -> memref<1x256xi32, #tpu.memory_space<vmem>>
            %dma_wait3A_333 = arith.constant 0 : i32
            %dma_wait3A_334 = tpu.memref_slice %arg3[%dma_wait3A_333, %mul3A_319] : memref<1x204800xi32, #tpu.memory_space<hbm>> -> memref<1x256xi32, #tpu.memory_space<hbm>>
            tpu.wait_dma2 semaphore(%dma_wait3A_328 : memref<!tpu.dma_semaphore, #tpu.memory_space<semaphore_mem>>) src(%dma_wait3A_334 : memref<1x256xi32, #tpu.memory_space<hbm>>) dst(%dma_wait3A_332 : memref<1x256xi32, #tpu.memory_space<vmem>>)
            "tpu.trace_stop"() : () -> ()
          } else {
          }
          %ne3A_226 = arith.cmpi ne, %add3A_157, %add3A_167 : i32
          %or3A_227 = arith.constant false
          %or3A_228 = arith.ori %or3A_227, %ne3A_226 : i1
          %or3A_229 = arith.constant false
          %or3A_230 = arith.ori %or3A_228, %or3A_229 : i1
          %or3A_231 = arith.ori %or3A_230, %eq3A_153 : i1
          %convert_element_type3A_232 = arith.extui %or3A_231 : i1 to i32
          %cond3A_233 = arith.constant 0 : i32
          %cond3A_234 = arith.cmpi ne, %convert_element_type3A_232, %cond3A_233 : i32
          scf.if %cond3A_234 {
          } else {
          }
          %rem3A_235 = arith.constant 2 : i32
          %rem3A_236 = arith.remui %while3A_146, %rem3A_235 : i32
          %rem3A_237 = arith.constant 2 : i32
          %rem3A_238 = arith.remui %while3A_147, %rem3A_237 : i32
          %run_scoped3A_239 = arith.constant 0 : i32
          "tpu.trace_start"() <{level = 10 : i32, message = "ep_run_kernel"}> : () -> ()
          "tpu.region"() ({
            %run_scoped3A_316 = tpu.sem_alloc : memref<!tpu.dma_semaphore, #tpu.memory_space<semaphore_mem>>
            %dma_start3A_317 = arith.constant 0 : i32
            %dma_start3A_318 = arith.constant 0 : i32
            %dma_start3A_319 = tpu.memref_slice %run_scoped3A_18[%rem3A_238, %dma_start3A_317, %dma_start3A_318] : memref<2x256x128xf32, #tpu.memory_space<vmem>> -> memref<1x256x128xf32, #tpu.memory_space<vmem>>
            %dma_start3A_320 = tpu.memref_squeeze %dma_start3A_319 : memref<1x256x128xf32, #tpu.memory_space<vmem>> -> memref<256x128xf32, #tpu.memory_space<vmem>>
            %dma_start3A_321 = arith.constant 0 : i32
            %dma_start3A_322 = arith.constant 0 : i32
            %dma_start3A_323 = tpu.memref_slice %run_scoped3A[%rem3A_236, %dma_start3A_321, %dma_start3A_322] : memref<2x1x256xi32, #tpu.memory_space<vmem>> -> memref<1x1x256xi32, #tpu.memory_space<vmem>>
            %dma_start3A_324 = tpu.memref_squeeze %dma_start3A_323 : memref<1x1x256xi32, #tpu.memory_space<vmem>> -> memref<1x256xi32, #tpu.memory_space<vmem>>
            %dma_start3A_325 = arith.constant 0 : i32
            %dma_start3A_326 = tpu.memref_slice %dma_start3A_324[%run_scoped3A_239, %dma_start3A_325] : memref<1x256xi32, #tpu.memory_space<vmem>> -> memref<1x256xi32, #tpu.memory_space<vmem>>
            %dma_start3A_327 = tpu.memref_squeeze %dma_start3A_326 : memref<1x256xi32, #tpu.memory_space<vmem>> -> memref<256xi32, #tpu.memory_space<vmem>>
            %dma_start3A_328 = arith.constant 0 : i32
            %dma_start3A_329 = arith.constant 0 : i32
            %dma_start3A_330 = tpu.memref_slice %arg2[%dma_start3A_328, %dma_start3A_329] : memref<100001x128xf32, #tpu.memory_space<hbm>> -> memref<100001x128xf32, #tpu.memory_space<hbm>>
            tpu.enqueue_indirect_dma source(%dma_start3A_330 : memref<100001x128xf32, #tpu.memory_space<hbm>>) target(%dma_start3A_320 : memref<256x128xf32, #tpu.memory_space<vmem>>) offsets(%dma_start3A_327 : memref<256xi32, #tpu.memory_space<vmem>>) semaphore(%run_scoped3A_316 : memref<!tpu.dma_semaphore, #tpu.memory_space<semaphore_mem>>)
            %dma_wait3A = arith.constant 0 : i32
            %dma_wait3A_331 = arith.constant 0 : i32
            %dma_wait3A_332 = tpu.memref_slice %run_scoped3A_18[%rem3A_238, %dma_wait3A, %dma_wait3A_331] : memref<2x256x128xf32, #tpu.memory_space<vmem>> -> memref<1x256x128xf32, #tpu.memory_space<vmem>>
            %dma_wait3A_333 = tpu.memref_squeeze %dma_wait3A_332 : memref<1x256x128xf32, #tpu.memory_space<vmem>> -> memref<256x128xf32, #tpu.memory_space<vmem>>
            %dma_wait3A_334 = arith.constant 0 : i32
            %dma_wait3A_335 = arith.constant 0 : i32
            %dma_wait3A_336 = tpu.memref_slice %run_scoped3A[%rem3A_236, %dma_wait3A_334, %dma_wait3A_335] : memref<2x1x256xi32, #tpu.memory_space<vmem>> -> memref<1x1x256xi32, #tpu.memory_space<vmem>>
            %dma_wait3A_337 = tpu.memref_squeeze %dma_wait3A_336 : memref<1x1x256xi32, #tpu.memory_space<vmem>> -> memref<1x256xi32, #tpu.memory_space<vmem>>
            %dma_wait3A_338 = arith.constant 0 : i32
            %dma_wait3A_339 = tpu.memref_slice %dma_wait3A_337[%run_scoped3A_239, %dma_wait3A_338] : memref<1x256xi32, #tpu.memory_space<vmem>> -> memref<1x256xi32, #tpu.memory_space<vmem>>
            %dma_wait3A_340 = tpu.memref_squeeze %dma_wait3A_339 : memref<1x256xi32, #tpu.memory_space<vmem>> -> memref<256xi32, #tpu.memory_space<vmem>>
            %dma_wait3A_341 = arith.constant 0 : i32
            %dma_wait3A_342 = arith.constant 0 : i32
            %dma_wait3A_343 = tpu.memref_slice %arg2[%dma_wait3A_341, %dma_wait3A_342] : memref<100001x128xf32, #tpu.memory_space<hbm>> -> memref<100001x128xf32, #tpu.memory_space<hbm>>
            tpu.wait_indirect_dma semaphore(%run_scoped3A_316 : memref<!tpu.dma_semaphore, #tpu.memory_space<semaphore_mem>>) src(%dma_wait3A_343 : memref<100001x128xf32, #tpu.memory_space<hbm>>) dst(%dma_wait3A_333 : memref<256x128xf32, #tpu.memory_space<vmem>>)
            tpu.yield
          }) : () -> ()
          "tpu.trace_stop"() : () -> ()
          %add3A_240 = arith.constant 200 : i32
          %add3A_241 = arith.addi %add3A_240, %add3A_157 : i32
          %add3A_242 = arith.constant 200 : i32
          %add3A_243 = arith.addi %add3A_242, %add3A_175 : i32
          %ne3A_244 = arith.cmpi ne, %add3A_241, %add3A_243 : i32
          %or3A_245 = arith.constant false
          %or3A_246 = arith.ori %or3A_245, %ne3A_244 : i1
          %or3A_247 = arith.ori %or3A_246, %eq3A_156 : i1
          %convert_element_type3A_248 = arith.extui %or3A_247 : i1 to i32
          %cond3A_249 = arith.constant 0 : i32
          %cond3A_250 = arith.cmpi ne, %convert_element_type3A_248, %cond3A_249 : i32
          scf.if %cond3A_250 {
          } else {
          }
          %and3A_251 = arith.constant false
          %and3A_252 = arith.andi %or3A_247, %and3A_251 : i1
          %ne3A_253 = arith.cmpi ne, %add3A_157, %add3A_175 : i32
          %or3A_254 = arith.constant false
          %or3A_255 = arith.ori %or3A_254, %ne3A_253 : i1
          %or3A_256 = arith.constant false
          %or3A_257 = arith.ori %or3A_255, %or3A_256 : i1
          %or3A_258 = arith.ori %or3A_257, %eq3A_156 : i1
          %convert_element_type3A_259 = arith.extui %or3A_258 : i1 to i32
          %cond3A_260 = arith.constant 0 : i32
          %cond3A_261 = arith.cmpi ne, %convert_element_type3A_259, %cond3A_260 : i32
          scf.if %cond3A_261 {
            "tpu.trace_start"() <{level = 10 : i32, message = "ep_copy_out"}> : () -> ()
            %rem3A_316 = arith.constant 2 : i32
            %rem3A_317 = arith.remui %while3A_147, %rem3A_316 : i32
            %mul3A_318 = arith.constant 256 : i32
            %mul3A_319 = arith.muli %mul3A_318, %add3A_157 : i32
            %dma_start3A_320 = arith.constant 0 : i32
            %dma_start3A_321 = arith.constant 0 : i32
            %dma_start3A_322 = tpu.memref_slice %run_scoped3A_18[%rem3A_317, %dma_start3A_320, %dma_start3A_321] : memref<2x256x128xf32, #tpu.memory_space<vmem>> -> memref<1x256x128xf32, #tpu.memory_space<vmem>>
            %dma_start3A_323 = tpu.memref_squeeze %dma_start3A_322 : memref<1x256x128xf32, #tpu.memory_space<vmem>> -> memref<256x128xf32, #tpu.memory_space<vmem>>
            %dma_start3A_324 = arith.constant 0 : i32
            %dma_start3A_325 = tpu.memref_slice %arg4[%mul3A_319, %dma_start3A_324] : memref<51200x128xf32, #tpu.memory_space<hbm>> -> memref<256x128xf32, #tpu.memory_space<hbm>>
            %dma_start3A_326 = tpu.memref_slice %run_scoped3A_19[%rem3A_317] : memref<2x!tpu.dma_semaphore, #tpu.memory_space<semaphore_mem>> -> memref<1x!tpu.dma_semaphore, #tpu.memory_space<semaphore_mem>>
            %dma_start3A_327 = tpu.memref_squeeze %dma_start3A_326 : memref<1x!tpu.dma_semaphore, #tpu.memory_space<semaphore_mem>> -> memref<!tpu.dma_semaphore, #tpu.memory_space<semaphore_mem>>
            %dma_start3A_328 = arith.constant 0 : i32
            %dma_start3A_329 = tpu.memref_slice %arg4[%mul3A_319, %dma_start3A_328] : memref<51200x128xf32, #tpu.memory_space<hbm>> -> memref<256x128xf32, #tpu.memory_space<hbm>>
            %dma_start3A_330 = arith.constant 0 : i32
            %dma_start3A_331 = arith.constant 0 : i32
            %dma_start3A_332 = tpu.memref_slice %run_scoped3A_18[%rem3A_317, %dma_start3A_330, %dma_start3A_331] : memref<2x256x128xf32, #tpu.memory_space<vmem>> -> memref<1x256x128xf32, #tpu.memory_space<vmem>>
            %dma_start3A_333 = tpu.memref_squeeze %dma_start3A_332 : memref<1x256x128xf32, #tpu.memory_space<vmem>> -> memref<256x128xf32, #tpu.memory_space<vmem>>
            tpu.enqueue_dma source(%dma_start3A_333 : memref<256x128xf32, #tpu.memory_space<vmem>>) target(%dma_start3A_329 : memref<256x128xf32, #tpu.memory_space<hbm>>) target_semaphore(%dma_start3A_327 : memref<!tpu.dma_semaphore, #tpu.memory_space<semaphore_mem>>)
            "tpu.trace_stop"() : () -> ()
          } else {
          }
          %and3A_262 = arith.constant true
          %and3A_263 = arith.andi %or3A_258, %and3A_262 : i1
          %add3A_264 = arith.constant 1 : i32
          %add3A_265 = arith.addi %while3A_147, %add3A_264 : i32
          %select_n3A_266 = arith.select %and3A_263, %add3A_265, %while3A_147 : i32
          %add3A_267 = arith.constant 200 : i32
          %add3A_268 = arith.addi %add3A_267, %add3A_157 : i32
          %add3A_269 = arith.constant 200 : i32
          %add3A_270 = arith.addi %add3A_269, %add3A_167 : i32
          %ne3A_271 = arith.cmpi ne, %add3A_268, %add3A_270 : i32
          %or3A_272 = arith.constant false
          %or3A_273 = arith.ori %or3A_272, %ne3A_271 : i1
          %not3A_274 = arith.constant true
          %not3A_275 = arith.xori %eq3A_153, %not3A_274 : i1
          %and3A_276 = arith.andi %or3A_273, %not3A_275 : i1
          %convert_element_type3A_277 = arith.extui %and3A_276 : i1 to i32
          %cond3A_278 = arith.constant 0 : i32
          %cond3A_279 = arith.cmpi ne, %convert_element_type3A_277, %cond3A_278 : i32
          scf.if %cond3A_279 {
          } else {
          }
          %and3A_280 = arith.constant false
          %and3A_281 = arith.andi %and3A_276, %and3A_280 : i1
          %ne3A_282 = arith.cmpi ne, %add3A_157, %add3A_167 : i32
          %or3A_283 = arith.constant false
          %or3A_284 = arith.ori %or3A_283, %ne3A_282 : i1
          %or3A_285 = arith.constant false
          %or3A_286 = arith.ori %or3A_284, %or3A_285 : i1
          %not3A_287 = arith.constant true
          %not3A_288 = arith.xori %eq3A_153, %not3A_287 : i1
          %and3A_289 = arith.andi %or3A_286, %not3A_288 : i1
          %convert_element_type3A_290 = arith.extui %and3A_289 : i1 to i32
          %cond3A_291 = arith.constant 0 : i32
          %cond3A_292 = arith.cmpi ne, %convert_element_type3A_290, %cond3A_291 : i32
          scf.if %cond3A_292 {
            "tpu.trace_start"() <{level = 10 : i32, message = "ep_wait_out"}> : () -> ()
            %rem3A_316 = arith.constant 2 : i32
            %rem3A_317 = arith.remui %while3A_148, %rem3A_316 : i32
            %mul3A_318 = arith.constant 256 : i32
            %mul3A_319 = arith.muli %mul3A_318, %add3A_167 : i32
            %dma_wait3A = arith.constant 0 : i32
            %dma_wait3A_320 = arith.constant 0 : i32
            %dma_wait3A_321 = tpu.memref_slice %run_scoped3A_18[%rem3A_317, %dma_wait3A, %dma_wait3A_320] : memref<2x256x128xf32, #tpu.memory_space<vmem>> -> memref<1x256x128xf32, #tpu.memory_space<vmem>>
            %dma_wait3A_322 = tpu.memref_squeeze %dma_wait3A_321 : memref<1x256x128xf32, #tpu.memory_space<vmem>> -> memref<256x128xf32, #tpu.memory_space<vmem>>
            %dma_wait3A_323 = arith.constant 0 : i32
            %dma_wait3A_324 = tpu.memref_slice %arg4[%mul3A_319, %dma_wait3A_323] : memref<51200x128xf32, #tpu.memory_space<hbm>> -> memref<256x128xf32, #tpu.memory_space<hbm>>
            %dma_wait3A_325 = tpu.memref_slice %run_scoped3A_19[%rem3A_317] : memref<2x!tpu.dma_semaphore, #tpu.memory_space<semaphore_mem>> -> memref<1x!tpu.dma_semaphore, #tpu.memory_space<semaphore_mem>>
            %dma_wait3A_326 = tpu.memref_squeeze %dma_wait3A_325 : memref<1x!tpu.dma_semaphore, #tpu.memory_space<semaphore_mem>> -> memref<!tpu.dma_semaphore, #tpu.memory_space<semaphore_mem>>
            %dma_wait3A_327 = arith.constant 0 : i32
            %dma_wait3A_328 = tpu.memref_slice %arg4[%mul3A_319, %dma_wait3A_327] : memref<51200x128xf32, #tpu.memory_space<hbm>> -> memref<256x128xf32, #tpu.memory_space<hbm>>
            %dma_wait3A_329 = arith.constant 0 : i32
            %dma_wait3A_330 = arith.constant 0 : i32
            %dma_wait3A_331 = tpu.memref_slice %run_scoped3A_18[%rem3A_317, %dma_wait3A_329, %dma_wait3A_330] : memref<2x256x128xf32, #tpu.memory_space<vmem>> -> memref<1x256x128xf32, #tpu.memory_space<vmem>>
            %dma_wait3A_332 = tpu.memref_squeeze %dma_wait3A_331 : memref<1x256x128xf32, #tpu.memory_space<vmem>> -> memref<256x128xf32, #tpu.memory_space<vmem>>
            tpu.wait_dma2 semaphore(%dma_wait3A_326 : memref<!tpu.dma_semaphore, #tpu.memory_space<semaphore_mem>>) src(%dma_wait3A_332 : memref<256x128xf32, #tpu.memory_space<vmem>>) dst(%dma_wait3A_328 : memref<256x128xf32, #tpu.memory_space<hbm>>)
            "tpu.trace_stop"() : () -> ()
          } else {
          }
          %and3A_293 = arith.constant true
          %and3A_294 = arith.andi %and3A_289, %and3A_293 : i1
          %add3A_295 = arith.constant 1 : i32
          %add3A_296 = arith.addi %while3A_148, %add3A_295 : i32
          %select_n3A_297 = arith.select %and3A_294, %add3A_296, %while3A_148 : i32
          %add3A_298 = arith.constant 200 : i32
          %add3A_299 = arith.addi %add3A_298, %add3A_157 : i32
          %add3A_300 = arith.constant 200 : i32
          %add3A_301 = arith.addi %add3A_300, %add3A_175 : i32
          %ne3A_302 = arith.cmpi ne, %add3A_299, %add3A_301 : i32
          %or3A_303 = arith.constant false
          %or3A_304 = arith.ori %or3A_303, %ne3A_302 : i1
          %or3A_305 = arith.ori %or3A_304, %eq3A_156 : i1
          %add3A_306 = arith.constant 1 : i32
          %add3A_307 = arith.addi %while3A_146, %add3A_306 : i32
          %select_n3A_308 = arith.select %or3A_305, %add3A_307, %while3A_146 : i32
          %add3A_309 = arith.constant 1 : i32
          %add3A_310 = arith.addi %while3A_149, %add3A_309 : i32
          %select_n3A_311 = arith.constant true
          %select_n3A_312 = arith.select %select_n3A_311, %add3A_310, %while3A_149 : i32
          %eq3A_313 = arith.cmpi eq, %select_n3A_312, %select_n3A : i32
          %select_n3A_314 = arith.constant 0 : i32
          %select_n3A_315 = arith.select %eq3A_313, %select_n3A_314, %select_n3A_312 : i32
          scf.yield %select_n3A_201, %select_n3A_308, %select_n3A_266, %select_n3A_297, %select_n3A_315 : i32, i32, i32, i32, i32
        }
        %while3A_91 = arith.constant 1 : i32
        %while3A_92:5 = scf.for %while3A_144 = %while3A_88 to %while3A_84 step %while3A_91 iter_args(%while3A_145 = %while3A_90#0, %while3A_146 = %while3A_90#1, %while3A_147 = %while3A_90#2, %while3A_148 = %while3A_90#3, %while3A_149 = %while3A_90#4) -> (i32, i32, i32, i32, i32)  : i32 {
          %mul3A_150 = arith.constant 1 : i32
          %mul3A_151 = arith.muli %mul3A_150, %select_n3A : i32
          %eq3A_152 = arith.constant 0 : i32
          %eq3A_153 = arith.cmpi eq, %while3A_144, %eq3A_152 : i32
          %sub3A_154 = arith.constant 1 : i32
          %sub3A_155 = arith.subi %mul3A_151, %sub3A_154 : i32
          %eq3A_156 = arith.cmpi eq, %while3A_144, %sub3A_155 : i32
          %add3A_157 = arith.addi %while3A_149, %select_n3A_14 : i32
          %sub3A_158 = arith.constant 1 : i32
          %sub3A_159 = arith.subi %while3A_149, %sub3A_158 : i32
          %select_n3A_160 = arith.constant true
          %select_n3A_161 = arith.select %select_n3A_160, %sub3A_159, %while3A_149 : i32
          %eq3A_162 = arith.constant -1 : i32
          %eq3A_163 = arith.cmpi eq, %select_n3A_161, %eq3A_162 : i32
          %sub3A_164 = arith.constant 1 : i32
          %sub3A_165 = arith.subi %select_n3A, %sub3A_164 : i32
          %select_n3A_166 = arith.select %eq3A_163, %sub3A_165, %select_n3A_161 : i32
          %add3A_167 = arith.addi %select_n3A_166, %select_n3A_14 : i32
          %add3A_168 = arith.constant 1 : i32
          %add3A_169 = arith.addi %while3A_149, %add3A_168 : i32
          %select_n3A_170 = arith.constant true
          %select_n3A_171 = arith.select %select_n3A_170, %add3A_169, %while3A_149 : i32
          %eq3A_172 = arith.cmpi eq, %select_n3A_171, %select_n3A : i32
          %select_n3A_173 = arith.constant 0 : i32
          %select_n3A_174 = arith.select %eq3A_172, %select_n3A_173, %select_n3A_171 : i32
          %add3A_175 = arith.addi %select_n3A_174, %select_n3A_14 : i32
          %add3A_176 = arith.constant 1 : i32
          %add3A_177 = arith.addi %select_n3A_174, %add3A_176 : i32
          %select_n3A_178 = arith.constant true
          %select_n3A_179 = arith.select %select_n3A_178, %add3A_177, %select_n3A_174 : i32
          %eq3A_180 = arith.cmpi eq, %select_n3A_179, %select_n3A : i32
          %select_n3A_181 = arith.constant 0 : i32
          %select_n3A_182 = arith.select %eq3A_180, %select_n3A_181, %select_n3A_179 : i32
          %add3A_183 = arith.addi %select_n3A_182, %select_n3A_14 : i32
          %add3A_184 = arith.constant 200 : i32
          %add3A_185 = arith.addi %add3A_184, %add3A_157 : i32
          %add3A_186 = arith.constant 200 : i32
          %add3A_187 = arith.addi %add3A_186, %add3A_175 : i32
          %ne3A = arith.cmpi ne, %add3A_185, %add3A_187 : i32
          %or3A = arith.constant false
          %or3A_188 = arith.ori %or3A, %ne3A : i1
          %sub3A_189 = arith.constant 2 : i32
          %sub3A_190 = arith.subi %mul3A_151, %sub3A_189 : i32
          %add3A_191 = arith.constant 1 : i32
          %add3A_192 = arith.addi %sub3A_190, %add3A_191 : i32
          %ge3A = arith.cmpi sge, %while3A_144, %add3A_192 : i32
          %not3A = arith.constant true
          %not3A_193 = arith.xori %ge3A, %not3A : i1
          %and3A = arith.andi %or3A_188, %not3A_193 : i1
          %convert_element_type3A_194 = arith.extui %and3A : i1 to i32
          %cond3A_195 = arith.constant 0 : i32
          %cond3A_196 = arith.cmpi ne, %convert_element_type3A_194, %cond3A_195 : i32
          scf.if %cond3A_196 {
            "tpu.trace_start"() <{level = 10 : i32, message = "ep_copy_in"}> : () -> ()
            %rem3A_316 = arith.constant 2 : i32
            %rem3A_317 = arith.remui %while3A_145, %rem3A_316 : i32
            %add3A_318 = arith.constant 200 : i32
            %add3A_319 = arith.addi %add3A_318, %add3A_175 : i32
            %mul3A_320 = arith.constant 256 : i32
            %mul3A_321 = arith.muli %mul3A_320, %add3A_319 : i32
            %dma_start3A_322 = arith.constant 0 : i32
            %dma_start3A_323 = arith.constant 0 : i32
            %dma_start3A_324 = tpu.memref_slice %run_scoped3A[%rem3A_317, %dma_start3A_322, %dma_start3A_323] : memref<2x1x256xi32, #tpu.memory_space<vmem>> -> memref<1x1x256xi32, #tpu.memory_space<vmem>>
            %dma_start3A_325 = tpu.memref_squeeze %dma_start3A_324 : memref<1x1x256xi32, #tpu.memory_space<vmem>> -> memref<1x256xi32, #tpu.memory_space<vmem>>
            %dma_start3A_326 = arith.constant 0 : i32
            %dma_start3A_327 = tpu.memref_slice %arg3[%dma_start3A_326, %mul3A_321] : memref<1x204800xi32, #tpu.memory_space<hbm>> -> memref<1x256xi32, #tpu.memory_space<hbm>>
            %dma_start3A_328 = tpu.memref_slice %run_scoped3A_17[%rem3A_317] : memref<2x!tpu.dma_semaphore, #tpu.memory_space<semaphore_mem>> -> memref<1x!tpu.dma_semaphore, #tpu.memory_space<semaphore_mem>>
            %dma_start3A_329 = tpu.memref_squeeze %dma_start3A_328 : memref<1x!tpu.dma_semaphore, #tpu.memory_space<semaphore_mem>> -> memref<!tpu.dma_semaphore, #tpu.memory_space<semaphore_mem>>
            %dma_start3A_330 = arith.constant 0 : i32
            %dma_start3A_331 = arith.constant 0 : i32
            %dma_start3A_332 = tpu.memref_slice %run_scoped3A[%rem3A_317, %dma_start3A_330, %dma_start3A_331] : memref<2x1x256xi32, #tpu.memory_space<vmem>> -> memref<1x1x256xi32, #tpu.memory_space<vmem>>
            %dma_start3A_333 = tpu.memref_squeeze %dma_start3A_332 : memref<1x1x256xi32, #tpu.memory_space<vmem>> -> memref<1x256xi32, #tpu.memory_space<vmem>>
            %dma_start3A_334 = arith.constant 0 : i32
            %dma_start3A_335 = tpu.memref_slice %arg3[%dma_start3A_334, %mul3A_321] : memref<1x204800xi32, #tpu.memory_space<hbm>> -> memref<1x256xi32, #tpu.memory_space<hbm>>
            tpu.enqueue_dma source(%dma_start3A_335 : memref<1x256xi32, #tpu.memory_space<hbm>>) target(%dma_start3A_333 : memref<1x256xi32, #tpu.memory_space<vmem>>) target_semaphore(%dma_start3A_329 : memref<!tpu.dma_semaphore, #tpu.memory_space<semaphore_mem>>)
            "tpu.trace_stop"() : () -> ()
          } else {
          }
          %and3A_197 = arith.constant true
          %and3A_198 = arith.andi %and3A, %and3A_197 : i1
          %add3A_199 = arith.constant 1 : i32
          %add3A_200 = arith.addi %while3A_145, %add3A_199 : i32
          %select_n3A_201 = arith.select %and3A_198, %add3A_200, %while3A_145 : i32
          %ne3A_202 = arith.cmpi ne, %add3A_157, %add3A_175 : i32
          %or3A_203 = arith.constant false
          %or3A_204 = arith.ori %or3A_203, %ne3A_202 : i1
          %or3A_205 = arith.constant false
          %or3A_206 = arith.ori %or3A_204, %or3A_205 : i1
          %sub3A_207 = arith.constant 2 : i32
          %sub3A_208 = arith.subi %mul3A_151, %sub3A_207 : i32
          %add3A_209 = arith.constant 1 : i32
          %add3A_210 = arith.addi %sub3A_208, %add3A_209 : i32
          %ge3A_211 = arith.cmpi sge, %while3A_144, %add3A_210 : i32
          %not3A_212 = arith.constant true
          %not3A_213 = arith.xori %ge3A_211, %not3A_212 : i1
          %and3A_214 = arith.andi %or3A_206, %not3A_213 : i1
          %add3A_215 = arith.constant 200 : i32
          %add3A_216 = arith.addi %add3A_215, %add3A_157 : i32
          %add3A_217 = arith.constant 200 : i32
          %add3A_218 = arith.addi %add3A_217, %add3A_167 : i32
          %ne3A_219 = arith.cmpi ne, %add3A_216, %add3A_218 : i32
          %or3A_220 = arith.constant false
          %or3A_221 = arith.ori %or3A_220, %ne3A_219 : i1
          %or3A_222 = arith.ori %or3A_221, %eq3A_153 : i1
          %convert_element_type3A_223 = arith.extui %or3A_222 : i1 to i32
          %cond3A_224 = arith.constant 0 : i32
          %cond3A_225 = arith.cmpi ne, %convert_element_type3A_223, %cond3A_224 : i32
          scf.if %cond3A_225 {
            "tpu.trace_start"() <{level = 10 : i32, message = "ep_wait_in"}> : () -> ()
            %add3A_316 = arith.constant 200 : i32
            %add3A_317 = arith.addi %add3A_316, %add3A_157 : i32
            %mul3A_318 = arith.constant 256 : i32
            %mul3A_319 = arith.muli %mul3A_318, %add3A_317 : i32
            %rem3A_320 = arith.constant 2 : i32
            %rem3A_321 = arith.remui %while3A_146, %rem3A_320 : i32
            %dma_wait3A = arith.constant 0 : i32
            %dma_wait3A_322 = arith.constant 0 : i32
            %dma_wait3A_323 = tpu.memref_slice %run_scoped3A[%rem3A_321, %dma_wait3A, %dma_wait3A_322] : memref<2x1x256xi32, #tpu.memory_space<vmem>> -> memref<1x1x256xi32, #tpu.memory_space<vmem>>
            %dma_wait3A_324 = tpu.memref_squeeze %dma_wait3A_323 : memref<1x1x256xi32, #tpu.memory_space<vmem>> -> memref<1x256xi32, #tpu.memory_space<vmem>>
            %dma_wait3A_325 = arith.constant 0 : i32
            %dma_wait3A_326 = tpu.memref_slice %arg3[%dma_wait3A_325, %mul3A_319] : memref<1x204800xi32, #tpu.memory_space<hbm>> -> memref<1x256xi32, #tpu.memory_space<hbm>>
            %dma_wait3A_327 = tpu.memref_slice %run_scoped3A_17[%rem3A_321] : memref<2x!tpu.dma_semaphore, #tpu.memory_space<semaphore_mem>> -> memref<1x!tpu.dma_semaphore, #tpu.memory_space<semaphore_mem>>
            %dma_wait3A_328 = tpu.memref_squeeze %dma_wait3A_327 : memref<1x!tpu.dma_semaphore, #tpu.memory_space<semaphore_mem>> -> memref<!tpu.dma_semaphore, #tpu.memory_space<semaphore_mem>>
            %dma_wait3A_329 = arith.constant 0 : i32
            %dma_wait3A_330 = arith.constant 0 : i32
            %dma_wait3A_331 = tpu.memref_slice %run_scoped3A[%rem3A_321, %dma_wait3A_329, %dma_wait3A_330] : memref<2x1x256xi32, #tpu.memory_space<vmem>> -> memref<1x1x256xi32, #tpu.memory_space<vmem>>
            %dma_wait3A_332 = tpu.memref_squeeze %dma_wait3A_331 : memref<1x1x256xi32, #tpu.memory_space<vmem>> -> memref<1x256xi32, #tpu.memory_space<vmem>>
            %dma_wait3A_333 = arith.constant 0 : i32
            %dma_wait3A_334 = tpu.memref_slice %arg3[%dma_wait3A_333, %mul3A_319] : memref<1x204800xi32, #tpu.memory_space<hbm>> -> memref<1x256xi32, #tpu.memory_space<hbm>>
            tpu.wait_dma2 semaphore(%dma_wait3A_328 : memref<!tpu.dma_semaphore, #tpu.memory_space<semaphore_mem>>) src(%dma_wait3A_334 : memref<1x256xi32, #tpu.memory_space<hbm>>) dst(%dma_wait3A_332 : memref<1x256xi32, #tpu.memory_space<vmem>>)
            "tpu.trace_stop"() : () -> ()
          } else {
          }
          %ne3A_226 = arith.cmpi ne, %add3A_157, %add3A_167 : i32
          %or3A_227 = arith.constant false
          %or3A_228 = arith.ori %or3A_227, %ne3A_226 : i1
          %or3A_229 = arith.constant false
          %or3A_230 = arith.ori %or3A_228, %or3A_229 : i1
          %or3A_231 = arith.ori %or3A_230, %eq3A_153 : i1
          %convert_element_type3A_232 = arith.extui %or3A_231 : i1 to i32
          %cond3A_233 = arith.constant 0 : i32
          %cond3A_234 = arith.cmpi ne, %convert_element_type3A_232, %cond3A_233 : i32
          scf.if %cond3A_234 {
          } else {
          }
          %rem3A_235 = arith.constant 2 : i32
          %rem3A_236 = arith.remui %while3A_146, %rem3A_235 : i32
          %rem3A_237 = arith.constant 2 : i32
          %rem3A_238 = arith.remui %while3A_147, %rem3A_237 : i32
          %run_scoped3A_239 = arith.constant 0 : i32
          "tpu.trace_start"() <{level = 10 : i32, message = "ep_run_kernel"}> : () -> ()
          "tpu.region"() ({
            %run_scoped3A_316 = tpu.sem_alloc : memref<!tpu.dma_semaphore, #tpu.memory_space<semaphore_mem>>
            %dma_start3A_317 = arith.constant 0 : i32
            %dma_start3A_318 = arith.constant 0 : i32
            %dma_start3A_319 = tpu.memref_slice %run_scoped3A_18[%rem3A_238, %dma_start3A_317, %dma_start3A_318] : memref<2x256x128xf32, #tpu.memory_space<vmem>> -> memref<1x256x128xf32, #tpu.memory_space<vmem>>
            %dma_start3A_320 = tpu.memref_squeeze %dma_start3A_319 : memref<1x256x128xf32, #tpu.memory_space<vmem>> -> memref<256x128xf32, #tpu.memory_space<vmem>>
            %dma_start3A_321 = arith.constant 0 : i32
            %dma_start3A_322 = arith.constant 0 : i32
            %dma_start3A_323 = tpu.memref_slice %run_scoped3A[%rem3A_236, %dma_start3A_321, %dma_start3A_322] : memref<2x1x256xi32, #tpu.memory_space<vmem>> -> memref<1x1x256xi32, #tpu.memory_space<vmem>>
            %dma_start3A_324 = tpu.memref_squeeze %dma_start3A_323 : memref<1x1x256xi32, #tpu.memory_space<vmem>> -> memref<1x256xi32, #tpu.memory_space<vmem>>
            %dma_start3A_325 = arith.constant 0 : i32
            %dma_start3A_326 = tpu.memref_slice %dma_start3A_324[%run_scoped3A_239, %dma_start3A_325] : memref<1x256xi32, #tpu.memory_space<vmem>> -> memref<1x256xi32, #tpu.memory_space<vmem>>
            %dma_start3A_327 = tpu.memref_squeeze %dma_start3A_326 : memref<1x256xi32, #tpu.memory_space<vmem>> -> memref<256xi32, #tpu.memory_space<vmem>>
            %dma_start3A_328 = arith.constant 0 : i32
            %dma_start3A_329 = arith.constant 0 : i32
            %dma_start3A_330 = tpu.memref_slice %arg2[%dma_start3A_328, %dma_start3A_329] : memref<100001x128xf32, #tpu.memory_space<hbm>> -> memref<100001x128xf32, #tpu.memory_space<hbm>>
            tpu.enqueue_indirect_dma source(%dma_start3A_330 : memref<100001x128xf32, #tpu.memory_space<hbm>>) target(%dma_start3A_320 : memref<256x128xf32, #tpu.memory_space<vmem>>) offsets(%dma_start3A_327 : memref<256xi32, #tpu.memory_space<vmem>>) semaphore(%run_scoped3A_316 : memref<!tpu.dma_semaphore, #tpu.memory_space<semaphore_mem>>)
            %dma_wait3A = arith.constant 0 : i32
            %dma_wait3A_331 = arith.constant 0 : i32
            %dma_wait3A_332 = tpu.memref_slice %run_scoped3A_18[%rem3A_238, %dma_wait3A, %dma_wait3A_331] : memref<2x256x128xf32, #tpu.memory_space<vmem>> -> memref<1x256x128xf32, #tpu.memory_space<vmem>>
            %dma_wait3A_333 = tpu.memref_squeeze %dma_wait3A_332 : memref<1x256x128xf32, #tpu.memory_space<vmem>> -> memref<256x128xf32, #tpu.memory_space<vmem>>
            %dma_wait3A_334 = arith.constant 0 : i32
            %dma_wait3A_335 = arith.constant 0 : i32
            %dma_wait3A_336 = tpu.memref_slice %run_scoped3A[%rem3A_236, %dma_wait3A_334, %dma_wait3A_335] : memref<2x1x256xi32, #tpu.memory_space<vmem>> -> memref<1x1x256xi32, #tpu.memory_space<vmem>>
            %dma_wait3A_337 = tpu.memref_squeeze %dma_wait3A_336 : memref<1x1x256xi32, #tpu.memory_space<vmem>> -> memref<1x256xi32, #tpu.memory_space<vmem>>
            %dma_wait3A_338 = arith.constant 0 : i32
            %dma_wait3A_339 = tpu.memref_slice %dma_wait3A_337[%run_scoped3A_239, %dma_wait3A_338] : memref<1x256xi32, #tpu.memory_space<vmem>> -> memref<1x256xi32, #tpu.memory_space<vmem>>
            %dma_wait3A_340 = tpu.memref_squeeze %dma_wait3A_339 : memref<1x256xi32, #tpu.memory_space<vmem>> -> memref<256xi32, #tpu.memory_space<vmem>>
            %dma_wait3A_341 = arith.constant 0 : i32
            %dma_wait3A_342 = arith.constant 0 : i32
            %dma_wait3A_343 = tpu.memref_slice %arg2[%dma_wait3A_341, %dma_wait3A_342] : memref<100001x128xf32, #tpu.memory_space<hbm>> -> memref<100001x128xf32, #tpu.memory_space<hbm>>
            tpu.wait_indirect_dma semaphore(%run_scoped3A_316 : memref<!tpu.dma_semaphore, #tpu.memory_space<semaphore_mem>>) src(%dma_wait3A_343 : memref<100001x128xf32, #tpu.memory_space<hbm>>) dst(%dma_wait3A_333 : memref<256x128xf32, #tpu.memory_space<vmem>>)
            tpu.yield
          }) : () -> ()
          "tpu.trace_stop"() : () -> ()
          %add3A_240 = arith.constant 200 : i32
          %add3A_241 = arith.addi %add3A_240, %add3A_157 : i32
          %add3A_242 = arith.constant 200 : i32
          %add3A_243 = arith.addi %add3A_242, %add3A_175 : i32
          %ne3A_244 = arith.cmpi ne, %add3A_241, %add3A_243 : i32
          %or3A_245 = arith.constant false
          %or3A_246 = arith.ori %or3A_245, %ne3A_244 : i1
          %or3A_247 = arith.ori %or3A_246, %eq3A_156 : i1
          %convert_element_type3A_248 = arith.extui %or3A_247 : i1 to i32
          %cond3A_249 = arith.constant 0 : i32
          %cond3A_250 = arith.cmpi ne, %convert_element_type3A_248, %cond3A_249 : i32
          scf.if %cond3A_250 {
          } else {
          }
          %and3A_251 = arith.constant false
          %and3A_252 = arith.andi %or3A_247, %and3A_251 : i1
          %ne3A_253 = arith.cmpi ne, %add3A_157, %add3A_175 : i32
          %or3A_254 = arith.constant false
          %or3A_255 = arith.ori %or3A_254, %ne3A_253 : i1
          %or3A_256 = arith.constant false
          %or3A_257 = arith.ori %or3A_255, %or3A_256 : i1
          %or3A_258 = arith.ori %or3A_257, %eq3A_156 : i1
          %convert_element_type3A_259 = arith.extui %or3A_258 : i1 to i32
          %cond3A_260 = arith.constant 0 : i32
          %cond3A_261 = arith.cmpi ne, %convert_element_type3A_259, %cond3A_260 : i32
          scf.if %cond3A_261 {
            "tpu.trace_start"() <{level = 10 : i32, message = "ep_copy_out"}> : () -> ()
            %rem3A_316 = arith.constant 2 : i32
            %rem3A_317 = arith.remui %while3A_147, %rem3A_316 : i32
            %mul3A_318 = arith.constant 256 : i32
            %mul3A_319 = arith.muli %mul3A_318, %add3A_157 : i32
            %dma_start3A_320 = arith.constant 0 : i32
            %dma_start3A_321 = arith.constant 0 : i32
            %dma_start3A_322 = tpu.memref_slice %run_scoped3A_18[%rem3A_317, %dma_start3A_320, %dma_start3A_321] : memref<2x256x128xf32, #tpu.memory_space<vmem>> -> memref<1x256x128xf32, #tpu.memory_space<vmem>>
            %dma_start3A_323 = tpu.memref_squeeze %dma_start3A_322 : memref<1x256x128xf32, #tpu.memory_space<vmem>> -> memref<256x128xf32, #tpu.memory_space<vmem>>
            %dma_start3A_324 = arith.constant 0 : i32
            %dma_start3A_325 = tpu.memref_slice %arg4[%mul3A_319, %dma_start3A_324] : memref<51200x128xf32, #tpu.memory_space<hbm>> -> memref<256x128xf32, #tpu.memory_space<hbm>>
            %dma_start3A_326 = tpu.memref_slice %run_scoped3A_19[%rem3A_317] : memref<2x!tpu.dma_semaphore, #tpu.memory_space<semaphore_mem>> -> memref<1x!tpu.dma_semaphore, #tpu.memory_space<semaphore_mem>>
            %dma_start3A_327 = tpu.memref_squeeze %dma_start3A_326 : memref<1x!tpu.dma_semaphore, #tpu.memory_space<semaphore_mem>> -> memref<!tpu.dma_semaphore, #tpu.memory_space<semaphore_mem>>
            %dma_start3A_328 = arith.constant 0 : i32
            %dma_start3A_329 = tpu.memref_slice %arg4[%mul3A_319, %dma_start3A_328] : memref<51200x128xf32, #tpu.memory_space<hbm>> -> memref<256x128xf32, #tpu.memory_space<hbm>>
            %dma_start3A_330 = arith.constant 0 : i32
            %dma_start3A_331 = arith.constant 0 : i32
            %dma_start3A_332 = tpu.memref_slice %run_scoped3A_18[%rem3A_317, %dma_start3A_330, %dma_start3A_331] : memref<2x256x128xf32, #tpu.memory_space<vmem>> -> memref<1x256x128xf32, #tpu.memory_space<vmem>>
            %dma_start3A_333 = tpu.memref_squeeze %dma_start3A_332 : memref<1x256x128xf32, #tpu.memory_space<vmem>> -> memref<256x128xf32, #tpu.memory_space<vmem>>
            tpu.enqueue_dma source(%dma_start3A_333 : memref<256x128xf32, #tpu.memory_space<vmem>>) target(%dma_start3A_329 : memref<256x128xf32, #tpu.memory_space<hbm>>) target_semaphore(%dma_start3A_327 : memref<!tpu.dma_semaphore, #tpu.memory_space<semaphore_mem>>)
            "tpu.trace_stop"() : () -> ()
          } else {
          }
          %and3A_262 = arith.constant true
          %and3A_263 = arith.andi %or3A_258, %and3A_262 : i1
          %add3A_264 = arith.constant 1 : i32
          %add3A_265 = arith.addi %while3A_147, %add3A_264 : i32
          %select_n3A_266 = arith.select %and3A_263, %add3A_265, %while3A_147 : i32
          %add3A_267 = arith.constant 200 : i32
          %add3A_268 = arith.addi %add3A_267, %add3A_157 : i32
          %add3A_269 = arith.constant 200 : i32
          %add3A_270 = arith.addi %add3A_269, %add3A_167 : i32
          %ne3A_271 = arith.cmpi ne, %add3A_268, %add3A_270 : i32
          %or3A_272 = arith.constant false
          %or3A_273 = arith.ori %or3A_272, %ne3A_271 : i1
          %not3A_274 = arith.constant true
          %not3A_275 = arith.xori %eq3A_153, %not3A_274 : i1
          %and3A_276 = arith.andi %or3A_273, %not3A_275 : i1
          %convert_element_type3A_277 = arith.extui %and3A_276 : i1 to i32
          %cond3A_278 = arith.constant 0 : i32
          %cond3A_279 = arith.cmpi ne, %convert_element_type3A_277, %cond3A_278 : i32
          scf.if %cond3A_279 {
          } else {
          }
          %and3A_280 = arith.constant false
          %and3A_281 = arith.andi %and3A_276, %and3A_280 : i1
          %ne3A_282 = arith.cmpi ne, %add3A_157, %add3A_167 : i32
          %or3A_283 = arith.constant false
          %or3A_284 = arith.ori %or3A_283, %ne3A_282 : i1
          %or3A_285 = arith.constant false
          %or3A_286 = arith.ori %or3A_284, %or3A_285 : i1
          %not3A_287 = arith.constant true
          %not3A_288 = arith.xori %eq3A_153, %not3A_287 : i1
          %and3A_289 = arith.andi %or3A_286, %not3A_288 : i1
          %convert_element_type3A_290 = arith.extui %and3A_289 : i1 to i32
          %cond3A_291 = arith.constant 0 : i32
          %cond3A_292 = arith.cmpi ne, %convert_element_type3A_290, %cond3A_291 : i32
          scf.if %cond3A_292 {
            "tpu.trace_start"() <{level = 10 : i32, message = "ep_wait_out"}> : () -> ()
            %rem3A_316 = arith.constant 2 : i32
            %rem3A_317 = arith.remui %while3A_148, %rem3A_316 : i32
            %mul3A_318 = arith.constant 256 : i32
            %mul3A_319 = arith.muli %mul3A_318, %add3A_167 : i32
            %dma_wait3A = arith.constant 0 : i32
            %dma_wait3A_320 = arith.constant 0 : i32
            %dma_wait3A_321 = tpu.memref_slice %run_scoped3A_18[%rem3A_317, %dma_wait3A, %dma_wait3A_320] : memref<2x256x128xf32, #tpu.memory_space<vmem>> -> memref<1x256x128xf32, #tpu.memory_space<vmem>>
            %dma_wait3A_322 = tpu.memref_squeeze %dma_wait3A_321 : memref<1x256x128xf32, #tpu.memory_space<vmem>> -> memref<256x128xf32, #tpu.memory_space<vmem>>
            %dma_wait3A_323 = arith.constant 0 : i32
            %dma_wait3A_324 = tpu.memref_slice %arg4[%mul3A_319, %dma_wait3A_323] : memref<51200x128xf32, #tpu.memory_space<hbm>> -> memref<256x128xf32, #tpu.memory_space<hbm>>
            %dma_wait3A_325 = tpu.memref_slice %run_scoped3A_19[%rem3A_317] : memref<2x!tpu.dma_semaphore, #tpu.memory_space<semaphore_mem>> -> memref<1x!tpu.dma_semaphore, #tpu.memory_space<semaphore_mem>>
            %dma_wait3A_326 = tpu.memref_squeeze %dma_wait3A_325 : memref<1x!tpu.dma_semaphore, #tpu.memory_space<semaphore_mem>> -> memref<!tpu.dma_semaphore, #tpu.memory_space<semaphore_mem>>
            %dma_wait3A_327 = arith.constant 0 : i32
            %dma_wait3A_328 = tpu.memref_slice %arg4[%mul3A_319, %dma_wait3A_327] : memref<51200x128xf32, #tpu.memory_space<hbm>> -> memref<256x128xf32, #tpu.memory_space<hbm>>
            %dma_wait3A_329 = arith.constant 0 : i32
            %dma_wait3A_330 = arith.constant 0 : i32
            %dma_wait3A_331 = tpu.memref_slice %run_scoped3A_18[%rem3A_317, %dma_wait3A_329, %dma_wait3A_330] : memref<2x256x128xf32, #tpu.memory_space<vmem>> -> memref<1x256x128xf32, #tpu.memory_space<vmem>>
            %dma_wait3A_332 = tpu.memref_squeeze %dma_wait3A_331 : memref<1x256x128xf32, #tpu.memory_space<vmem>> -> memref<256x128xf32, #tpu.memory_space<vmem>>
            tpu.wait_dma2 semaphore(%dma_wait3A_326 : memref<!tpu.dma_semaphore, #tpu.memory_space<semaphore_mem>>) src(%dma_wait3A_332 : memref<256x128xf32, #tpu.memory_space<vmem>>) dst(%dma_wait3A_328 : memref<256x128xf32, #tpu.memory_space<hbm>>)
            "tpu.trace_stop"() : () -> ()
          } else {
          }
          %and3A_293 = arith.constant true
          %and3A_294 = arith.andi %and3A_289, %and3A_293 : i1
          %add3A_295 = arith.constant 1 : i32
          %add3A_296 = arith.addi %while3A_148, %add3A_295 : i32
          %select_n3A_297 = arith.select %and3A_294, %add3A_296, %while3A_148 : i32
          %add3A_298 = arith.constant 200 : i32
          %add3A_299 = arith.addi %add3A_298, %add3A_157 : i32
          %add3A_300 = arith.constant 200 : i32
          %add3A_301 = arith.addi %add3A_300, %add3A_175 : i32
          %ne3A_302 = arith.cmpi ne, %add3A_299, %add3A_301 : i32
          %or3A_303 = arith.constant false
          %or3A_304 = arith.ori %or3A_303, %ne3A_302 : i1
          %or3A_305 = arith.ori %or3A_304, %eq3A_156 : i1
          %add3A_306 = arith.constant 1 : i32
          %add3A_307 = arith.addi %while3A_146, %add3A_306 : i32
          %select_n3A_308 = arith.select %or3A_305, %add3A_307, %while3A_146 : i32
          %add3A_309 = arith.constant 1 : i32
          %add3A_310 = arith.addi %while3A_149, %add3A_309 : i32
          %select_n3A_311 = arith.constant true
          %select_n3A_312 = arith.select %select_n3A_311, %add3A_310, %while3A_149 : i32
          %eq3A_313 = arith.cmpi eq, %select_n3A_312, %select_n3A : i32
          %select_n3A_314 = arith.constant 0 : i32
          %select_n3A_315 = arith.select %eq3A_313, %select_n3A_314, %select_n3A_312 : i32
          scf.yield %select_n3A_201, %select_n3A_308, %select_n3A_266, %select_n3A_297, %select_n3A_315 : i32, i32, i32, i32, i32
        }
        %sub3A_93 = arith.constant 1 : i32
        %sub3A_94 = arith.subi %while3A_92#4, %sub3A_93 : i32
        %select_n3A_95 = arith.constant true
        %select_n3A_96 = arith.select %select_n3A_95, %sub3A_94, %while3A_92#4 : i32
        %eq3A_97 = arith.constant -1 : i32
        %eq3A_98 = arith.cmpi eq, %select_n3A_96, %eq3A_97 : i32
        %sub3A_99 = arith.constant 1 : i32
        %sub3A_100 = arith.subi %select_n3A, %sub3A_99 : i32
        %select_n3A_101 = arith.select %eq3A_98, %sub3A_100, %select_n3A_96 : i32
        %sub3A_102 = arith.constant 1 : i32
        %sub3A_103 = arith.subi %mul3A_16, %sub3A_102 : i32
        %mul3A_104 = arith.constant 1 : i32
        %mul3A_105 = arith.muli %mul3A_104, %select_n3A : i32
        %eq3A_106 = arith.constant 0 : i32
        %eq3A_107 = arith.cmpi eq, %sub3A_103, %eq3A_106 : i32
        %sub3A_108 = arith.constant 1 : i32
        %sub3A_109 = arith.subi %mul3A_105, %sub3A_108 : i32
        %eq3A_110 = arith.cmpi eq, %sub3A_103, %sub3A_109 : i32
        %add3A_111 = arith.addi %select_n3A_101, %select_n3A_14 : i32
        %sub3A_112 = arith.constant 1 : i32
        %sub3A_113 = arith.subi %select_n3A_101, %sub3A_112 : i32
        %select_n3A_114 = arith.constant true
        %select_n3A_115 = arith.select %select_n3A_114, %sub3A_113, %select_n3A_101 : i32
        %eq3A_116 = arith.constant -1 : i32
        %eq3A_117 = arith.cmpi eq, %select_n3A_115, %eq3A_116 : i32
        %sub3A_118 = arith.constant 1 : i32
        %sub3A_119 = arith.subi %select_n3A, %sub3A_118 : i32
        %select_n3A_120 = arith.select %eq3A_117, %sub3A_119, %select_n3A_115 : i32
        %add3A_121 = arith.addi %select_n3A_120, %select_n3A_14 : i32
        %add3A_122 = arith.constant 1 : i32
        %add3A_123 = arith.addi %select_n3A_101, %add3A_122 : i32
        %select_n3A_124 = arith.constant true
        %select_n3A_125 = arith.select %select_n3A_124, %add3A_123, %select_n3A_101 : i32
        %eq3A_126 = arith.cmpi eq, %select_n3A_125, %select_n3A : i32
        %select_n3A_127 = arith.constant 0 : i32
        %select_n3A_128 = arith.select %eq3A_126, %select_n3A_127, %select_n3A_125 : i32
        %add3A_129 = arith.addi %select_n3A_128, %select_n3A_14 : i32
        %add3A_130 = arith.constant 1 : i32
        %add3A_131 = arith.addi %select_n3A_128, %add3A_130 : i32
        %select_n3A_132 = arith.constant true
        %select_n3A_133 = arith.select %select_n3A_132, %add3A_131, %select_n3A_128 : i32
        %eq3A_134 = arith.cmpi eq, %select_n3A_133, %select_n3A : i32
        %select_n3A_135 = arith.constant 0 : i32
        %select_n3A_136 = arith.select %eq3A_134, %select_n3A_135, %select_n3A_133 : i32
        %add3A_137 = arith.addi %select_n3A_136, %select_n3A_14 : i32
        %convert_element_type3A_138 = arith.extui %eq3A_110 : i1 to i32
        %cond3A_139 = arith.constant 0 : i32
        %cond3A_140 = arith.cmpi ne, %convert_element_type3A_138, %cond3A_139 : i32
        scf.if %cond3A_140 {
        } else {
        }
        %convert_element_type3A_141 = arith.extui %eq3A_110 : i1 to i32
        %cond3A_142 = arith.constant 0 : i32
        %cond3A_143 = arith.cmpi ne, %convert_element_type3A_141, %cond3A_142 : i32
        scf.if %cond3A_143 {
          "tpu.trace_start"() <{level = 10 : i32, message = "ep_finalize"}> : () -> ()
          %rem3A_144 = arith.constant 2 : i32
          %rem3A_145 = arith.remui %while3A_92#3, %rem3A_144 : i32
          %mul3A_146 = arith.constant 256 : i32
          %mul3A_147 = arith.muli %mul3A_146, %add3A_111 : i32
          %dma_wait3A = arith.constant 0 : i32
          %dma_wait3A_148 = arith.constant 0 : i32
          %dma_wait3A_149 = tpu.memref_slice %run_scoped3A_18[%rem3A_145, %dma_wait3A, %dma_wait3A_148] : memref<2x256x128xf32, #tpu.memory_space<vmem>> -> memref<1x256x128xf32, #tpu.memory_space<vmem>>
          %dma_wait3A_150 = tpu.memref_squeeze %dma_wait3A_149 : memref<1x256x128xf32, #tpu.memory_space<vmem>> -> memref<256x128xf32, #tpu.memory_space<vmem>>
          %dma_wait3A_151 = arith.constant 0 : i32
          %dma_wait3A_152 = tpu.memref_slice %arg4[%mul3A_147, %dma_wait3A_151] : memref<51200x128xf32, #tpu.memory_space<hbm>> -> memref<256x128xf32, #tpu.memory_space<hbm>>
          %dma_wait3A_153 = tpu.memref_slice %run_scoped3A_19[%rem3A_145] : memref<2x!tpu.dma_semaphore, #tpu.memory_space<semaphore_mem>> -> memref<1x!tpu.dma_semaphore, #tpu.memory_space<semaphore_mem>>
          %dma_wait3A_154 = tpu.memref_squeeze %dma_wait3A_153 : memref<1x!tpu.dma_semaphore, #tpu.memory_space<semaphore_mem>> -> memref<!tpu.dma_semaphore, #tpu.memory_space<semaphore_mem>>
          %dma_wait3A_155 = arith.constant 0 : i32
          %dma_wait3A_156 = tpu.memref_slice %arg4[%mul3A_147, %dma_wait3A_155] : memref<51200x128xf32, #tpu.memory_space<hbm>> -> memref<256x128xf32, #tpu.memory_space<hbm>>
          %dma_wait3A_157 = arith.constant 0 : i32
          %dma_wait3A_158 = arith.constant 0 : i32
          %dma_wait3A_159 = tpu.memref_slice %run_scoped3A_18[%rem3A_145, %dma_wait3A_157, %dma_wait3A_158] : memref<2x256x128xf32, #tpu.memory_space<vmem>> -> memref<1x256x128xf32, #tpu.memory_space<vmem>>
          %dma_wait3A_160 = tpu.memref_squeeze %dma_wait3A_159 : memref<1x256x128xf32, #tpu.memory_space<vmem>> -> memref<256x128xf32, #tpu.memory_space<vmem>>
          tpu.wait_dma2 semaphore(%dma_wait3A_154 : memref<!tpu.dma_semaphore, #tpu.memory_space<semaphore_mem>>) src(%dma_wait3A_160 : memref<256x128xf32, #tpu.memory_space<vmem>>) dst(%dma_wait3A_156 : memref<256x128xf32, #tpu.memory_space<hbm>>)
          "tpu.trace_stop"() : () -> ()
        } else {
        }
      } else {
      }
      tpu.yield
    }) : () -> ()
    return
  }
}

#map = affine_map<(d0, d1) -> (0, 0)>
module attributes {stable_mosaic.version = 14 : i64} {
  func.func @gather_rows(%arg0: i32, %arg1: i32, %arg2: memref<100001x128xf32, #tpu.memory_space<hbm>>, %arg3: memref<1x204800xi32, #tpu.memory_space<hbm>>, %arg4: memref<51200x128xf32, #tpu.memory_space<hbm>>) attributes {dimension_semantics = [#tpu.dimension_semantics<core_parallel>, #tpu.dimension_semantics<subcore_parallel>], iteration_bounds = array<i64: 2, 16>, scalar_prefetch = 0 : i64, scratch_operands = 0 : i64, tpu.core_type = #tpu.core_type<sc_vector_subcore>, window_params = [{transform_indices = #map}, {transform_indices = #map}, {transform_indices = #map}]} {
    %mul3A = arith.constant 1 : i32
    %mul3A_0 = arith.muli %arg1, %mul3A : i32
    %add3A = arith.constant 0 : i32
    %add3A_1 = arith.addi %add3A, %mul3A_0 : i32
    %mul3A_2 = arith.constant 16 : i32
    %mul3A_3 = arith.muli %arg0, %mul3A_2 : i32
    %add3A_4 = arith.addi %add3A_1, %mul3A_3 : i32
    %lt3A = arith.constant 8 : i32
    %lt3A_5 = arith.cmpi slt, %add3A_4, %lt3A : i32
    %jit3A = arith.constant 7 : i32
    %jit3A_6 = arith.constant 6 : i32
    %select_n3A = arith.select %lt3A_5, %jit3A, %jit3A_6 : i32
    %lt3A_7 = arith.constant 8 : i32
    %lt3A_8 = arith.cmpi slt, %add3A_4, %lt3A_7 : i32
    %mul3A_9 = arith.muli %add3A_4, %select_n3A : i32
    %mul3A_10 = arith.constant 6 : i32
    %mul3A_11 = arith.muli %add3A_4, %mul3A_10 : i32
    %add3A_12 = arith.constant 8 : i32
    %add3A_13 = arith.addi %mul3A_11, %add3A_12 : i32
    %select_n3A_14 = arith.select %lt3A_8, %mul3A_9, %add3A_13 : i32
    %mul3A_15 = arith.constant 1 : i32
    %mul3A_16 = arith.muli %mul3A_15, %select_n3A : i32
    "tpu.region"() ({
      %run_scoped3A = memref.alloca() : memref<2x1x256xi32, #tpu.memory_space<vmem>>
      %run_scoped3A_17 = tpu.sem_alloc : memref<2x!tpu.dma_semaphore, #tpu.memory_space<semaphore_mem>>
      %run_scoped3A_18 = memref.alloca() : memref<2x256x128xf32, #tpu.memory_space<vmem>>
      %run_scoped3A_19 = tpu.sem_alloc : memref<2x!tpu.dma_semaphore, #tpu.memory_space<semaphore_mem>>
      %gt3A = arith.constant 0 : i32
      %gt3A_20 = arith.cmpi sgt, %mul3A_16, %gt3A : i32
      %convert_element_type3A = arith.extui %gt3A_20 : i1 to i32
      %cond3A = arith.constant 0 : i32
      %cond3A_21 = arith.cmpi ne, %convert_element_type3A, %cond3A : i32
      scf.if %cond3A_21 {
        %mul3A_22 = arith.constant 1 : i32
        %mul3A_23 = arith.muli %mul3A_22, %select_n3A : i32
        %sub3A = arith.constant 1 : i32
        %sub3A_24 = arith.subi %mul3A_23, %sub3A : i32
        %eq3A = arith.constant 0 : i32
        %eq3A_25 = arith.cmpi eq, %sub3A_24, %eq3A : i32
        %add3A_26 = arith.constant 0 : i32
        %add3A_27 = arith.addi %add3A_26, %select_n3A_14 : i32
        %select_n3A_28 = arith.constant true
        %select_n3A_29 = arith.constant 0 : i32
        %select_n3A_30 = arith.constant -1 : i32
        %select_n3A_31 = arith.select %select_n3A_28, %select_n3A_30, %select_n3A_29 : i32
        %eq3A_32 = arith.constant -1 : i32
        %eq3A_33 = arith.cmpi eq, %select_n3A_31, %eq3A_32 : i32
        %sub3A_34 = arith.constant 1 : i32
        %sub3A_35 = arith.subi %select_n3A, %sub3A_34 : i32
        %select_n3A_36 = arith.select %eq3A_33, %sub3A_35, %select_n3A_31 : i32
        %add3A_37 = arith.addi %select_n3A_36, %select_n3A_14 : i32
        %select_n3A_38 = arith.constant true
        %select_n3A_39 = arith.constant 0 : i32
        %select_n3A_40 = arith.constant 1 : i32
        %select_n3A_41 = arith.select %select_n3A_38, %select_n3A_40, %select_n3A_39 : i32
        %eq3A_42 = arith.cmpi eq, %select_n3A_41, %select_n3A : i32
        %select_n3A_43 = arith.constant 0 : i32
        %select_n3A_44 = arith.select %eq3A_42, %select_n3A_43, %select_n3A_41 : i32
        %add3A_45 = arith.addi %select_n3A_44, %select_n3A_14 : i32
        %add3A_46 = arith.constant 1 : i32
        %add3A_47 = arith.addi %select_n3A_44, %add3A_46 : i32
        %select_n3A_48 = arith.constant true
        %select_n3A_49 = arith.select %select_n3A_48, %add3A_47, %select_n3A_44 : i32
        %eq3A_50 = arith.cmpi eq, %select_n3A_49, %select_n3A : i32
        %select_n3A_51 = arith.constant 0 : i32
        %select_n3A_52 = arith.select %eq3A_50, %select_n3A_51, %select_n3A_49 : i32
        %add3A_53 = arith.addi %select_n3A_52, %select_n3A_14 : i32
        "tpu.trace_start"() <{level = 10 : i32, message = "ep_initialize_0"}> : () -> ()
        %rem3A = arith.constant 0 : i32
        %rem3A_54 = arith.constant 2 : i32
        %rem3A_55 = arith.remui %rem3A, %rem3A_54 : i32
        %add3A_56 = arith.constant 0 : i32
        %add3A_57 = arith.addi %add3A_56, %add3A_27 : i32
        %mul3A_58 = arith.constant 256 : i32
        %mul3A_59 = arith.muli %mul3A_58, %add3A_57 : i32
        %dma_start3A = arith.constant 0 : i32
        %dma_start3A_60 = arith.constant 0 : i32
        %dma_start3A_61 = tpu.memref_slice %run_scoped3A[%rem3A_55, %dma_start3A, %dma_start3A_60] : memref<2x1x256xi32, #tpu.memory_space<vmem>> -> memref<1x1x256xi32, #tpu.memory_space<vmem>>
        %dma_start3A_62 = tpu.memref_squeeze %dma_start3A_61 : memref<1x1x256xi32, #tpu.memory_space<vmem>> -> memref<1x256xi32, #tpu.memory_space<vmem>>
        %dma_start3A_63 = arith.constant 0 : i32
        %dma_start3A_64 = tpu.memref_slice %arg3[%dma_start3A_63, %mul3A_59] : memref<1x204800xi32, #tpu.memory_space<hbm>> -> memref<1x256xi32, #tpu.memory_space<hbm>>
        %dma_start3A_65 = tpu.memref_slice %run_scoped3A_17[%rem3A_55] : memref<2x!tpu.dma_semaphore, #tpu.memory_space<semaphore_mem>> -> memref<1x!tpu.dma_semaphore, #tpu.memory_space<semaphore_mem>>
        %dma_start3A_66 = tpu.memref_squeeze %dma_start3A_65 : memref<1x!tpu.dma_semaphore, #tpu.memory_space<semaphore_mem>> -> memref<!tpu.dma_semaphore, #tpu.memory_space<semaphore_mem>>
        %dma_start3A_67 = arith.constant 0 : i32
        %dma_start3A_68 = arith.constant 0 : i32
        %dma_start3A_69 = tpu.memref_slice %run_scoped3A[%rem3A_55, %dma_start3A_67, %dma_start3A_68] : memref<2x1x256xi32, #tpu.memory_space<vmem>> -> memref<1x1x256xi32, #tpu.memory_space<vmem>>
        %dma_start3A_70 = tpu.memref_squeeze %dma_start3A_69 : memref<1x1x256xi32, #tpu.memory_space<vmem>> -> memref<1x256xi32, #tpu.memory_space<vmem>>
        %dma_start3A_71 = arith.constant 0 : i32
        %dma_start3A_72 = tpu.memref_slice %arg3[%dma_start3A_71, %mul3A_59] : memref<1x204800xi32, #tpu.memory_space<hbm>> -> memref<1x256xi32, #tpu.memory_space<hbm>>
        tpu.enqueue_dma source(%dma_start3A_72 : memref<1x256xi32, #tpu.memory_space<hbm>>) target(%dma_start3A_70 : memref<1x256xi32, #tpu.memory_space<vmem>>) target_semaphore(%dma_start3A_66 : memref<!tpu.dma_semaphore, #tpu.memory_space<semaphore_mem>>)
        %add3A_73 = arith.constant 0 : i32
        %add3A_74 = arith.constant 1 : i32
        %add3A_75 = arith.addi %add3A_73, %add3A_74 : i32
        %select_n3A_76 = arith.constant true
        %select_n3A_77 = arith.constant 0 : i32
        %select_n3A_78 = arith.select %select_n3A_76, %add3A_75, %select_n3A_77 : i32
        %while3A = arith.constant 0 : i32
        %while3A_79 = arith.constant 0 : i32
        %while3A_80 = arith.constant 0 : i32
        %while3A_81 = arith.constant 0 : i32
        %while3A_82 = arith.constant 0 : i32
        "tpu.trace_stop"() : () -> ()
        %while3A_83 = arith.subi %mul3A_16, %while3A : i32
        %while3A_84 = arith.addi %while3A, %while3A_83 : i32
        %while3A_85 = arith.constant 1 : i32
        %while3A_86 = arith.divsi %while3A_83, %while3A_85 : i32
        %while3A_87 = arith.muli %while3A_86, %while3A_85 : i32
        %while3A_88 = arith.addi %while3A, %while3A_87 : i32
        %while3A_89 = arith.constant 1 : i32
        %while3A_90:5 = scf.for %while3A_144 = %while3A to %while3A_88 step %while3A_89 iter_args(%while3A_145 = %select_n3A_78, %while3A_146 = %while3A_79, %while3A_147 = %while3A_80, %while3A_148 = %while3A_81, %while3A_149 = %while3A_82) -> (i32, i32, i32, i32, i32)  : i32 {
          %mul3A_150 = arith.constant 1 : i32
          %mul3A_151 = arith.muli %mul3A_150, %select_n3A : i32
          %eq3A_152 = arith.constant 0 : i32
          %eq3A_153 = arith.cmpi eq, %while3A_144, %eq3A_152 : i32
          %sub3A_154 = arith.constant 1 : i32
          %sub3A_155 = arith.subi %mul3A_151, %sub3A_154 : i32
          %eq3A_156 = arith.cmpi eq, %while3A_144, %sub3A_155 : i32
          %add3A_157 = arith.addi %while3A_149, %select_n3A_14 : i32
          %sub3A_158 = arith.constant 1 : i32
          %sub3A_159 = arith.subi %while3A_149, %sub3A_158 : i32
          %select_n3A_160 = arith.constant true
          %select_n3A_161 = arith.select %select_n3A_160, %sub3A_159, %while3A_149 : i32
          %eq3A_162 = arith.constant -1 : i32
          %eq3A_163 = arith.cmpi eq, %select_n3A_161, %eq3A_162 : i32
          %sub3A_164 = arith.constant 1 : i32
          %sub3A_165 = arith.subi %select_n3A, %sub3A_164 : i32
          %select_n3A_166 = arith.select %eq3A_163, %sub3A_165, %select_n3A_161 : i32
          %add3A_167 = arith.addi %select_n3A_166, %select_n3A_14 : i32
          %add3A_168 = arith.constant 1 : i32
          %add3A_169 = arith.addi %while3A_149, %add3A_168 : i32
          %select_n3A_170 = arith.constant true
          %select_n3A_171 = arith.select %select_n3A_170, %add3A_169, %while3A_149 : i32
          %eq3A_172 = arith.cmpi eq, %select_n3A_171, %select_n3A : i32
          %select_n3A_173 = arith.constant 0 : i32
          %select_n3A_174 = arith.select %eq3A_172, %select_n3A_173, %select_n3A_171 : i32
          %add3A_175 = arith.addi %select_n3A_174, %select_n3A_14 : i32
          %add3A_176 = arith.constant 1 : i32
          %add3A_177 = arith.addi %select_n3A_174, %add3A_176 : i32
          %select_n3A_178 = arith.constant true
          %select_n3A_179 = arith.select %select_n3A_178, %add3A_177, %select_n3A_174 : i32
          %eq3A_180 = arith.cmpi eq, %select_n3A_179, %select_n3A : i32
          %select_n3A_181 = arith.constant 0 : i32
          %select_n3A_182 = arith.select %eq3A_180, %select_n3A_181, %select_n3A_179 : i32
          %add3A_183 = arith.addi %select_n3A_182, %select_n3A_14 : i32
          %add3A_184 = arith.constant 0 : i32
          %add3A_185 = arith.addi %add3A_184, %add3A_157 : i32
          %add3A_186 = arith.constant 0 : i32
          %add3A_187 = arith.addi %add3A_186, %add3A_175 : i32
          %ne3A = arith.cmpi ne, %add3A_185, %add3A_187 : i32
          %or3A = arith.constant false
          %or3A_188 = arith.ori %or3A, %ne3A : i1
          %sub3A_189 = arith.constant 2 : i32
          %sub3A_190 = arith.subi %mul3A_151, %sub3A_189 : i32
          %add3A_191 = arith.constant 1 : i32
          %add3A_192 = arith.addi %sub3A_190, %add3A_191 : i32
          %ge3A = arith.cmpi sge, %while3A_144, %add3A_192 : i32
          %not3A = arith.constant true
          %not3A_193 = arith.xori %ge3A, %not3A : i1
          %and3A = arith.andi %or3A_188, %not3A_193 : i1
          %convert_element_type3A_194 = arith.extui %and3A : i1 to i32
          %cond3A_195 = arith.constant 0 : i32
          %cond3A_196 = arith.cmpi ne, %convert_element_type3A_194, %cond3A_195 : i32
          scf.if %cond3A_196 {
            "tpu.trace_start"() <{level = 10 : i32, message = "ep_copy_in"}> : () -> ()
            %rem3A_316 = arith.constant 2 : i32
            %rem3A_317 = arith.remui %while3A_145, %rem3A_316 : i32
            %add3A_318 = arith.constant 0 : i32
            %add3A_319 = arith.addi %add3A_318, %add3A_175 : i32
            %mul3A_320 = arith.constant 256 : i32
            %mul3A_321 = arith.muli %mul3A_320, %add3A_319 : i32
            %dma_start3A_322 = arith.constant 0 : i32
            %dma_start3A_323 = arith.constant 0 : i32
            %dma_start3A_324 = tpu.memref_slice %run_scoped3A[%rem3A_317, %dma_start3A_322, %dma_start3A_323] : memref<2x1x256xi32, #tpu.memory_space<vmem>> -> memref<1x1x256xi32, #tpu.memory_space<vmem>>
            %dma_start3A_325 = tpu.memref_squeeze %dma_start3A_324 : memref<1x1x256xi32, #tpu.memory_space<vmem>> -> memref<1x256xi32, #tpu.memory_space<vmem>>
            %dma_start3A_326 = arith.constant 0 : i32
            %dma_start3A_327 = tpu.memref_slice %arg3[%dma_start3A_326, %mul3A_321] : memref<1x204800xi32, #tpu.memory_space<hbm>> -> memref<1x256xi32, #tpu.memory_space<hbm>>
            %dma_start3A_328 = tpu.memref_slice %run_scoped3A_17[%rem3A_317] : memref<2x!tpu.dma_semaphore, #tpu.memory_space<semaphore_mem>> -> memref<1x!tpu.dma_semaphore, #tpu.memory_space<semaphore_mem>>
            %dma_start3A_329 = tpu.memref_squeeze %dma_start3A_328 : memref<1x!tpu.dma_semaphore, #tpu.memory_space<semaphore_mem>> -> memref<!tpu.dma_semaphore, #tpu.memory_space<semaphore_mem>>
            %dma_start3A_330 = arith.constant 0 : i32
            %dma_start3A_331 = arith.constant 0 : i32
            %dma_start3A_332 = tpu.memref_slice %run_scoped3A[%rem3A_317, %dma_start3A_330, %dma_start3A_331] : memref<2x1x256xi32, #tpu.memory_space<vmem>> -> memref<1x1x256xi32, #tpu.memory_space<vmem>>
            %dma_start3A_333 = tpu.memref_squeeze %dma_start3A_332 : memref<1x1x256xi32, #tpu.memory_space<vmem>> -> memref<1x256xi32, #tpu.memory_space<vmem>>
            %dma_start3A_334 = arith.constant 0 : i32
            %dma_start3A_335 = tpu.memref_slice %arg3[%dma_start3A_334, %mul3A_321] : memref<1x204800xi32, #tpu.memory_space<hbm>> -> memref<1x256xi32, #tpu.memory_space<hbm>>
            tpu.enqueue_dma source(%dma_start3A_335 : memref<1x256xi32, #tpu.memory_space<hbm>>) target(%dma_start3A_333 : memref<1x256xi32, #tpu.memory_space<vmem>>) target_semaphore(%dma_start3A_329 : memref<!tpu.dma_semaphore, #tpu.memory_space<semaphore_mem>>)
            "tpu.trace_stop"() : () -> ()
          } else {
          }
          %and3A_197 = arith.constant true
          %and3A_198 = arith.andi %and3A, %and3A_197 : i1
          %add3A_199 = arith.constant 1 : i32
          %add3A_200 = arith.addi %while3A_145, %add3A_199 : i32
          %select_n3A_201 = arith.select %and3A_198, %add3A_200, %while3A_145 : i32
          %ne3A_202 = arith.cmpi ne, %add3A_157, %add3A_175 : i32
          %or3A_203 = arith.constant false
          %or3A_204 = arith.ori %or3A_203, %ne3A_202 : i1
          %or3A_205 = arith.constant false
          %or3A_206 = arith.ori %or3A_204, %or3A_205 : i1
          %sub3A_207 = arith.constant 2 : i32
          %sub3A_208 = arith.subi %mul3A_151, %sub3A_207 : i32
          %add3A_209 = arith.constant 1 : i32
          %add3A_210 = arith.addi %sub3A_208, %add3A_209 : i32
          %ge3A_211 = arith.cmpi sge, %while3A_144, %add3A_210 : i32
          %not3A_212 = arith.constant true
          %not3A_213 = arith.xori %ge3A_211, %not3A_212 : i1
          %and3A_214 = arith.andi %or3A_206, %not3A_213 : i1
          %add3A_215 = arith.constant 0 : i32
          %add3A_216 = arith.addi %add3A_215, %add3A_157 : i32
          %add3A_217 = arith.constant 0 : i32
          %add3A_218 = arith.addi %add3A_217, %add3A_167 : i32
          %ne3A_219 = arith.cmpi ne, %add3A_216, %add3A_218 : i32
          %or3A_220 = arith.constant false
          %or3A_221 = arith.ori %or3A_220, %ne3A_219 : i1
          %or3A_222 = arith.ori %or3A_221, %eq3A_153 : i1
          %convert_element_type3A_223 = arith.extui %or3A_222 : i1 to i32
          %cond3A_224 = arith.constant 0 : i32
          %cond3A_225 = arith.cmpi ne, %convert_element_type3A_223, %cond3A_224 : i32
          scf.if %cond3A_225 {
            "tpu.trace_start"() <{level = 10 : i32, message = "ep_wait_in"}> : () -> ()
            %add3A_316 = arith.constant 0 : i32
            %add3A_317 = arith.addi %add3A_316, %add3A_157 : i32
            %mul3A_318 = arith.constant 256 : i32
            %mul3A_319 = arith.muli %mul3A_318, %add3A_317 : i32
            %rem3A_320 = arith.constant 2 : i32
            %rem3A_321 = arith.remui %while3A_146, %rem3A_320 : i32
            %dma_wait3A = arith.constant 0 : i32
            %dma_wait3A_322 = arith.constant 0 : i32
            %dma_wait3A_323 = tpu.memref_slice %run_scoped3A[%rem3A_321, %dma_wait3A, %dma_wait3A_322] : memref<2x1x256xi32, #tpu.memory_space<vmem>> -> memref<1x1x256xi32, #tpu.memory_space<vmem>>
            %dma_wait3A_324 = tpu.memref_squeeze %dma_wait3A_323 : memref<1x1x256xi32, #tpu.memory_space<vmem>> -> memref<1x256xi32, #tpu.memory_space<vmem>>
            %dma_wait3A_325 = arith.constant 0 : i32
            %dma_wait3A_326 = tpu.memref_slice %arg3[%dma_wait3A_325, %mul3A_319] : memref<1x204800xi32, #tpu.memory_space<hbm>> -> memref<1x256xi32, #tpu.memory_space<hbm>>
            %dma_wait3A_327 = tpu.memref_slice %run_scoped3A_17[%rem3A_321] : memref<2x!tpu.dma_semaphore, #tpu.memory_space<semaphore_mem>> -> memref<1x!tpu.dma_semaphore, #tpu.memory_space<semaphore_mem>>
            %dma_wait3A_328 = tpu.memref_squeeze %dma_wait3A_327 : memref<1x!tpu.dma_semaphore, #tpu.memory_space<semaphore_mem>> -> memref<!tpu.dma_semaphore, #tpu.memory_space<semaphore_mem>>
            %dma_wait3A_329 = arith.constant 0 : i32
            %dma_wait3A_330 = arith.constant 0 : i32
            %dma_wait3A_331 = tpu.memref_slice %run_scoped3A[%rem3A_321, %dma_wait3A_329, %dma_wait3A_330] : memref<2x1x256xi32, #tpu.memory_space<vmem>> -> memref<1x1x256xi32, #tpu.memory_space<vmem>>
            %dma_wait3A_332 = tpu.memref_squeeze %dma_wait3A_331 : memref<1x1x256xi32, #tpu.memory_space<vmem>> -> memref<1x256xi32, #tpu.memory_space<vmem>>
            %dma_wait3A_333 = arith.constant 0 : i32
            %dma_wait3A_334 = tpu.memref_slice %arg3[%dma_wait3A_333, %mul3A_319] : memref<1x204800xi32, #tpu.memory_space<hbm>> -> memref<1x256xi32, #tpu.memory_space<hbm>>
            tpu.wait_dma2 semaphore(%dma_wait3A_328 : memref<!tpu.dma_semaphore, #tpu.memory_space<semaphore_mem>>) src(%dma_wait3A_334 : memref<1x256xi32, #tpu.memory_space<hbm>>) dst(%dma_wait3A_332 : memref<1x256xi32, #tpu.memory_space<vmem>>)
            "tpu.trace_stop"() : () -> ()
          } else {
          }
          %ne3A_226 = arith.cmpi ne, %add3A_157, %add3A_167 : i32
          %or3A_227 = arith.constant false
          %or3A_228 = arith.ori %or3A_227, %ne3A_226 : i1
          %or3A_229 = arith.constant false
          %or3A_230 = arith.ori %or3A_228, %or3A_229 : i1
          %or3A_231 = arith.ori %or3A_230, %eq3A_153 : i1
          %convert_element_type3A_232 = arith.extui %or3A_231 : i1 to i32
          %cond3A_233 = arith.constant 0 : i32
          %cond3A_234 = arith.cmpi ne, %convert_element_type3A_232, %cond3A_233 : i32
          scf.if %cond3A_234 {
          } else {
          }
          %rem3A_235 = arith.constant 2 : i32
          %rem3A_236 = arith.remui %while3A_146, %rem3A_235 : i32
          %rem3A_237 = arith.constant 2 : i32
          %rem3A_238 = arith.remui %while3A_147, %rem3A_237 : i32
          %run_scoped3A_239 = arith.constant 0 : i32
          "tpu.trace_start"() <{level = 10 : i32, message = "ep_run_kernel"}> : () -> ()
          "tpu.region"() ({
            %run_scoped3A_316 = tpu.sem_alloc : memref<!tpu.dma_semaphore, #tpu.memory_space<semaphore_mem>>
            %dma_start3A_317 = arith.constant 0 : i32
            %dma_start3A_318 = arith.constant 0 : i32
            %dma_start3A_319 = tpu.memref_slice %run_scoped3A_18[%rem3A_238, %dma_start3A_317, %dma_start3A_318] : memref<2x256x128xf32, #tpu.memory_space<vmem>> -> memref<1x256x128xf32, #tpu.memory_space<vmem>>
            %dma_start3A_320 = tpu.memref_squeeze %dma_start3A_319 : memref<1x256x128xf32, #tpu.memory_space<vmem>> -> memref<256x128xf32, #tpu.memory_space<vmem>>
            %dma_start3A_321 = arith.constant 0 : i32
            %dma_start3A_322 = arith.constant 0 : i32
            %dma_start3A_323 = tpu.memref_slice %run_scoped3A[%rem3A_236, %dma_start3A_321, %dma_start3A_322] : memref<2x1x256xi32, #tpu.memory_space<vmem>> -> memref<1x1x256xi32, #tpu.memory_space<vmem>>
            %dma_start3A_324 = tpu.memref_squeeze %dma_start3A_323 : memref<1x1x256xi32, #tpu.memory_space<vmem>> -> memref<1x256xi32, #tpu.memory_space<vmem>>
            %dma_start3A_325 = arith.constant 0 : i32
            %dma_start3A_326 = tpu.memref_slice %dma_start3A_324[%run_scoped3A_239, %dma_start3A_325] : memref<1x256xi32, #tpu.memory_space<vmem>> -> memref<1x256xi32, #tpu.memory_space<vmem>>
            %dma_start3A_327 = tpu.memref_squeeze %dma_start3A_326 : memref<1x256xi32, #tpu.memory_space<vmem>> -> memref<256xi32, #tpu.memory_space<vmem>>
            %dma_start3A_328 = arith.constant 0 : i32
            %dma_start3A_329 = arith.constant 0 : i32
            %dma_start3A_330 = tpu.memref_slice %arg2[%dma_start3A_328, %dma_start3A_329] : memref<100001x128xf32, #tpu.memory_space<hbm>> -> memref<100001x128xf32, #tpu.memory_space<hbm>>
            tpu.enqueue_indirect_dma source(%dma_start3A_330 : memref<100001x128xf32, #tpu.memory_space<hbm>>) target(%dma_start3A_320 : memref<256x128xf32, #tpu.memory_space<vmem>>) offsets(%dma_start3A_327 : memref<256xi32, #tpu.memory_space<vmem>>) semaphore(%run_scoped3A_316 : memref<!tpu.dma_semaphore, #tpu.memory_space<semaphore_mem>>)
            %dma_wait3A = arith.constant 0 : i32
            %dma_wait3A_331 = arith.constant 0 : i32
            %dma_wait3A_332 = tpu.memref_slice %run_scoped3A_18[%rem3A_238, %dma_wait3A, %dma_wait3A_331] : memref<2x256x128xf32, #tpu.memory_space<vmem>> -> memref<1x256x128xf32, #tpu.memory_space<vmem>>
            %dma_wait3A_333 = tpu.memref_squeeze %dma_wait3A_332 : memref<1x256x128xf32, #tpu.memory_space<vmem>> -> memref<256x128xf32, #tpu.memory_space<vmem>>
            %dma_wait3A_334 = arith.constant 0 : i32
            %dma_wait3A_335 = arith.constant 0 : i32
            %dma_wait3A_336 = tpu.memref_slice %run_scoped3A[%rem3A_236, %dma_wait3A_334, %dma_wait3A_335] : memref<2x1x256xi32, #tpu.memory_space<vmem>> -> memref<1x1x256xi32, #tpu.memory_space<vmem>>
            %dma_wait3A_337 = tpu.memref_squeeze %dma_wait3A_336 : memref<1x1x256xi32, #tpu.memory_space<vmem>> -> memref<1x256xi32, #tpu.memory_space<vmem>>
            %dma_wait3A_338 = arith.constant 0 : i32
            %dma_wait3A_339 = tpu.memref_slice %dma_wait3A_337[%run_scoped3A_239, %dma_wait3A_338] : memref<1x256xi32, #tpu.memory_space<vmem>> -> memref<1x256xi32, #tpu.memory_space<vmem>>
            %dma_wait3A_340 = tpu.memref_squeeze %dma_wait3A_339 : memref<1x256xi32, #tpu.memory_space<vmem>> -> memref<256xi32, #tpu.memory_space<vmem>>
            %dma_wait3A_341 = arith.constant 0 : i32
            %dma_wait3A_342 = arith.constant 0 : i32
            %dma_wait3A_343 = tpu.memref_slice %arg2[%dma_wait3A_341, %dma_wait3A_342] : memref<100001x128xf32, #tpu.memory_space<hbm>> -> memref<100001x128xf32, #tpu.memory_space<hbm>>
            tpu.wait_indirect_dma semaphore(%run_scoped3A_316 : memref<!tpu.dma_semaphore, #tpu.memory_space<semaphore_mem>>) src(%dma_wait3A_343 : memref<100001x128xf32, #tpu.memory_space<hbm>>) dst(%dma_wait3A_333 : memref<256x128xf32, #tpu.memory_space<vmem>>)
            tpu.yield
          }) : () -> ()
          "tpu.trace_stop"() : () -> ()
          %add3A_240 = arith.constant 0 : i32
          %add3A_241 = arith.addi %add3A_240, %add3A_157 : i32
          %add3A_242 = arith.constant 0 : i32
          %add3A_243 = arith.addi %add3A_242, %add3A_175 : i32
          %ne3A_244 = arith.cmpi ne, %add3A_241, %add3A_243 : i32
          %or3A_245 = arith.constant false
          %or3A_246 = arith.ori %or3A_245, %ne3A_244 : i1
          %or3A_247 = arith.ori %or3A_246, %eq3A_156 : i1
          %convert_element_type3A_248 = arith.extui %or3A_247 : i1 to i32
          %cond3A_249 = arith.constant 0 : i32
          %cond3A_250 = arith.cmpi ne, %convert_element_type3A_248, %cond3A_249 : i32
          scf.if %cond3A_250 {
          } else {
          }
          %and3A_251 = arith.constant false
          %and3A_252 = arith.andi %or3A_247, %and3A_251 : i1
          %ne3A_253 = arith.cmpi ne, %add3A_157, %add3A_175 : i32
          %or3A_254 = arith.constant false
          %or3A_255 = arith.ori %or3A_254, %ne3A_253 : i1
          %or3A_256 = arith.constant false
          %or3A_257 = arith.ori %or3A_255, %or3A_256 : i1
          %or3A_258 = arith.ori %or3A_257, %eq3A_156 : i1
          %convert_element_type3A_259 = arith.extui %or3A_258 : i1 to i32
          %cond3A_260 = arith.constant 0 : i32
          %cond3A_261 = arith.cmpi ne, %convert_element_type3A_259, %cond3A_260 : i32
          scf.if %cond3A_261 {
            "tpu.trace_start"() <{level = 10 : i32, message = "ep_copy_out"}> : () -> ()
            %rem3A_316 = arith.constant 2 : i32
            %rem3A_317 = arith.remui %while3A_147, %rem3A_316 : i32
            %mul3A_318 = arith.constant 256 : i32
            %mul3A_319 = arith.muli %mul3A_318, %add3A_157 : i32
            %dma_start3A_320 = arith.constant 0 : i32
            %dma_start3A_321 = arith.constant 0 : i32
            %dma_start3A_322 = tpu.memref_slice %run_scoped3A_18[%rem3A_317, %dma_start3A_320, %dma_start3A_321] : memref<2x256x128xf32, #tpu.memory_space<vmem>> -> memref<1x256x128xf32, #tpu.memory_space<vmem>>
            %dma_start3A_323 = tpu.memref_squeeze %dma_start3A_322 : memref<1x256x128xf32, #tpu.memory_space<vmem>> -> memref<256x128xf32, #tpu.memory_space<vmem>>
            %dma_start3A_324 = arith.constant 0 : i32
            %dma_start3A_325 = tpu.memref_slice %arg4[%mul3A_319, %dma_start3A_324] : memref<51200x128xf32, #tpu.memory_space<hbm>> -> memref<256x128xf32, #tpu.memory_space<hbm>>
            %dma_start3A_326 = tpu.memref_slice %run_scoped3A_19[%rem3A_317] : memref<2x!tpu.dma_semaphore, #tpu.memory_space<semaphore_mem>> -> memref<1x!tpu.dma_semaphore, #tpu.memory_space<semaphore_mem>>
            %dma_start3A_327 = tpu.memref_squeeze %dma_start3A_326 : memref<1x!tpu.dma_semaphore, #tpu.memory_space<semaphore_mem>> -> memref<!tpu.dma_semaphore, #tpu.memory_space<semaphore_mem>>
            %dma_start3A_328 = arith.constant 0 : i32
            %dma_start3A_329 = tpu.memref_slice %arg4[%mul3A_319, %dma_start3A_328] : memref<51200x128xf32, #tpu.memory_space<hbm>> -> memref<256x128xf32, #tpu.memory_space<hbm>>
            %dma_start3A_330 = arith.constant 0 : i32
            %dma_start3A_331 = arith.constant 0 : i32
            %dma_start3A_332 = tpu.memref_slice %run_scoped3A_18[%rem3A_317, %dma_start3A_330, %dma_start3A_331] : memref<2x256x128xf32, #tpu.memory_space<vmem>> -> memref<1x256x128xf32, #tpu.memory_space<vmem>>
            %dma_start3A_333 = tpu.memref_squeeze %dma_start3A_332 : memref<1x256x128xf32, #tpu.memory_space<vmem>> -> memref<256x128xf32, #tpu.memory_space<vmem>>
            tpu.enqueue_dma source(%dma_start3A_333 : memref<256x128xf32, #tpu.memory_space<vmem>>) target(%dma_start3A_329 : memref<256x128xf32, #tpu.memory_space<hbm>>) target_semaphore(%dma_start3A_327 : memref<!tpu.dma_semaphore, #tpu.memory_space<semaphore_mem>>)
            "tpu.trace_stop"() : () -> ()
          } else {
          }
          %and3A_262 = arith.constant true
          %and3A_263 = arith.andi %or3A_258, %and3A_262 : i1
          %add3A_264 = arith.constant 1 : i32
          %add3A_265 = arith.addi %while3A_147, %add3A_264 : i32
          %select_n3A_266 = arith.select %and3A_263, %add3A_265, %while3A_147 : i32
          %add3A_267 = arith.constant 0 : i32
          %add3A_268 = arith.addi %add3A_267, %add3A_157 : i32
          %add3A_269 = arith.constant 0 : i32
          %add3A_270 = arith.addi %add3A_269, %add3A_167 : i32
          %ne3A_271 = arith.cmpi ne, %add3A_268, %add3A_270 : i32
          %or3A_272 = arith.constant false
          %or3A_273 = arith.ori %or3A_272, %ne3A_271 : i1
          %not3A_274 = arith.constant true
          %not3A_275 = arith.xori %eq3A_153, %not3A_274 : i1
          %and3A_276 = arith.andi %or3A_273, %not3A_275 : i1
          %convert_element_type3A_277 = arith.extui %and3A_276 : i1 to i32
          %cond3A_278 = arith.constant 0 : i32
          %cond3A_279 = arith.cmpi ne, %convert_element_type3A_277, %cond3A_278 : i32
          scf.if %cond3A_279 {
          } else {
          }
          %and3A_280 = arith.constant false
          %and3A_281 = arith.andi %and3A_276, %and3A_280 : i1
          %ne3A_282 = arith.cmpi ne, %add3A_157, %add3A_167 : i32
          %or3A_283 = arith.constant false
          %or3A_284 = arith.ori %or3A_283, %ne3A_282 : i1
          %or3A_285 = arith.constant false
          %or3A_286 = arith.ori %or3A_284, %or3A_285 : i1
          %not3A_287 = arith.constant true
          %not3A_288 = arith.xori %eq3A_153, %not3A_287 : i1
          %and3A_289 = arith.andi %or3A_286, %not3A_288 : i1
          %convert_element_type3A_290 = arith.extui %and3A_289 : i1 to i32
          %cond3A_291 = arith.constant 0 : i32
          %cond3A_292 = arith.cmpi ne, %convert_element_type3A_290, %cond3A_291 : i32
          scf.if %cond3A_292 {
            "tpu.trace_start"() <{level = 10 : i32, message = "ep_wait_out"}> : () -> ()
            %rem3A_316 = arith.constant 2 : i32
            %rem3A_317 = arith.remui %while3A_148, %rem3A_316 : i32
            %mul3A_318 = arith.constant 256 : i32
            %mul3A_319 = arith.muli %mul3A_318, %add3A_167 : i32
            %dma_wait3A = arith.constant 0 : i32
            %dma_wait3A_320 = arith.constant 0 : i32
            %dma_wait3A_321 = tpu.memref_slice %run_scoped3A_18[%rem3A_317, %dma_wait3A, %dma_wait3A_320] : memref<2x256x128xf32, #tpu.memory_space<vmem>> -> memref<1x256x128xf32, #tpu.memory_space<vmem>>
            %dma_wait3A_322 = tpu.memref_squeeze %dma_wait3A_321 : memref<1x256x128xf32, #tpu.memory_space<vmem>> -> memref<256x128xf32, #tpu.memory_space<vmem>>
            %dma_wait3A_323 = arith.constant 0 : i32
            %dma_wait3A_324 = tpu.memref_slice %arg4[%mul3A_319, %dma_wait3A_323] : memref<51200x128xf32, #tpu.memory_space<hbm>> -> memref<256x128xf32, #tpu.memory_space<hbm>>
            %dma_wait3A_325 = tpu.memref_slice %run_scoped3A_19[%rem3A_317] : memref<2x!tpu.dma_semaphore, #tpu.memory_space<semaphore_mem>> -> memref<1x!tpu.dma_semaphore, #tpu.memory_space<semaphore_mem>>
            %dma_wait3A_326 = tpu.memref_squeeze %dma_wait3A_325 : memref<1x!tpu.dma_semaphore, #tpu.memory_space<semaphore_mem>> -> memref<!tpu.dma_semaphore, #tpu.memory_space<semaphore_mem>>
            %dma_wait3A_327 = arith.constant 0 : i32
            %dma_wait3A_328 = tpu.memref_slice %arg4[%mul3A_319, %dma_wait3A_327] : memref<51200x128xf32, #tpu.memory_space<hbm>> -> memref<256x128xf32, #tpu.memory_space<hbm>>
            %dma_wait3A_329 = arith.constant 0 : i32
            %dma_wait3A_330 = arith.constant 0 : i32
            %dma_wait3A_331 = tpu.memref_slice %run_scoped3A_18[%rem3A_317, %dma_wait3A_329, %dma_wait3A_330] : memref<2x256x128xf32, #tpu.memory_space<vmem>> -> memref<1x256x128xf32, #tpu.memory_space<vmem>>
            %dma_wait3A_332 = tpu.memref_squeeze %dma_wait3A_331 : memref<1x256x128xf32, #tpu.memory_space<vmem>> -> memref<256x128xf32, #tpu.memory_space<vmem>>
            tpu.wait_dma2 semaphore(%dma_wait3A_326 : memref<!tpu.dma_semaphore, #tpu.memory_space<semaphore_mem>>) src(%dma_wait3A_332 : memref<256x128xf32, #tpu.memory_space<vmem>>) dst(%dma_wait3A_328 : memref<256x128xf32, #tpu.memory_space<hbm>>)
            "tpu.trace_stop"() : () -> ()
          } else {
          }
          %and3A_293 = arith.constant true
          %and3A_294 = arith.andi %and3A_289, %and3A_293 : i1
          %add3A_295 = arith.constant 1 : i32
          %add3A_296 = arith.addi %while3A_148, %add3A_295 : i32
          %select_n3A_297 = arith.select %and3A_294, %add3A_296, %while3A_148 : i32
          %add3A_298 = arith.constant 0 : i32
          %add3A_299 = arith.addi %add3A_298, %add3A_157 : i32
          %add3A_300 = arith.constant 0 : i32
          %add3A_301 = arith.addi %add3A_300, %add3A_175 : i32
          %ne3A_302 = arith.cmpi ne, %add3A_299, %add3A_301 : i32
          %or3A_303 = arith.constant false
          %or3A_304 = arith.ori %or3A_303, %ne3A_302 : i1
          %or3A_305 = arith.ori %or3A_304, %eq3A_156 : i1
          %add3A_306 = arith.constant 1 : i32
          %add3A_307 = arith.addi %while3A_146, %add3A_306 : i32
          %select_n3A_308 = arith.select %or3A_305, %add3A_307, %while3A_146 : i32
          %add3A_309 = arith.constant 1 : i32
          %add3A_310 = arith.addi %while3A_149, %add3A_309 : i32
          %select_n3A_311 = arith.constant true
          %select_n3A_312 = arith.select %select_n3A_311, %add3A_310, %while3A_149 : i32
          %eq3A_313 = arith.cmpi eq, %select_n3A_312, %select_n3A : i32
          %select_n3A_314 = arith.constant 0 : i32
          %select_n3A_315 = arith.select %eq3A_313, %select_n3A_314, %select_n3A_312 : i32
          scf.yield %select_n3A_201, %select_n3A_308, %select_n3A_266, %select_n3A_297, %select_n3A_315 : i32, i32, i32, i32, i32
        }
        %while3A_91 = arith.constant 1 : i32
        %while3A_92:5 = scf.for %while3A_144 = %while3A_88 to %while3A_84 step %while3A_91 iter_args(%while3A_145 = %while3A_90#0, %while3A_146 = %while3A_90#1, %while3A_147 = %while3A_90#2, %while3A_148 = %while3A_90#3, %while3A_149 = %while3A_90#4) -> (i32, i32, i32, i32, i32)  : i32 {
          %mul3A_150 = arith.constant 1 : i32
          %mul3A_151 = arith.muli %mul3A_150, %select_n3A : i32
          %eq3A_152 = arith.constant 0 : i32
          %eq3A_153 = arith.cmpi eq, %while3A_144, %eq3A_152 : i32
          %sub3A_154 = arith.constant 1 : i32
          %sub3A_155 = arith.subi %mul3A_151, %sub3A_154 : i32
          %eq3A_156 = arith.cmpi eq, %while3A_144, %sub3A_155 : i32
          %add3A_157 = arith.addi %while3A_149, %select_n3A_14 : i32
          %sub3A_158 = arith.constant 1 : i32
          %sub3A_159 = arith.subi %while3A_149, %sub3A_158 : i32
          %select_n3A_160 = arith.constant true
          %select_n3A_161 = arith.select %select_n3A_160, %sub3A_159, %while3A_149 : i32
          %eq3A_162 = arith.constant -1 : i32
          %eq3A_163 = arith.cmpi eq, %select_n3A_161, %eq3A_162 : i32
          %sub3A_164 = arith.constant 1 : i32
          %sub3A_165 = arith.subi %select_n3A, %sub3A_164 : i32
          %select_n3A_166 = arith.select %eq3A_163, %sub3A_165, %select_n3A_161 : i32
          %add3A_167 = arith.addi %select_n3A_166, %select_n3A_14 : i32
          %add3A_168 = arith.constant 1 : i32
          %add3A_169 = arith.addi %while3A_149, %add3A_168 : i32
          %select_n3A_170 = arith.constant true
          %select_n3A_171 = arith.select %select_n3A_170, %add3A_169, %while3A_149 : i32
          %eq3A_172 = arith.cmpi eq, %select_n3A_171, %select_n3A : i32
          %select_n3A_173 = arith.constant 0 : i32
          %select_n3A_174 = arith.select %eq3A_172, %select_n3A_173, %select_n3A_171 : i32
          %add3A_175 = arith.addi %select_n3A_174, %select_n3A_14 : i32
          %add3A_176 = arith.constant 1 : i32
          %add3A_177 = arith.addi %select_n3A_174, %add3A_176 : i32
          %select_n3A_178 = arith.constant true
          %select_n3A_179 = arith.select %select_n3A_178, %add3A_177, %select_n3A_174 : i32
          %eq3A_180 = arith.cmpi eq, %select_n3A_179, %select_n3A : i32
          %select_n3A_181 = arith.constant 0 : i32
          %select_n3A_182 = arith.select %eq3A_180, %select_n3A_181, %select_n3A_179 : i32
          %add3A_183 = arith.addi %select_n3A_182, %select_n3A_14 : i32
          %add3A_184 = arith.constant 0 : i32
          %add3A_185 = arith.addi %add3A_184, %add3A_157 : i32
          %add3A_186 = arith.constant 0 : i32
          %add3A_187 = arith.addi %add3A_186, %add3A_175 : i32
          %ne3A = arith.cmpi ne, %add3A_185, %add3A_187 : i32
          %or3A = arith.constant false
          %or3A_188 = arith.ori %or3A, %ne3A : i1
          %sub3A_189 = arith.constant 2 : i32
          %sub3A_190 = arith.subi %mul3A_151, %sub3A_189 : i32
          %add3A_191 = arith.constant 1 : i32
          %add3A_192 = arith.addi %sub3A_190, %add3A_191 : i32
          %ge3A = arith.cmpi sge, %while3A_144, %add3A_192 : i32
          %not3A = arith.constant true
          %not3A_193 = arith.xori %ge3A, %not3A : i1
          %and3A = arith.andi %or3A_188, %not3A_193 : i1
          %convert_element_type3A_194 = arith.extui %and3A : i1 to i32
          %cond3A_195 = arith.constant 0 : i32
          %cond3A_196 = arith.cmpi ne, %convert_element_type3A_194, %cond3A_195 : i32
          scf.if %cond3A_196 {
            "tpu.trace_start"() <{level = 10 : i32, message = "ep_copy_in"}> : () -> ()
            %rem3A_316 = arith.constant 2 : i32
            %rem3A_317 = arith.remui %while3A_145, %rem3A_316 : i32
            %add3A_318 = arith.constant 0 : i32
            %add3A_319 = arith.addi %add3A_318, %add3A_175 : i32
            %mul3A_320 = arith.constant 256 : i32
            %mul3A_321 = arith.muli %mul3A_320, %add3A_319 : i32
            %dma_start3A_322 = arith.constant 0 : i32
            %dma_start3A_323 = arith.constant 0 : i32
            %dma_start3A_324 = tpu.memref_slice %run_scoped3A[%rem3A_317, %dma_start3A_322, %dma_start3A_323] : memref<2x1x256xi32, #tpu.memory_space<vmem>> -> memref<1x1x256xi32, #tpu.memory_space<vmem>>
            %dma_start3A_325 = tpu.memref_squeeze %dma_start3A_324 : memref<1x1x256xi32, #tpu.memory_space<vmem>> -> memref<1x256xi32, #tpu.memory_space<vmem>>
            %dma_start3A_326 = arith.constant 0 : i32
            %dma_start3A_327 = tpu.memref_slice %arg3[%dma_start3A_326, %mul3A_321] : memref<1x204800xi32, #tpu.memory_space<hbm>> -> memref<1x256xi32, #tpu.memory_space<hbm>>
            %dma_start3A_328 = tpu.memref_slice %run_scoped3A_17[%rem3A_317] : memref<2x!tpu.dma_semaphore, #tpu.memory_space<semaphore_mem>> -> memref<1x!tpu.dma_semaphore, #tpu.memory_space<semaphore_mem>>
            %dma_start3A_329 = tpu.memref_squeeze %dma_start3A_328 : memref<1x!tpu.dma_semaphore, #tpu.memory_space<semaphore_mem>> -> memref<!tpu.dma_semaphore, #tpu.memory_space<semaphore_mem>>
            %dma_start3A_330 = arith.constant 0 : i32
            %dma_start3A_331 = arith.constant 0 : i32
            %dma_start3A_332 = tpu.memref_slice %run_scoped3A[%rem3A_317, %dma_start3A_330, %dma_start3A_331] : memref<2x1x256xi32, #tpu.memory_space<vmem>> -> memref<1x1x256xi32, #tpu.memory_space<vmem>>
            %dma_start3A_333 = tpu.memref_squeeze %dma_start3A_332 : memref<1x1x256xi32, #tpu.memory_space<vmem>> -> memref<1x256xi32, #tpu.memory_space<vmem>>
            %dma_start3A_334 = arith.constant 0 : i32
            %dma_start3A_335 = tpu.memref_slice %arg3[%dma_start3A_334, %mul3A_321] : memref<1x204800xi32, #tpu.memory_space<hbm>> -> memref<1x256xi32, #tpu.memory_space<hbm>>
            tpu.enqueue_dma source(%dma_start3A_335 : memref<1x256xi32, #tpu.memory_space<hbm>>) target(%dma_start3A_333 : memref<1x256xi32, #tpu.memory_space<vmem>>) target_semaphore(%dma_start3A_329 : memref<!tpu.dma_semaphore, #tpu.memory_space<semaphore_mem>>)
            "tpu.trace_stop"() : () -> ()
          } else {
          }
          %and3A_197 = arith.constant true
          %and3A_198 = arith.andi %and3A, %and3A_197 : i1
          %add3A_199 = arith.constant 1 : i32
          %add3A_200 = arith.addi %while3A_145, %add3A_199 : i32
          %select_n3A_201 = arith.select %and3A_198, %add3A_200, %while3A_145 : i32
          %ne3A_202 = arith.cmpi ne, %add3A_157, %add3A_175 : i32
          %or3A_203 = arith.constant false
          %or3A_204 = arith.ori %or3A_203, %ne3A_202 : i1
          %or3A_205 = arith.constant false
          %or3A_206 = arith.ori %or3A_204, %or3A_205 : i1
          %sub3A_207 = arith.constant 2 : i32
          %sub3A_208 = arith.subi %mul3A_151, %sub3A_207 : i32
          %add3A_209 = arith.constant 1 : i32
          %add3A_210 = arith.addi %sub3A_208, %add3A_209 : i32
          %ge3A_211 = arith.cmpi sge, %while3A_144, %add3A_210 : i32
          %not3A_212 = arith.constant true
          %not3A_213 = arith.xori %ge3A_211, %not3A_212 : i1
          %and3A_214 = arith.andi %or3A_206, %not3A_213 : i1
          %add3A_215 = arith.constant 0 : i32
          %add3A_216 = arith.addi %add3A_215, %add3A_157 : i32
          %add3A_217 = arith.constant 0 : i32
          %add3A_218 = arith.addi %add3A_217, %add3A_167 : i32
          %ne3A_219 = arith.cmpi ne, %add3A_216, %add3A_218 : i32
          %or3A_220 = arith.constant false
          %or3A_221 = arith.ori %or3A_220, %ne3A_219 : i1
          %or3A_222 = arith.ori %or3A_221, %eq3A_153 : i1
          %convert_element_type3A_223 = arith.extui %or3A_222 : i1 to i32
          %cond3A_224 = arith.constant 0 : i32
          %cond3A_225 = arith.cmpi ne, %convert_element_type3A_223, %cond3A_224 : i32
          scf.if %cond3A_225 {
            "tpu.trace_start"() <{level = 10 : i32, message = "ep_wait_in"}> : () -> ()
            %add3A_316 = arith.constant 0 : i32
            %add3A_317 = arith.addi %add3A_316, %add3A_157 : i32
            %mul3A_318 = arith.constant 256 : i32
            %mul3A_319 = arith.muli %mul3A_318, %add3A_317 : i32
            %rem3A_320 = arith.constant 2 : i32
            %rem3A_321 = arith.remui %while3A_146, %rem3A_320 : i32
            %dma_wait3A = arith.constant 0 : i32
            %dma_wait3A_322 = arith.constant 0 : i32
            %dma_wait3A_323 = tpu.memref_slice %run_scoped3A[%rem3A_321, %dma_wait3A, %dma_wait3A_322] : memref<2x1x256xi32, #tpu.memory_space<vmem>> -> memref<1x1x256xi32, #tpu.memory_space<vmem>>
            %dma_wait3A_324 = tpu.memref_squeeze %dma_wait3A_323 : memref<1x1x256xi32, #tpu.memory_space<vmem>> -> memref<1x256xi32, #tpu.memory_space<vmem>>
            %dma_wait3A_325 = arith.constant 0 : i32
            %dma_wait3A_326 = tpu.memref_slice %arg3[%dma_wait3A_325, %mul3A_319] : memref<1x204800xi32, #tpu.memory_space<hbm>> -> memref<1x256xi32, #tpu.memory_space<hbm>>
            %dma_wait3A_327 = tpu.memref_slice %run_scoped3A_17[%rem3A_321] : memref<2x!tpu.dma_semaphore, #tpu.memory_space<semaphore_mem>> -> memref<1x!tpu.dma_semaphore, #tpu.memory_space<semaphore_mem>>
            %dma_wait3A_328 = tpu.memref_squeeze %dma_wait3A_327 : memref<1x!tpu.dma_semaphore, #tpu.memory_space<semaphore_mem>> -> memref<!tpu.dma_semaphore, #tpu.memory_space<semaphore_mem>>
            %dma_wait3A_329 = arith.constant 0 : i32
            %dma_wait3A_330 = arith.constant 0 : i32
            %dma_wait3A_331 = tpu.memref_slice %run_scoped3A[%rem3A_321, %dma_wait3A_329, %dma_wait3A_330] : memref<2x1x256xi32, #tpu.memory_space<vmem>> -> memref<1x1x256xi32, #tpu.memory_space<vmem>>
            %dma_wait3A_332 = tpu.memref_squeeze %dma_wait3A_331 : memref<1x1x256xi32, #tpu.memory_space<vmem>> -> memref<1x256xi32, #tpu.memory_space<vmem>>
            %dma_wait3A_333 = arith.constant 0 : i32
            %dma_wait3A_334 = tpu.memref_slice %arg3[%dma_wait3A_333, %mul3A_319] : memref<1x204800xi32, #tpu.memory_space<hbm>> -> memref<1x256xi32, #tpu.memory_space<hbm>>
            tpu.wait_dma2 semaphore(%dma_wait3A_328 : memref<!tpu.dma_semaphore, #tpu.memory_space<semaphore_mem>>) src(%dma_wait3A_334 : memref<1x256xi32, #tpu.memory_space<hbm>>) dst(%dma_wait3A_332 : memref<1x256xi32, #tpu.memory_space<vmem>>)
            "tpu.trace_stop"() : () -> ()
          } else {
          }
          %ne3A_226 = arith.cmpi ne, %add3A_157, %add3A_167 : i32
          %or3A_227 = arith.constant false
          %or3A_228 = arith.ori %or3A_227, %ne3A_226 : i1
          %or3A_229 = arith.constant false
          %or3A_230 = arith.ori %or3A_228, %or3A_229 : i1
          %or3A_231 = arith.ori %or3A_230, %eq3A_153 : i1
          %convert_element_type3A_232 = arith.extui %or3A_231 : i1 to i32
          %cond3A_233 = arith.constant 0 : i32
          %cond3A_234 = arith.cmpi ne, %convert_element_type3A_232, %cond3A_233 : i32
          scf.if %cond3A_234 {
          } else {
          }
          %rem3A_235 = arith.constant 2 : i32
          %rem3A_236 = arith.remui %while3A_146, %rem3A_235 : i32
          %rem3A_237 = arith.constant 2 : i32
          %rem3A_238 = arith.remui %while3A_147, %rem3A_237 : i32
          %run_scoped3A_239 = arith.constant 0 : i32
          "tpu.trace_start"() <{level = 10 : i32, message = "ep_run_kernel"}> : () -> ()
          "tpu.region"() ({
            %run_scoped3A_316 = tpu.sem_alloc : memref<!tpu.dma_semaphore, #tpu.memory_space<semaphore_mem>>
            %dma_start3A_317 = arith.constant 0 : i32
            %dma_start3A_318 = arith.constant 0 : i32
            %dma_start3A_319 = tpu.memref_slice %run_scoped3A_18[%rem3A_238, %dma_start3A_317, %dma_start3A_318] : memref<2x256x128xf32, #tpu.memory_space<vmem>> -> memref<1x256x128xf32, #tpu.memory_space<vmem>>
            %dma_start3A_320 = tpu.memref_squeeze %dma_start3A_319 : memref<1x256x128xf32, #tpu.memory_space<vmem>> -> memref<256x128xf32, #tpu.memory_space<vmem>>
            %dma_start3A_321 = arith.constant 0 : i32
            %dma_start3A_322 = arith.constant 0 : i32
            %dma_start3A_323 = tpu.memref_slice %run_scoped3A[%rem3A_236, %dma_start3A_321, %dma_start3A_322] : memref<2x1x256xi32, #tpu.memory_space<vmem>> -> memref<1x1x256xi32, #tpu.memory_space<vmem>>
            %dma_start3A_324 = tpu.memref_squeeze %dma_start3A_323 : memref<1x1x256xi32, #tpu.memory_space<vmem>> -> memref<1x256xi32, #tpu.memory_space<vmem>>
            %dma_start3A_325 = arith.constant 0 : i32
            %dma_start3A_326 = tpu.memref_slice %dma_start3A_324[%run_scoped3A_239, %dma_start3A_325] : memref<1x256xi32, #tpu.memory_space<vmem>> -> memref<1x256xi32, #tpu.memory_space<vmem>>
            %dma_start3A_327 = tpu.memref_squeeze %dma_start3A_326 : memref<1x256xi32, #tpu.memory_space<vmem>> -> memref<256xi32, #tpu.memory_space<vmem>>
            %dma_start3A_328 = arith.constant 0 : i32
            %dma_start3A_329 = arith.constant 0 : i32
            %dma_start3A_330 = tpu.memref_slice %arg2[%dma_start3A_328, %dma_start3A_329] : memref<100001x128xf32, #tpu.memory_space<hbm>> -> memref<100001x128xf32, #tpu.memory_space<hbm>>
            tpu.enqueue_indirect_dma source(%dma_start3A_330 : memref<100001x128xf32, #tpu.memory_space<hbm>>) target(%dma_start3A_320 : memref<256x128xf32, #tpu.memory_space<vmem>>) offsets(%dma_start3A_327 : memref<256xi32, #tpu.memory_space<vmem>>) semaphore(%run_scoped3A_316 : memref<!tpu.dma_semaphore, #tpu.memory_space<semaphore_mem>>)
            %dma_wait3A = arith.constant 0 : i32
            %dma_wait3A_331 = arith.constant 0 : i32
            %dma_wait3A_332 = tpu.memref_slice %run_scoped3A_18[%rem3A_238, %dma_wait3A, %dma_wait3A_331] : memref<2x256x128xf32, #tpu.memory_space<vmem>> -> memref<1x256x128xf32, #tpu.memory_space<vmem>>
            %dma_wait3A_333 = tpu.memref_squeeze %dma_wait3A_332 : memref<1x256x128xf32, #tpu.memory_space<vmem>> -> memref<256x128xf32, #tpu.memory_space<vmem>>
            %dma_wait3A_334 = arith.constant 0 : i32
            %dma_wait3A_335 = arith.constant 0 : i32
            %dma_wait3A_336 = tpu.memref_slice %run_scoped3A[%rem3A_236, %dma_wait3A_334, %dma_wait3A_335] : memref<2x1x256xi32, #tpu.memory_space<vmem>> -> memref<1x1x256xi32, #tpu.memory_space<vmem>>
            %dma_wait3A_337 = tpu.memref_squeeze %dma_wait3A_336 : memref<1x1x256xi32, #tpu.memory_space<vmem>> -> memref<1x256xi32, #tpu.memory_space<vmem>>
            %dma_wait3A_338 = arith.constant 0 : i32
            %dma_wait3A_339 = tpu.memref_slice %dma_wait3A_337[%run_scoped3A_239, %dma_wait3A_338] : memref<1x256xi32, #tpu.memory_space<vmem>> -> memref<1x256xi32, #tpu.memory_space<vmem>>
            %dma_wait3A_340 = tpu.memref_squeeze %dma_wait3A_339 : memref<1x256xi32, #tpu.memory_space<vmem>> -> memref<256xi32, #tpu.memory_space<vmem>>
            %dma_wait3A_341 = arith.constant 0 : i32
            %dma_wait3A_342 = arith.constant 0 : i32
            %dma_wait3A_343 = tpu.memref_slice %arg2[%dma_wait3A_341, %dma_wait3A_342] : memref<100001x128xf32, #tpu.memory_space<hbm>> -> memref<100001x128xf32, #tpu.memory_space<hbm>>
            tpu.wait_indirect_dma semaphore(%run_scoped3A_316 : memref<!tpu.dma_semaphore, #tpu.memory_space<semaphore_mem>>) src(%dma_wait3A_343 : memref<100001x128xf32, #tpu.memory_space<hbm>>) dst(%dma_wait3A_333 : memref<256x128xf32, #tpu.memory_space<vmem>>)
            tpu.yield
          }) : () -> ()
          "tpu.trace_stop"() : () -> ()
          %add3A_240 = arith.constant 0 : i32
          %add3A_241 = arith.addi %add3A_240, %add3A_157 : i32
          %add3A_242 = arith.constant 0 : i32
          %add3A_243 = arith.addi %add3A_242, %add3A_175 : i32
          %ne3A_244 = arith.cmpi ne, %add3A_241, %add3A_243 : i32
          %or3A_245 = arith.constant false
          %or3A_246 = arith.ori %or3A_245, %ne3A_244 : i1
          %or3A_247 = arith.ori %or3A_246, %eq3A_156 : i1
          %convert_element_type3A_248 = arith.extui %or3A_247 : i1 to i32
          %cond3A_249 = arith.constant 0 : i32
          %cond3A_250 = arith.cmpi ne, %convert_element_type3A_248, %cond3A_249 : i32
          scf.if %cond3A_250 {
          } else {
          }
          %and3A_251 = arith.constant false
          %and3A_252 = arith.andi %or3A_247, %and3A_251 : i1
          %ne3A_253 = arith.cmpi ne, %add3A_157, %add3A_175 : i32
          %or3A_254 = arith.constant false
          %or3A_255 = arith.ori %or3A_254, %ne3A_253 : i1
          %or3A_256 = arith.constant false
          %or3A_257 = arith.ori %or3A_255, %or3A_256 : i1
          %or3A_258 = arith.ori %or3A_257, %eq3A_156 : i1
          %convert_element_type3A_259 = arith.extui %or3A_258 : i1 to i32
          %cond3A_260 = arith.constant 0 : i32
          %cond3A_261 = arith.cmpi ne, %convert_element_type3A_259, %cond3A_260 : i32
          scf.if %cond3A_261 {
            "tpu.trace_start"() <{level = 10 : i32, message = "ep_copy_out"}> : () -> ()
            %rem3A_316 = arith.constant 2 : i32
            %rem3A_317 = arith.remui %while3A_147, %rem3A_316 : i32
            %mul3A_318 = arith.constant 256 : i32
            %mul3A_319 = arith.muli %mul3A_318, %add3A_157 : i32
            %dma_start3A_320 = arith.constant 0 : i32
            %dma_start3A_321 = arith.constant 0 : i32
            %dma_start3A_322 = tpu.memref_slice %run_scoped3A_18[%rem3A_317, %dma_start3A_320, %dma_start3A_321] : memref<2x256x128xf32, #tpu.memory_space<vmem>> -> memref<1x256x128xf32, #tpu.memory_space<vmem>>
            %dma_start3A_323 = tpu.memref_squeeze %dma_start3A_322 : memref<1x256x128xf32, #tpu.memory_space<vmem>> -> memref<256x128xf32, #tpu.memory_space<vmem>>
            %dma_start3A_324 = arith.constant 0 : i32
            %dma_start3A_325 = tpu.memref_slice %arg4[%mul3A_319, %dma_start3A_324] : memref<51200x128xf32, #tpu.memory_space<hbm>> -> memref<256x128xf32, #tpu.memory_space<hbm>>
            %dma_start3A_326 = tpu.memref_slice %run_scoped3A_19[%rem3A_317] : memref<2x!tpu.dma_semaphore, #tpu.memory_space<semaphore_mem>> -> memref<1x!tpu.dma_semaphore, #tpu.memory_space<semaphore_mem>>
            %dma_start3A_327 = tpu.memref_squeeze %dma_start3A_326 : memref<1x!tpu.dma_semaphore, #tpu.memory_space<semaphore_mem>> -> memref<!tpu.dma_semaphore, #tpu.memory_space<semaphore_mem>>
            %dma_start3A_328 = arith.constant 0 : i32
            %dma_start3A_329 = tpu.memref_slice %arg4[%mul3A_319, %dma_start3A_328] : memref<51200x128xf32, #tpu.memory_space<hbm>> -> memref<256x128xf32, #tpu.memory_space<hbm>>
            %dma_start3A_330 = arith.constant 0 : i32
            %dma_start3A_331 = arith.constant 0 : i32
            %dma_start3A_332 = tpu.memref_slice %run_scoped3A_18[%rem3A_317, %dma_start3A_330, %dma_start3A_331] : memref<2x256x128xf32, #tpu.memory_space<vmem>> -> memref<1x256x128xf32, #tpu.memory_space<vmem>>
            %dma_start3A_333 = tpu.memref_squeeze %dma_start3A_332 : memref<1x256x128xf32, #tpu.memory_space<vmem>> -> memref<256x128xf32, #tpu.memory_space<vmem>>
            tpu.enqueue_dma source(%dma_start3A_333 : memref<256x128xf32, #tpu.memory_space<vmem>>) target(%dma_start3A_329 : memref<256x128xf32, #tpu.memory_space<hbm>>) target_semaphore(%dma_start3A_327 : memref<!tpu.dma_semaphore, #tpu.memory_space<semaphore_mem>>)
            "tpu.trace_stop"() : () -> ()
          } else {
          }
          %and3A_262 = arith.constant true
          %and3A_263 = arith.andi %or3A_258, %and3A_262 : i1
          %add3A_264 = arith.constant 1 : i32
          %add3A_265 = arith.addi %while3A_147, %add3A_264 : i32
          %select_n3A_266 = arith.select %and3A_263, %add3A_265, %while3A_147 : i32
          %add3A_267 = arith.constant 0 : i32
          %add3A_268 = arith.addi %add3A_267, %add3A_157 : i32
          %add3A_269 = arith.constant 0 : i32
          %add3A_270 = arith.addi %add3A_269, %add3A_167 : i32
          %ne3A_271 = arith.cmpi ne, %add3A_268, %add3A_270 : i32
          %or3A_272 = arith.constant false
          %or3A_273 = arith.ori %or3A_272, %ne3A_271 : i1
          %not3A_274 = arith.constant true
          %not3A_275 = arith.xori %eq3A_153, %not3A_274 : i1
          %and3A_276 = arith.andi %or3A_273, %not3A_275 : i1
          %convert_element_type3A_277 = arith.extui %and3A_276 : i1 to i32
          %cond3A_278 = arith.constant 0 : i32
          %cond3A_279 = arith.cmpi ne, %convert_element_type3A_277, %cond3A_278 : i32
          scf.if %cond3A_279 {
          } else {
          }
          %and3A_280 = arith.constant false
          %and3A_281 = arith.andi %and3A_276, %and3A_280 : i1
          %ne3A_282 = arith.cmpi ne, %add3A_157, %add3A_167 : i32
          %or3A_283 = arith.constant false
          %or3A_284 = arith.ori %or3A_283, %ne3A_282 : i1
          %or3A_285 = arith.constant false
          %or3A_286 = arith.ori %or3A_284, %or3A_285 : i1
          %not3A_287 = arith.constant true
          %not3A_288 = arith.xori %eq3A_153, %not3A_287 : i1
          %and3A_289 = arith.andi %or3A_286, %not3A_288 : i1
          %convert_element_type3A_290 = arith.extui %and3A_289 : i1 to i32
          %cond3A_291 = arith.constant 0 : i32
          %cond3A_292 = arith.cmpi ne, %convert_element_type3A_290, %cond3A_291 : i32
          scf.if %cond3A_292 {
            "tpu.trace_start"() <{level = 10 : i32, message = "ep_wait_out"}> : () -> ()
            %rem3A_316 = arith.constant 2 : i32
            %rem3A_317 = arith.remui %while3A_148, %rem3A_316 : i32
            %mul3A_318 = arith.constant 256 : i32
            %mul3A_319 = arith.muli %mul3A_318, %add3A_167 : i32
            %dma_wait3A = arith.constant 0 : i32
            %dma_wait3A_320 = arith.constant 0 : i32
            %dma_wait3A_321 = tpu.memref_slice %run_scoped3A_18[%rem3A_317, %dma_wait3A, %dma_wait3A_320] : memref<2x256x128xf32, #tpu.memory_space<vmem>> -> memref<1x256x128xf32, #tpu.memory_space<vmem>>
            %dma_wait3A_322 = tpu.memref_squeeze %dma_wait3A_321 : memref<1x256x128xf32, #tpu.memory_space<vmem>> -> memref<256x128xf32, #tpu.memory_space<vmem>>
            %dma_wait3A_323 = arith.constant 0 : i32
            %dma_wait3A_324 = tpu.memref_slice %arg4[%mul3A_319, %dma_wait3A_323] : memref<51200x128xf32, #tpu.memory_space<hbm>> -> memref<256x128xf32, #tpu.memory_space<hbm>>
            %dma_wait3A_325 = tpu.memref_slice %run_scoped3A_19[%rem3A_317] : memref<2x!tpu.dma_semaphore, #tpu.memory_space<semaphore_mem>> -> memref<1x!tpu.dma_semaphore, #tpu.memory_space<semaphore_mem>>
            %dma_wait3A_326 = tpu.memref_squeeze %dma_wait3A_325 : memref<1x!tpu.dma_semaphore, #tpu.memory_space<semaphore_mem>> -> memref<!tpu.dma_semaphore, #tpu.memory_space<semaphore_mem>>
            %dma_wait3A_327 = arith.constant 0 : i32
            %dma_wait3A_328 = tpu.memref_slice %arg4[%mul3A_319, %dma_wait3A_327] : memref<51200x128xf32, #tpu.memory_space<hbm>> -> memref<256x128xf32, #tpu.memory_space<hbm>>
            %dma_wait3A_329 = arith.constant 0 : i32
            %dma_wait3A_330 = arith.constant 0 : i32
            %dma_wait3A_331 = tpu.memref_slice %run_scoped3A_18[%rem3A_317, %dma_wait3A_329, %dma_wait3A_330] : memref<2x256x128xf32, #tpu.memory_space<vmem>> -> memref<1x256x128xf32, #tpu.memory_space<vmem>>
            %dma_wait3A_332 = tpu.memref_squeeze %dma_wait3A_331 : memref<1x256x128xf32, #tpu.memory_space<vmem>> -> memref<256x128xf32, #tpu.memory_space<vmem>>
            tpu.wait_dma2 semaphore(%dma_wait3A_326 : memref<!tpu.dma_semaphore, #tpu.memory_space<semaphore_mem>>) src(%dma_wait3A_332 : memref<256x128xf32, #tpu.memory_space<vmem>>) dst(%dma_wait3A_328 : memref<256x128xf32, #tpu.memory_space<hbm>>)
            "tpu.trace_stop"() : () -> ()
          } else {
          }
          %and3A_293 = arith.constant true
          %and3A_294 = arith.andi %and3A_289, %and3A_293 : i1
          %add3A_295 = arith.constant 1 : i32
          %add3A_296 = arith.addi %while3A_148, %add3A_295 : i32
          %select_n3A_297 = arith.select %and3A_294, %add3A_296, %while3A_148 : i32
          %add3A_298 = arith.constant 0 : i32
          %add3A_299 = arith.addi %add3A_298, %add3A_157 : i32
          %add3A_300 = arith.constant 0 : i32
          %add3A_301 = arith.addi %add3A_300, %add3A_175 : i32
          %ne3A_302 = arith.cmpi ne, %add3A_299, %add3A_301 : i32
          %or3A_303 = arith.constant false
          %or3A_304 = arith.ori %or3A_303, %ne3A_302 : i1
          %or3A_305 = arith.ori %or3A_304, %eq3A_156 : i1
          %add3A_306 = arith.constant 1 : i32
          %add3A_307 = arith.addi %while3A_146, %add3A_306 : i32
          %select_n3A_308 = arith.select %or3A_305, %add3A_307, %while3A_146 : i32
          %add3A_309 = arith.constant 1 : i32
          %add3A_310 = arith.addi %while3A_149, %add3A_309 : i32
          %select_n3A_311 = arith.constant true
          %select_n3A_312 = arith.select %select_n3A_311, %add3A_310, %while3A_149 : i32
          %eq3A_313 = arith.cmpi eq, %select_n3A_312, %select_n3A : i32
          %select_n3A_314 = arith.constant 0 : i32
          %select_n3A_315 = arith.select %eq3A_313, %select_n3A_314, %select_n3A_312 : i32
          scf.yield %select_n3A_201, %select_n3A_308, %select_n3A_266, %select_n3A_297, %select_n3A_315 : i32, i32, i32, i32, i32
        }
        %sub3A_93 = arith.constant 1 : i32
        %sub3A_94 = arith.subi %while3A_92#4, %sub3A_93 : i32
        %select_n3A_95 = arith.constant true
        %select_n3A_96 = arith.select %select_n3A_95, %sub3A_94, %while3A_92#4 : i32
        %eq3A_97 = arith.constant -1 : i32
        %eq3A_98 = arith.cmpi eq, %select_n3A_96, %eq3A_97 : i32
        %sub3A_99 = arith.constant 1 : i32
        %sub3A_100 = arith.subi %select_n3A, %sub3A_99 : i32
        %select_n3A_101 = arith.select %eq3A_98, %sub3A_100, %select_n3A_96 : i32
        %sub3A_102 = arith.constant 1 : i32
        %sub3A_103 = arith.subi %mul3A_16, %sub3A_102 : i32
        %mul3A_104 = arith.constant 1 : i32
        %mul3A_105 = arith.muli %mul3A_104, %select_n3A : i32
        %eq3A_106 = arith.constant 0 : i32
        %eq3A_107 = arith.cmpi eq, %sub3A_103, %eq3A_106 : i32
        %sub3A_108 = arith.constant 1 : i32
        %sub3A_109 = arith.subi %mul3A_105, %sub3A_108 : i32
        %eq3A_110 = arith.cmpi eq, %sub3A_103, %sub3A_109 : i32
        %add3A_111 = arith.addi %select_n3A_101, %select_n3A_14 : i32
        %sub3A_112 = arith.constant 1 : i32
        %sub3A_113 = arith.subi %select_n3A_101, %sub3A_112 : i32
        %select_n3A_114 = arith.constant true
        %select_n3A_115 = arith.select %select_n3A_114, %sub3A_113, %select_n3A_101 : i32
        %eq3A_116 = arith.constant -1 : i32
        %eq3A_117 = arith.cmpi eq, %select_n3A_115, %eq3A_116 : i32
        %sub3A_118 = arith.constant 1 : i32
        %sub3A_119 = arith.subi %select_n3A, %sub3A_118 : i32
        %select_n3A_120 = arith.select %eq3A_117, %sub3A_119, %select_n3A_115 : i32
        %add3A_121 = arith.addi %select_n3A_120, %select_n3A_14 : i32
        %add3A_122 = arith.constant 1 : i32
        %add3A_123 = arith.addi %select_n3A_101, %add3A_122 : i32
        %select_n3A_124 = arith.constant true
        %select_n3A_125 = arith.select %select_n3A_124, %add3A_123, %select_n3A_101 : i32
        %eq3A_126 = arith.cmpi eq, %select_n3A_125, %select_n3A : i32
        %select_n3A_127 = arith.constant 0 : i32
        %select_n3A_128 = arith.select %eq3A_126, %select_n3A_127, %select_n3A_125 : i32
        %add3A_129 = arith.addi %select_n3A_128, %select_n3A_14 : i32
        %add3A_130 = arith.constant 1 : i32
        %add3A_131 = arith.addi %select_n3A_128, %add3A_130 : i32
        %select_n3A_132 = arith.constant true
        %select_n3A_133 = arith.select %select_n3A_132, %add3A_131, %select_n3A_128 : i32
        %eq3A_134 = arith.cmpi eq, %select_n3A_133, %select_n3A : i32
        %select_n3A_135 = arith.constant 0 : i32
        %select_n3A_136 = arith.select %eq3A_134, %select_n3A_135, %select_n3A_133 : i32
        %add3A_137 = arith.addi %select_n3A_136, %select_n3A_14 : i32
        %convert_element_type3A_138 = arith.extui %eq3A_110 : i1 to i32
        %cond3A_139 = arith.constant 0 : i32
        %cond3A_140 = arith.cmpi ne, %convert_element_type3A_138, %cond3A_139 : i32
        scf.if %cond3A_140 {
        } else {
        }
        %convert_element_type3A_141 = arith.extui %eq3A_110 : i1 to i32
        %cond3A_142 = arith.constant 0 : i32
        %cond3A_143 = arith.cmpi ne, %convert_element_type3A_141, %cond3A_142 : i32
        scf.if %cond3A_143 {
          "tpu.trace_start"() <{level = 10 : i32, message = "ep_finalize"}> : () -> ()
          %rem3A_144 = arith.constant 2 : i32
          %rem3A_145 = arith.remui %while3A_92#3, %rem3A_144 : i32
          %mul3A_146 = arith.constant 256 : i32
          %mul3A_147 = arith.muli %mul3A_146, %add3A_111 : i32
          %dma_wait3A = arith.constant 0 : i32
          %dma_wait3A_148 = arith.constant 0 : i32
          %dma_wait3A_149 = tpu.memref_slice %run_scoped3A_18[%rem3A_145, %dma_wait3A, %dma_wait3A_148] : memref<2x256x128xf32, #tpu.memory_space<vmem>> -> memref<1x256x128xf32, #tpu.memory_space<vmem>>
          %dma_wait3A_150 = tpu.memref_squeeze %dma_wait3A_149 : memref<1x256x128xf32, #tpu.memory_space<vmem>> -> memref<256x128xf32, #tpu.memory_space<vmem>>
          %dma_wait3A_151 = arith.constant 0 : i32
          %dma_wait3A_152 = tpu.memref_slice %arg4[%mul3A_147, %dma_wait3A_151] : memref<51200x128xf32, #tpu.memory_space<hbm>> -> memref<256x128xf32, #tpu.memory_space<hbm>>
          %dma_wait3A_153 = tpu.memref_slice %run_scoped3A_19[%rem3A_145] : memref<2x!tpu.dma_semaphore, #tpu.memory_space<semaphore_mem>> -> memref<1x!tpu.dma_semaphore, #tpu.memory_space<semaphore_mem>>
          %dma_wait3A_154 = tpu.memref_squeeze %dma_wait3A_153 : memref<1x!tpu.dma_semaphore, #tpu.memory_space<semaphore_mem>> -> memref<!tpu.dma_semaphore, #tpu.memory_space<semaphore_mem>>
          %dma_wait3A_155 = arith.constant 0 : i32
          %dma_wait3A_156 = tpu.memref_slice %arg4[%mul3A_147, %dma_wait3A_155] : memref<51200x128xf32, #tpu.memory_space<hbm>> -> memref<256x128xf32, #tpu.memory_space<hbm>>
          %dma_wait3A_157 = arith.constant 0 : i32
          %dma_wait3A_158 = arith.constant 0 : i32
          %dma_wait3A_159 = tpu.memref_slice %run_scoped3A_18[%rem3A_145, %dma_wait3A_157, %dma_wait3A_158] : memref<2x256x128xf32, #tpu.memory_space<vmem>> -> memref<1x256x128xf32, #tpu.memory_space<vmem>>
          %dma_wait3A_160 = tpu.memref_squeeze %dma_wait3A_159 : memref<1x256x128xf32, #tpu.memory_space<vmem>> -> memref<256x128xf32, #tpu.memory_space<vmem>>
          tpu.wait_dma2 semaphore(%dma_wait3A_154 : memref<!tpu.dma_semaphore, #tpu.memory_space<semaphore_mem>>) src(%dma_wait3A_160 : memref<256x128xf32, #tpu.memory_space<vmem>>) dst(%dma_wait3A_156 : memref<256x128xf32, #tpu.memory_space<hbm>>)
          "tpu.trace_stop"() : () -> ()
        } else {
        }
      } else {
      }
      tpu.yield
    }) : () -> ()
    return
  }
}

module attributes {stable_mosaic.version = 14 : i64} {
  func.func @_matmul_relu_block_aliased(%arg0: i32, %arg1: memref<10240x128xf32, #tpu.memory_space<vmem>>, %arg2: memref<128x256xf32, #tpu.memory_space<vmem>>, %arg3: memref<1x256xf32, #tpu.memory_space<vmem>>, %arg4: memref<204800x256xf32, #tpu.memory_space<hbm>>, %arg5: memref<10240x256xf32, #tpu.memory_space<vmem>>) attributes {dimension_semantics = [#tpu.dimension_semantics<arbitrary>], iteration_bounds = array<i64: 5>, scalar_prefetch = 0 : i64, scratch_operands = 0 : i64, tpu.core_type = #tpu.core_type<tc>, window_params = [{transform_indices = @transform_0, window_bounds = array<i64: 10240, 128>}, {pipeline_mode = #tpu.pipeline_mode<synchronous>, transform_indices = @transform_1, window_bounds = array<i64: 128, 256>}, {pipeline_mode = #tpu.pipeline_mode<synchronous>, transform_indices = @transform_2, window_bounds = array<i64: 1, 256>}, {}, {transform_indices = @transform_4, window_bounds = array<i64: 10240, 256>}]} {
    %get3A = arith.constant 0 : index
    %get3A_0 = arith.constant 0 : index
    %get3A_1 = vector.load %arg1[%get3A, %get3A_0] : memref<10240x128xf32, #tpu.memory_space<vmem>>, vector<10240x128xf32>
    %get3A_2 = arith.constant 0 : index
    %get3A_3 = arith.constant 0 : index
    %get3A_4 = vector.load %arg2[%get3A_2, %get3A_3] : memref<128x256xf32, #tpu.memory_space<vmem>>, vector<128x256xf32>
    %dot_general3A = arith.constant dense<0.000000e+00> : vector<10240x256xf32>
    %dot_general3A_5 = tpu.matmul %get3A_1, %get3A_4, %dot_general3A {dimension_numbers = #tpu.dot_dimension_numbers<[1], [0], [0], [1], [0, 0, 1, 1], [], []>, transpose_lhs_hint = false} : vector<10240x128xf32>, vector<128x256xf32>, vector<10240x256xf32> -> vector<10240x256xf32>
    %get3A_6 = arith.constant 0 : index
    %get3A_7 = arith.constant 0 : index
    %get3A_8 = vector.load %arg3[%get3A_6, %get3A_7] : memref<1x256xf32, #tpu.memory_space<vmem>>, vector<1x256xf32>
    %add3A = vector.broadcast %get3A_8 : vector<1x256xf32> to vector<10240x256xf32>
    %add3A_9 = arith.addf %dot_general3A_5, %add3A : vector<10240x256xf32>
    %max3A = arith.constant 0.000000e+00 : f32
    %max3A_10 = vector.broadcast %max3A : f32 to vector<10240x256xf32>
    %max3A_11 = arith.maximumf %add3A_9, %max3A_10 : vector<10240x256xf32>
    %swap3A = arith.constant 0 : index
    %swap3A_12 = arith.constant 0 : index
    %swap3A_13 = vector.load %arg5[%swap3A, %swap3A_12] : memref<10240x256xf32, #tpu.memory_space<vmem>>, vector<10240x256xf32>
    tpu.vector_store %arg5[%swap3A, %swap3A_12], %max3A_11 {strides = array<i32>} : memref<10240x256xf32, #tpu.memory_space<vmem>>, vector<10240x256xf32>,
    return
  }
  func.func @transform_0(%arg0: i32) -> (i32, i32) {
    %c0_i32 = arith.constant 0 : i32
    %c0_i32_0 = arith.constant 0 : i32
    return %arg0, %c0_i32 : i32, i32
  }
  func.func @transform_1(%arg0: i32) -> (i32, i32) {
    %c0_i32 = arith.constant 0 : i32
    %c0_i32_0 = arith.constant 0 : i32
    %c0_i32_1 = arith.constant 0 : i32
    return %c0_i32, %c0_i32_0 : i32, i32
  }
  func.func @transform_2(%arg0: i32) -> (i32, i32) {
    %c0_i32 = arith.constant 0 : i32
    %c0_i32_0 = arith.constant 0 : i32
    %c0_i32_1 = arith.constant 0 : i32
    return %c0_i32, %c0_i32_0 : i32, i32
  }
  func.func @transform_4(%arg0: i32) -> (i32, i32) {
    %add3A = arith.constant 10 : i32
    %add3A_0 = arith.addi %add3A, %arg0 : i32
    %c0_i32 = arith.constant 0 : i32
    %c0_i32_1 = arith.constant 0 : i32
    return %add3A_0, %c0_i32 : i32, i32
  }
}

module attributes {stable_mosaic.version = 14 : i64} {
  func.func @_matmul_relu_block_aliased(%arg0: i32, %arg1: memref<10240x128xf32, #tpu.memory_space<vmem>>, %arg2: memref<128x256xf32, #tpu.memory_space<vmem>>, %arg3: memref<1x256xf32, #tpu.memory_space<vmem>>, %arg4: memref<204800x256xf32, #tpu.memory_space<hbm>>, %arg5: memref<10240x256xf32, #tpu.memory_space<vmem>>) attributes {dimension_semantics = [#tpu.dimension_semantics<arbitrary>], iteration_bounds = array<i64: 5>, scalar_prefetch = 0 : i64, scratch_operands = 0 : i64, tpu.core_type = #tpu.core_type<tc>, window_params = [{transform_indices = @transform_0, window_bounds = array<i64: 10240, 128>}, {pipeline_mode = #tpu.pipeline_mode<synchronous>, transform_indices = @transform_1, window_bounds = array<i64: 128, 256>}, {pipeline_mode = #tpu.pipeline_mode<synchronous>, transform_indices = @transform_2, window_bounds = array<i64: 1, 256>}, {}, {transform_indices = @transform_4, window_bounds = array<i64: 10240, 256>}]} {
    %get3A = arith.constant 0 : index
    %get3A_0 = arith.constant 0 : index
    %get3A_1 = vector.load %arg1[%get3A, %get3A_0] : memref<10240x128xf32, #tpu.memory_space<vmem>>, vector<10240x128xf32>
    %get3A_2 = arith.constant 0 : index
    %get3A_3 = arith.constant 0 : index
    %get3A_4 = vector.load %arg2[%get3A_2, %get3A_3] : memref<128x256xf32, #tpu.memory_space<vmem>>, vector<128x256xf32>
    %dot_general3A = arith.constant dense<0.000000e+00> : vector<10240x256xf32>
    %dot_general3A_5 = tpu.matmul %get3A_1, %get3A_4, %dot_general3A {dimension_numbers = #tpu.dot_dimension_numbers<[1], [0], [0], [1], [0, 0, 1, 1], [], []>, transpose_lhs_hint = false} : vector<10240x128xf32>, vector<128x256xf32>, vector<10240x256xf32> -> vector<10240x256xf32>
    %get3A_6 = arith.constant 0 : index
    %get3A_7 = arith.constant 0 : index
    %get3A_8 = vector.load %arg3[%get3A_6, %get3A_7] : memref<1x256xf32, #tpu.memory_space<vmem>>, vector<1x256xf32>
    %add3A = vector.broadcast %get3A_8 : vector<1x256xf32> to vector<10240x256xf32>
    %add3A_9 = arith.addf %dot_general3A_5, %add3A : vector<10240x256xf32>
    %max3A = arith.constant 0.000000e+00 : f32
    %max3A_10 = vector.broadcast %max3A : f32 to vector<10240x256xf32>
    %max3A_11 = arith.maximumf %add3A_9, %max3A_10 : vector<10240x256xf32>
    %swap3A = arith.constant 0 : index
    %swap3A_12 = arith.constant 0 : index
    %swap3A_13 = vector.load %arg5[%swap3A, %swap3A_12] : memref<10240x256xf32, #tpu.memory_space<vmem>>, vector<10240x256xf32>
    tpu.vector_store %arg5[%swap3A, %swap3A_12], %max3A_11 {strides = array<i32>} : memref<10240x256xf32, #tpu.memory_space<vmem>>, vector<10240x256xf32>,
    return
  }
  func.func @transform_0(%arg0: i32) -> (i32, i32) {
    %c0_i32 = arith.constant 0 : i32
    %c0_i32_0 = arith.constant 0 : i32
    return %arg0, %c0_i32 : i32, i32
  }
  func.func @transform_1(%arg0: i32) -> (i32, i32) {
    %c0_i32 = arith.constant 0 : i32
    %c0_i32_0 = arith.constant 0 : i32
    %c0_i32_1 = arith.constant 0 : i32
    return %c0_i32, %c0_i32_0 : i32, i32
  }
  func.func @transform_2(%arg0: i32) -> (i32, i32) {
    %c0_i32 = arith.constant 0 : i32
    %c0_i32_0 = arith.constant 0 : i32
    %c0_i32_1 = arith.constant 0 : i32
    return %c0_i32, %c0_i32_0 : i32, i32
  }
  func.func @transform_4(%arg0: i32) -> (i32, i32) {
    %add3A = arith.constant 5 : i32
    %add3A_0 = arith.addi %add3A, %arg0 : i32
    %c0_i32 = arith.constant 0 : i32
    %c0_i32_1 = arith.constant 0 : i32
    return %add3A_0, %c0_i32 : i32, i32
  }
}

module attributes {stable_mosaic.version = 14 : i64} {
  func.func @_matmul_relu_block(%arg0: i32, %arg1: memref<10240x128xf32, #tpu.memory_space<vmem>>, %arg2: memref<128x256xf32, #tpu.memory_space<vmem>>, %arg3: memref<1x256xf32, #tpu.memory_space<vmem>>, %arg4: memref<10240x256xf32, #tpu.memory_space<vmem>>) attributes {dimension_semantics = [#tpu.dimension_semantics<arbitrary>], iteration_bounds = array<i64: 5>, scalar_prefetch = 0 : i64, scratch_operands = 0 : i64, tpu.core_type = #tpu.core_type<tc>, window_params = [{transform_indices = @transform_0, window_bounds = array<i64: 10240, 128>}, {pipeline_mode = #tpu.pipeline_mode<synchronous>, transform_indices = @transform_1, window_bounds = array<i64: 128, 256>}, {pipeline_mode = #tpu.pipeline_mode<synchronous>, transform_indices = @transform_2, window_bounds = array<i64: 1, 256>}, {transform_indices = @transform_3, window_bounds = array<i64: 10240, 256>}]} {
    %get3A = arith.constant 0 : index
    %get3A_0 = arith.constant 0 : index
    %get3A_1 = vector.load %arg1[%get3A, %get3A_0] : memref<10240x128xf32, #tpu.memory_space<vmem>>, vector<10240x128xf32>
    %get3A_2 = arith.constant 0 : index
    %get3A_3 = arith.constant 0 : index
    %get3A_4 = vector.load %arg2[%get3A_2, %get3A_3] : memref<128x256xf32, #tpu.memory_space<vmem>>, vector<128x256xf32>
    %dot_general3A = arith.constant dense<0.000000e+00> : vector<10240x256xf32>
    %dot_general3A_5 = tpu.matmul %get3A_1, %get3A_4, %dot_general3A {dimension_numbers = #tpu.dot_dimension_numbers<[1], [0], [0], [1], [0, 0, 1, 1], [], []>, transpose_lhs_hint = false} : vector<10240x128xf32>, vector<128x256xf32>, vector<10240x256xf32> -> vector<10240x256xf32>
    %get3A_6 = arith.constant 0 : index
    %get3A_7 = arith.constant 0 : index
    %get3A_8 = vector.load %arg3[%get3A_6, %get3A_7] : memref<1x256xf32, #tpu.memory_space<vmem>>, vector<1x256xf32>
    %add3A = vector.broadcast %get3A_8 : vector<1x256xf32> to vector<10240x256xf32>
    %add3A_9 = arith.addf %dot_general3A_5, %add3A : vector<10240x256xf32>
    %max3A = arith.constant 0.000000e+00 : f32
    %max3A_10 = vector.broadcast %max3A : f32 to vector<10240x256xf32>
    %max3A_11 = arith.maximumf %add3A_9, %max3A_10 : vector<10240x256xf32>
    %swap3A = arith.constant 0 : index
    %swap3A_12 = arith.constant 0 : index
    %swap3A_13 = vector.load %arg4[%swap3A, %swap3A_12] : memref<10240x256xf32, #tpu.memory_space<vmem>>, vector<10240x256xf32>
    tpu.vector_store %arg4[%swap3A, %swap3A_12], %max3A_11 {strides = array<i32>} : memref<10240x256xf32, #tpu.memory_space<vmem>>, vector<10240x256xf32>,
    return
  }
  func.func @transform_0(%arg0: i32) -> (i32, i32) {
    %c0_i32 = arith.constant 0 : i32
    %c0_i32_0 = arith.constant 0 : i32
    return %arg0, %c0_i32 : i32, i32
  }
  func.func @transform_1(%arg0: i32) -> (i32, i32) {
    %c0_i32 = arith.constant 0 : i32
    %c0_i32_0 = arith.constant 0 : i32
    %c0_i32_1 = arith.constant 0 : i32
    return %c0_i32, %c0_i32_0 : i32, i32
  }
  func.func @transform_2(%arg0: i32) -> (i32, i32) {
    %c0_i32 = arith.constant 0 : i32
    %c0_i32_0 = arith.constant 0 : i32
    %c0_i32_1 = arith.constant 0 : i32
    return %c0_i32, %c0_i32_0 : i32, i32
  }
  func.func @transform_3(%arg0: i32) -> (i32, i32) {
    %add3A = arith.constant 0 : i32
    %add3A_0 = arith.addi %add3A, %arg0 : i32
    %c0_i32 = arith.constant 0 : i32
    %c0_i32_1 = arith.constant 0 : i32
    return %add3A_0, %c0_i32 : i32, i32
  }
}

module attributes {stable_mosaic.version = 14 : i64} {
  func.func @_matmul_relu_block_aliased(%arg0: i32, %arg1: memref<10240x128xf32, #tpu.memory_space<vmem>>, %arg2: memref<128x256xf32, #tpu.memory_space<vmem>>, %arg3: memref<1x256xf32, #tpu.memory_space<vmem>>, %arg4: memref<204800x256xf32, #tpu.memory_space<hbm>>, %arg5: memref<10240x256xf32, #tpu.memory_space<vmem>>) attributes {dimension_semantics = [#tpu.dimension_semantics<arbitrary>], iteration_bounds = array<i64: 5>, scalar_prefetch = 0 : i64, scratch_operands = 0 : i64, tpu.core_type = #tpu.core_type<tc>, window_params = [{transform_indices = @transform_0, window_bounds = array<i64: 10240, 128>}, {pipeline_mode = #tpu.pipeline_mode<synchronous>, transform_indices = @transform_1, window_bounds = array<i64: 128, 256>}, {pipeline_mode = #tpu.pipeline_mode<synchronous>, transform_indices = @transform_2, window_bounds = array<i64: 1, 256>}, {}, {transform_indices = @transform_4, window_bounds = array<i64: 10240, 256>}]} {
    %get3A = arith.constant 0 : index
    %get3A_0 = arith.constant 0 : index
    %get3A_1 = vector.load %arg1[%get3A, %get3A_0] : memref<10240x128xf32, #tpu.memory_space<vmem>>, vector<10240x128xf32>
    %get3A_2 = arith.constant 0 : index
    %get3A_3 = arith.constant 0 : index
    %get3A_4 = vector.load %arg2[%get3A_2, %get3A_3] : memref<128x256xf32, #tpu.memory_space<vmem>>, vector<128x256xf32>
    %dot_general3A = arith.constant dense<0.000000e+00> : vector<10240x256xf32>
    %dot_general3A_5 = tpu.matmul %get3A_1, %get3A_4, %dot_general3A {dimension_numbers = #tpu.dot_dimension_numbers<[1], [0], [0], [1], [0, 0, 1, 1], [], []>, transpose_lhs_hint = false} : vector<10240x128xf32>, vector<128x256xf32>, vector<10240x256xf32> -> vector<10240x256xf32>
    %get3A_6 = arith.constant 0 : index
    %get3A_7 = arith.constant 0 : index
    %get3A_8 = vector.load %arg3[%get3A_6, %get3A_7] : memref<1x256xf32, #tpu.memory_space<vmem>>, vector<1x256xf32>
    %add3A = vector.broadcast %get3A_8 : vector<1x256xf32> to vector<10240x256xf32>
    %add3A_9 = arith.addf %dot_general3A_5, %add3A : vector<10240x256xf32>
    %max3A = arith.constant 0.000000e+00 : f32
    %max3A_10 = vector.broadcast %max3A : f32 to vector<10240x256xf32>
    %max3A_11 = arith.maximumf %add3A_9, %max3A_10 : vector<10240x256xf32>
    %swap3A = arith.constant 0 : index
    %swap3A_12 = arith.constant 0 : index
    %swap3A_13 = vector.load %arg5[%swap3A, %swap3A_12] : memref<10240x256xf32, #tpu.memory_space<vmem>>, vector<10240x256xf32>
    tpu.vector_store %arg5[%swap3A, %swap3A_12], %max3A_11 {strides = array<i32>} : memref<10240x256xf32, #tpu.memory_space<vmem>>, vector<10240x256xf32>,
    return
  }
  func.func @transform_0(%arg0: i32) -> (i32, i32) {
    %c0_i32 = arith.constant 0 : i32
    %c0_i32_0 = arith.constant 0 : i32
    return %arg0, %c0_i32 : i32, i32
  }
  func.func @transform_1(%arg0: i32) -> (i32, i32) {
    %c0_i32 = arith.constant 0 : i32
    %c0_i32_0 = arith.constant 0 : i32
    %c0_i32_1 = arith.constant 0 : i32
    return %c0_i32, %c0_i32_0 : i32, i32
  }
  func.func @transform_2(%arg0: i32) -> (i32, i32) {
    %c0_i32 = arith.constant 0 : i32
    %c0_i32_0 = arith.constant 0 : i32
    %c0_i32_1 = arith.constant 0 : i32
    return %c0_i32, %c0_i32_0 : i32, i32
  }
  func.func @transform_4(%arg0: i32) -> (i32, i32) {
    %add3A = arith.constant 15 : i32
    %add3A_0 = arith.addi %add3A, %arg0 : i32
    %c0_i32 = arith.constant 0 : i32
    %c0_i32_1 = arith.constant 0 : i32
    return %add3A_0, %c0_i32 : i32, i32
  }
}

</mosaic_0001>

<sc_bundles>
// kernel: kernel.10.cloned.1.call-start
scs
__scs_entry_jumppad:
0x0: {  	(pc) =	sbr.rel $0x88, $3  }
0x1: {  	(tag) =	ssettag $0x0;
	lr =	simm.s32 $0x1  }
0x2: {  	[smem:$0x3F9D] =	sst lr;
	_ =	strace $0xD0000000  }
0x3: {  	_ = 	snop  }
0x4: {  	_ = 	snop  }
0x5: {  	_ = 	snop  }
0x6: {  	_ = 	snop  }
0x7: {  	_ = 	snop  }
__scs_overlays_trampoline_lowered:
0x8: {  	[smem:$0x3FAC] =	sst s0  }
0x9: {  	[smem:$0x3FAD] =	sst s1  }
0xa: {  	[smem:$0x3FAE] =	sst s2  }
0xb: {  	[smem:$0x3FAF] =	sst s3  }
0xc: {  	[smem:$0x3FB0] =	sst s4  }
0xd: {  	[smem:$0x3FB1] =	sst s5  }
0xe: {  	[smem:$0x3FB2] =	sst s6  }
0xf: {  	[smem:$0x3FB3] =	sst s7  }
0x10: {  	[smem:$0x3FB4] =	sst s8  }
0x11: {  	[smem:$0x3FB5] =	sst s9;
	s0 =	simm.s32 @!p0 $0x0  }
0x12: {  	s1 =	sld [smem:$0x3F9B];
	s0 =	simm.s32 @p0 $0x1  }
0x13: {  	[smem:$0x3FB6] =	sst s0;
	s0 =	simm.s32 @!p1 $0x0  }
0x14: {  	s2 =	sld [smem:$0x3F9A];
	s0 =	simm.s32 @p1 $0x1  }
0x15: {  	[smem:$0x3FB7] =	sst s0;
	s0 =	simm.s32 @!p2 $0x0  }
0x16: {  	s3 =	sld [smem:$0x3FDB];
	s0 =	simm.s32 @p2 $0x1  }
0x17: {  	s4 =	simm.s32 $0x1BF5;
	[smem:$0x3FB9] =	sst s0  }
0x18: {  	s0 =	sld [smem:$0x3F9C];
	_ =	swait.ge [sflag:s4], $0x0  }
0x19: {  	s7 =	sld [smem:$0x3F9D]  }
0x1a: {  	s8 =	sadd.s32 $0xFFFFE003, lr  }
0x1b: {  	s9 =	sadd.s32 $0xFFFFFEF7, lr;
	s5 =	simm.s32 $0xFFFFFFFF;
	p2 =	slt.u32 s8, $0xFFFFF086  }
0x1c: {  	p1 =	slt.u32 s9, $0xF7A;
	s5 =	simm.s32 @!p2 $0x0  }
0x1d: {  	s5 =	simm.s32 @p1 $0x1;
	p0 =	seq.s32 s7, s2  }
0x1e: {  	s7 =	smul.u32 @!p0 $0xF7A, s2;
	p2 =	seq.s32 @!p0 s5, $0x0  }
0x1f: {  	s9 =	smul.u32 $0xF7A, s1;
	s8 =	simm.s32 @!p0 $0x1BF5;
	p2 =	por !p2, p0  }
0x20: {  	[sflag:s8] =	ssyncset.s32 @!p0 $0xFFFFF086;
	s6 =	sadd.s32 @!p0 s3, s7;
	s7 =	simm.s32 @!p0 $0x108  }
0x21: {  	s3 =	sadd.s32 s3, s9;
	s6 =	sadd.s32 @!p0 $0x88, s6;
	s7 =	simm.s32 @p2 $0x1082  }
0x22: {  	[simem:s7], [sflag:s8] =	dma.local @!p0 [hbm:s6], $0xF7A  }
0x23: {  	s9 =	sor.u32 $0xD0000000, s2;
	s6 =	simm.s32 $0x108;
	_ =	swait.ge @!p0 [sflag:s8], $0x0  }
0x24: {  	s3 =	sadd.s32 $0x88, s3;
	s6 =	simm.s32 @!p1 $0x1082;
	[sflag:s4] =	ssyncset.s32 $0xFFFFF086  }
0x25: {  	[simem:s6], [sflag:s4] =	dma.local [hbm:s3], $0xF7A  }
0x26: {  	[smem:$0x3F9D] =	sst s1;
	(tag) =	ssettag s2;
	_ =	strace s9  }
0x27: {  	s1 =	sld [smem:$0x3FAD]  }
0x28: {  	s2 =	sld [smem:$0x3FAE]  }
0x29: {  	s4 =	sld [smem:$0x3FB0]  }
0x2a: {  	p0 =	seq.s32 s5, $0x0;
	s5 =	sld [smem:$0x3FB1]  }
0x2b: {  	s6 =	sld [smem:$0x3FB2]  }
0x2c: {  	s7 =	sld [smem:$0x3FB3]  }
0x2d: {  	s3 =	simm.s32 $0x108;
	s8 =	sld [smem:$0x3FB4]  }
0x2e: {  	s3 =	simm.s32 @!p0 $0x1082;
	s9 =	sld [smem:$0x3FB5]  }
0x2f: {  	lr =	sadd.s32 s0, s3;
	s0 =	sld [smem:$0x3FAC]  }
0x30: {  	s3 =	sld [smem:$0x3FAF]  }
0x31: {  	[smem:$0x3FB8] =	sst s10  }
0x32: {  	s10 =	sld [smem:$0x3FB6];
	_ =	sdelay $0x3  }
0x33: {  	p0 =	seq.s32 s10, $0x1;
	s10 =	sld [smem:$0x3FB8];
	_ =	sdelay $0x3  }
0x34: {  	[smem:$0x3FB8] =	sst s10  }
0x35: {  	s10 =	sld [smem:$0x3FB7];
	_ =	sdelay $0x3  }
0x36: {  	p1 =	seq.s32 s10, $0x1;
	s10 =	sld [smem:$0x3FB8];
	_ =	sdelay $0x3  }
0x37: {  	[smem:$0x3FB8] =	sst s10  }
0x38: {  	s10 =	sld [smem:$0x3FB9]  }
0x39: {  	_ = 	snop;
	(pc) =	sbr.ind lr, $3  }
0x3a: {  	_ = 	snop  }
0x3b: {  	_ = 	snop  }
0x3c: {  	p2 =	seq.s32 s10, $0x1;
	s10 =	sld [smem:$0x3FB8]  }
0x3d: {  	_ =	shalt  }
0x3e: {  	_ =	shalt  }
0x3f: {  	_ =	shalt  }
0x40: {  	_ =	shalt  }
0x41: {  	_ =	shalt  }
0x42: {  	_ =	shalt  }
0x43: {  	_ =	shalt  }
0x44: {  	_ =	shalt  }
0x45: {  	_ =	shalt  }
0x46: {  	_ =	shalt  }
0x47: {  	_ =	shalt  }
0x48: {  	_ =	shalt  }
0x49: {  	_ =	shalt  }
0x4a: {  	_ =	shalt  }
0x4b: {  	_ =	shalt  }
0x4c: {  	_ =	shalt  }
0x4d: {  	_ =	shalt  }
0x4e: {  	_ =	shalt  }
0x4f: {  	_ =	shalt  }
0x50: {  	_ =	shalt  }
0x51: {  	_ =	shalt  }
0x52: {  	_ =	shalt  }
0x53: {  	_ =	shalt  }
0x54: {  	_ =	shalt  }
0x55: {  	_ =	shalt  }
0x56: {  	_ =	shalt  }
0x57: {  	_ =	shalt  }
0x58: {  	_ =	shalt  }
0x59: {  	_ =	shalt  }
0x5a: {  	_ =	shalt  }
0x5b: {  	_ =	shalt  }
0x5c: {  	_ =	shalt  }
0x5d: {  	_ =	shalt  }
0x5e: {  	_ =	shalt  }
0x5f: {  	_ =	shalt  }
0x60: {  	_ =	shalt  }
0x61: {  	_ =	shalt  }
0x62: {  	_ =	shalt  }
0x63: {  	_ =	shalt  }
0x64: {  	_ =	shalt  }
0x65: {  	_ =	shalt  }
0x66: {  	_ =	shalt  }
0x67: {  	_ =	shalt  }
0x68: {  	_ =	shalt  }
0x69: {  	_ =	shalt  }
0x6a: {  	_ =	shalt  }
0x6b: {  	_ =	shalt  }
0x6c: {  	_ =	shalt  }
0x6d: {  	_ =	shalt  }
0x6e: {  	_ =	shalt  }
0x6f: {  	_ =	shalt  }
0x70: {  	_ =	shalt  }
0x71: {  	_ =	shalt  }
0x72: {  	_ =	shalt  }
0x73: {  	_ =	shalt  }
0x74: {  	_ =	shalt  }
0x75: {  	_ =	shalt  }
0x76: {  	_ =	shalt  }
0x77: {  	_ =	shalt  }
0x78: {  	_ =	shalt  }
0x79: {  	_ =	shalt  }
0x7a: {  	_ =	shalt  }
0x7b: {  	_ =	shalt  }
0x7c: {  	_ =	shalt  }
0x7d: {  	_ =	shalt  }
0x7e: {  	_ =	shalt  }
0x7f: {  	_ =	shalt  }
0x80: {  	_ =	shalt  }
0x81: {  	_ =	shalt  }
0x82: {  	_ =	shalt  }
0x83: {  	_ =	shalt  }
0x84: {  	_ =	shalt  }
0x85: {  	_ =	shalt  }
0x86: {  	_ =	shalt  }
0x87: {  	_ =	shalt  }
.Lfunc_end0:
.L_simem_size_0:
called_computation_lowered:
.L_overlay_start_0:
0x88: {  	s2 =	sld [smem:$0x3FD9]  }
0x89: {  	s3 =	sld [smem:$0x3FFE];
	_ =	sdelay $0x1  }
0x8a: {  	s1 =	srdreg.scid  }
0x8b: {  	s0 =	sand.u32 $0x1, s1  }
0x8c: {  	s17 =	sshll.u32 s0, $0xA;
	s2 =	sadd.s32 s3, s2  }
0x8d: {  	s2 =	sadd.s32 s2, s17  }
0x8e: {  	[smem:$0x3FC4] =	sst s2  }
0x8f: {  	_ = 	snop  }
0x90: {  	s2 =	sld [smem:$0x3FC8];
	(tm) =	ssettm $0x1  }
0x91: {  	s18 =	sld [smem:$0x3FFB];
	_ =	sdelay $0x3  }
0x92: {  	_ =	strace s18  }
0x93: {  	s3 =	sld [smem:$0x3FFC];
	_ =	sdelay $0x3  }
0x94: {  	_ =	strace s3  }
0x95: {  	s3 =	sld [smem:$0x3FFD];
	_ =	sdelay $0x3  }
0x96: {  	_ =	strace s3  }
0x97: {  	_ =	strace $0x8FFFFFFF  }
0x98: {  	s19 =	sld [smem:$0x3FDB];
	_ =	sdelay $0x1  }
0x99: {  	s4 =	simm.s32 $_scs_section_size  }
0x9a: {  	s5 =	simm.s32 $_size__tile_overlayer_lowered;
	s6 =	simm.s32 $_tile_overlayer_lowered  }
0x9b: {  	s22 =	simm.s32 $0x1BFF;
	s21 =	sshll.u32 s6, $0x1;
	s3 =	sadd.s32 s4, s19  }
0x9c: {  	s7 =	simm.s32 $0x0;
	s20 =	sshll.u32 s5, $0x1;
	s5 =	sadd.s32 s21, s3  }
0x9d: {  	[timem:s7], [sflag:s22] =	dma.local [hbm:s5], s20  }
0x9e: {  	_ =	swait.ge [sflag:s22], s20  }
0x9f: {  	s4 =	ssub.s32 $0x0, s20;
	[sflag:s22] =	ssyncset.done $0x0  }
0xa0: {  	[sflag:s22] =	ssyncadd.s32 s4;
	_ =	sdelay $0x1  }
0xa1: {  	s23 =	simm.s32 $0x1B8B  }
0xa2: {  	_ =	swait.ge [sflag:s23], $0x1  }
0xa3: {  	[sflag:s23] =	ssyncset.done $0x0  }
0xa4: {  	s25 =	simm.s32 $0x1B8E;
	s24 =	sld [smem:$0x3FFE];
	[sflag:s23] =	ssyncadd.s32 $0xFFFFFFFF  }
0xa5: {  	s26 =	simm.s32 $execute0_lowered;
	[smem:$0x3FD2] =	sst s25  }
0xa6: {  	s5 =	sshll.u32 s26, $0x1;
	_ =	strace $0x80000046;
	[dreg:$0x1] =	wrdreg $0xFFFFFFFF  }
0xa7: {  	s28 =	simm.s32 $_size_execute0_lowered;
	s3 =	sadd.s32 s3, s5;
	[dreg:$0x0] =	wrdreg $0x0  }
0xa8: {  	s5 =	sshll.u32 s28, $0x1;
	[dreg:$0x2] =	wrdreg s3  }
0xa9: {  	[dreg:$0x3] =	wrdreg s5  }
0xaa: {  	[dreg:$0x4] =	wrdreg $0xC0  }
0xab: {  	_ =	task [dreg:s7], $0x5FFFF  }
0xac: {  	[dreg:$0x1] =	wrdreg $0xFFFFFFFF  }
0xad: {  	[dreg:$0x0] =	wrdreg $0x60  }
0xae: {  	[dreg:$0x2] =	wrdreg s2  }
0xaf: {  	[dreg:$0x3] =	wrdreg s24  }
0xb0: {  	[dreg:$0x4] =	wrdreg $0x9  }
0xb1: {  	_ =	task.clear_ibuf [dreg:s7], $0x5FFFF;
	_ =	strace $0x90000046  }
0xb2: {  	s29 =	simm.s32 $0x9;
	_ =	strace $0x8000004F  }
0xb3: {  	_ =	swait.ge [sflag:s29], $0x1  }
0xb4: {  	[sflag:s29] =	ssyncadd.s32 $0xFFFFFFFF  }
0xb5: {  	_ =	strace $0x9000004F  }
0xb6: {  	_ =	sfence  }
0xb7: {  	s30 =	sld [smem:$0x0];
	_ =	sdelay $0x2  }
0xb8: {  	s31 =	sshll.u32 s1, $0xD;
	s1 =	sshrl.u32 s1, $0x2  }
0xb9: {  	s3 =	sand.u32 $0x4000, s31;
	s1 =	sadd.s32 s1, s30  }
0xba: {  	s0 =	sor.u32 s3, s0;
	s1 =	sshll.u32 s1, $0x11  }
0xbb: {  	s0 =	sor.u32 s1, s0  }
0xbc: {  	s0 =	sadd.s32 $0x8F2B, s0  }
0xbd: {  	[sflag:s0] =	ssyncadd.remote.s32 $0x1  }
0xbe: {  	_ =	sfence.sel $0xFFFF  }
0xbf: {  	[dreg:$0x0] =	wrdreg $0xFFFFFFFF;
	(pc) =	sbr.abs _section_cstart, $3  }
0xc0: {  	[dreg:$0x1] =	wrdreg $0xFFFFFFFF  }
0xc1: {  	_ =	task.clear_ibuf [dreg:s7], $0x2FFFF;
	_ =	strace $0x9FFFFFFF  }
0xc2: {  	(tm) =	ssettm $0x7FFFFFFF  }
0xc3: {  	_ =	shalt  }
tec
execute0_lowered:
.L_overlay_start_1:
0x0: {  	(tag) =	ssettag $0x1  }
0x1: {  	s0 =	rddreg [dreg:$0x0];
	s1 =	srdreg.scid  }
0x2: {  	s4 =	rddreg [dreg:$0x1];
	s2 =	simm.s32 $0x0;
	s9 =	simm.s32 $0x1  }
0x3: {  	s10 =	simm.s32 $0x100;
	[dreg:$0x3] =	wrdreg s0;
	s5 =	sand.u32 $0x1, s1  }
0x4: {  	s1 =	stileid.u32;
	s0 =	rddreg [dreg:$0x2];
	s3 =	sshll.u32 s5, $0x4  }
0x5: {  	s11 =	simm.s32 $0x0;
	[smem:$0x7FF] =	sst s2;
	s3 =	sor.u32 s1, s3  }
0x6: {  	s8 =	sadd.s32 $0x7800, s4;
	s4 =	sadd.s32 $0x1400, s4;
	s6 =	smul.u32 $0x6, s3  }
0x7: {  	_ =	strace $0x80000047;
	[dreg:$0x5] =	wrdreg s8;
	s7 =	smul.u32 $0x7, s3  }
0x8: {  	s30 =	ssub.s32 $0x2, s5;
	p0 =	slt.u32 s3, $0x8;
	s3 =	sadd.s32 $0x8, s6  }
0x9: {  	s5 =	simm.s32 $0x7;
	[dreg:$0x4] =	wrdreg s10;
	s3 =	smov.u32 @p0 s7  }
0xa: {  	s10 =	simm.s32 $0x5;
	s31 =	sshrl.u32 s30, $0x1;
	s7 =	sshll.u32 s3, $0x5  }
0xb: {  	s8 =	ssub.s32 s30, s31;
	s5 =	simm.s32 @!p0 $0x6;
	s7 =	sand.u32 $0x1FFFFFE0, s7  }
0xc: {  	s8 =	smax.u32 s8, $0x1;
	s6 =	sadd.s32 s4, s7;
	s7 =	sadd.s32 $0xFFFFFFFF, s5  }
.LBB2_1:
0xd: {  	_ =	strace $0x80000048;
	p2 =	sne.s32 s5, $0x1  }
.Ltmp0:
0xe: {  	p0 =	seq.s32 s5, $0x1;
	s13 =	simm.s32 $0x1;
	(pc) =	sbr.rel @!p2 .LBB2_2-.Ltmp0, $4  }
0xf: {  	[tilespmem:s2], [sflag:$0x1] =	stream.linear.gather [hbm4b:s6+s2], $0x100, $0x200038;
	[tilespmem:$0x10200] =	vst v63  }
0x10: {  	s12 =	simm.s32 $0x1;
	p1 =	por $0x1, $0x1;
	s13 =	simm.s32 @p0 $0x0  }
0x11: {  	p6 =	sgt.u32 s7, $0x0;
	p4 =	por p1, p1;
	p3 =	sne.s32 s13, $0x0  }
0x12: {  	_ =	strace $0x90000048;
	p5 =	por !p6, !p3;
	p6 =	por $0x0, $0x0  }
0x13: {  	p2 =	por !p5, !p5  }
0x14: {  	s21 =	sand.u32 $0x1, s2;
	s19 =	simm.s32 $0x2;
	s14 =	sadd.s32 @p2 s3, s13  }
0x15: {  	p1 =	por p3, p3;
	s15 =	sand.u32 @p2 $0x1, s9;
	s14 =	sshll.u32 @p2 s14, $0x5  }
0x16: {  	_ =	strace @p2 $0x80000049;
	s17 =	simm.s32 @p2 $0x0;
	s14 =	sand.u32 @p2 $0x1FFFFFE0, s14  }
0x17: {  	s16 =	sshll.u32 @p2 s15, $0x8;
	s15 =	sadd.s32 @p2 $0x1, s15;
	s14 =	sadd.s32 @p2 s4, s14  }
0x18: {  	[tilespmem:s16], [sflag:s15] =	stream.linear.gather @p2 [hbm4b:s14+s17], $0x100, $0x200038;
	[tilespmem:$0x10200] =	vst v63  }
0x19: {  	s30 =	simm.s32 $0x0;
	p6 =	por $0x0, $0x0;
	_ =	strace @p2 $0x90000049  }
0x1a: {  	p0 =	sne.s32 s5, $0x2;
	s29 =	sadd.s32 $0x1, s21;
	_ =	strace $0x8000004A  }
0x1b: {  	s24 =	sadd.s32 $0x0, s3;
	p5 =	sgt.u32 s7, $0x1;
	_ =	swait.ge [sflag:s29], $0x100  }
0x1c: {  	s23 =	simm.s32 $0x1;
	s22 =	sshll.u32 s21, $0xF;
	[sflag:s29] =	ssyncset.done $0x0  }
0x1d: {  	s22 =	sor.u32 $0x200, s22;
	s16 =	sand.u32 @!p4 $0x1, s2;
	[sflag:s29] =	ssyncadd.s32 $0xFFFFFF00  }
0x1e: {  	s15 =	simm.s32 $0x1;
	s17 =	sadd.s32 $0x1, s13;
	_ =	strace $0x9000004A  }
0x1f: {  	s14 =	sand.u32 $0x100, s30;
	s15 =	simm.s32 @!p2 $0x0;
	_ =	strace $0x8000004B  }
0x20: {  	p2 =	por p4, p4;
	p4 =	por p6, p6;
	s20 =	rddreg [dreg:$0x4]  }
0x21: {  	p3 =	seq.s32 s17, s5;
	p6 =	seq.s32 s7, $0x0;
	s31 =	rddreg [dreg:$0x3]  }
0x22: {  	[tilespmem:s22], [sflag:$0x5] =	stream.indirect.gather [hbm4b:s31+s20], $0x80, s14, s20, $0x2000b8;
	[tilespmem:$0x10200] =	vst v63  }
.Ltmp1:
0x23: {  	s18 =	sadd.s32 $0x1, s15;
	s17 =	simm.s32 @p3 $0x0;
	(pc) =	sbr.rel @!p0 .LBB2_4-.Ltmp1, $4  }
0x24: {  	p1 =	por p6, p1;
	p6 =	por $0x0, $0x0;
	_ =	swait.ge [sflag:s10], $0x8000  }
0x25: {  	s15 =	simm.s32 $0x0;
	p3 =	sne.s32 s13, s17;
	[sflag:s10] =	ssyncset.done $0x0  }
0x26: {  	s23 =	simm.s32 @!p6 $0x0;
	p5 =	por !p5, !p3;
	[sflag:s10] =	ssyncadd.s32 $0xFFFF8000  }
0x27: {  	s14 =	simm.s32 $0x0;
	s20 =	simm.s32 $0x0;
	_ =	strace $0x9000004B  }
.LBB2_5:
0x28: {  	_ =	strace @p1 $0x8000004C;
	s14 =	sadd.s32 s23, s14;
	s23 =	smov.u32 s12  }
0x29: {  	s12 =	smov.u32 s19;
	s19 =	sadd.s32 $0x1, s19;
	p0 =	por p3, p3  }
0x2a: {  	s29 =	sshll.u32 @p1 s24, $0xC;
	s21 =	sadd.s32 @p1 $0x3, s21;
	s25 =	simm.s32 @!p0 $0x0  }
0x2b: {  	s26 =	rddreg [dreg:$0x5];
	s29 =	sand.u32 @p1 $0x1FFFF000, s29;
	s25 =	simm.s32 @p0 $0x1  }
0x2c: {  	s26 =	sadd.s32 @p1 s26, s29;
	s29 =	simm.s32 @p1 $0x0;
	p0 =	sne.s32 s5, s19  }
0x2d: {  	[hbm4b:s26+s29] =	stream.linear.scatter @p1 [tilespmem:s22], [sflag:s21], $0x8000, $0x200038;
	[tilespmem:$0x10200] =	vst v63  }
0x2e: {  	s21 =	sadd.s32 @!p2 $0x3, s16;
	s16 =	simm.s32 @!p0 $0x0  }
0x2f: {  	s28 =	simm.s32 $0x1;
	[smem:$0x7FC] =	sst s25;
	s16 =	simm.s32 @p0 $0x1  }
0x30: {  	s28 =	simm.s32 @!p1 $0x0;
	_ =	strace @p1 $0x9000004C;
	[smem:$0x7FD] =	sst s16  }
0x31: {  	s20 =	sadd.s32 s28, s20;
	s25 =	sand.u32 @!p4 $0x1, s14;
	_ =	strace @!p2 $0x8000004D  }
0x32: {  	p1 =	por !p5, !p5;
	s16 =	smov.u32 s25;
	_ =	swait.ge @!p2 [sflag:s21], $0x8000  }
0x33: {  	s22 =	sand.u32 @p1 $0x1, s18;
	s25 =	sadd.s32 @p1 s3, s17;
	[sflag:s21] =	ssyncset.done @!p2 $0x0  }
0x34: {  	s26 =	sshll.u32 @p1 s22, $0x8;
	s25 =	sshll.u32 @p1 s25, $0x5;
	[sflag:s21] =	ssyncadd.s32 @!p2 $0xFFFF8000  }
0x35: {  	s21 =	sadd.s32 @p1 $0x1, s22;
	s22 =	sand.u32 @p1 $0x1FFFFFE0, s25;
	_ =	strace @!p2 $0x9000004D  }
0x36: {  	s25 =	simm.s32 @p1 $0x0;
	s22 =	sadd.s32 @p1 s4, s22;
	_ =	strace @p1 $0x80000049  }
0x37: {  	[tilespmem:s26], [sflag:s21] =	stream.linear.gather @p1 [hbm4b:s22+s25], $0x100, $0x200038;
	[tilespmem:$0x10200] =	vst v63  }
0x38: {  	s15 =	sadd.s32 s28, s15;
	s28 =	sand.u32 $0x1, s20;
	_ =	strace @p1 $0x90000049  }
0x39: {  	s28 =	sadd.s32 $0x1, s28;
	_ =	strace $0x8000004A  }
0x3a: {  	_ =	swait.ge [sflag:s28], $0x100  }
0x3b: {  	[sflag:s28] =	ssyncset.done $0x0  }
0x3c: {  	s21 =	simm.s32 $0x1;
	[sflag:s28] =	ssyncadd.s32 $0xFFFFFF00  }
0x3d: {  	s21 =	simm.s32 @!p1 $0x0;
	_ =	strace $0x9000004A  }
0x3e: {  	s18 =	sadd.s32 s21, s18;
	s21 =	sand.u32 $0x1, s15;
	_ =	strace $0x8000004B  }
0x3f: {  	s31 =	sshll.u32 s20, $0x8;
	s29 =	sshll.u32 s21, $0xF;
	s25 =	rddreg [dreg:$0x4]  }
0x40: {  	s31 =	sand.u32 $0x100, s31;
	s22 =	sor.u32 $0x200, s29;
	s26 =	rddreg [dreg:$0x3]  }
0x41: {  	[tilespmem:s22], [sflag:$0x5] =	stream.indirect.gather [hbm4b:s26+s25], $0x80, s31, s25, $0x2000b8;
	[tilespmem:$0x10200] =	vst v63  }
0x42: {  	_ =	swait.ge [sflag:s10], $0x8000  }
0x43: {  	[sflag:s10] =	ssyncset.done $0x0  }
0x44: {  	[sflag:s10] =	ssyncadd.s32 $0xFFFF8000  }
0x45: {  	s30 =	sadd.s32 $0x1, s17;
	_ =	strace $0x9000004B  }
0x46: {  	s24 =	sadd.s32 s3, s13;
	s13 =	smov.u32 s17;
	s31 =	sld [smem:$0x7FD]  }
0x47: {  	p0 =	sne.s32 s23, $0x0;
	s17 =	smov.u32 s30;
	p1 =	seq.s32 s30, s5  }
0x48: {  	s17 =	simm.s32 @p1 $0x0;
	p1 =	seq.s32 s7, s23;
	s23 =	simm.s32 $0x1  }
0x49: {  	s23 =	simm.s32 @!p0 $0x0;
	p0 =	seq.s32 s31, $0x1  }
.Ltmp2:
0x4a: {  	s30 =	sld [smem:$0x7FC];
	(pc) =	sbr.rel @p0 .LBB2_5-.Ltmp2, $4  }
0x4b: {  	p3 =	seq.s32 s12, $0x0  }
0x4c: {  	p6 =	por p3, p3;
	p5 =	slt.u32 s12, s7  }
0x4d: {  	p2 =	por p4, p4;
	p3 =	sne.s32 s13, s17;
	p4 =	seq.s32 s30, $0x1  }
0x4e: {  	p5 =	por !p5, !p3;
	p1 =	por p1, p4;
	p4 =	por p6, p6  }
0x4f: {  	p6 =	por $0x1, $0x1  }
.LBB2_7:
0x50: {  	p0 =	por !p1, !p6  }
0x51: {  	s25 =	simm.s32 $0x1;
	_ =	strace @!p0 $0x8000004C;
	s24 =	sshll.u32 @!p0 s24, $0xC  }
0x52: {  	p2 =	por p2, !p6;
	s19 =	rddreg [dreg:$0x5];
	s24 =	sand.u32 @!p0 $0x1FFFF000, s24  }
0x53: {  	s21 =	sadd.s32 @!p0 $0x3, s21;
	s19 =	sadd.s32 @!p0 s19, s24;
	s24 =	simm.s32 @!p0 $0x0  }
0x54: {  	[hbm4b:s19+s24] =	stream.linear.scatter @!p0 [tilespmem:s22], [sflag:s21], $0x8000, $0x200038;
	[tilespmem:$0x10200] =	vst v63  }
0x55: {  	p1 =	por !p5, !p5;
	s25 =	simm.s32 @p0 $0x0;
	_ =	strace @!p0 $0x9000004C  }
0x56: {  	s16 =	sadd.s32 @!p2 $0x3, s16;
	s17 =	sadd.s32 @p1 s3, s17;
	_ =	strace @!p2 $0x8000004D  }
0x57: {  	s18 =	sand.u32 @p1 $0x1, s18;
	s17 =	sshll.u32 @p1 s17, $0x5;
	_ =	swait.ge @!p2 [sflag:s16], $0x8000  }
0x58: {  	s17 =	sand.u32 @p1 $0x1FFFFFE0, s17;
	s19 =	sadd.s32 @p6 s25, s20;
	[sflag:s16] =	ssyncset.done @!p2 $0x0  }
0x59: {  	s20 =	simm.s32 $0x0;
	s17 =	sadd.s32 @p1 s4, s17;
	[sflag:s16] =	ssyncadd.s32 @!p2 $0xFFFF8000  }
0x5a: {  	s20 =	smov.u32 @p6 s19;
	s19 =	sshll.u32 @p1 s18, $0x8;
	_ =	strace @!p2 $0x9000004D  }
0x5b: {  	s16 =	sadd.s32 @p1 $0x1, s18;
	s18 =	simm.s32 @p1 $0x0;
	_ =	strace @p1 $0x80000049  }
0x5c: {  	[tilespmem:s19], [sflag:s16] =	stream.linear.gather @p1 [hbm4b:s17+s18], $0x100, $0x200038;
	[tilespmem:$0x10200] =	vst v63  }
0x5d: {  	s26 =	sand.u32 $0x1, s20;
	_ =	strace @p1 $0x90000049  }
0x5e: {  	s16 =	sadd.s32 $0x1, s26;
	_ =	strace $0x8000004A  }
0x5f: {  	_ =	swait.ge [sflag:s16], $0x100  }
0x60: {  	[sflag:s16] =	ssyncset.done $0x0  }
0x61: {  	s15 =	sadd.s32 @p6 s25, s15;
	[sflag:s16] =	ssyncadd.s32 $0xFFFFFF00;
	s16 =	simm.s32 $0x0  }
0x62: {  	_ =	strace $0x9000004A;
	s16 =	smov.u32 @p6 s15  }
0x63: {  	_ =	strace $0x8000004B;
	s16 =	sand.u32 $0x1, s16  }
0x64: {  	s30 =	sshll.u32 s20, $0x8;
	s28 =	rddreg [dreg:$0x4];
	s31 =	sshll.u32 s16, $0xF  }
0x65: {  	s18 =	sand.u32 $0x100, s30;
	s29 =	rddreg [dreg:$0x3];
	s19 =	sor.u32 $0x200, s31  }
0x66: {  	[tilespmem:s19], [sflag:$0x5] =	stream.indirect.gather [hbm4b:s29+s28], $0x80, s18, s28, $0x2000b8;
	[tilespmem:$0x10200] =	vst v63  }
0x67: {  	_ =	swait.ge [sflag:s10], $0x8000  }
0x68: {  	p3 =	por p3, p3;
	[sflag:s10] =	ssyncset.done $0x0  }
0x69: {  	p5 =	seq.s32 s7, s12;
	s13 =	sadd.s32 s3, s13;
	[sflag:s10] =	ssyncadd.s32 $0xFFFF8000  }
0x6a: {  	s14 =	sadd.s32 @p6 s23, s14;
	p1 =	por p5, p3;
	_ =	strace $0x9000004B  }
0x6b: {  	s17 =	simm.s32 $0x0;
	s13 =	sshll.u32 @p1 s13, $0xC;
	_ =	strace @p1 $0x8000004C  }
0x6c: {  	s17 =	smov.u32 @p6 s14;
	s13 =	sand.u32 @p1 $0x1FFFF000, s13;
	s15 =	rddreg [dreg:$0x5]  }
0x6d: {  	s14 =	sadd.s32 @p1 $0x3, s16;
	s13 =	sadd.s32 @p1 s15, s13;
	s15 =	simm.s32 @p1 $0x0  }
0x6e: {  	[hbm4b:s13+s15] =	stream.linear.scatter @p1 [tilespmem:s19], [sflag:s14], $0x8000, $0x200038;
	[tilespmem:$0x10200] =	vst v63  }
0x6f: {  	p0 =	por p4, p4;
	s13 =	sand.u32 @!p4 $0x1, s17;
	_ =	strace @p1 $0x9000004C  }
0x70: {  	s13 =	sadd.s32 @!p0 $0x3, s13;
	_ =	strace @!p0 $0x8000004D  }
0x71: {  	p1 =	sne.s32 s12, $0x0;
	s12 =	simm.s32 $0x1;
	_ =	swait.ge @!p0 [sflag:s13], $0x8000  }
0x72: {  	s12 =	simm.s32 @!p1 $0x0;
	[sflag:s13] =	ssyncset.done @!p0 $0x0  }
0x73: {  	s11 =	sadd.s32 $0x1, s11;
	s12 =	sadd.s32 s12, s17;
	[sflag:s13] =	ssyncadd.s32 @!p0 $0xFFFF8000  }
0x74: {  	s12 =	sand.u32 $0x1, s12;
	_ =	strace @!p0 $0x9000004D;
	p0 =	sne.s32 s11, s8  }
.Ltmp3:
0x75: {  	s12 =	sadd.s32 $0x3, s12;
	_ =	strace $0x8000004E;
	(pc) =	sbr.rel @p0 .LBB2_1-.Ltmp3, $4  }
.Ltmp4:
0x76: {  	_ =	swait.ge [sflag:s12], $0x8000;
	(pc) =	sbr.rel @!p0 .LBB2_8-.Ltmp4, $4  }
0x77: {  	[sflag:s12] =	ssyncset.done $0x0  }
0x78: {  	[sflag:s12] =	ssyncadd.s32 $0xFFFF8000  }
0x79: {  	_ =	strace $0x9000004E  }
0x7a: {  	_ = 	snop  }
.LBB2_2:
.Ltmp5:
0x7b: {  	(pc) =	sbr.rel .LBB2_7-.Ltmp5, $4  }
0x7c: {  	_ = 	snop  }
0x7d: {  	s14 =	simm.s32 $0x0  }
0x7e: {  	s12 =	simm.s32 $0x0;
	s15 =	simm.s32 $0x0;
	s17 =	smov.u32 s13  }
0x7f: {  	s20 =	simm.s32 $0x0;
	s18 =	simm.s32 $0x1;
	s13 =	simm.s32 $0x0  }
.LBB2_4:
.Ltmp6:
0x80: {  	(pc) =	sbr.rel .LBB2_7-.Ltmp6, $3  }
0x81: {  	_ =	sdelay $0x1  }
0x82: {  	s14 =	simm.s32 $0x0  }
0x83: {  	s15 =	simm.s32 $0x0;
	s20 =	simm.s32 $0x0;
	p6 =	por $0x1, $0x1  }
.LBB2_8:
0x84: {  	_ =	sfence.sel $0x180000  }
0x85: {  	[bflag:$0x0] =	sbarrier.arrive $0xFFFF  }
0x86: {  	p0 =	sne.s32 s1, $0x0;
	_ =	strace $0x90000047  }
0x87: {  	s0 =	sadd.s32 @!p0 $0x100000, s0;
	[bflag:$0x2] =	sbarrier.arrive $0xFFFF  }
0x88: {  	[sflag:s0] =	ssyncadd.tile.s32 @!p0 $0x1;
	_ =	shalt  }
.Lfunc_end2:
_tile_overlayer_lowered:
.L_overlay_start_2:
0x89: {  	(tag) =	ssettag $0x2  }
0x8a: {  	s0 =	rddreg [dreg:$0x0];
	s2 =	stileid.u32  }
0x8b: {  	s1 =	rddreg [dreg:$0x1];
	p0 =	sne.s32 s2, $0x0  }
0x8c: {  	s3 =	rddreg [dreg:$0x2];
	[bflag:$0x3] =	sbarrier.arrive $0xFFFF;
	s2 =	simm.s32 @!p0 $0x1C01  }
0x8d: {  	[timem:s3], [sflag:s2] =	dma.local @!p0 [hbm:s0], s1  }
0x8e: {  	s0 =	simm.s32 @!p0 $0x1  }
0x8f: {  	_ =	swait.ge @!p0 [sflag:s0], s1  }
0x90: {  	s1 =	ssub.s32 @!p0 $0x0, s1;
	[sflag:s0] =	ssyncset.done @!p0 $0x0  }
0x91: {  	[sflag:s0] =	ssyncadd.s32 @!p0 s1  }
0x92: {  	[bflag:$0x3] =	sbarrier.arrive $0xFFFF  }
0x93: {  	_ =	shalt  }

// kernel: kernel.13.cloned.1.call-start
scs
__scs_entry_jumppad:
0x0: {  	(pc) =	sbr.rel $0x88, $3  }
0x1: {  	(tag) =	ssettag $0x0;
	lr =	simm.s32 $0x1  }
0x2: {  	[smem:$0x3F9D] =	sst lr;
	_ =	strace $0xD0000000  }
0x3: {  	_ = 	snop  }
0x4: {  	_ = 	snop  }
0x5: {  	_ = 	snop  }
0x6: {  	_ = 	snop  }
0x7: {  	_ = 	snop  }
__scs_overlays_trampoline_lowered:
0x8: {  	[smem:$0x3FAC] =	sst s0  }
0x9: {  	[smem:$0x3FAD] =	sst s1  }
0xa: {  	[smem:$0x3FAE] =	sst s2  }
0xb: {  	[smem:$0x3FAF] =	sst s3  }
0xc: {  	[smem:$0x3FB0] =	sst s4  }
0xd: {  	[smem:$0x3FB1] =	sst s5  }
0xe: {  	[smem:$0x3FB2] =	sst s6  }
0xf: {  	[smem:$0x3FB3] =	sst s7  }
0x10: {  	[smem:$0x3FB4] =	sst s8  }
0x11: {  	[smem:$0x3FB5] =	sst s9;
	s0 =	simm.s32 @!p0 $0x0  }
0x12: {  	s1 =	sld [smem:$0x3F9B];
	s0 =	simm.s32 @p0 $0x1  }
0x13: {  	[smem:$0x3FB6] =	sst s0;
	s0 =	simm.s32 @!p1 $0x0  }
0x14: {  	s2 =	sld [smem:$0x3F9A];
	s0 =	simm.s32 @p1 $0x1  }
0x15: {  	[smem:$0x3FB7] =	sst s0;
	s0 =	simm.s32 @!p2 $0x0  }
0x16: {  	s3 =	sld [smem:$0x3FDB];
	s0 =	simm.s32 @p2 $0x1  }
0x17: {  	s4 =	simm.s32 $0x1BF5;
	[smem:$0x3FB9] =	sst s0  }
0x18: {  	s0 =	sld [smem:$0x3F9C];
	_ =	swait.ge [sflag:s4], $0x0  }
0x19: {  	s7 =	sld [smem:$0x3F9D]  }
0x1a: {  	s8 =	sadd.s32 $0xFFFFE003, lr  }
0x1b: {  	s9 =	sadd.s32 $0xFFFFFEF7, lr;
	s5 =	simm.s32 $0xFFFFFFFF;
	p2 =	slt.u32 s8, $0xFFFFF086  }
0x1c: {  	p1 =	slt.u32 s9, $0xF7A;
	s5 =	simm.s32 @!p2 $0x0  }
0x1d: {  	s5 =	simm.s32 @p1 $0x1;
	p0 =	seq.s32 s7, s2  }
0x1e: {  	s7 =	smul.u32 @!p0 $0xF7A, s2;
	p2 =	seq.s32 @!p0 s5, $0x0  }
0x1f: {  	s9 =	smul.u32 $0xF7A, s1;
	s8 =	simm.s32 @!p0 $0x1BF5;
	p2 =	por !p2, p0  }
0x20: {  	[sflag:s8] =	ssyncset.s32 @!p0 $0xFFFFF086;
	s6 =	sadd.s32 @!p0 s3, s7;
	s7 =	simm.s32 @!p0 $0x108  }
0x21: {  	s3 =	sadd.s32 s3, s9;
	s6 =	sadd.s32 @!p0 $0x88, s6;
	s7 =	simm.s32 @p2 $0x1082  }
0x22: {  	[simem:s7], [sflag:s8] =	dma.local @!p0 [hbm:s6], $0xF7A  }
0x23: {  	s9 =	sor.u32 $0xD0000000, s2;
	s6 =	simm.s32 $0x108;
	_ =	swait.ge @!p0 [sflag:s8], $0x0  }
0x24: {  	s3 =	sadd.s32 $0x88, s3;
	s6 =	simm.s32 @!p1 $0x1082;
	[sflag:s4] =	ssyncset.s32 $0xFFFFF086  }
0x25: {  	[simem:s6], [sflag:s4] =	dma.local [hbm:s3], $0xF7A  }
0x26: {  	[smem:$0x3F9D] =	sst s1;
	(tag) =	ssettag s2;
	_ =	strace s9  }
0x27: {  	s1 =	sld [smem:$0x3FAD]  }
0x28: {  	s2 =	sld [smem:$0x3FAE]  }
0x29: {  	s4 =	sld [smem:$0x3FB0]  }
0x2a: {  	p0 =	seq.s32 s5, $0x0;
	s5 =	sld [smem:$0x3FB1]  }
0x2b: {  	s6 =	sld [smem:$0x3FB2]  }
0x2c: {  	s7 =	sld [smem:$0x3FB3]  }
0x2d: {  	s3 =	simm.s32 $0x108;
	s8 =	sld [smem:$0x3FB4]  }
0x2e: {  	s3 =	simm.s32 @!p0 $0x1082;
	s9 =	sld [smem:$0x3FB5]  }
0x2f: {  	lr =	sadd.s32 s0, s3;
	s0 =	sld [smem:$0x3FAC]  }
0x30: {  	s3 =	sld [smem:$0x3FAF]  }
0x31: {  	[smem:$0x3FB8] =	sst s10  }
0x32: {  	s10 =	sld [smem:$0x3FB6];
	_ =	sdelay $0x3  }
0x33: {  	p0 =	seq.s32 s10, $0x1;
	s10 =	sld [smem:$0x3FB8];
	_ =	sdelay $0x3  }
0x34: {  	[smem:$0x3FB8] =	sst s10  }
0x35: {  	s10 =	sld [smem:$0x3FB7];
	_ =	sdelay $0x3  }
0x36: {  	p1 =	seq.s32 s10, $0x1;
	s10 =	sld [smem:$0x3FB8];
	_ =	sdelay $0x3  }
0x37: {  	[smem:$0x3FB8] =	sst s10  }
0x38: {  	s10 =	sld [smem:$0x3FB9]  }
0x39: {  	_ = 	snop;
	(pc) =	sbr.ind lr, $3  }
0x3a: {  	_ = 	snop  }
0x3b: {  	_ = 	snop  }
0x3c: {  	p2 =	seq.s32 s10, $0x1;
	s10 =	sld [smem:$0x3FB8]  }
0x3d: {  	_ =	shalt  }
0x3e: {  	_ =	shalt  }
0x3f: {  	_ =	shalt  }
0x40: {  	_ =	shalt  }
0x41: {  	_ =	shalt  }
0x42: {  	_ =	shalt  }
0x43: {  	_ =	shalt  }
0x44: {  	_ =	shalt  }
0x45: {  	_ =	shalt  }
0x46: {  	_ =	shalt  }
0x47: {  	_ =	shalt  }
0x48: {  	_ =	shalt  }
0x49: {  	_ =	shalt  }
0x4a: {  	_ =	shalt  }
0x4b: {  	_ =	shalt  }
0x4c: {  	_ =	shalt  }
0x4d: {  	_ =	shalt  }
0x4e: {  	_ =	shalt  }
0x4f: {  	_ =	shalt  }
0x50: {  	_ =	shalt  }
0x51: {  	_ =	shalt  }
0x52: {  	_ =	shalt  }
0x53: {  	_ =	shalt  }
0x54: {  	_ =	shalt  }
0x55: {  	_ =	shalt  }
0x56: {  	_ =	shalt  }
0x57: {  	_ =	shalt  }
0x58: {  	_ =	shalt  }
0x59: {  	_ =	shalt  }
0x5a: {  	_ =	shalt  }
0x5b: {  	_ =	shalt  }
0x5c: {  	_ =	shalt  }
0x5d: {  	_ =	shalt  }
0x5e: {  	_ =	shalt  }
0x5f: {  	_ =	shalt  }
0x60: {  	_ =	shalt  }
0x61: {  	_ =	shalt  }
0x62: {  	_ =	shalt  }
0x63: {  	_ =	shalt  }
0x64: {  	_ =	shalt  }
0x65: {  	_ =	shalt  }
0x66: {  	_ =	shalt  }
0x67: {  	_ =	shalt  }
0x68: {  	_ =	shalt  }
0x69: {  	_ =	shalt  }
0x6a: {  	_ =	shalt  }
0x6b: {  	_ =	shalt  }
0x6c: {  	_ =	shalt  }
0x6d: {  	_ =	shalt  }
0x6e: {  	_ =	shalt  }
0x6f: {  	_ =	shalt  }
0x70: {  	_ =	shalt  }
0x71: {  	_ =	shalt  }
0x72: {  	_ =	shalt  }
0x73: {  	_ =	shalt  }
0x74: {  	_ =	shalt  }
0x75: {  	_ =	shalt  }
0x76: {  	_ =	shalt  }
0x77: {  	_ =	shalt  }
0x78: {  	_ =	shalt  }
0x79: {  	_ =	shalt  }
0x7a: {  	_ =	shalt  }
0x7b: {  	_ =	shalt  }
0x7c: {  	_ =	shalt  }
0x7d: {  	_ =	shalt  }
0x7e: {  	_ =	shalt  }
0x7f: {  	_ =	shalt  }
0x80: {  	_ =	shalt  }
0x81: {  	_ =	shalt  }
0x82: {  	_ =	shalt  }
0x83: {  	_ =	shalt  }
0x84: {  	_ =	shalt  }
0x85: {  	_ =	shalt  }
0x86: {  	_ =	shalt  }
0x87: {  	_ =	shalt  }
.Lfunc_end0:
.L_simem_size_0:
called_computation.1_lowered:
.L_overlay_start_0:
0x88: {  	s2 =	sld [smem:$0x3FD9]  }
0x89: {  	s3 =	sld [smem:$0x3FFE];
	_ =	sdelay $0x1  }
0x8a: {  	s1 =	srdreg.scid  }
0x8b: {  	s0 =	sand.u32 $0x1, s1  }
0x8c: {  	s17 =	sshll.u32 s0, $0xA;
	s2 =	sadd.s32 s3, s2  }
0x8d: {  	s2 =	sadd.s32 s2, s17  }
0x8e: {  	[smem:$0x3FC4] =	sst s2  }
0x8f: {  	_ = 	snop  }
0x90: {  	s18 =	sld [smem:$0x3FC8];
	(tm) =	ssettm $0x1  }
0x91: {  	s19 =	sld [smem:$0x3FFB];
	_ =	sdelay $0x3  }
0x92: {  	_ =	strace s19  }
0x93: {  	s2 =	sld [smem:$0x3FFC];
	_ =	sdelay $0x3  }
0x94: {  	_ =	strace s2  }
0x95: {  	s2 =	sld [smem:$0x3FFD];
	_ =	sdelay $0x3  }
0x96: {  	_ =	strace s2  }
0x97: {  	_ =	strace $0x8FFFFFFF  }
0x98: {  	s20 =	sld [smem:$0x3FDB];
	_ =	sdelay $0x1  }
0x99: {  	s4 =	simm.s32 $_scs_section_size  }
0x9a: {  	s5 =	simm.s32 $_size__tile_overlayer_lowered;
	s6 =	simm.s32 $_tile_overlayer_lowered  }
0x9b: {  	s7 =	simm.s32 $0x1BFF;
	s21 =	sshll.u32 s6, $0x1;
	s4 =	sadd.s32 s4, s20  }
0x9c: {  	s22 =	simm.s32 $0x0;
	s5 =	sshll.u32 s5, $0x1;
	s6 =	sadd.s32 s21, s4  }
0x9d: {  	[timem:s22], [sflag:s7] =	dma.local [hbm:s6], s5  }
0x9e: {  	_ =	swait.ge [sflag:s7], s5  }
0x9f: {  	s5 =	ssub.s32 $0x0, s5;
	[sflag:s7] =	ssyncset.done $0x0  }
0xa0: {  	[sflag:s7] =	ssyncadd.s32 s5;
	_ =	sdelay $0x1  }
0xa1: {  	s23 =	simm.s32 $0x1B8B  }
0xa2: {  	_ =	swait.ge [sflag:s23], $0x1  }
0xa3: {  	[sflag:s23] =	ssyncset.done $0x0  }
0xa4: {  	[sflag:s23] =	ssyncadd.s32 $0xFFFFFFFF  }
0xa5: {  	s5 =	sld [smem:$0x0]  }
0xa6: {  	s6 =	sand.u32 $0xFFFFFFFE, s1  }
0xa7: {  	p0 =	sne.s32 s1, s6  }
0xa8: {  	s6 =	sshll.u32 @p0 s6, $0xE  }
0xa9: {  	s6 =	sadd.s32 @p0 $0x11B8D, s6;
	s7 =	sshll.u32 @p0 s5, $0x11  }
0xaa: {  	s6 =	sor.u32 @p0 s7, s6  }
0xab: {  	[sflag:s6] =	ssyncadd.remote.s32 @p0 $0x1;
	_ =	sdelay $0x1  }
0xac: {  	s6 =	simm.s32 @p0 $0x1B8D  }
0xad: {  	_ =	swait.eq @p0 [sflag:s6], $0x1  }
0xae: {  	[sflag:s6] =	ssyncadd.s32 @p0 $0xFFFFFFFF  }
0xaf: {  	s7 =	sshll.u32 @!p0 s1, $0xE  }
0xb0: {  	s7 =	sor.u32 @!p0 $0x4000, s7;
	s6 =	simm.s32 @!p0 $0x1B8D  }
0xb1: {  	s5 =	sshll.u32 @!p0 s5, $0x11;
	s7 =	sadd.s32 @!p0 $0x11B8D, s7;
	_ =	swait.eq @!p0 [sflag:s6], $0x1  }
0xb2: {  	s5 =	sor.u32 @!p0 s5, s7;
	[sflag:s6] =	ssyncadd.s32 @!p0 $0xFFFFFFFF  }
0xb3: {  	s25 =	simm.s32 $0x1B8E;
	s24 =	sld [smem:$0x3FFE];
	[sflag:s5] =	ssyncadd.remote.s32 @!p0 $0x1  }
0xb4: {  	s26 =	simm.s32 $execute0_lowered;
	[smem:$0x3FD2] =	sst s25  }
0xb5: {  	s6 =	sshll.u32 s26, $0x1;
	_ =	strace $0x80000050;
	[dreg:$0x1] =	wrdreg $0xFFFFFFFF  }
0xb6: {  	s28 =	simm.s32 $_size_execute0_lowered;
	s4 =	sadd.s32 s4, s6;
	[dreg:$0x0] =	wrdreg $0x0  }
0xb7: {  	s6 =	sshll.u32 s28, $0x1;
	[dreg:$0x2] =	wrdreg s4  }
0xb8: {  	[dreg:$0x3] =	wrdreg s6  }
0xb9: {  	[dreg:$0x4] =	wrdreg $0xC0  }
0xba: {  	_ =	task [dreg:s22], $0x5FFFF  }
0xbb: {  	[dreg:$0x1] =	wrdreg $0xFFFFFFFF  }
0xbc: {  	[dreg:$0x0] =	wrdreg $0x60  }
0xbd: {  	[dreg:$0x2] =	wrdreg s18  }
0xbe: {  	[dreg:$0x3] =	wrdreg s24  }
0xbf: {  	[dreg:$0x4] =	wrdreg $0xA  }
0xc0: {  	_ =	task.clear_ibuf [dreg:s22], $0x5FFFF;
	_ =	strace $0x90000050  }
0xc1: {  	s29 =	simm.s32 $0xA;
	_ =	strace $0x80000059  }
0xc2: {  	_ =	swait.ge [sflag:s29], $0x1  }
0xc3: {  	[sflag:s29] =	ssyncadd.s32 $0xFFFFFFFF  }
0xc4: {  	_ =	strace $0x90000059  }
0xc5: {  	_ =	sfence  }
0xc6: {  	s30 =	sld [smem:$0x0];
	_ =	sdelay $0x2  }
0xc7: {  	s31 =	sshll.u32 s1, $0xD;
	s1 =	sshrl.u32 s1, $0x2  }
0xc8: {  	s4 =	sand.u32 $0x4000, s31;
	s1 =	sadd.s32 s1, s30  }
0xc9: {  	s0 =	sor.u32 s4, s0;
	s1 =	sshll.u32 s1, $0x11  }
0xca: {  	s0 =	sor.u32 s1, s0  }
0xcb: {  	s0 =	sadd.s32 $0x8F2B, s0  }
0xcc: {  	[sflag:s0] =	ssyncadd.remote.s32 $0x1  }
0xcd: {  	_ =	sfence.sel $0xFFFF  }
0xce: {  	[dreg:$0x0] =	wrdreg $0xFFFFFFFF;
	(pc) =	sbr.abs _section_cstart, $3  }
0xcf: {  	[dreg:$0x1] =	wrdreg $0xFFFFFFFF  }
0xd0: {  	_ =	task.clear_ibuf [dreg:s22], $0x2FFFF;
	_ =	strace $0x9FFFFFFF  }
0xd1: {  	(tm) =	ssettm $0x7FFFFFFF  }
tec
execute0_lowered:
.L_overlay_start_1:
0x0: {  	(tag) =	ssettag $0x1  }
0x1: {  	s0 =	rddreg [dreg:$0x0]  }
0x2: {  	s1 =	srdreg.scid;
	s4 =	rddreg [dreg:$0x1];
	s2 =	simm.s32 $0x0  }
0x3: {  	s9 =	simm.s32 $0x1;
	s10 =	simm.s32 $0x100;
	s5 =	sand.u32 $0x1, s1  }
0x4: {  	[dreg:$0x3] =	wrdreg s0;
	s1 =	stileid.u32;
	s3 =	sshll.u32 s5, $0x4  }
0x5: {  	s11 =	simm.s32 $0x0;
	[smem:$0x7FF] =	sst s2;
	s3 =	sor.u32 s1, s3  }
0x6: {  	s8 =	sadd.s32 $0xCF800, s4;
	s4 =	sadd.s32 $0x1400, s4;
	s6 =	smul.u32 $0x6, s3  }
0x7: {  	_ =	strace $0x80000051;
	[dreg:$0x5] =	wrdreg s8;
	s7 =	smul.u32 $0x7, s3  }
0x8: {  	s30 =	ssub.s32 $0x2, s5;
	p0 =	slt.u32 s3, $0x8;
	s3 =	sadd.s32 $0x8, s6  }
0x9: {  	s5 =	simm.s32 $0x7;
	[dreg:$0x4] =	wrdreg s10;
	s3 =	smov.u32 @p0 s7  }
0xa: {  	s10 =	simm.s32 $0x5;
	s31 =	sshrl.u32 s30, $0x1;
	s7 =	sshll.u32 s3, $0x5  }
0xb: {  	s8 =	ssub.s32 s30, s31;
	s5 =	simm.s32 @!p0 $0x6;
	s7 =	sadd.s32 s7, s4  }
0xc: {  	s8 =	smax.u32 s8, $0x1;
	s6 =	sadd.s32 $0x1900, s7;
	s7 =	sadd.s32 $0xFFFFFFFF, s5  }
.LBB2_1:
0xd: {  	_ =	strace $0x80000052;
	p0 =	seq.s32 s5, $0x1;
	s14 =	simm.s32 $0x1  }
0xe: {  	[tilespmem:s2], [sflag:$0x1] =	stream.linear.gather [hbm4b:s6+s2], $0x100, $0x200038;
	[tilespmem:$0x10200] =	vst v63  }
0xf: {  	p1 =	sne.s32 s5, $0x1;
	s14 =	simm.s32 @p0 $0x0  }
.Ltmp0:
0x10: {  	p6 =	sgt.u32 s7, $0x0;
	p3 =	sne.s32 s14, $0x0;
	(pc) =	sbr.rel @!p1 .LBB2_2-.Ltmp0, $4  }
0x11: {  	p0 =	por !p6, !p3  }
0x12: {  	s12 =	simm.s32 $0x1;
	s13 =	sadd.s32 $0x0, s3;
	p4 =	por !p0, !p0  }
0x13: {  	p5 =	por $0x1, $0x1;
	s26 =	sand.u32 @p4 $0x1, s9;
	s15 =	sadd.s32 @p4 s3, s14  }
0x14: {  	_ =	strace $0x90000052;
	s23 =	sshll.u32 @p4 s26, $0x8;
	s28 =	sshll.u32 @p4 s15, $0x8  }
0x15: {  	s15 =	sadd.s32 @p4 $0xC800, s28  }
0x16: {  	s16 =	sadd.s32 @p4 $0x1, s26;
	s15 =	sshrl.u32 @p4 s15, $0x3  }
0x17: {  	s17 =	simm.s32 @p4 $0x0;
	_ =	strace @p4 $0x80000053;
	s15 =	sadd.s32 @p4 s4, s15  }
0x18: {  	[tilespmem:s23], [sflag:s16] =	stream.linear.gather @p4 [hbm4b:s15+s17], $0x100, $0x200038;
	[tilespmem:$0x10200] =	vst v63  }
0x19: {  	s22 =	sand.u32 $0x1, s2;
	_ =	strace @p4 $0x90000053  }
0x1a: {  	p0 =	sne.s32 s5, $0x2;
	s26 =	sadd.s32 $0x1, s22;
	_ =	strace $0x80000054  }
0x1b: {  	s0 =	simm.s32 @!p0 $0x0;
	_ =	swait.ge [sflag:s26], $0x100  }
0x1c: {  	p2 =	por p5, p5;
	s0 =	simm.s32 @p0 $0x1;
	[sflag:s26] =	ssyncset.done $0x0  }
0x1d: {  	s29 =	simm.s32 $0x0;
	[smem:$0x7FC] =	sst s0;
	[sflag:s26] =	ssyncadd.s32 $0xFFFFFF00  }
0x1e: {  	s25 =	sshll.u32 s22, $0xF;
	s15 =	simm.s32 $0x1;
	_ =	strace $0x90000054  }
0x1f: {  	s25 =	sor.u32 $0x200, s25;
	s15 =	simm.s32 @!p4 $0x0;
	_ =	strace $0x80000055  }
0x20: {  	s16 =	sadd.s32 $0x1, s15;
	s15 =	sand.u32 @!p5 $0x1, s2;
	s20 =	rddreg [dreg:$0x3]  }
0x21: {  	s19 =	sadd.s32 @!p2 $0x3, s15;
	s15 =	sand.u32 $0x100, s29;
	s30 =	rddreg [dreg:$0x4]  }
0x22: {  	[tilespmem:s25], [sflag:$0x5] =	stream.indirect.gather [hbm4b:s20+s30], $0x80, s15, s30, $0x2000b8;
	[tilespmem:$0x10200] =	vst v63  }
0x23: {  	s21 =	sadd.s32 $0x1, s14;
	_ =	swait.ge [sflag:s10], $0x8000  }
0x24: {  	p6 =	seq.s32 s21, s5;
	[sflag:s10] =	ssyncset.done $0x0  }
0x25: {  	p0 =	seq.s32 s7, $0x0;
	p4 =	por p3, p3;
	[sflag:s10] =	ssyncadd.s32 $0xFFFF8000  }
0x26: {  	s21 =	simm.s32 @p6 $0x0;
	p6 =	por p0, p4;
	_ =	strace $0x90000055  }
0x27: {  	_ =	strace @p6 $0x80000056  }
0x28: {  	s18 =	simm.s32 $0x2;
	s31 =	sld [smem:$0x7FC]  }
0x29: {  	s24 =	simm.s32 $0x1;
	p3 =	por $0x0, $0x0;
	p0 =	por $0x1, $0x1  }
0x2a: {  	p1 =	sgt.u32 s7, $0x1;
	s24 =	simm.s32 @!p3 $0x0;
	s0 =	simm.s32 @!p0 $0x0  }
0x2b: {  	p3 =	sne.s32 s14, s21;
	s0 =	simm.s32 @p0 $0x1;
	p0 =	seq.s32 s31, $0x1  }
.Ltmp1:
0x2c: {  	s17 =	sadd.s32 s3, s14;
	p1 =	por !p1, !p3;
	(pc) =	sbr.rel @!p0 .LBB2_4-.Ltmp1, $4  }
0x2d: {  	s14 =	sadd.s32 $0x0, s24;
	s24 =	simm.s32 $0x1;
	p4 =	por !p1, !p1  }
0x2e: {  	p5 =	por $0x0, $0x0;
	s24 =	simm.s32 @!p6 $0x0;
	s26 =	sand.u32 @p4 $0x1, s16  }
0x2f: {  	s23 =	sshll.u32 @p4 s26, $0x8;
	s15 =	sadd.s32 @p4 s3, s21;
	s20 =	simm.s32 $0x0  }
0x30: {  	s28 =	sshll.u32 @p4 s15, $0x8;
	s15 =	simm.s32 $0x0;
	[smem:$0x7FD] =	sst s0  }
.LBB2_5:
0x31: {  	s0 =	rddreg [dreg:$0x5];
	p0 =	por p3, p3  }
0x32: {  	[smem:$0x7FA] =	sst s1;
	s1 =	simm.s32 @!p0 $0x0  }
0x33: {  	s13 =	sshll.u32 @p6 s13, $0xC;
	s1 =	simm.s32 @p0 $0x1  }
0x34: {  	s22 =	sadd.s32 @p6 $0x3, s22;
	s13 =	sand.u32 @p6 $0x1FFFF000, s13;
	[smem:$0x7FB] =	sst s1  }
0x35: {  	s0 =	sadd.s32 @p6 s0, s13;
	s13 =	simm.s32 @p6 $0x0;
	s1 =	sld [smem:$0x7FA]  }
0x36: {  	[hbm4b:s0+s13] =	stream.linear.scatter @p6 [tilespmem:s25], [sflag:s22], $0x8000, $0x200038;
	[tilespmem:$0x10200] =	vst v63  }
0x37: {  	s30 =	sadd.s32 @p4 $0xC800, s28;
	s31 =	simm.s32 $0x1;
	_ =	strace @p6 $0x90000056  }
0x38: {  	s29 =	smov.u32 s12;
	s12 =	smov.u32 s18;
	_ =	strace @!p2 $0x80000057  }
0x39: {  	s28 =	smov.u32 s21;
	s15 =	sadd.s32 s24, s15;
	_ =	swait.ge @!p2 [sflag:s19], $0x8000  }
0x3a: {  	s26 =	sadd.s32 @p4 $0x1, s26;
	s20 =	sadd.s32 s24, s20;
	[sflag:s19] =	ssyncset.done @!p2 $0x0  }
0x3b: {  	s24 =	simm.s32 @p4 $0x0;
	s31 =	simm.s32 @!p4 $0x0;
	[sflag:s19] =	ssyncadd.s32 @!p2 $0xFFFF8000  }
0x3c: {  	s30 =	sshrl.u32 @p4 s30, $0x3;
	p3 =	sne.s32 s29, $0x0;
	_ =	strace @!p2 $0x90000057  }
0x3d: {  	s30 =	sadd.s32 @p4 s4, s30;
	s16 =	sadd.s32 s31, s16;
	_ =	strace @p4 $0x80000053  }
0x3e: {  	[tilespmem:s23], [sflag:s26] =	stream.linear.gather @p4 [hbm4b:s30+s24], $0x100, $0x200038;
	[tilespmem:$0x10200] =	vst v63  }
0x3f: {  	s31 =	sand.u32 $0x1, s20;
	s22 =	sand.u32 @!p5 $0x1, s14;
	_ =	strace @p4 $0x90000053  }
0x40: {  	s13 =	smov.u32 s17;
	s0 =	sadd.s32 $0x1, s31;
	_ =	strace $0x80000054  }
0x41: {  	s17 =	sadd.s32 s3, s21;
	s25 =	simm.s32 $0x1;
	_ =	swait.ge [sflag:s0], $0x100  }
0x42: {  	s21 =	sadd.s32 $0x1, s21;
	s25 =	simm.s32 @!p3 $0x0;
	[sflag:s0] =	ssyncset.done $0x0  }
0x43: {  	p3 =	seq.s32 s21, s5;
	p2 =	por p5, p5;
	[sflag:s0] =	ssyncadd.s32 $0xFFFFFF00  }
0x44: {  	s14 =	sadd.s32 s25, s14;
	s19 =	sadd.s32 @!p2 $0x3, s22;
	_ =	strace $0x90000054  }
0x45: {  	s22 =	sand.u32 $0x1, s15;
	s23 =	sshll.u32 s20, $0x8;
	_ =	strace $0x80000055  }
0x46: {  	s30 =	sshll.u32 s22, $0xF;
	p4 =	seq.s32 s7, s29;
	s24 =	rddreg [dreg:$0x3]  }
0x47: {  	s25 =	sor.u32 $0x200, s30;
	s0 =	sand.u32 $0x100, s23;
	s29 =	rddreg [dreg:$0x4]  }
0x48: {  	[tilespmem:s25], [sflag:$0x5] =	stream.indirect.gather [hbm4b:s24+s29], $0x80, s0, s29, $0x2000b8;
	[tilespmem:$0x10200] =	vst v63  }
0x49: {  	s18 =	sadd.s32 $0x1, s18;
	s21 =	simm.s32 @p3 $0x0;
	_ =	swait.ge [sflag:s10], $0x8000  }
0x4a: {  	p0 =	slt.u32 s12, s7;
	p3 =	sne.s32 s28, s21;
	s31 =	sld [smem:$0x7FB]  }
0x4b: {  	p1 =	sne.s32 s5, s18;
	p0 =	por !p0, !p3  }
.Ltmp2:
0x4c: {  	p5 =	seq.s32 s12, $0x0;
	[sflag:s10] =	ssyncset.done $0x0;
	(pc) =	sbr.rel @p1 .LBB2_5-.Ltmp2, $4  }
0x4d: {  	s24 =	simm.s32 $0x1;
	[sflag:s10] =	ssyncadd.s32 $0xFFFF8000;
	p6 =	seq.s32 s31, $0x1  }
0x4e: {  	_ =	strace $0x90000055;
	p6 =	por p4, p6;
	p4 =	por !p0, !p0  }
0x4f: {  	s24 =	simm.s32 @!p6 $0x0;
	s26 =	sand.u32 @p4 $0x1, s16;
	s0 =	sadd.s32 @p4 s3, s21  }
0x50: {  	_ =	strace @p6 $0x80000056;
	s23 =	sshll.u32 @p4 s26, $0x8;
	s28 =	sshll.u32 @p4 s0, $0x8  }
0x51: {  	s16 =	smov.u32 s13;
	s13 =	smov.u32 s17  }
.LBB2_7:
0x52: {  	s0 =	sld [smem:$0x7FD];
	_ =	sdelay $0x2  }
0x53: {  	p1 =	seq.s32 s0, $0x1  }
0x54: {  	p0 =	por !p6, !p1  }
0x55: {  	s16 =	sshll.u32 @!p0 s16, $0xC  }
0x56: {  	s0 =	rddreg [dreg:$0x5];
	s16 =	sand.u32 @!p0 $0x1FFFF000, s16  }
0x57: {  	s17 =	sadd.s32 @!p0 $0x3, s22;
	s0 =	sadd.s32 @!p0 s0, s16;
	s16 =	simm.s32 @!p0 $0x0  }
0x58: {  	[hbm4b:s0+s16] =	stream.linear.scatter @!p0 [tilespmem:s25], [sflag:s17], $0x8000, $0x200038;
	[tilespmem:$0x10200] =	vst v63  }
0x59: {  	_ =	strace @!p0 $0x90000056;
	p0 =	por p2, !p1  }
0x5a: {  	_ =	strace @!p0 $0x80000057  }
0x5b: {  	_ =	swait.ge @!p0 [sflag:s19], $0x8000  }
0x5c: {  	s18 =	simm.s32 $0x0;
	s0 =	sadd.s32 @p4 $0xC800, s28;
	[sflag:s19] =	ssyncset.done @!p0 $0x0  }
0x5d: {  	s16 =	sadd.s32 @p4 $0x1, s26;
	s17 =	sadd.s32 @p1 s24, s20;
	[sflag:s19] =	ssyncadd.s32 @!p0 $0xFFFF8000  }
0x5e: {  	s0 =	sshrl.u32 @p4 s0, $0x3;
	s18 =	smov.u32 @p1 s17;
	_ =	strace @!p0 $0x90000057  }
0x5f: {  	s17 =	simm.s32 @p4 $0x0;
	s0 =	sadd.s32 @p4 s4, s0;
	_ =	strace @p4 $0x80000053  }
0x60: {  	[tilespmem:s23], [sflag:s16] =	stream.linear.gather @p4 [hbm4b:s0+s17], $0x100, $0x200038;
	[tilespmem:$0x10200] =	vst v63  }
0x61: {  	s25 =	sand.u32 $0x1, s18;
	_ =	strace @p4 $0x90000053  }
0x62: {  	s0 =	sadd.s32 $0x1, s25;
	_ =	strace $0x80000054  }
0x63: {  	_ =	swait.ge [sflag:s0], $0x100  }
0x64: {  	[sflag:s0] =	ssyncset.done $0x0  }
0x65: {  	[sflag:s0] =	ssyncadd.s32 $0xFFFFFF00;
	s0 =	sadd.s32 @p1 s24, s15;
	s15 =	simm.s32 $0x0  }
0x66: {  	_ =	strace $0x90000054;
	s15 =	smov.u32 @p1 s0  }
0x67: {  	_ =	strace $0x80000055;
	s15 =	sand.u32 $0x1, s15  }
0x68: {  	s29 =	sshll.u32 s18, $0x8;
	s26 =	rddreg [dreg:$0x3];
	s30 =	sshll.u32 s15, $0xF  }
0x69: {  	s17 =	sand.u32 $0x100, s29;
	s28 =	rddreg [dreg:$0x4];
	s18 =	sor.u32 $0x200, s30  }
0x6a: {  	[tilespmem:s18], [sflag:$0x5] =	stream.indirect.gather [hbm4b:s26+s28], $0x80, s17, s28, $0x2000b8;
	[tilespmem:$0x10200] =	vst v63  }
0x6b: {  	_ =	swait.ge [sflag:s10], $0x8000  }
0x6c: {  	[sflag:s10] =	ssyncset.done $0x0  }
0x6d: {  	p6 =	seq.s32 s7, s12;
	p4 =	por p3, p3;
	[sflag:s10] =	ssyncadd.s32 $0xFFFF8000  }
0x6e: {  	p0 =	por p6, p4;
	_ =	strace $0x90000055  }
0x6f: {  	s13 =	sshll.u32 @p0 s13, $0xC;
	_ =	strace @p0 $0x80000056  }
0x70: {  	s13 =	sand.u32 @p0 $0x1FFFF000, s13;
	s0 =	rddreg [dreg:$0x5]  }
0x71: {  	s15 =	sadd.s32 @p0 $0x3, s15;
	s0 =	sadd.s32 @p0 s0, s13;
	s13 =	simm.s32 @p0 $0x0  }
0x72: {  	[hbm4b:s0+s13] =	stream.linear.scatter @p0 [tilespmem:s18], [sflag:s15], $0x8000, $0x200038;
	[tilespmem:$0x10200] =	vst v63  }
0x73: {  	p1 =	por p5, p5;
	s0 =	sand.u32 @!p5 $0x1, s14;
	_ =	strace @p0 $0x90000056  }
0x74: {  	s0 =	sadd.s32 @!p1 $0x3, s0;
	_ =	strace @!p1 $0x80000057  }
0x75: {  	p0 =	sne.s32 s12, $0x0;
	s12 =	simm.s32 $0x1;
	_ =	swait.ge @!p1 [sflag:s0], $0x8000  }
0x76: {  	s12 =	simm.s32 @!p0 $0x0;
	[sflag:s0] =	ssyncset.done @!p1 $0x0  }
0x77: {  	s11 =	sadd.s32 $0x1, s11;
	s12 =	sadd.s32 s12, s14;
	[sflag:s0] =	ssyncadd.s32 @!p1 $0xFFFF8000  }
0x78: {  	p0 =	sne.s32 s11, s8;
	s31 =	sand.u32 $0x1, s12;
	_ =	strace @!p1 $0x90000057  }
.Ltmp3:
0x79: {  	s0 =	sadd.s32 $0x3, s31;
	_ =	strace $0x80000058;
	(pc) =	sbr.rel @p0 .LBB2_1-.Ltmp3, $4  }
.Ltmp4:
0x7a: {  	_ =	swait.ge [sflag:s0], $0x8000;
	(pc) =	sbr.rel @!p0 .LBB2_8-.Ltmp4, $4  }
0x7b: {  	[sflag:s0] =	ssyncset.done $0x0  }
0x7c: {  	[sflag:s0] =	ssyncadd.s32 $0xFFFF8000  }
0x7d: {  	_ =	strace $0x90000058  }
0x7e: {  	_ = 	snop  }
.LBB2_2:
.Ltmp5:
0x7f: {  	(pc) =	sbr.rel .LBB2_7-.Ltmp5, $4  }
0x80: {  	p0 =	por $0x0, $0x0  }
0x81: {  	s0 =	simm.s32 @!p0 $0x0  }
0x82: {  	s12 =	simm.s32 $0x0;
	s15 =	simm.s32 $0x0;
	s0 =	simm.s32 @p0 $0x1  }
0x83: {  	s20 =	simm.s32 $0x0;
	s14 =	simm.s32 $0x0;
	[smem:$0x7FD] =	sst s0  }
.LBB2_4:
.Ltmp6:
0x84: {  	(pc) =	sbr.rel .LBB2_7-.Ltmp6, $3  }
0x85: {  	_ =	sdelay $0x1  }
0x86: {  	s16 =	smov.u32 s13  }
0x87: {  	s15 =	simm.s32 $0x0;
	s20 =	simm.s32 $0x0;
	s13 =	smov.u32 s17  }
.LBB2_8:
0x88: {  	_ =	sfence.sel $0x180000  }
0x89: {  	[bflag:$0x0] =	sbarrier.arrive $0xFFFF  }
0x8a: {  	_ =	strace $0x90000051  }
0x8b: {  	[bflag:$0x2] =	sbarrier.arrive $0xFFFF  }
0x8c: {  	p0 =	sne.s32 s1, $0x0;
	s0 =	rddreg [dreg:$0x2]  }
0x8d: {  	s0 =	sadd.s32 @!p0 $0x100000, s0  }
0x8e: {  	[sflag:s0] =	ssyncadd.tile.s32 @!p0 $0x1;
	_ =	shalt  }
.Lfunc_end2:
_tile_overlayer_lowered:
.L_overlay_start_2:
0x8f: {  	(tag) =	ssettag $0x2  }
0x90: {  	s0 =	rddreg [dreg:$0x0];
	s2 =	stileid.u32  }
0x91: {  	s1 =	rddreg [dreg:$0x1];
	p0 =	sne.s32 s2, $0x0  }
0x92: {  	s3 =	rddreg [dreg:$0x2];
	[bflag:$0x3] =	sbarrier.arrive $0xFFFF;
	s2 =	simm.s32 @!p0 $0x1C01  }
0x93: {  	[timem:s3], [sflag:s2] =	dma.local @!p0 [hbm:s0], s1  }
0x94: {  	s0 =	simm.s32 @!p0 $0x1  }
0x95: {  	_ =	swait.ge @!p0 [sflag:s0], s1  }
0x96: {  	s1 =	ssub.s32 @!p0 $0x0, s1;
	[sflag:s0] =	ssyncset.done @!p0 $0x0  }
0x97: {  	[sflag:s0] =	ssyncadd.s32 @!p0 s1  }
0x98: {  	[bflag:$0x3] =	sbarrier.arrive $0xFFFF  }
0x99: {  	_ =	shalt  }

// kernel: kernel.16.cloned.1.call-start
scs
__scs_entry_jumppad:
0x0: {  	(pc) =	sbr.rel $0x88, $3  }
0x1: {  	(tag) =	ssettag $0x0;
	lr =	simm.s32 $0x1  }
0x2: {  	[smem:$0x3F9D] =	sst lr;
	_ =	strace $0xD0000000  }
0x3: {  	_ = 	snop  }
0x4: {  	_ = 	snop  }
0x5: {  	_ = 	snop  }
0x6: {  	_ = 	snop  }
0x7: {  	_ = 	snop  }
__scs_overlays_trampoline_lowered:
0x8: {  	[smem:$0x3FAC] =	sst s0  }
0x9: {  	[smem:$0x3FAD] =	sst s1  }
0xa: {  	[smem:$0x3FAE] =	sst s2  }
0xb: {  	[smem:$0x3FAF] =	sst s3  }
0xc: {  	[smem:$0x3FB0] =	sst s4  }
0xd: {  	[smem:$0x3FB1] =	sst s5  }
0xe: {  	[smem:$0x3FB2] =	sst s6  }
0xf: {  	[smem:$0x3FB3] =	sst s7  }
0x10: {  	[smem:$0x3FB4] =	sst s8  }
0x11: {  	[smem:$0x3FB5] =	sst s9;
	s0 =	simm.s32 @!p0 $0x0  }
0x12: {  	s1 =	sld [smem:$0x3F9B];
	s0 =	simm.s32 @p0 $0x1  }
0x13: {  	[smem:$0x3FB6] =	sst s0;
	s0 =	simm.s32 @!p1 $0x0  }
0x14: {  	s2 =	sld [smem:$0x3F9A];
	s0 =	simm.s32 @p1 $0x1  }
0x15: {  	[smem:$0x3FB7] =	sst s0;
	s0 =	simm.s32 @!p2 $0x0  }
0x16: {  	s3 =	sld [smem:$0x3FDB];
	s0 =	simm.s32 @p2 $0x1  }
0x17: {  	s4 =	simm.s32 $0x1BF5;
	[smem:$0x3FB9] =	sst s0  }
0x18: {  	s0 =	sld [smem:$0x3F9C];
	_ =	swait.ge [sflag:s4], $0x0  }
0x19: {  	s7 =	sld [smem:$0x3F9D]  }
0x1a: {  	s8 =	sadd.s32 $0xFFFFE003, lr  }
0x1b: {  	s9 =	sadd.s32 $0xFFFFFEF7, lr;
	s5 =	simm.s32 $0xFFFFFFFF;
	p2 =	slt.u32 s8, $0xFFFFF086  }
0x1c: {  	p1 =	slt.u32 s9, $0xF7A;
	s5 =	simm.s32 @!p2 $0x0  }
0x1d: {  	s5 =	simm.s32 @p1 $0x1;
	p0 =	seq.s32 s7, s2  }
0x1e: {  	s7 =	smul.u32 @!p0 $0xF7A, s2;
	p2 =	seq.s32 @!p0 s5, $0x0  }
0x1f: {  	s9 =	smul.u32 $0xF7A, s1;
	s8 =	simm.s32 @!p0 $0x1BF5;
	p2 =	por !p2, p0  }
0x20: {  	[sflag:s8] =	ssyncset.s32 @!p0 $0xFFFFF086;
	s6 =	sadd.s32 @!p0 s3, s7;
	s7 =	simm.s32 @!p0 $0x108  }
0x21: {  	s3 =	sadd.s32 s3, s9;
	s6 =	sadd.s32 @!p0 $0x88, s6;
	s7 =	simm.s32 @p2 $0x1082  }
0x22: {  	[simem:s7], [sflag:s8] =	dma.local @!p0 [hbm:s6], $0xF7A  }
0x23: {  	s9 =	sor.u32 $0xD0000000, s2;
	s6 =	simm.s32 $0x108;
	_ =	swait.ge @!p0 [sflag:s8], $0x0  }
0x24: {  	s3 =	sadd.s32 $0x88, s3;
	s6 =	simm.s32 @!p1 $0x1082;
	[sflag:s4] =	ssyncset.s32 $0xFFFFF086  }
0x25: {  	[simem:s6], [sflag:s4] =	dma.local [hbm:s3], $0xF7A  }
0x26: {  	[smem:$0x3F9D] =	sst s1;
	(tag) =	ssettag s2;
	_ =	strace s9  }
0x27: {  	s1 =	sld [smem:$0x3FAD]  }
0x28: {  	s2 =	sld [smem:$0x3FAE]  }
0x29: {  	s4 =	sld [smem:$0x3FB0]  }
0x2a: {  	p0 =	seq.s32 s5, $0x0;
	s5 =	sld [smem:$0x3FB1]  }
0x2b: {  	s6 =	sld [smem:$0x3FB2]  }
0x2c: {  	s7 =	sld [smem:$0x3FB3]  }
0x2d: {  	s3 =	simm.s32 $0x108;
	s8 =	sld [smem:$0x3FB4]  }
0x2e: {  	s3 =	simm.s32 @!p0 $0x1082;
	s9 =	sld [smem:$0x3FB5]  }
0x2f: {  	lr =	sadd.s32 s0, s3;
	s0 =	sld [smem:$0x3FAC]  }
0x30: {  	s3 =	sld [smem:$0x3FAF]  }
0x31: {  	[smem:$0x3FB8] =	sst s10  }
0x32: {  	s10 =	sld [smem:$0x3FB6];
	_ =	sdelay $0x3  }
0x33: {  	p0 =	seq.s32 s10, $0x1;
	s10 =	sld [smem:$0x3FB8];
	_ =	sdelay $0x3  }
0x34: {  	[smem:$0x3FB8] =	sst s10  }
0x35: {  	s10 =	sld [smem:$0x3FB7];
	_ =	sdelay $0x3  }
0x36: {  	p1 =	seq.s32 s10, $0x1;
	s10 =	sld [smem:$0x3FB8];
	_ =	sdelay $0x3  }
0x37: {  	[smem:$0x3FB8] =	sst s10  }
0x38: {  	s10 =	sld [smem:$0x3FB9]  }
0x39: {  	_ = 	snop;
	(pc) =	sbr.ind lr, $3  }
0x3a: {  	_ = 	snop  }
0x3b: {  	_ = 	snop  }
0x3c: {  	p2 =	seq.s32 s10, $0x1;
	s10 =	sld [smem:$0x3FB8]  }
0x3d: {  	_ =	shalt  }
0x3e: {  	_ =	shalt  }
0x3f: {  	_ =	shalt  }
0x40: {  	_ =	shalt  }
0x41: {  	_ =	shalt  }
0x42: {  	_ =	shalt  }
0x43: {  	_ =	shalt  }
0x44: {  	_ =	shalt  }
0x45: {  	_ =	shalt  }
0x46: {  	_ =	shalt  }
0x47: {  	_ =	shalt  }
0x48: {  	_ =	shalt  }
0x49: {  	_ =	shalt  }
0x4a: {  	_ =	shalt  }
0x4b: {  	_ =	shalt  }
0x4c: {  	_ =	shalt  }
0x4d: {  	_ =	shalt  }
0x4e: {  	_ =	shalt  }
0x4f: {  	_ =	shalt  }
0x50: {  	_ =	shalt  }
0x51: {  	_ =	shalt  }
0x52: {  	_ =	shalt  }
0x53: {  	_ =	shalt  }
0x54: {  	_ =	shalt  }
0x55: {  	_ =	shalt  }
0x56: {  	_ =	shalt  }
0x57: {  	_ =	shalt  }
0x58: {  	_ =	shalt  }
0x59: {  	_ =	shalt  }
0x5a: {  	_ =	shalt  }
0x5b: {  	_ =	shalt  }
0x5c: {  	_ =	shalt  }
0x5d: {  	_ =	shalt  }
0x5e: {  	_ =	shalt  }
0x5f: {  	_ =	shalt  }
0x60: {  	_ =	shalt  }
0x61: {  	_ =	shalt  }
0x62: {  	_ =	shalt  }
0x63: {  	_ =	shalt  }
0x64: {  	_ =	shalt  }
0x65: {  	_ =	shalt  }
0x66: {  	_ =	shalt  }
0x67: {  	_ =	shalt  }
0x68: {  	_ =	shalt  }
0x69: {  	_ =	shalt  }
0x6a: {  	_ =	shalt  }
0x6b: {  	_ =	shalt  }
0x6c: {  	_ =	shalt  }
0x6d: {  	_ =	shalt  }
0x6e: {  	_ =	shalt  }
0x6f: {  	_ =	shalt  }
0x70: {  	_ =	shalt  }
0x71: {  	_ =	shalt  }
0x72: {  	_ =	shalt  }
0x73: {  	_ =	shalt  }
0x74: {  	_ =	shalt  }
0x75: {  	_ =	shalt  }
0x76: {  	_ =	shalt  }
0x77: {  	_ =	shalt  }
0x78: {  	_ =	shalt  }
0x79: {  	_ =	shalt  }
0x7a: {  	_ =	shalt  }
0x7b: {  	_ =	shalt  }
0x7c: {  	_ =	shalt  }
0x7d: {  	_ =	shalt  }
0x7e: {  	_ =	shalt  }
0x7f: {  	_ =	shalt  }
0x80: {  	_ =	shalt  }
0x81: {  	_ =	shalt  }
0x82: {  	_ =	shalt  }
0x83: {  	_ =	shalt  }
0x84: {  	_ =	shalt  }
0x85: {  	_ =	shalt  }
0x86: {  	_ =	shalt  }
0x87: {  	_ =	shalt  }
.Lfunc_end0:
.L_simem_size_0:
called_computation.2_lowered:
.L_overlay_start_0:
0x88: {  	s2 =	sld [smem:$0x3FD9]  }
0x89: {  	s3 =	sld [smem:$0x3FFE];
	_ =	sdelay $0x1  }
0x8a: {  	s1 =	srdreg.scid  }
0x8b: {  	s0 =	sand.u32 $0x1, s1  }
0x8c: {  	s17 =	sshll.u32 s0, $0xA;
	s2 =	sadd.s32 s3, s2  }
0x8d: {  	s2 =	sadd.s32 s2, s17  }
0x8e: {  	[smem:$0x3FC4] =	sst s2  }
0x8f: {  	_ = 	snop  }
0x90: {  	s18 =	sld [smem:$0x3FC8];
	(tm) =	ssettm $0x1  }
0x91: {  	s19 =	sld [smem:$0x3FFB];
	_ =	sdelay $0x3  }
0x92: {  	_ =	strace s19  }
0x93: {  	s2 =	sld [smem:$0x3FFC];
	_ =	sdelay $0x3  }
0x94: {  	_ =	strace s2  }
0x95: {  	s2 =	sld [smem:$0x3FFD];
	_ =	sdelay $0x3  }
0x96: {  	_ =	strace s2  }
0x97: {  	_ =	strace $0x8FFFFFFF  }
0x98: {  	s20 =	sld [smem:$0x3FDB];
	_ =	sdelay $0x1  }
0x99: {  	s4 =	simm.s32 $_scs_section_size  }
0x9a: {  	s5 =	simm.s32 $_size__tile_overlayer_lowered;
	s6 =	simm.s32 $_tile_overlayer_lowered  }
0x9b: {  	s7 =	simm.s32 $0x1BFF;
	s21 =	sshll.u32 s6, $0x1;
	s4 =	sadd.s32 s4, s20  }
0x9c: {  	s22 =	simm.s32 $0x0;
	s5 =	sshll.u32 s5, $0x1;
	s6 =	sadd.s32 s21, s4  }
0x9d: {  	[timem:s22], [sflag:s7] =	dma.local [hbm:s6], s5  }
0x9e: {  	_ =	swait.ge [sflag:s7], s5  }
0x9f: {  	s5 =	ssub.s32 $0x0, s5;
	[sflag:s7] =	ssyncset.done $0x0  }
0xa0: {  	[sflag:s7] =	ssyncadd.s32 s5;
	_ =	sdelay $0x1  }
0xa1: {  	s23 =	simm.s32 $0x1B8B  }
0xa2: {  	_ =	swait.ge [sflag:s23], $0x1  }
0xa3: {  	[sflag:s23] =	ssyncset.done $0x0  }
0xa4: {  	[sflag:s23] =	ssyncadd.s32 $0xFFFFFFFF  }
0xa5: {  	s5 =	sld [smem:$0x0]  }
0xa6: {  	s6 =	sand.u32 $0xFFFFFFFE, s1  }
0xa7: {  	p0 =	sne.s32 s1, s6  }
0xa8: {  	s6 =	sshll.u32 @p0 s6, $0xE  }
0xa9: {  	s6 =	sadd.s32 @p0 $0x11B8D, s6;
	s7 =	sshll.u32 @p0 s5, $0x11  }
0xaa: {  	s6 =	sor.u32 @p0 s7, s6  }
0xab: {  	[sflag:s6] =	ssyncadd.remote.s32 @p0 $0x1;
	_ =	sdelay $0x1  }
0xac: {  	s6 =	simm.s32 @p0 $0x1B8D  }
0xad: {  	_ =	swait.eq @p0 [sflag:s6], $0x1  }
0xae: {  	[sflag:s6] =	ssyncadd.s32 @p0 $0xFFFFFFFF  }
0xaf: {  	s7 =	sshll.u32 @!p0 s1, $0xE  }
0xb0: {  	s7 =	sor.u32 @!p0 $0x4000, s7;
	s6 =	simm.s32 @!p0 $0x1B8D  }
0xb1: {  	s5 =	sshll.u32 @!p0 s5, $0x11;
	s7 =	sadd.s32 @!p0 $0x11B8D, s7;
	_ =	swait.eq @!p0 [sflag:s6], $0x1  }
0xb2: {  	s5 =	sor.u32 @!p0 s5, s7;
	[sflag:s6] =	ssyncadd.s32 @!p0 $0xFFFFFFFF  }
0xb3: {  	s25 =	simm.s32 $0x1B8E;
	s24 =	sld [smem:$0x3FFE];
	[sflag:s5] =	ssyncadd.remote.s32 @!p0 $0x1  }
0xb4: {  	s26 =	simm.s32 $execute0_lowered;
	[smem:$0x3FD2] =	sst s25  }
0xb5: {  	s6 =	sshll.u32 s26, $0x1;
	_ =	strace $0x8000005A;
	[dreg:$0x1] =	wrdreg $0xFFFFFFFF  }
0xb6: {  	s28 =	simm.s32 $_size_execute0_lowered;
	s4 =	sadd.s32 s4, s6;
	[dreg:$0x0] =	wrdreg $0x0  }
0xb7: {  	s6 =	sshll.u32 s28, $0x1;
	[dreg:$0x2] =	wrdreg s4  }
0xb8: {  	[dreg:$0x3] =	wrdreg s6  }
0xb9: {  	[dreg:$0x4] =	wrdreg $0xC0  }
0xba: {  	_ =	task [dreg:s22], $0x5FFFF  }
0xbb: {  	[dreg:$0x1] =	wrdreg $0xFFFFFFFF  }
0xbc: {  	[dreg:$0x0] =	wrdreg $0x60  }
0xbd: {  	[dreg:$0x2] =	wrdreg s18  }
0xbe: {  	[dreg:$0x3] =	wrdreg s24  }
0xbf: {  	[dreg:$0x4] =	wrdreg $0xB  }
0xc0: {  	_ =	task.clear_ibuf [dreg:s22], $0x5FFFF;
	_ =	strace $0x9000005A  }
0xc1: {  	s29 =	simm.s32 $0xB;
	_ =	strace $0x80000063  }
0xc2: {  	_ =	swait.ge [sflag:s29], $0x1  }
0xc3: {  	[sflag:s29] =	ssyncadd.s32 $0xFFFFFFFF  }
0xc4: {  	_ =	strace $0x90000063  }
0xc5: {  	_ =	sfence  }
0xc6: {  	s30 =	sld [smem:$0x0];
	_ =	sdelay $0x2  }
0xc7: {  	s31 =	sshll.u32 s1, $0xD;
	s1 =	sshrl.u32 s1, $0x2  }
0xc8: {  	s4 =	sand.u32 $0x4000, s31;
	s1 =	sadd.s32 s1, s30  }
0xc9: {  	s0 =	sor.u32 s4, s0;
	s1 =	sshll.u32 s1, $0x11  }
0xca: {  	s0 =	sor.u32 s1, s0  }
0xcb: {  	s0 =	sadd.s32 $0x8F2B, s0  }
0xcc: {  	[sflag:s0] =	ssyncadd.remote.s32 $0x1  }
0xcd: {  	_ =	sfence.sel $0xFFFF  }
0xce: {  	[dreg:$0x0] =	wrdreg $0xFFFFFFFF;
	(pc) =	sbr.abs _section_cstart, $3  }
0xcf: {  	[dreg:$0x1] =	wrdreg $0xFFFFFFFF  }
0xd0: {  	_ =	task.clear_ibuf [dreg:s22], $0x2FFFF;
	_ =	strace $0x9FFFFFFF  }
0xd1: {  	(tm) =	ssettm $0x7FFFFFFF  }
tec
execute0_lowered:
.L_overlay_start_1:
0x0: {  	(tag) =	ssettag $0x1  }
0x1: {  	s0 =	rddreg [dreg:$0x0]  }
0x2: {  	s1 =	srdreg.scid;
	s4 =	rddreg [dreg:$0x1];
	s2 =	simm.s32 $0x0  }
0x3: {  	s9 =	simm.s32 $0x1;
	s10 =	simm.s32 $0x100;
	s5 =	sand.u32 $0x1, s1  }
0x4: {  	[dreg:$0x3] =	wrdreg s0;
	s1 =	stileid.u32;
	s3 =	sshll.u32 s5, $0x4  }
0x5: {  	s11 =	simm.s32 $0x0;
	[smem:$0x7FF] =	sst s2;
	s3 =	sor.u32 s1, s3  }
0x6: {  	s8 =	sadd.s32 $0x197800, s4;
	s4 =	sadd.s32 $0x1400, s4;
	s6 =	smul.u32 $0x6, s3  }
0x7: {  	_ =	strace $0x8000005B;
	[dreg:$0x5] =	wrdreg s8;
	s7 =	smul.u32 $0x7, s3  }
0x8: {  	s30 =	ssub.s32 $0x2, s5;
	p0 =	slt.u32 s3, $0x8;
	s3 =	sadd.s32 $0x8, s6  }
0x9: {  	s5 =	simm.s32 $0x7;
	[dreg:$0x4] =	wrdreg s10;
	s3 =	smov.u32 @p0 s7  }
0xa: {  	s10 =	simm.s32 $0x5;
	s31 =	sshrl.u32 s30, $0x1;
	s7 =	sshll.u32 s3, $0x5  }
0xb: {  	s8 =	ssub.s32 s30, s31;
	s5 =	simm.s32 @!p0 $0x6;
	s7 =	sadd.s32 s7, s4  }
0xc: {  	s8 =	smax.u32 s8, $0x1;
	s6 =	sadd.s32 $0x3200, s7;
	s7 =	sadd.s32 $0xFFFFFFFF, s5  }
.LBB2_1:
0xd: {  	_ =	strace $0x8000005C;
	p0 =	seq.s32 s5, $0x1;
	s14 =	simm.s32 $0x1  }
0xe: {  	[tilespmem:s2], [sflag:$0x1] =	stream.linear.gather [hbm4b:s6+s2], $0x100, $0x200038;
	[tilespmem:$0x10200] =	vst v63  }
0xf: {  	p1 =	sne.s32 s5, $0x1;
	s14 =	simm.s32 @p0 $0x0  }
.Ltmp0:
0x10: {  	p6 =	sgt.u32 s7, $0x0;
	p3 =	sne.s32 s14, $0x0;
	(pc) =	sbr.rel @!p1 .LBB2_2-.Ltmp0, $4  }
0x11: {  	p0 =	por !p6, !p3  }
0x12: {  	s12 =	simm.s32 $0x1;
	s13 =	sadd.s32 $0x0, s3;
	p4 =	por !p0, !p0  }
0x13: {  	p5 =	por $0x1, $0x1;
	s26 =	sand.u32 @p4 $0x1, s9;
	s15 =	sadd.s32 @p4 s3, s14  }
0x14: {  	_ =	strace $0x9000005C;
	s23 =	sshll.u32 @p4 s26, $0x8;
	s28 =	sshll.u32 @p4 s15, $0x8  }
0x15: {  	s15 =	sadd.s32 @p4 $0x19000, s28  }
0x16: {  	s16 =	sadd.s32 @p4 $0x1, s26;
	s15 =	sshrl.u32 @p4 s15, $0x3  }
0x17: {  	s17 =	simm.s32 @p4 $0x0;
	_ =	strace @p4 $0x8000005D;
	s15 =	sadd.s32 @p4 s4, s15  }
0x18: {  	[tilespmem:s23], [sflag:s16] =	stream.linear.gather @p4 [hbm4b:s15+s17], $0x100, $0x200038;
	[tilespmem:$0x10200] =	vst v63  }
0x19: {  	s22 =	sand.u32 $0x1, s2;
	_ =	strace @p4 $0x9000005D  }
0x1a: {  	p0 =	sne.s32 s5, $0x2;
	s26 =	sadd.s32 $0x1, s22;
	_ =	strace $0x8000005E  }
0x1b: {  	s0 =	simm.s32 @!p0 $0x0;
	_ =	swait.ge [sflag:s26], $0x100  }
0x1c: {  	p2 =	por p5, p5;
	s0 =	simm.s32 @p0 $0x1;
	[sflag:s26] =	ssyncset.done $0x0  }
0x1d: {  	s29 =	simm.s32 $0x0;
	[smem:$0x7FC] =	sst s0;
	[sflag:s26] =	ssyncadd.s32 $0xFFFFFF00  }
0x1e: {  	s25 =	sshll.u32 s22, $0xF;
	s15 =	simm.s32 $0x1;
	_ =	strace $0x9000005E  }
0x1f: {  	s25 =	sor.u32 $0x200, s25;
	s15 =	simm.s32 @!p4 $0x0;
	_ =	strace $0x8000005F  }
0x20: {  	s16 =	sadd.s32 $0x1, s15;
	s15 =	sand.u32 @!p5 $0x1, s2;
	s20 =	rddreg [dreg:$0x3]  }
0x21: {  	s19 =	sadd.s32 @!p2 $0x3, s15;
	s15 =	sand.u32 $0x100, s29;
	s30 =	rddreg [dreg:$0x4]  }
0x22: {  	[tilespmem:s25], [sflag:$0x5] =	stream.indirect.gather [hbm4b:s20+s30], $0x80, s15, s30, $0x2000b8;
	[tilespmem:$0x10200] =	vst v63  }
0x23: {  	s21 =	sadd.s32 $0x1, s14;
	_ =	swait.ge [sflag:s10], $0x8000  }
0x24: {  	p6 =	seq.s32 s21, s5;
	[sflag:s10] =	ssyncset.done $0x0  }
0x25: {  	p0 =	seq.s32 s7, $0x0;
	p4 =	por p3, p3;
	[sflag:s10] =	ssyncadd.s32 $0xFFFF8000  }
0x26: {  	s21 =	simm.s32 @p6 $0x0;
	p6 =	por p0, p4;
	_ =	strace $0x9000005F  }
0x27: {  	_ =	strace @p6 $0x80000060  }
0x28: {  	s18 =	simm.s32 $0x2;
	s31 =	sld [smem:$0x7FC]  }
0x29: {  	s24 =	simm.s32 $0x1;
	p3 =	por $0x0, $0x0;
	p0 =	por $0x1, $0x1  }
0x2a: {  	p1 =	sgt.u32 s7, $0x1;
	s24 =	simm.s32 @!p3 $0x0;
	s0 =	simm.s32 @!p0 $0x0  }
0x2b: {  	p3 =	sne.s32 s14, s21;
	s0 =	simm.s32 @p0 $0x1;
	p0 =	seq.s32 s31, $0x1  }
.Ltmp1:
0x2c: {  	s17 =	sadd.s32 s3, s14;
	p1 =	por !p1, !p3;
	(pc) =	sbr.rel @!p0 .LBB2_4-.Ltmp1, $4  }
0x2d: {  	s14 =	sadd.s32 $0x0, s24;
	s24 =	simm.s32 $0x1;
	p4 =	por !p1, !p1  }
0x2e: {  	p5 =	por $0x0, $0x0;
	s24 =	simm.s32 @!p6 $0x0;
	s26 =	sand.u32 @p4 $0x1, s16  }
0x2f: {  	s23 =	sshll.u32 @p4 s26, $0x8;
	s15 =	sadd.s32 @p4 s3, s21;
	s20 =	simm.s32 $0x0  }
0x30: {  	s28 =	sshll.u32 @p4 s15, $0x8;
	s15 =	simm.s32 $0x0;
	[smem:$0x7FD] =	sst s0  }
.LBB2_5:
0x31: {  	s0 =	rddreg [dreg:$0x5];
	p0 =	por p3, p3  }
0x32: {  	[smem:$0x7FA] =	sst s1;
	s1 =	simm.s32 @!p0 $0x0  }
0x33: {  	s13 =	sshll.u32 @p6 s13, $0xC;
	s1 =	simm.s32 @p0 $0x1  }
0x34: {  	s22 =	sadd.s32 @p6 $0x3, s22;
	s13 =	sand.u32 @p6 $0x1FFFF000, s13;
	[smem:$0x7FB] =	sst s1  }
0x35: {  	s0 =	sadd.s32 @p6 s0, s13;
	s13 =	simm.s32 @p6 $0x0;
	s1 =	sld [smem:$0x7FA]  }
0x36: {  	[hbm4b:s0+s13] =	stream.linear.scatter @p6 [tilespmem:s25], [sflag:s22], $0x8000, $0x200038;
	[tilespmem:$0x10200] =	vst v63  }
0x37: {  	s30 =	sadd.s32 @p4 $0x19000, s28;
	s31 =	simm.s32 $0x1;
	_ =	strace @p6 $0x90000060  }
0x38: {  	s29 =	smov.u32 s12;
	s12 =	smov.u32 s18;
	_ =	strace @!p2 $0x80000061  }
0x39: {  	s28 =	smov.u32 s21;
	s15 =	sadd.s32 s24, s15;
	_ =	swait.ge @!p2 [sflag:s19], $0x8000  }
0x3a: {  	s26 =	sadd.s32 @p4 $0x1, s26;
	s20 =	sadd.s32 s24, s20;
	[sflag:s19] =	ssyncset.done @!p2 $0x0  }
0x3b: {  	s24 =	simm.s32 @p4 $0x0;
	s31 =	simm.s32 @!p4 $0x0;
	[sflag:s19] =	ssyncadd.s32 @!p2 $0xFFFF8000  }
0x3c: {  	s30 =	sshrl.u32 @p4 s30, $0x3;
	p3 =	sne.s32 s29, $0x0;
	_ =	strace @!p2 $0x90000061  }
0x3d: {  	s30 =	sadd.s32 @p4 s4, s30;
	s16 =	sadd.s32 s31, s16;
	_ =	strace @p4 $0x8000005D  }
0x3e: {  	[tilespmem:s23], [sflag:s26] =	stream.linear.gather @p4 [hbm4b:s30+s24], $0x100, $0x200038;
	[tilespmem:$0x10200] =	vst v63  }
0x3f: {  	s31 =	sand.u32 $0x1, s20;
	s22 =	sand.u32 @!p5 $0x1, s14;
	_ =	strace @p4 $0x9000005D  }
0x40: {  	s13 =	smov.u32 s17;
	s0 =	sadd.s32 $0x1, s31;
	_ =	strace $0x8000005E  }
0x41: {  	s17 =	sadd.s32 s3, s21;
	s25 =	simm.s32 $0x1;
	_ =	swait.ge [sflag:s0], $0x100  }
0x42: {  	s21 =	sadd.s32 $0x1, s21;
	s25 =	simm.s32 @!p3 $0x0;
	[sflag:s0] =	ssyncset.done $0x0  }
0x43: {  	p3 =	seq.s32 s21, s5;
	p2 =	por p5, p5;
	[sflag:s0] =	ssyncadd.s32 $0xFFFFFF00  }
0x44: {  	s14 =	sadd.s32 s25, s14;
	s19 =	sadd.s32 @!p2 $0x3, s22;
	_ =	strace $0x9000005E  }
0x45: {  	s22 =	sand.u32 $0x1, s15;
	s23 =	sshll.u32 s20, $0x8;
	_ =	strace $0x8000005F  }
0x46: {  	s30 =	sshll.u32 s22, $0xF;
	p4 =	seq.s32 s7, s29;
	s24 =	rddreg [dreg:$0x3]  }
0x47: {  	s25 =	sor.u32 $0x200, s30;
	s0 =	sand.u32 $0x100, s23;
	s29 =	rddreg [dreg:$0x4]  }
0x48: {  	[tilespmem:s25], [sflag:$0x5] =	stream.indirect.gather [hbm4b:s24+s29], $0x80, s0, s29, $0x2000b8;
	[tilespmem:$0x10200] =	vst v63  }
0x49: {  	s18 =	sadd.s32 $0x1, s18;
	s21 =	simm.s32 @p3 $0x0;
	_ =	swait.ge [sflag:s10], $0x8000  }
0x4a: {  	p0 =	slt.u32 s12, s7;
	p3 =	sne.s32 s28, s21;
	s31 =	sld [smem:$0x7FB]  }
0x4b: {  	p1 =	sne.s32 s5, s18;
	p0 =	por !p0, !p3  }
.Ltmp2:
0x4c: {  	p5 =	seq.s32 s12, $0x0;
	[sflag:s10] =	ssyncset.done $0x0;
	(pc) =	sbr.rel @p1 .LBB2_5-.Ltmp2, $4  }
0x4d: {  	s24 =	simm.s32 $0x1;
	[sflag:s10] =	ssyncadd.s32 $0xFFFF8000;
	p6 =	seq.s32 s31, $0x1  }
0x4e: {  	_ =	strace $0x9000005F;
	p6 =	por p4, p6;
	p4 =	por !p0, !p0  }
0x4f: {  	s24 =	simm.s32 @!p6 $0x0;
	s26 =	sand.u32 @p4 $0x1, s16;
	s0 =	sadd.s32 @p4 s3, s21  }
0x50: {  	_ =	strace @p6 $0x80000060;
	s23 =	sshll.u32 @p4 s26, $0x8;
	s28 =	sshll.u32 @p4 s0, $0x8  }
0x51: {  	s16 =	smov.u32 s13;
	s13 =	smov.u32 s17  }
.LBB2_7:
0x52: {  	s0 =	sld [smem:$0x7FD];
	_ =	sdelay $0x2  }
0x53: {  	p1 =	seq.s32 s0, $0x1  }
0x54: {  	p0 =	por !p6, !p1  }
0x55: {  	s16 =	sshll.u32 @!p0 s16, $0xC  }
0x56: {  	s0 =	rddreg [dreg:$0x5];
	s16 =	sand.u32 @!p0 $0x1FFFF000, s16  }
0x57: {  	s17 =	sadd.s32 @!p0 $0x3, s22;
	s0 =	sadd.s32 @!p0 s0, s16;
	s16 =	simm.s32 @!p0 $0x0  }
0x58: {  	[hbm4b:s0+s16] =	stream.linear.scatter @!p0 [tilespmem:s25], [sflag:s17], $0x8000, $0x200038;
	[tilespmem:$0x10200] =	vst v63  }
0x59: {  	_ =	strace @!p0 $0x90000060;
	p0 =	por p2, !p1  }
0x5a: {  	_ =	strace @!p0 $0x80000061  }
0x5b: {  	_ =	swait.ge @!p0 [sflag:s19], $0x8000  }
0x5c: {  	s18 =	simm.s32 $0x0;
	s0 =	sadd.s32 @p4 $0x19000, s28;
	[sflag:s19] =	ssyncset.done @!p0 $0x0  }
0x5d: {  	s16 =	sadd.s32 @p4 $0x1, s26;
	s17 =	sadd.s32 @p1 s24, s20;
	[sflag:s19] =	ssyncadd.s32 @!p0 $0xFFFF8000  }
0x5e: {  	s0 =	sshrl.u32 @p4 s0, $0x3;
	s18 =	smov.u32 @p1 s17;
	_ =	strace @!p0 $0x90000061  }
0x5f: {  	s17 =	simm.s32 @p4 $0x0;
	s0 =	sadd.s32 @p4 s4, s0;
	_ =	strace @p4 $0x8000005D  }
0x60: {  	[tilespmem:s23], [sflag:s16] =	stream.linear.gather @p4 [hbm4b:s0+s17], $0x100, $0x200038;
	[tilespmem:$0x10200] =	vst v63  }
0x61: {  	s25 =	sand.u32 $0x1, s18;
	_ =	strace @p4 $0x9000005D  }
0x62: {  	s0 =	sadd.s32 $0x1, s25;
	_ =	strace $0x8000005E  }
0x63: {  	_ =	swait.ge [sflag:s0], $0x100  }
0x64: {  	[sflag:s0] =	ssyncset.done $0x0  }
0x65: {  	[sflag:s0] =	ssyncadd.s32 $0xFFFFFF00;
	s0 =	sadd.s32 @p1 s24, s15;
	s15 =	simm.s32 $0x0  }
0x66: {  	_ =	strace $0x9000005E;
	s15 =	smov.u32 @p1 s0  }
0x67: {  	_ =	strace $0x8000005F;
	s15 =	sand.u32 $0x1, s15  }
0x68: {  	s29 =	sshll.u32 s18, $0x8;
	s26 =	rddreg [dreg:$0x3];
	s30 =	sshll.u32 s15, $0xF  }
0x69: {  	s17 =	sand.u32 $0x100, s29;
	s28 =	rddreg [dreg:$0x4];
	s18 =	sor.u32 $0x200, s30  }
0x6a: {  	[tilespmem:s18], [sflag:$0x5] =	stream.indirect.gather [hbm4b:s26+s28], $0x80, s17, s28, $0x2000b8;
	[tilespmem:$0x10200] =	vst v63  }
0x6b: {  	_ =	swait.ge [sflag:s10], $0x8000  }
0x6c: {  	[sflag:s10] =	ssyncset.done $0x0  }
0x6d: {  	p6 =	seq.s32 s7, s12;
	p4 =	por p3, p3;
	[sflag:s10] =	ssyncadd.s32 $0xFFFF8000  }
0x6e: {  	p0 =	por p6, p4;
	_ =	strace $0x9000005F  }
0x6f: {  	s13 =	sshll.u32 @p0 s13, $0xC;
	_ =	strace @p0 $0x80000060  }
0x70: {  	s13 =	sand.u32 @p0 $0x1FFFF000, s13;
	s0 =	rddreg [dreg:$0x5]  }
0x71: {  	s15 =	sadd.s32 @p0 $0x3, s15;
	s0 =	sadd.s32 @p0 s0, s13;
	s13 =	simm.s32 @p0 $0x0  }
0x72: {  	[hbm4b:s0+s13] =	stream.linear.scatter @p0 [tilespmem:s18], [sflag:s15], $0x8000, $0x200038;
	[tilespmem:$0x10200] =	vst v63  }
0x73: {  	p1 =	por p5, p5;
	s0 =	sand.u32 @!p5 $0x1, s14;
	_ =	strace @p0 $0x90000060  }
0x74: {  	s0 =	sadd.s32 @!p1 $0x3, s0;
	_ =	strace @!p1 $0x80000061  }
0x75: {  	p0 =	sne.s32 s12, $0x0;
	s12 =	simm.s32 $0x1;
	_ =	swait.ge @!p1 [sflag:s0], $0x8000  }
0x76: {  	s12 =	simm.s32 @!p0 $0x0;
	[sflag:s0] =	ssyncset.done @!p1 $0x0  }
0x77: {  	s11 =	sadd.s32 $0x1, s11;
	s12 =	sadd.s32 s12, s14;
	[sflag:s0] =	ssyncadd.s32 @!p1 $0xFFFF8000  }
0x78: {  	p0 =	sne.s32 s11, s8;
	s31 =	sand.u32 $0x1, s12;
	_ =	strace @!p1 $0x90000061  }
.Ltmp3:
0x79: {  	s0 =	sadd.s32 $0x3, s31;
	_ =	strace $0x80000062;
	(pc) =	sbr.rel @p0 .LBB2_1-.Ltmp3, $4  }
.Ltmp4:
0x7a: {  	_ =	swait.ge [sflag:s0], $0x8000;
	(pc) =	sbr.rel @!p0 .LBB2_8-.Ltmp4, $4  }
0x7b: {  	[sflag:s0] =	ssyncset.done $0x0  }
0x7c: {  	[sflag:s0] =	ssyncadd.s32 $0xFFFF8000  }
0x7d: {  	_ =	strace $0x90000062  }
0x7e: {  	_ = 	snop  }
.LBB2_2:
.Ltmp5:
0x7f: {  	(pc) =	sbr.rel .LBB2_7-.Ltmp5, $4  }
0x80: {  	p0 =	por $0x0, $0x0  }
0x81: {  	s0 =	simm.s32 @!p0 $0x0  }
0x82: {  	s12 =	simm.s32 $0x0;
	s15 =	simm.s32 $0x0;
	s0 =	simm.s32 @p0 $0x1  }
0x83: {  	s20 =	simm.s32 $0x0;
	s14 =	simm.s32 $0x0;
	[smem:$0x7FD] =	sst s0  }
.LBB2_4:
.Ltmp6:
0x84: {  	(pc) =	sbr.rel .LBB2_7-.Ltmp6, $3  }
0x85: {  	_ =	sdelay $0x1  }
0x86: {  	s16 =	smov.u32 s13  }
0x87: {  	s15 =	simm.s32 $0x0;
	s20 =	simm.s32 $0x0;
	s13 =	smov.u32 s17  }
.LBB2_8:
0x88: {  	_ =	sfence.sel $0x180000  }
0x89: {  	[bflag:$0x0] =	sbarrier.arrive $0xFFFF  }
0x8a: {  	_ =	strace $0x9000005B  }
0x8b: {  	[bflag:$0x2] =	sbarrier.arrive $0xFFFF  }
0x8c: {  	p0 =	sne.s32 s1, $0x0;
	s0 =	rddreg [dreg:$0x2]  }
0x8d: {  	s0 =	sadd.s32 @!p0 $0x100000, s0  }
0x8e: {  	[sflag:s0] =	ssyncadd.tile.s32 @!p0 $0x1;
	_ =	shalt  }
.Lfunc_end2:
_tile_overlayer_lowered:
.L_overlay_start_2:
0x8f: {  	(tag) =	ssettag $0x2  }
0x90: {  	s0 =	rddreg [dreg:$0x0];
	s2 =	stileid.u32  }
0x91: {  	s1 =	rddreg [dreg:$0x1];
	p0 =	sne.s32 s2, $0x0  }
0x92: {  	s3 =	rddreg [dreg:$0x2];
	[bflag:$0x3] =	sbarrier.arrive $0xFFFF;
	s2 =	simm.s32 @!p0 $0x1C01  }
0x93: {  	[timem:s3], [sflag:s2] =	dma.local @!p0 [hbm:s0], s1  }
0x94: {  	s0 =	simm.s32 @!p0 $0x1  }
0x95: {  	_ =	swait.ge @!p0 [sflag:s0], s1  }
0x96: {  	s1 =	ssub.s32 @!p0 $0x0, s1;
	[sflag:s0] =	ssyncset.done @!p0 $0x0  }
0x97: {  	[sflag:s0] =	ssyncadd.s32 @!p0 s1  }
0x98: {  	[bflag:$0x3] =	sbarrier.arrive $0xFFFF  }
0x99: {  	_ =	shalt  }

// kernel: kernel.19.cloned.1.call-start
scs
__scs_entry_jumppad:
0x0: {  	(pc) =	sbr.rel $0x88, $3  }
0x1: {  	(tag) =	ssettag $0x0;
	lr =	simm.s32 $0x1  }
0x2: {  	[smem:$0x3F9D] =	sst lr;
	_ =	strace $0xD0000000  }
0x3: {  	_ = 	snop  }
0x4: {  	_ = 	snop  }
0x5: {  	_ = 	snop  }
0x6: {  	_ = 	snop  }
0x7: {  	_ = 	snop  }
__scs_overlays_trampoline_lowered:
0x8: {  	[smem:$0x3FAC] =	sst s0  }
0x9: {  	[smem:$0x3FAD] =	sst s1  }
0xa: {  	[smem:$0x3FAE] =	sst s2  }
0xb: {  	[smem:$0x3FAF] =	sst s3  }
0xc: {  	[smem:$0x3FB0] =	sst s4  }
0xd: {  	[smem:$0x3FB1] =	sst s5  }
0xe: {  	[smem:$0x3FB2] =	sst s6  }
0xf: {  	[smem:$0x3FB3] =	sst s7  }
0x10: {  	[smem:$0x3FB4] =	sst s8  }
0x11: {  	[smem:$0x3FB5] =	sst s9;
	s0 =	simm.s32 @!p0 $0x0  }
0x12: {  	s1 =	sld [smem:$0x3F9B];
	s0 =	simm.s32 @p0 $0x1  }
0x13: {  	[smem:$0x3FB6] =	sst s0;
	s0 =	simm.s32 @!p1 $0x0  }
0x14: {  	s2 =	sld [smem:$0x3F9A];
	s0 =	simm.s32 @p1 $0x1  }
0x15: {  	[smem:$0x3FB7] =	sst s0;
	s0 =	simm.s32 @!p2 $0x0  }
0x16: {  	s3 =	sld [smem:$0x3FDB];
	s0 =	simm.s32 @p2 $0x1  }
0x17: {  	s4 =	simm.s32 $0x1BF5;
	[smem:$0x3FB9] =	sst s0  }
0x18: {  	s0 =	sld [smem:$0x3F9C];
	_ =	swait.ge [sflag:s4], $0x0  }
0x19: {  	s7 =	sld [smem:$0x3F9D]  }
0x1a: {  	s8 =	sadd.s32 $0xFFFFE003, lr  }
0x1b: {  	s9 =	sadd.s32 $0xFFFFFEF7, lr;
	s5 =	simm.s32 $0xFFFFFFFF;
	p2 =	slt.u32 s8, $0xFFFFF086  }
0x1c: {  	p1 =	slt.u32 s9, $0xF7A;
	s5 =	simm.s32 @!p2 $0x0  }
0x1d: {  	s5 =	simm.s32 @p1 $0x1;
	p0 =	seq.s32 s7, s2  }
0x1e: {  	s7 =	smul.u32 @!p0 $0xF7A, s2;
	p2 =	seq.s32 @!p0 s5, $0x0  }
0x1f: {  	s9 =	smul.u32 $0xF7A, s1;
	s8 =	simm.s32 @!p0 $0x1BF5;
	p2 =	por !p2, p0  }
0x20: {  	[sflag:s8] =	ssyncset.s32 @!p0 $0xFFFFF086;
	s6 =	sadd.s32 @!p0 s3, s7;
	s7 =	simm.s32 @!p0 $0x108  }
0x21: {  	s3 =	sadd.s32 s3, s9;
	s6 =	sadd.s32 @!p0 $0x88, s6;
	s7 =	simm.s32 @p2 $0x1082  }
0x22: {  	[simem:s7], [sflag:s8] =	dma.local @!p0 [hbm:s6], $0xF7A  }
0x23: {  	s9 =	sor.u32 $0xD0000000, s2;
	s6 =	simm.s32 $0x108;
	_ =	swait.ge @!p0 [sflag:s8], $0x0  }
0x24: {  	s3 =	sadd.s32 $0x88, s3;
	s6 =	simm.s32 @!p1 $0x1082;
	[sflag:s4] =	ssyncset.s32 $0xFFFFF086  }
0x25: {  	[simem:s6], [sflag:s4] =	dma.local [hbm:s3], $0xF7A  }
0x26: {  	[smem:$0x3F9D] =	sst s1;
	(tag) =	ssettag s2;
	_ =	strace s9  }
0x27: {  	s1 =	sld [smem:$0x3FAD]  }
0x28: {  	s2 =	sld [smem:$0x3FAE]  }
0x29: {  	s4 =	sld [smem:$0x3FB0]  }
0x2a: {  	p0 =	seq.s32 s5, $0x0;
	s5 =	sld [smem:$0x3FB1]  }
0x2b: {  	s6 =	sld [smem:$0x3FB2]  }
0x2c: {  	s7 =	sld [smem:$0x3FB3]  }
0x2d: {  	s3 =	simm.s32 $0x108;
	s8 =	sld [smem:$0x3FB4]  }
0x2e: {  	s3 =	simm.s32 @!p0 $0x1082;
	s9 =	sld [smem:$0x3FB5]  }
0x2f: {  	lr =	sadd.s32 s0, s3;
	s0 =	sld [smem:$0x3FAC]  }
0x30: {  	s3 =	sld [smem:$0x3FAF]  }
0x31: {  	[smem:$0x3FB8] =	sst s10  }
0x32: {  	s10 =	sld [smem:$0x3FB6];
	_ =	sdelay $0x3  }
0x33: {  	p0 =	seq.s32 s10, $0x1;
	s10 =	sld [smem:$0x3FB8];
	_ =	sdelay $0x3  }
0x34: {  	[smem:$0x3FB8] =	sst s10  }
0x35: {  	s10 =	sld [smem:$0x3FB7];
	_ =	sdelay $0x3  }
0x36: {  	p1 =	seq.s32 s10, $0x1;
	s10 =	sld [smem:$0x3FB8];
	_ =	sdelay $0x3  }
0x37: {  	[smem:$0x3FB8] =	sst s10  }
0x38: {  	s10 =	sld [smem:$0x3FB9]  }
0x39: {  	_ = 	snop;
	(pc) =	sbr.ind lr, $3  }
0x3a: {  	_ = 	snop  }
0x3b: {  	_ = 	snop  }
0x3c: {  	p2 =	seq.s32 s10, $0x1;
	s10 =	sld [smem:$0x3FB8]  }
0x3d: {  	_ =	shalt  }
0x3e: {  	_ =	shalt  }
0x3f: {  	_ =	shalt  }
0x40: {  	_ =	shalt  }
0x41: {  	_ =	shalt  }
0x42: {  	_ =	shalt  }
0x43: {  	_ =	shalt  }
0x44: {  	_ =	shalt  }
0x45: {  	_ =	shalt  }
0x46: {  	_ =	shalt  }
0x47: {  	_ =	shalt  }
0x48: {  	_ =	shalt  }
0x49: {  	_ =	shalt  }
0x4a: {  	_ =	shalt  }
0x4b: {  	_ =	shalt  }
0x4c: {  	_ =	shalt  }
0x4d: {  	_ =	shalt  }
0x4e: {  	_ =	shalt  }
0x4f: {  	_ =	shalt  }
0x50: {  	_ =	shalt  }
0x51: {  	_ =	shalt  }
0x52: {  	_ =	shalt  }
0x53: {  	_ =	shalt  }
0x54: {  	_ =	shalt  }
0x55: {  	_ =	shalt  }
0x56: {  	_ =	shalt  }
0x57: {  	_ =	shalt  }
0x58: {  	_ =	shalt  }
0x59: {  	_ =	shalt  }
0x5a: {  	_ =	shalt  }
0x5b: {  	_ =	shalt  }
0x5c: {  	_ =	shalt  }
0x5d: {  	_ =	shalt  }
0x5e: {  	_ =	shalt  }
0x5f: {  	_ =	shalt  }
0x60: {  	_ =	shalt  }
0x61: {  	_ =	shalt  }
0x62: {  	_ =	shalt  }
0x63: {  	_ =	shalt  }
0x64: {  	_ =	shalt  }
0x65: {  	_ =	shalt  }
0x66: {  	_ =	shalt  }
0x67: {  	_ =	shalt  }
0x68: {  	_ =	shalt  }
0x69: {  	_ =	shalt  }
0x6a: {  	_ =	shalt  }
0x6b: {  	_ =	shalt  }
0x6c: {  	_ =	shalt  }
0x6d: {  	_ =	shalt  }
0x6e: {  	_ =	shalt  }
0x6f: {  	_ =	shalt  }
0x70: {  	_ =	shalt  }
0x71: {  	_ =	shalt  }
0x72: {  	_ =	shalt  }
0x73: {  	_ =	shalt  }
0x74: {  	_ =	shalt  }
0x75: {  	_ =	shalt  }
0x76: {  	_ =	shalt  }
0x77: {  	_ =	shalt  }
0x78: {  	_ =	shalt  }
0x79: {  	_ =	shalt  }
0x7a: {  	_ =	shalt  }
0x7b: {  	_ =	shalt  }
0x7c: {  	_ =	shalt  }
0x7d: {  	_ =	shalt  }
0x7e: {  	_ =	shalt  }
0x7f: {  	_ =	shalt  }
0x80: {  	_ =	shalt  }
0x81: {  	_ =	shalt  }
0x82: {  	_ =	shalt  }
0x83: {  	_ =	shalt  }
0x84: {  	_ =	shalt  }
0x85: {  	_ =	shalt  }
0x86: {  	_ =	shalt  }
0x87: {  	_ =	shalt  }
.Lfunc_end0:
.L_simem_size_0:
called_computation.3_lowered:
.L_overlay_start_0:
0x88: {  	s2 =	sld [smem:$0x3FD9]  }
0x89: {  	s3 =	sld [smem:$0x3FFE];
	_ =	sdelay $0x1  }
0x8a: {  	s1 =	srdreg.scid  }
0x8b: {  	s0 =	sand.u32 $0x1, s1  }
0x8c: {  	s17 =	sshll.u32 s0, $0xA;
	s2 =	sadd.s32 s3, s2  }
0x8d: {  	s2 =	sadd.s32 s2, s17  }
0x8e: {  	[smem:$0x3FC4] =	sst s2  }
0x8f: {  	_ = 	snop  }
0x90: {  	s18 =	sld [smem:$0x3FC8];
	(tm) =	ssettm $0x1  }
0x91: {  	s19 =	sld [smem:$0x3FFB];
	_ =	sdelay $0x3  }
0x92: {  	_ =	strace s19  }
0x93: {  	s2 =	sld [smem:$0x3FFC];
	_ =	sdelay $0x3  }
0x94: {  	_ =	strace s2  }
0x95: {  	s2 =	sld [smem:$0x3FFD];
	_ =	sdelay $0x3  }
0x96: {  	_ =	strace s2  }
0x97: {  	_ =	strace $0x8FFFFFFF  }
0x98: {  	s20 =	sld [smem:$0x3FDB];
	_ =	sdelay $0x1  }
0x99: {  	s4 =	simm.s32 $_scs_section_size  }
0x9a: {  	s5 =	simm.s32 $_size__tile_overlayer_lowered;
	s6 =	simm.s32 $_tile_overlayer_lowered  }
0x9b: {  	s7 =	simm.s32 $0x1BFF;
	s21 =	sshll.u32 s6, $0x1;
	s4 =	sadd.s32 s4, s20  }
0x9c: {  	s22 =	simm.s32 $0x0;
	s5 =	sshll.u32 s5, $0x1;
	s6 =	sadd.s32 s21, s4  }
0x9d: {  	[timem:s22], [sflag:s7] =	dma.local [hbm:s6], s5  }
0x9e: {  	_ =	swait.ge [sflag:s7], s5  }
0x9f: {  	s5 =	ssub.s32 $0x0, s5;
	[sflag:s7] =	ssyncset.done $0x0  }
0xa0: {  	[sflag:s7] =	ssyncadd.s32 s5;
	_ =	sdelay $0x1  }
0xa1: {  	s23 =	simm.s32 $0x1B8B  }
0xa2: {  	_ =	swait.ge [sflag:s23], $0x1  }
0xa3: {  	[sflag:s23] =	ssyncset.done $0x0  }
0xa4: {  	[sflag:s23] =	ssyncadd.s32 $0xFFFFFFFF  }
0xa5: {  	s5 =	sld [smem:$0x0]  }
0xa6: {  	s6 =	sand.u32 $0xFFFFFFFE, s1  }
0xa7: {  	p0 =	sne.s32 s1, s6  }
0xa8: {  	s6 =	sshll.u32 @p0 s6, $0xE  }
0xa9: {  	s6 =	sadd.s32 @p0 $0x11B8D, s6;
	s7 =	sshll.u32 @p0 s5, $0x11  }
0xaa: {  	s6 =	sor.u32 @p0 s7, s6  }
0xab: {  	[sflag:s6] =	ssyncadd.remote.s32 @p0 $0x1;
	_ =	sdelay $0x1  }
0xac: {  	s6 =	simm.s32 @p0 $0x1B8D  }
0xad: {  	_ =	swait.eq @p0 [sflag:s6], $0x1  }
0xae: {  	[sflag:s6] =	ssyncadd.s32 @p0 $0xFFFFFFFF  }
0xaf: {  	s7 =	sshll.u32 @!p0 s1, $0xE  }
0xb0: {  	s7 =	sor.u32 @!p0 $0x4000, s7;
	s6 =	simm.s32 @!p0 $0x1B8D  }
0xb1: {  	s5 =	sshll.u32 @!p0 s5, $0x11;
	s7 =	sadd.s32 @!p0 $0x11B8D, s7;
	_ =	swait.eq @!p0 [sflag:s6], $0x1  }
0xb2: {  	s5 =	sor.u32 @!p0 s5, s7;
	[sflag:s6] =	ssyncadd.s32 @!p0 $0xFFFFFFFF  }
0xb3: {  	s25 =	simm.s32 $0x1B8E;
	s24 =	sld [smem:$0x3FFE];
	[sflag:s5] =	ssyncadd.remote.s32 @!p0 $0x1  }
0xb4: {  	s26 =	simm.s32 $execute0_lowered;
	[smem:$0x3FD2] =	sst s25  }
0xb5: {  	s6 =	sshll.u32 s26, $0x1;
	_ =	strace $0x80000064;
	[dreg:$0x1] =	wrdreg $0xFFFFFFFF  }
0xb6: {  	s28 =	simm.s32 $_size_execute0_lowered;
	s4 =	sadd.s32 s4, s6;
	[dreg:$0x0] =	wrdreg $0x0  }
0xb7: {  	s6 =	sshll.u32 s28, $0x1;
	[dreg:$0x2] =	wrdreg s4  }
0xb8: {  	[dreg:$0x3] =	wrdreg s6  }
0xb9: {  	[dreg:$0x4] =	wrdreg $0xC0  }
0xba: {  	_ =	task [dreg:s22], $0x5FFFF  }
0xbb: {  	[dreg:$0x1] =	wrdreg $0xFFFFFFFF  }
0xbc: {  	[dreg:$0x0] =	wrdreg $0x60  }
0xbd: {  	[dreg:$0x2] =	wrdreg s18  }
0xbe: {  	[dreg:$0x3] =	wrdreg s24  }
0xbf: {  	[dreg:$0x4] =	wrdreg $0xC  }
0xc0: {  	_ =	task.clear_ibuf [dreg:s22], $0x5FFFF;
	_ =	strace $0x90000064  }
0xc1: {  	s29 =	simm.s32 $0xC;
	_ =	strace $0x8000006D  }
0xc2: {  	_ =	swait.ge [sflag:s29], $0x1  }
0xc3: {  	[sflag:s29] =	ssyncadd.s32 $0xFFFFFFFF  }
0xc4: {  	_ =	strace $0x9000006D  }
0xc5: {  	_ =	sfence  }
0xc6: {  	s30 =	sld [smem:$0x0];
	_ =	sdelay $0x2  }
0xc7: {  	s31 =	sshll.u32 s1, $0xD;
	s1 =	sshrl.u32 s1, $0x2  }
0xc8: {  	s4 =	sand.u32 $0x4000, s31;
	s1 =	sadd.s32 s1, s30  }
0xc9: {  	s0 =	sor.u32 s4, s0;
	s1 =	sshll.u32 s1, $0x11  }
0xca: {  	s0 =	sor.u32 s1, s0  }
0xcb: {  	s0 =	sadd.s32 $0x8F2B, s0  }
0xcc: {  	[sflag:s0] =	ssyncadd.remote.s32 $0x1  }
0xcd: {  	_ =	sfence.sel $0xFFFF  }
0xce: {  	[dreg:$0x0] =	wrdreg $0xFFFFFFFF;
	(pc) =	sbr.abs _section_cstart, $3  }
0xcf: {  	[dreg:$0x1] =	wrdreg $0xFFFFFFFF  }
0xd0: {  	_ =	task.clear_ibuf [dreg:s22], $0x2FFFF;
	_ =	strace $0x9FFFFFFF  }
0xd1: {  	(tm) =	ssettm $0x7FFFFFFF  }
tec
execute0_lowered:
.L_overlay_start_1:
0x0: {  	(tag) =	ssettag $0x1  }
0x1: {  	s0 =	rddreg [dreg:$0x0]  }
0x2: {  	s1 =	srdreg.scid;
	s4 =	rddreg [dreg:$0x1];
	s2 =	simm.s32 $0x0  }
0x3: {  	s9 =	simm.s32 $0x1;
	s10 =	simm.s32 $0x100;
	s5 =	sand.u32 $0x1, s1  }
0x4: {  	[dreg:$0x3] =	wrdreg s0;
	s1 =	stileid.u32;
	s3 =	sshll.u32 s5, $0x4  }
0x5: {  	s11 =	simm.s32 $0x0;
	[smem:$0x7FF] =	sst s2;
	s3 =	sor.u32 s1, s3  }
0x6: {  	s8 =	sadd.s32 $0x25F800, s4;
	s4 =	sadd.s32 $0x1400, s4;
	s6 =	smul.u32 $0x6, s3  }
0x7: {  	_ =	strace $0x80000065;
	[dreg:$0x5] =	wrdreg s8;
	s7 =	smul.u32 $0x7, s3  }
0x8: {  	s30 =	ssub.s32 $0x2, s5;
	p0 =	slt.u32 s3, $0x8;
	s3 =	sadd.s32 $0x8, s6  }
0x9: {  	s5 =	simm.s32 $0x7;
	[dreg:$0x4] =	wrdreg s10;
	s3 =	smov.u32 @p0 s7  }
0xa: {  	s10 =	simm.s32 $0x5;
	s31 =	sshrl.u32 s30, $0x1;
	s7 =	sshll.u32 s3, $0x5  }
0xb: {  	s8 =	ssub.s32 s30, s31;
	s5 =	simm.s32 @!p0 $0x6;
	s7 =	sadd.s32 s7, s4  }
0xc: {  	s8 =	smax.u32 s8, $0x1;
	s6 =	sadd.s32 $0x4B00, s7;
	s7 =	sadd.s32 $0xFFFFFFFF, s5  }
.LBB2_1:
0xd: {  	_ =	strace $0x80000066;
	p0 =	seq.s32 s5, $0x1;
	s14 =	simm.s32 $0x1  }
0xe: {  	[tilespmem:s2], [sflag:$0x1] =	stream.linear.gather [hbm4b:s6+s2], $0x100, $0x200038;
	[tilespmem:$0x10200] =	vst v63  }
0xf: {  	p1 =	sne.s32 s5, $0x1;
	s14 =	simm.s32 @p0 $0x0  }
.Ltmp0:
0x10: {  	p6 =	sgt.u32 s7, $0x0;
	p3 =	sne.s32 s14, $0x0;
	(pc) =	sbr.rel @!p1 .LBB2_2-.Ltmp0, $4  }
0x11: {  	p0 =	por !p6, !p3  }
0x12: {  	s12 =	simm.s32 $0x1;
	s13 =	sadd.s32 $0x0, s3;
	p4 =	por !p0, !p0  }
0x13: {  	p5 =	por $0x1, $0x1;
	s26 =	sand.u32 @p4 $0x1, s9;
	s15 =	sadd.s32 @p4 s3, s14  }
0x14: {  	_ =	strace $0x90000066;
	s23 =	sshll.u32 @p4 s26, $0x8;
	s28 =	sshll.u32 @p4 s15, $0x8  }
0x15: {  	s15 =	sadd.s32 @p4 $0x25800, s28  }
0x16: {  	s16 =	sadd.s32 @p4 $0x1, s26;
	s15 =	sshrl.u32 @p4 s15, $0x3  }
0x17: {  	s17 =	simm.s32 @p4 $0x0;
	_ =	strace @p4 $0x80000067;
	s15 =	sadd.s32 @p4 s4, s15  }
0x18: {  	[tilespmem:s23], [sflag:s16] =	stream.linear.gather @p4 [hbm4b:s15+s17], $0x100, $0x200038;
	[tilespmem:$0x10200] =	vst v63  }
0x19: {  	s22 =	sand.u32 $0x1, s2;
	_ =	strace @p4 $0x90000067  }
0x1a: {  	p0 =	sne.s32 s5, $0x2;
	s26 =	sadd.s32 $0x1, s22;
	_ =	strace $0x80000068  }
0x1b: {  	s0 =	simm.s32 @!p0 $0x0;
	_ =	swait.ge [sflag:s26], $0x100  }
0x1c: {  	p2 =	por p5, p5;
	s0 =	simm.s32 @p0 $0x1;
	[sflag:s26] =	ssyncset.done $0x0  }
0x1d: {  	s29 =	simm.s32 $0x0;
	[smem:$0x7FC] =	sst s0;
	[sflag:s26] =	ssyncadd.s32 $0xFFFFFF00  }
0x1e: {  	s25 =	sshll.u32 s22, $0xF;
	s15 =	simm.s32 $0x1;
	_ =	strace $0x90000068  }
0x1f: {  	s25 =	sor.u32 $0x200, s25;
	s15 =	simm.s32 @!p4 $0x0;
	_ =	strace $0x80000069  }
0x20: {  	s16 =	sadd.s32 $0x1, s15;
	s15 =	sand.u32 @!p5 $0x1, s2;
	s20 =	rddreg [dreg:$0x3]  }
0x21: {  	s19 =	sadd.s32 @!p2 $0x3, s15;
	s15 =	sand.u32 $0x100, s29;
	s30 =	rddreg [dreg:$0x4]  }
0x22: {  	[tilespmem:s25], [sflag:$0x5] =	stream.indirect.gather [hbm4b:s20+s30], $0x80, s15, s30, $0x2000b8;
	[tilespmem:$0x10200] =	vst v63  }
0x23: {  	s21 =	sadd.s32 $0x1, s14;
	_ =	swait.ge [sflag:s10], $0x8000  }
0x24: {  	p6 =	seq.s32 s21, s5;
	[sflag:s10] =	ssyncset.done $0x0  }
0x25: {  	p0 =	seq.s32 s7, $0x0;
	p4 =	por p3, p3;
	[sflag:s10] =	ssyncadd.s32 $0xFFFF8000  }
0x26: {  	s21 =	simm.s32 @p6 $0x0;
	p6 =	por p0, p4;
	_ =	strace $0x90000069  }
0x27: {  	_ =	strace @p6 $0x8000006A  }
0x28: {  	s18 =	simm.s32 $0x2;
	s31 =	sld [smem:$0x7FC]  }
0x29: {  	s24 =	simm.s32 $0x1;
	p3 =	por $0x0, $0x0;
	p0 =	por $0x1, $0x1  }
0x2a: {  	p1 =	sgt.u32 s7, $0x1;
	s24 =	simm.s32 @!p3 $0x0;
	s0 =	simm.s32 @!p0 $0x0  }
0x2b: {  	p3 =	sne.s32 s14, s21;
	s0 =	simm.s32 @p0 $0x1;
	p0 =	seq.s32 s31, $0x1  }
.Ltmp1:
0x2c: {  	s17 =	sadd.s32 s3, s14;
	p1 =	por !p1, !p3;
	(pc) =	sbr.rel @!p0 .LBB2_4-.Ltmp1, $4  }
0x2d: {  	s14 =	sadd.s32 $0x0, s24;
	s24 =	simm.s32 $0x1;
	p4 =	por !p1, !p1  }
0x2e: {  	p5 =	por $0x0, $0x0;
	s24 =	simm.s32 @!p6 $0x0;
	s26 =	sand.u32 @p4 $0x1, s16  }
0x2f: {  	s23 =	sshll.u32 @p4 s26, $0x8;
	s15 =	sadd.s32 @p4 s3, s21;
	s20 =	simm.s32 $0x0  }
0x30: {  	s28 =	sshll.u32 @p4 s15, $0x8;
	s15 =	simm.s32 $0x0;
	[smem:$0x7FD] =	sst s0  }
.LBB2_5:
0x31: {  	s0 =	rddreg [dreg:$0x5];
	p0 =	por p3, p3  }
0x32: {  	[smem:$0x7FA] =	sst s1;
	s1 =	simm.s32 @!p0 $0x0  }
0x33: {  	s13 =	sshll.u32 @p6 s13, $0xC;
	s1 =	simm.s32 @p0 $0x1  }
0x34: {  	s22 =	sadd.s32 @p6 $0x3, s22;
	s13 =	sand.u32 @p6 $0x1FFFF000, s13;
	[smem:$0x7FB] =	sst s1  }
0x35: {  	s0 =	sadd.s32 @p6 s0, s13;
	s13 =	simm.s32 @p6 $0x0;
	s1 =	sld [smem:$0x7FA]  }
0x36: {  	[hbm4b:s0+s13] =	stream.linear.scatter @p6 [tilespmem:s25], [sflag:s22], $0x8000, $0x200038;
	[tilespmem:$0x10200] =	vst v63  }
0x37: {  	s30 =	sadd.s32 @p4 $0x25800, s28;
	s31 =	simm.s32 $0x1;
	_ =	strace @p6 $0x9000006A  }
0x38: {  	s29 =	smov.u32 s12;
	s12 =	smov.u32 s18;
	_ =	strace @!p2 $0x8000006B  }
0x39: {  	s28 =	smov.u32 s21;
	s15 =	sadd.s32 s24, s15;
	_ =	swait.ge @!p2 [sflag:s19], $0x8000  }
0x3a: {  	s26 =	sadd.s32 @p4 $0x1, s26;
	s20 =	sadd.s32 s24, s20;
	[sflag:s19] =	ssyncset.done @!p2 $0x0  }
0x3b: {  	s24 =	simm.s32 @p4 $0x0;
	s31 =	simm.s32 @!p4 $0x0;
	[sflag:s19] =	ssyncadd.s32 @!p2 $0xFFFF8000  }
0x3c: {  	s30 =	sshrl.u32 @p4 s30, $0x3;
	p3 =	sne.s32 s29, $0x0;
	_ =	strace @!p2 $0x9000006B  }
0x3d: {  	s30 =	sadd.s32 @p4 s4, s30;
	s16 =	sadd.s32 s31, s16;
	_ =	strace @p4 $0x80000067  }
0x3e: {  	[tilespmem:s23], [sflag:s26] =	stream.linear.gather @p4 [hbm4b:s30+s24], $0x100, $0x200038;
	[tilespmem:$0x10200] =	vst v63  }
0x3f: {  	s31 =	sand.u32 $0x1, s20;
	s22 =	sand.u32 @!p5 $0x1, s14;
	_ =	strace @p4 $0x90000067  }
0x40: {  	s13 =	smov.u32 s17;
	s0 =	sadd.s32 $0x1, s31;
	_ =	strace $0x80000068  }
0x41: {  	s17 =	sadd.s32 s3, s21;
	s25 =	simm.s32 $0x1;
	_ =	swait.ge [sflag:s0], $0x100  }
0x42: {  	s21 =	sadd.s32 $0x1, s21;
	s25 =	simm.s32 @!p3 $0x0;
	[sflag:s0] =	ssyncset.done $0x0  }
0x43: {  	p3 =	seq.s32 s21, s5;
	p2 =	por p5, p5;
	[sflag:s0] =	ssyncadd.s32 $0xFFFFFF00  }
0x44: {  	s14 =	sadd.s32 s25, s14;
	s19 =	sadd.s32 @!p2 $0x3, s22;
	_ =	strace $0x90000068  }
0x45: {  	s22 =	sand.u32 $0x1, s15;
	s23 =	sshll.u32 s20, $0x8;
	_ =	strace $0x80000069  }
0x46: {  	s30 =	sshll.u32 s22, $0xF;
	p4 =	seq.s32 s7, s29;
	s24 =	rddreg [dreg:$0x3]  }
0x47: {  	s25 =	sor.u32 $0x200, s30;
	s0 =	sand.u32 $0x100, s23;
	s29 =	rddreg [dreg:$0x4]  }
0x48: {  	[tilespmem:s25], [sflag:$0x5] =	stream.indirect.gather [hbm4b:s24+s29], $0x80, s0, s29, $0x2000b8;
	[tilespmem:$0x10200] =	vst v63  }
0x49: {  	s18 =	sadd.s32 $0x1, s18;
	s21 =	simm.s32 @p3 $0x0;
	_ =	swait.ge [sflag:s10], $0x8000  }
0x4a: {  	p0 =	slt.u32 s12, s7;
	p3 =	sne.s32 s28, s21;
	s31 =	sld [smem:$0x7FB]  }
0x4b: {  	p1 =	sne.s32 s5, s18;
	p0 =	por !p0, !p3  }
.Ltmp2:
0x4c: {  	p5 =	seq.s32 s12, $0x0;
	[sflag:s10] =	ssyncset.done $0x0;
	(pc) =	sbr.rel @p1 .LBB2_5-.Ltmp2, $4  }
0x4d: {  	s24 =	simm.s32 $0x1;
	[sflag:s10] =	ssyncadd.s32 $0xFFFF8000;
	p6 =	seq.s32 s31, $0x1  }
0x4e: {  	_ =	strace $0x90000069;
	p6 =	por p4, p6;
	p4 =	por !p0, !p0  }
0x4f: {  	s24 =	simm.s32 @!p6 $0x0;
	s26 =	sand.u32 @p4 $0x1, s16;
	s0 =	sadd.s32 @p4 s3, s21  }
0x50: {  	_ =	strace @p6 $0x8000006A;
	s23 =	sshll.u32 @p4 s26, $0x8;
	s28 =	sshll.u32 @p4 s0, $0x8  }
0x51: {  	s16 =	smov.u32 s13;
	s13 =	smov.u32 s17  }
.LBB2_7:
0x52: {  	s0 =	sld [smem:$0x7FD];
	_ =	sdelay $0x2  }
0x53: {  	p1 =	seq.s32 s0, $0x1  }
0x54: {  	p0 =	por !p6, !p1  }
0x55: {  	s16 =	sshll.u32 @!p0 s16, $0xC  }
0x56: {  	s0 =	rddreg [dreg:$0x5];
	s16 =	sand.u32 @!p0 $0x1FFFF000, s16  }
0x57: {  	s17 =	sadd.s32 @!p0 $0x3, s22;
	s0 =	sadd.s32 @!p0 s0, s16;
	s16 =	simm.s32 @!p0 $0x0  }
0x58: {  	[hbm4b:s0+s16] =	stream.linear.scatter @!p0 [tilespmem:s25], [sflag:s17], $0x8000, $0x200038;
	[tilespmem:$0x10200] =	vst v63  }
0x59: {  	_ =	strace @!p0 $0x9000006A;
	p0 =	por p2, !p1  }
0x5a: {  	_ =	strace @!p0 $0x8000006B  }
0x5b: {  	_ =	swait.ge @!p0 [sflag:s19], $0x8000  }
0x5c: {  	s18 =	simm.s32 $0x0;
	s0 =	sadd.s32 @p4 $0x25800, s28;
	[sflag:s19] =	ssyncset.done @!p0 $0x0  }
0x5d: {  	s16 =	sadd.s32 @p4 $0x1, s26;
	s17 =	sadd.s32 @p1 s24, s20;
	[sflag:s19] =	ssyncadd.s32 @!p0 $0xFFFF8000  }
0x5e: {  	s0 =	sshrl.u32 @p4 s0, $0x3;
	s18 =	smov.u32 @p1 s17;
	_ =	strace @!p0 $0x9000006B  }
0x5f: {  	s17 =	simm.s32 @p4 $0x0;
	s0 =	sadd.s32 @p4 s4, s0;
	_ =	strace @p4 $0x80000067  }
0x60: {  	[tilespmem:s23], [sflag:s16] =	stream.linear.gather @p4 [hbm4b:s0+s17], $0x100, $0x200038;
	[tilespmem:$0x10200] =	vst v63  }
0x61: {  	s25 =	sand.u32 $0x1, s18;
	_ =	strace @p4 $0x90000067  }
0x62: {  	s0 =	sadd.s32 $0x1, s25;
	_ =	strace $0x80000068  }
0x63: {  	_ =	swait.ge [sflag:s0], $0x100  }
0x64: {  	[sflag:s0] =	ssyncset.done $0x0  }
0x65: {  	[sflag:s0] =	ssyncadd.s32 $0xFFFFFF00;
	s0 =	sadd.s32 @p1 s24, s15;
	s15 =	simm.s32 $0x0  }
0x66: {  	_ =	strace $0x90000068;
	s15 =	smov.u32 @p1 s0  }
0x67: {  	_ =	strace $0x80000069;
	s15 =	sand.u32 $0x1, s15  }
0x68: {  	s29 =	sshll.u32 s18, $0x8;
	s26 =	rddreg [dreg:$0x3];
	s30 =	sshll.u32 s15, $0xF  }
0x69: {  	s17 =	sand.u32 $0x100, s29;
	s28 =	rddreg [dreg:$0x4];
	s18 =	sor.u32 $0x200, s30  }
0x6a: {  	[tilespmem:s18], [sflag:$0x5] =	stream.indirect.gather [hbm4b:s26+s28], $0x80, s17, s28, $0x2000b8;
	[tilespmem:$0x10200] =	vst v63  }
0x6b: {  	_ =	swait.ge [sflag:s10], $0x8000  }
0x6c: {  	[sflag:s10] =	ssyncset.done $0x0  }
0x6d: {  	p6 =	seq.s32 s7, s12;
	p4 =	por p3, p3;
	[sflag:s10] =	ssyncadd.s32 $0xFFFF8000  }
0x6e: {  	p0 =	por p6, p4;
	_ =	strace $0x90000069  }
0x6f: {  	s13 =	sshll.u32 @p0 s13, $0xC;
	_ =	strace @p0 $0x8000006A  }
0x70: {  	s13 =	sand.u32 @p0 $0x1FFFF000, s13;
	s0 =	rddreg [dreg:$0x5]  }
0x71: {  	s15 =	sadd.s32 @p0 $0x3, s15;
	s0 =	sadd.s32 @p0 s0, s13;
	s13 =	simm.s32 @p0 $0x0  }
0x72: {  	[hbm4b:s0+s13] =	stream.linear.scatter @p0 [tilespmem:s18], [sflag:s15], $0x8000, $0x200038;
	[tilespmem:$0x10200] =	vst v63  }
0x73: {  	p1 =	por p5, p5;
	s0 =	sand.u32 @!p5 $0x1, s14;
	_ =	strace @p0 $0x9000006A  }
0x74: {  	s0 =	sadd.s32 @!p1 $0x3, s0;
	_ =	strace @!p1 $0x8000006B  }
0x75: {  	p0 =	sne.s32 s12, $0x0;
	s12 =	simm.s32 $0x1;
	_ =	swait.ge @!p1 [sflag:s0], $0x8000  }
0x76: {  	s12 =	simm.s32 @!p0 $0x0;
	[sflag:s0] =	ssyncset.done @!p1 $0x0  }
0x77: {  	s11 =	sadd.s32 $0x1, s11;
	s12 =	sadd.s32 s12, s14;
	[sflag:s0] =	ssyncadd.s32 @!p1 $0xFFFF8000  }
0x78: {  	p0 =	sne.s32 s11, s8;
	s31 =	sand.u32 $0x1, s12;
	_ =	strace @!p1 $0x9000006B  }
.Ltmp3:
0x79: {  	s0 =	sadd.s32 $0x3, s31;
	_ =	strace $0x8000006C;
	(pc) =	sbr.rel @p0 .LBB2_1-.Ltmp3, $4  }
.Ltmp4:
0x7a: {  	_ =	swait.ge [sflag:s0], $0x8000;
	(pc) =	sbr.rel @!p0 .LBB2_8-.Ltmp4, $4  }
0x7b: {  	[sflag:s0] =	ssyncset.done $0x0  }
0x7c: {  	[sflag:s0] =	ssyncadd.s32 $0xFFFF8000  }
0x7d: {  	_ =	strace $0x9000006C  }
0x7e: {  	_ = 	snop  }
.LBB2_2:
.Ltmp5:
0x7f: {  	(pc) =	sbr.rel .LBB2_7-.Ltmp5, $4  }
0x80: {  	p0 =	por $0x0, $0x0  }
0x81: {  	s0 =	simm.s32 @!p0 $0x0  }
0x82: {  	s12 =	simm.s32 $0x0;
	s15 =	simm.s32 $0x0;
	s0 =	simm.s32 @p0 $0x1  }
0x83: {  	s20 =	simm.s32 $0x0;
	s14 =	simm.s32 $0x0;
	[smem:$0x7FD] =	sst s0  }
.LBB2_4:
.Ltmp6:
0x84: {  	(pc) =	sbr.rel .LBB2_7-.Ltmp6, $3  }
0x85: {  	_ =	sdelay $0x1  }
0x86: {  	s16 =	smov.u32 s13  }
0x87: {  	s15 =	simm.s32 $0x0;
	s20 =	simm.s32 $0x0;
	s13 =	smov.u32 s17  }
.LBB2_8:
0x88: {  	_ =	sfence.sel $0x180000  }
0x89: {  	[bflag:$0x0] =	sbarrier.arrive $0xFFFF  }
0x8a: {  	_ =	strace $0x90000065  }
0x8b: {  	[bflag:$0x2] =	sbarrier.arrive $0xFFFF  }
0x8c: {  	p0 =	sne.s32 s1, $0x0;
	s0 =	rddreg [dreg:$0x2]  }
0x8d: {  	s0 =	sadd.s32 @!p0 $0x100000, s0  }
0x8e: {  	[sflag:s0] =	ssyncadd.tile.s32 @!p0 $0x1;
	_ =	shalt  }
.Lfunc_end2:
_tile_overlayer_lowered:
.L_overlay_start_2:
0x8f: {  	(tag) =	ssettag $0x2  }
0x90: {  	s0 =	rddreg [dreg:$0x0];
	s2 =	stileid.u32  }
0x91: {  	s1 =	rddreg [dreg:$0x1];
	p0 =	sne.s32 s2, $0x0  }
0x92: {  	s3 =	rddreg [dreg:$0x2];
	[bflag:$0x3] =	sbarrier.arrive $0xFFFF;
	s2 =	simm.s32 @!p0 $0x1C01  }
0x93: {  	[timem:s3], [sflag:s2] =	dma.local @!p0 [hbm:s0], s1  }
0x94: {  	s0 =	simm.s32 @!p0 $0x1  }
0x95: {  	_ =	swait.ge @!p0 [sflag:s0], s1  }
0x96: {  	s1 =	ssub.s32 @!p0 $0x0, s1;
	[sflag:s0] =	ssyncset.done @!p0 $0x0  }
0x97: {  	[sflag:s0] =	ssyncadd.s32 @!p0 s1  }
0x98: {  	[bflag:$0x3] =	sbarrier.arrive $0xFFFF  }
0x99: {  	_ =	shalt  }

</sc_bundles>
